<compile_context>
chip_gen: v7x
topology: tpu7x:2x2x1
jax: 0.10.2.dev20260603
libtpu: 0.0.44.dev20260713+nightly
codegen_flags: <defaults>
</compile_context>

<pallas_src>
import functools

import numpy as np
import jax
import jax.numpy as jnp
from jax import lax
from jax.experimental import pallas as pl
from jax.experimental.pallas import tpu as pltpu
from jax.experimental.pallas import tpu_sc as plsc

B, NP1, K = 64, 4096, 32
NC, NS, L = 2, 16, 16
NW = NC * NS
BPW = B // NW
J_CH = 256
N_CH = NP1 // J_CH


@functools.lru_cache(maxsize=1)
def _sc_neighbor_sums():
    mesh = plsc.VectorSubcoreMesh(
        core_axis_name="c", subcore_axis_name="s", num_cores=NC, num_subcores=NS
    )

    @functools.partial(
        pl.kernel,
        out_type=[
            jax.ShapeDtypeStruct((B, NP1), jnp.float32),
            jax.ShapeDtypeStruct((B, NP1), jnp.float32),
        ],
        mesh=mesh,
        compiler_params=pltpu.CompilerParams(needs_layout_passes=False),
        scratch_types=[
            pltpu.VMEM((NP1,), jnp.int32),
            pltpu.VMEM((J_CH, K), jnp.int32),
            pltpu.VMEM((J_CH, K), jnp.int32),
            pltpu.VMEM((NP1,), jnp.float32),
            pltpu.VMEM((NP1,), jnp.float32),
            pltpu.SemaphoreType.DMA,
            pltpu.SemaphoreType.DMA,
        ],
    )
    def sc_kernel(packed_hbm, knn_hbm, sx_hbm, sy_hbm,
                  table, idxa, idxb, sxb, syb, sema, semb):
        wid = lax.axis_index("s") * NC + lax.axis_index("c")
        iota = lax.broadcasted_iota(jnp.int32, (L,), 0)
        bufs = (idxa, idxb)
        sems = (sema, semb)

        def chunk_src(b, c):
            return knn_hbm.at[pl.ds(b * NP1 + c * J_CH, J_CH)]

        for i in range(BPW):
            b = wid * BPW + i
            pltpu.sync_copy(packed_hbm.at[b], table)
            pltpu.async_copy(chunk_src(b, 0), bufs[0], sems[0])
            pltpu.async_copy(chunk_src(b, 1), bufs[1], sems[1])

            def chunk_pair(ci, _):
                for h in range(2):
                    c = ci * 2 + h
                    pltpu.make_async_copy(chunk_src(b, 0), bufs[h],
                                          sems[h]).wait()

                    @pl.when(c + 2 < N_CH)
                    def _():
                        pltpu.async_copy(chunk_src(b, c + 2), bufs[h], sems[h])

                    cur = bufs[h]

                    def body(g, _, c=c, cur=cur):
                        jl = g * L + iota
                        sxa = [jnp.zeros((L,), jnp.float32) for _ in range(4)]
                        sya = [jnp.zeros((L,), jnp.float32) for _ in range(4)]
                        for t in range(K):
                            rot = (iota + t) & (K - 1)
                            iv = plsc.load_gather(cur, [jl, rot])
                            w = plsc.load_gather(table, [iv])
                            x, y = plsc.unpack(plsc.bitcast(w, jnp.bfloat16),
                                               format=plsc.PackFormat.INTERLEAVED)
                            sxa[t % 4] = sxa[t % 4] + x
                            sya[t % 4] = sya[t % 4] + y
                        sx = (sxa[0] + sxa[1]) + (sxa[2] + sxa[3])
                        sy = (sya[0] + sya[1]) + (sya[2] + sya[3])
                        base = c * J_CH + g * L
                        sxb[pl.ds(base, L)] = sx
                        syb[pl.ds(base, L)] = sy
                        return 0

                    lax.fori_loop(0, J_CH // L, body, 0)
                return 0

            lax.fori_loop(0, N_CH // 2, chunk_pair, 0)
            pltpu.sync_copy(sxb, sx_hbm.at[b])
            pltpu.sync_copy(syb, sy_hbm.at[b])

    return sc_kernel


def _tc_body(lam_ref, qx_ref, qy_ref, packed_ref, sx_ref, sy_ref,
             mask_ref, o_ref):
    lam = lam_ref[0, 0]
    w = packed_ref[...]
    px = lax.bitcast_convert_type(w << 16, jnp.float32)
    py = lax.bitcast_convert_type(w & jnp.int32(-65536), jnp.float32)
    scores = (px * qx_ref[...] + py * qy_ref[...]
              + lam * (px * sx_ref[...] + py * sy_ref[...]))
    scores = jnp.where(mask_ref[...], jnp.float32(-1000000000.0), scores)
    m = jnp.max(scores, axis=1, keepdims=True)
    lse = m + jnp.log(jnp.sum(jnp.exp(scores - m), axis=1, keepdims=True))
    o_ref[...] = scores - lse


def _tc_score(lam, qx, qy, packed, sx, sy, mask):
    return pl.pallas_call(
        _tc_body,
        out_shape=jax.ShapeDtypeStruct((B, NP1), jnp.float32),
        in_specs=[
            pl.BlockSpec(memory_space=pltpu.SMEM),
            pl.BlockSpec(memory_space=pltpu.VMEM),
            pl.BlockSpec(memory_space=pltpu.VMEM),
            pl.BlockSpec(memory_space=pltpu.VMEM),
            pl.BlockSpec(memory_space=pltpu.VMEM),
            pl.BlockSpec(memory_space=pltpu.VMEM),
            pl.BlockSpec(memory_space=pltpu.VMEM),
        ],
    )(lam, qx, qy, packed, sx, sy, mask)


def kernel(query, psi_prime, knn_indices, mask, lambda_param):
    packed = lax.bitcast_convert_type(
        psi_prime.astype(jnp.bfloat16), jnp.int32)
    knn2d = jnp.reshape(knn_indices, (B * NP1, K))
    sx, sy = _sc_neighbor_sums()(packed, knn2d)
    qx = query[:, 0:1]
    qy = query[:, 1:2]
    lam = jnp.reshape(lambda_param, (1, 1)).astype(jnp.float32)
    return _tc_score(lam, qx, qy, packed, sx, sy, mask)

# --- scband reference (transcript-rebuilt; emitter-appended) ---
"""Pipeline reference for scband-hybrid-scoring-31851477467298 (READ-ONLY COPY).

The authoritative reference and input builder live on the scoring server;
editing this copy changes nothing except your own understanding.
"""

import jax, jax.numpy as jnp
import numpy as np

B, NP1, K = 64, 4096, 32

def setup_inputs(seed: int = 0) -> dict:
    key = jax.random.key(seed)
    k1, k2, k3 = jax.random.split(key, 3)
    query = jax.random.normal(k1, (B, 2), dtype=jnp.float32)
    psi_prime = jax.random.normal(k2, (B, NP1, 2), dtype=jnp.float32)
    knn_indices = jax.random.randint(k3, (B, NP1, K), 0, NP1, dtype=jnp.int32)
    mask = jnp.zeros((B, NP1), dtype=bool)
    lambda_param = jnp.float32(0.1)
    return {"query": query, "psi_prime": psi_prime, "knn_indices": knn_indices, "mask": mask, "lambda_param": lambda_param}

def _eknn(psi_prime, knn_indices):
    # neighbors[b, j, k, :] = psi_prime[b, knn_indices[b, j, k], :]
    neighbors = jnp.take_along_axis(psi_prime[:, None, :, :], knn_indices[..., None], axis=2)
    dots = jnp.sum(psi_prime[:, :, None, :] * neighbors, axis=-1)  # [B, N+1, k]
    return jnp.sum(dots, axis=-1)  # [B, N+1]

def reference(query, psi_prime, knn_indices, mask, lambda_param):
    context_scores = jnp.sum(psi_prime * query[:, None, :], axis=-1)  # [B, N+1]
    interference = _eknn(psi_prime, knn_indices)
    scores = context_scores + lambda_param * interference
    scores = jnp.where(mask, jnp.float32(-1000000000.0), scores)
    log_probs = jax.nn.log_softmax(scores, axis=-1)
    return log_probs

if __name__ == "__main__":
    import jax
    _d = setup_inputs()
    print(jax.jit(kernel)(*tuple(_d.values())))

</pallas_src>

<mosaic_0001>
#map = affine_map<(d0, d1) -> (0, 0)>
module attributes {stable_mosaic.version = 14 : i64} {
  func.func @sc_kernel(%arg0: i32, %arg1: i32, %arg2: memref<64x4096xi32, #tpu.memory_space<hbm>>, %arg3: memref<262144x32xi32, #tpu.memory_space<hbm>>, %arg4: memref<64x4096xf32, #tpu.memory_space<hbm>>, %arg5: memref<64x4096xf32, #tpu.memory_space<hbm>>, %arg6: memref<4096xi32, #tpu.memory_space<vmem>>, %arg7: memref<256x32xi32, #tpu.memory_space<vmem>>, %arg8: memref<256x32xi32, #tpu.memory_space<vmem>>, %arg9: memref<4096xf32, #tpu.memory_space<vmem>>, %arg10: memref<4096xf32, #tpu.memory_space<vmem>>, %arg11: memref<!tpu.dma_semaphore, #tpu.memory_space<semaphore_mem>>, %arg12: memref<!tpu.dma_semaphore, #tpu.memory_space<semaphore_mem>>) attributes {dimension_semantics = [#tpu.dimension_semantics<core_parallel>, #tpu.dimension_semantics<subcore_parallel>], iteration_bounds = array<i64: 2, 16>, scalar_prefetch = 0 : i64, scratch_operands = 7 : i64, tpu.core_type = #tpu.core_type<sc_vector_subcore>, window_params = [{transform_indices = #map}, {transform_indices = #map}, {transform_indices = #map}, {transform_indices = #map}]} {
    %mul3A = arith.constant 2 : i32
    %mul3A_0 = arith.muli %arg1, %mul3A : i32
    %add3A = arith.addi %mul3A_0, %arg0 : i32
    %iota3A = tpu.iota {dimensions = array<i32: 0>} : vector<16xi32>
    %mul3A_1 = arith.constant 2 : i32
    %mul3A_2 = arith.muli %add3A, %mul3A_1 : i32
    %add3A_3 = arith.constant 0 : i32
    %add3A_4 = arith.addi %mul3A_2, %add3A_3 : i32
    "tpu.region"() ({
      %run_scoped3A = tpu.sem_alloc : memref<!tpu.dma_semaphore, #tpu.memory_space<semaphore_mem>>
      %dma_start3A_53 = arith.constant 0 : i32
      %dma_start3A_54 = tpu.memref_slice %arg2[%add3A_4, %dma_start3A_53] : memref<64x4096xi32, #tpu.memory_space<hbm>> -> memref<1x4096xi32, #tpu.memory_space<hbm>>
      %dma_start3A_55 = tpu.memref_squeeze %dma_start3A_54 : memref<1x4096xi32, #tpu.memory_space<hbm>> -> memref<4096xi32, #tpu.memory_space<hbm>>
      %dma_start3A_56 = arith.constant 0 : i32
      %dma_start3A_57 = tpu.memref_slice %arg2[%add3A_4, %dma_start3A_56] : memref<64x4096xi32, #tpu.memory_space<hbm>> -> memref<1x4096xi32, #tpu.memory_space<hbm>>
      %dma_start3A_58 = tpu.memref_squeeze %dma_start3A_57 : memref<1x4096xi32, #tpu.memory_space<hbm>> -> memref<4096xi32, #tpu.memory_space<hbm>>
      tpu.enqueue_dma source(%dma_start3A_58 : memref<4096xi32, #tpu.memory_space<hbm>>) target(%arg6 : memref<4096xi32, #tpu.memory_space<vmem>>) target_semaphore(%run_scoped3A : memref<!tpu.dma_semaphore, #tpu.memory_space<semaphore_mem>>)
      %dma_wait3A = arith.constant 0 : i32
      %dma_wait3A_59 = tpu.memref_slice %arg2[%add3A_4, %dma_wait3A] : memref<64x4096xi32, #tpu.memory_space<hbm>> -> memref<1x4096xi32, #tpu.memory_space<hbm>>
      %dma_wait3A_60 = tpu.memref_squeeze %dma_wait3A_59 : memref<1x4096xi32, #tpu.memory_space<hbm>> -> memref<4096xi32, #tpu.memory_space<hbm>>
      %dma_wait3A_61 = arith.constant 0 : i32
      %dma_wait3A_62 = tpu.memref_slice %arg2[%add3A_4, %dma_wait3A_61] : memref<64x4096xi32, #tpu.memory_space<hbm>> -> memref<1x4096xi32, #tpu.memory_space<hbm>>
      %dma_wait3A_63 = tpu.memref_squeeze %dma_wait3A_62 : memref<1x4096xi32, #tpu.memory_space<hbm>> -> memref<4096xi32, #tpu.memory_space<hbm>>
      tpu.wait_dma2 semaphore(%run_scoped3A : memref<!tpu.dma_semaphore, #tpu.memory_space<semaphore_mem>>) src(%dma_wait3A_63 : memref<4096xi32, #tpu.memory_space<hbm>>) dst(%arg6 : memref<4096xi32, #tpu.memory_space<vmem>>)
      tpu.yield
    }) : () -> ()
    %mul3A_5 = arith.constant 4096 : i32
    %mul3A_6 = arith.muli %add3A_4, %mul3A_5 : i32
    %add3A_7 = arith.constant 0 : i32
    %add3A_8 = arith.addi %mul3A_6, %add3A_7 : i32
    %dma_start3A = arith.constant 0 : i32
    %dma_start3A_9 = tpu.memref_slice %arg3[%add3A_8, %dma_start3A] : memref<262144x32xi32, #tpu.memory_space<hbm>> -> memref<256x32xi32, #tpu.memory_space<hbm>>
    %dma_start3A_10 = arith.constant 0 : i32
    %dma_start3A_11 = tpu.memref_slice %arg3[%add3A_8, %dma_start3A_10] : memref<262144x32xi32, #tpu.memory_space<hbm>> -> memref<256x32xi32, #tpu.memory_space<hbm>>
    tpu.enqueue_dma source(%dma_start3A_11 : memref<256x32xi32, #tpu.memory_space<hbm>>) target(%arg7 : memref<256x32xi32, #tpu.memory_space<vmem>>) target_semaphore(%arg11 : memref<!tpu.dma_semaphore, #tpu.memory_space<semaphore_mem>>)
    %mul3A_12 = arith.constant 4096 : i32
    %mul3A_13 = arith.muli %add3A_4, %mul3A_12 : i32
    %add3A_14 = arith.constant 256 : i32
    %add3A_15 = arith.addi %mul3A_13, %add3A_14 : i32
    %dma_start3A_16 = arith.constant 0 : i32
    %dma_start3A_17 = tpu.memref_slice %arg3[%add3A_15, %dma_start3A_16] : memref<262144x32xi32, #tpu.memory_space<hbm>> -> memref<256x32xi32, #tpu.memory_space<hbm>>
    %dma_start3A_18 = arith.constant 0 : i32
    %dma_start3A_19 = tpu.memref_slice %arg3[%add3A_15, %dma_start3A_18] : memref<262144x32xi32, #tpu.memory_space<hbm>> -> memref<256x32xi32, #tpu.memory_space<hbm>>
    tpu.enqueue_dma source(%dma_start3A_19 : memref<256x32xi32, #tpu.memory_space<hbm>>) target(%arg8 : memref<256x32xi32, #tpu.memory_space<vmem>>) target_semaphore(%arg12 : memref<!tpu.dma_semaphore, #tpu.memory_space<semaphore_mem>>)
    %scan3A = arith.constant 0 : i32
    %scan3A_20 = arith.constant 0 : i32
    %scan3A_21 = arith.constant 8 : i32
    %scan3A_22 = arith.addi %scan3A_20, %scan3A_21 : i32
    %scan3A_23 = arith.constant 1 : i32
    %scan3A_24 = scf.for %scan3A_53 = %scan3A_20 to %scan3A_22 step %scan3A_23 iter_args(%scan3A_54 = %scan3A) -> (i32)  : i32 {
      %mul3A_55 = arith.constant 2 : i32
      %mul3A_56 = arith.muli %scan3A_53, %mul3A_55 : i32
      %add3A_57 = arith.constant 0 : i32
      %add3A_58 = arith.addi %mul3A_56, %add3A_57 : i32
      %mul3A_59 = arith.constant 4096 : i32
      %mul3A_60 = arith.muli %add3A_4, %mul3A_59 : i32
      %add3A_61 = arith.constant 0 : i32
      %add3A_62 = arith.addi %mul3A_60, %add3A_61 : i32
      %dma_wait3A = arith.constant 0 : i32
      %dma_wait3A_63 = tpu.memref_slice %arg3[%add3A_62, %dma_wait3A] : memref<262144x32xi32, #tpu.memory_space<hbm>> -> memref<256x32xi32, #tpu.memory_space<hbm>>
      %dma_wait3A_64 = arith.constant 0 : i32
      %dma_wait3A_65 = tpu.memref_slice %arg3[%add3A_62, %dma_wait3A_64] : memref<262144x32xi32, #tpu.memory_space<hbm>> -> memref<256x32xi32, #tpu.memory_space<hbm>>
      tpu.wait_dma2 semaphore(%arg11 : memref<!tpu.dma_semaphore, #tpu.memory_space<semaphore_mem>>) src(%dma_wait3A_65 : memref<256x32xi32, #tpu.memory_space<hbm>>) dst(%arg7 : memref<256x32xi32, #tpu.memory_space<vmem>>)
      %add3A_66 = arith.constant 2 : i32
      %add3A_67 = arith.addi %add3A_58, %add3A_66 : i32
      %lt3A = arith.constant 16 : i32
      %lt3A_68 = arith.cmpi slt, %add3A_67, %lt3A : i32
      %convert_element_type3A = arith.extui %lt3A_68 : i1 to i32
      %cond3A = arith.constant 0 : i32
      %cond3A_69 = arith.cmpi ne, %convert_element_type3A, %cond3A : i32
      scf.if %cond3A_69 {
        %add3A_104 = arith.constant 2 : i32
        %add3A_105 = arith.addi %add3A_58, %add3A_104 : i32
        %mul3A_106 = arith.constant 4096 : i32
        %mul3A_107 = arith.muli %add3A_4, %mul3A_106 : i32
        %mul3A_108 = arith.constant 256 : i32
        %mul3A_109 = arith.muli %add3A_105, %mul3A_108 : i32
        %add3A_110 = arith.addi %mul3A_107, %mul3A_109 : i32
        %dma_start3A_111 = arith.constant 0 : i32
        %dma_start3A_112 = tpu.memref_slice %arg3[%add3A_110, %dma_start3A_111] : memref<262144x32xi32, #tpu.memory_space<hbm>> -> memref<256x32xi32, #tpu.memory_space<hbm>>
        %dma_start3A_113 = arith.constant 0 : i32
        %dma_start3A_114 = tpu.memref_slice %arg3[%add3A_110, %dma_start3A_113] : memref<262144x32xi32, #tpu.memory_space<hbm>> -> memref<256x32xi32, #tpu.memory_space<hbm>>
        tpu.enqueue_dma source(%dma_start3A_114 : memref<256x32xi32, #tpu.memory_space<hbm>>) target(%arg7 : memref<256x32xi32, #tpu.memory_space<vmem>>) target_semaphore(%arg11 : memref<!tpu.dma_semaphore, #tpu.memory_space<semaphore_mem>>)
      } else {
      }
      %scan3A_70 = arith.constant 0 : i32
      %scan3A_71 = arith.constant 0 : i32
      %scan3A_72 = arith.constant 16 : i32
      %scan3A_73 = arith.addi %scan3A_71, %scan3A_72 : i32
      %scan3A_74 = arith.constant 1 : i32
      %scan3A_75 = scf.for %scan3A_104 = %scan3A_71 to %scan3A_73 step %scan3A_74 iter_args(%scan3A_105 = %scan3A_70) -> (i32)  : i32 {
        %mul3A_106 = arith.constant 16 : i32
        %mul3A_107 = arith.muli %scan3A_104, %mul3A_106 : i32
        %add3A_108 = vector.broadcast %mul3A_107 : i32 to vector<16xi32>
        %add3A_109 = arith.addi %add3A_108, %iota3A : vector<16xi32>
        %broadcast_in_dim3A = arith.constant 0.000000e+00 : f32
        %broadcast_in_dim3A_110 = vector.broadcast %broadcast_in_dim3A : f32 to vector<16xf32>
        %broadcast_in_dim3A_111 = arith.constant 0.000000e+00 : f32
        %broadcast_in_dim3A_112 = vector.broadcast %broadcast_in_dim3A_111 : f32 to vector<16xf32>
        %broadcast_in_dim3A_113 = arith.constant 0.000000e+00 : f32
        %broadcast_in_dim3A_114 = vector.broadcast %broadcast_in_dim3A_113 : f32 to vector<16xf32>
        %broadcast_in_dim3A_115 = arith.constant 0.000000e+00 : f32
        %broadcast_in_dim3A_116 = vector.broadcast %broadcast_in_dim3A_115 : f32 to vector<16xf32>
        %broadcast_in_dim3A_117 = arith.constant 0.000000e+00 : f32
        %broadcast_in_dim3A_118 = vector.broadcast %broadcast_in_dim3A_117 : f32 to vector<16xf32>
        %broadcast_in_dim3A_119 = arith.constant 0.000000e+00 : f32
        %broadcast_in_dim3A_120 = vector.broadcast %broadcast_in_dim3A_119 : f32 to vector<16xf32>
        %broadcast_in_dim3A_121 = arith.constant 0.000000e+00 : f32
        %broadcast_in_dim3A_122 = vector.broadcast %broadcast_in_dim3A_121 : f32 to vector<16xf32>
        %broadcast_in_dim3A_123 = arith.constant 0.000000e+00 : f32
        %broadcast_in_dim3A_124 = vector.broadcast %broadcast_in_dim3A_123 : f32 to vector<16xf32>
        %add3A_125 = arith.constant 0 : i32
        %add3A_126 = vector.broadcast %add3A_125 : i32 to vector<16xi32>
        %add3A_127 = arith.addi %iota3A, %add3A_126 : vector<16xi32>
        %and3A = arith.constant 31 : i32
        %and3A_128 = vector.broadcast %and3A : i32 to vector<16xi32>
        %and3A_129 = arith.andi %add3A_127, %and3A_128 : vector<16xi32>
        %gather3A = tpu.vector_load_idx %arg7[%add3A_109, %and3A_129] : memref<256x32xi32, #tpu.memory_space<vmem>>[vector<16xi32>, vector<16xi32>], vector<16xi32>,
        %gather3A_130 = tpu.vector_load_idx %arg6[%gather3A] : memref<4096xi32, #tpu.memory_space<vmem>>[vector<16xi32>], vector<16xi32>,
        %bitcast3A = vector.bitcast %gather3A_130 : vector<16xi32> to vector<32xbf16>
        %unpack3A = tpu.unpack_subelements %bitcast3A, 0 {pack_format = #tpu.pack_format<interleaved>} : vector<32xbf16> -> vector<16xf32>
        %unpack3A_131 = tpu.unpack_subelements %bitcast3A, 1 {pack_format = #tpu.pack_format<interleaved>} : vector<32xbf16> -> vector<16xf32>
        %add3A_132 = arith.addf %broadcast_in_dim3A_110, %unpack3A : vector<16xf32>
        %add3A_133 = arith.addf %broadcast_in_dim3A_118, %unpack3A_131 : vector<16xf32>
        %add3A_134 = arith.constant 1 : i32
        %add3A_135 = vector.broadcast %add3A_134 : i32 to vector<16xi32>
        %add3A_136 = arith.addi %iota3A, %add3A_135 : vector<16xi32>
        %and3A_137 = arith.constant 31 : i32
        %and3A_138 = vector.broadcast %and3A_137 : i32 to vector<16xi32>
        %and3A_139 = arith.andi %add3A_136, %and3A_138 : vector<16xi32>
        %gather3A_140 = tpu.vector_load_idx %arg7[%add3A_109, %and3A_139] : memref<256x32xi32, #tpu.memory_space<vmem>>[vector<16xi32>, vector<16xi32>], vector<16xi32>,
        %gather3A_141 = tpu.vector_load_idx %arg6[%gather3A_140] : memref<4096xi32, #tpu.memory_space<vmem>>[vector<16xi32>], vector<16xi32>,
        %bitcast3A_142 = vector.bitcast %gather3A_141 : vector<16xi32> to vector<32xbf16>
        %unpack3A_143 = tpu.unpack_subelements %bitcast3A_142, 0 {pack_format = #tpu.pack_format<interleaved>} : vector<32xbf16> -> vector<16xf32>
        %unpack3A_144 = tpu.unpack_subelements %bitcast3A_142, 1 {pack_format = #tpu.pack_format<interleaved>} : vector<32xbf16> -> vector<16xf32>
        %add3A_145 = arith.addf %broadcast_in_dim3A_112, %unpack3A_143 : vector<16xf32>
        %add3A_146 = arith.addf %broadcast_in_dim3A_120, %unpack3A_144 : vector<16xf32>
        %add3A_147 = arith.constant 2 : i32
        %add3A_148 = vector.broadcast %add3A_147 : i32 to vector<16xi32>
        %add3A_149 = arith.addi %iota3A, %add3A_148 : vector<16xi32>
        %and3A_150 = arith.constant 31 : i32
        %and3A_151 = vector.broadcast %and3A_150 : i32 to vector<16xi32>
        %and3A_152 = arith.andi %add3A_149, %and3A_151 : vector<16xi32>
        %gather3A_153 = tpu.vector_load_idx %arg7[%add3A_109, %and3A_152] : memref<256x32xi32, #tpu.memory_space<vmem>>[vector<16xi32>, vector<16xi32>], vector<16xi32>,
        %gather3A_154 = tpu.vector_load_idx %arg6[%gather3A_153] : memref<4096xi32, #tpu.memory_space<vmem>>[vector<16xi32>], vector<16xi32>,
        %bitcast3A_155 = vector.bitcast %gather3A_154 : vector<16xi32> to vector<32xbf16>
        %unpack3A_156 = tpu.unpack_subelements %bitcast3A_155, 0 {pack_format = #tpu.pack_format<interleaved>} : vector<32xbf16> -> vector<16xf32>
        %unpack3A_157 = tpu.unpack_subelements %bitcast3A_155, 1 {pack_format = #tpu.pack_format<interleaved>} : vector<32xbf16> -> vector<16xf32>
        %add3A_158 = arith.addf %broadcast_in_dim3A_114, %unpack3A_156 : vector<16xf32>
        %add3A_159 = arith.addf %broadcast_in_dim3A_122, %unpack3A_157 : vector<16xf32>
        %add3A_160 = arith.constant 3 : i32
        %add3A_161 = vector.broadcast %add3A_160 : i32 to vector<16xi32>
        %add3A_162 = arith.addi %iota3A, %add3A_161 : vector<16xi32>
        %and3A_163 = arith.constant 31 : i32
        %and3A_164 = vector.broadcast %and3A_163 : i32 to vector<16xi32>
        %and3A_165 = arith.andi %add3A_162, %and3A_164 : vector<16xi32>
        %gather3A_166 = tpu.vector_load_idx %arg7[%add3A_109, %and3A_165] : memref<256x32xi32, #tpu.memory_space<vmem>>[vector<16xi32>, vector<16xi32>], vector<16xi32>,
        %gather3A_167 = tpu.vector_load_idx %arg6[%gather3A_166] : memref<4096xi32, #tpu.memory_space<vmem>>[vector<16xi32>], vector<16xi32>,
        %bitcast3A_168 = vector.bitcast %gather3A_167 : vector<16xi32> to vector<32xbf16>
        %unpack3A_169 = tpu.unpack_subelements %bitcast3A_168, 0 {pack_format = #tpu.pack_format<interleaved>} : vector<32xbf16> -> vector<16xf32>
        %unpack3A_170 = tpu.unpack_subelements %bitcast3A_168, 1 {pack_format = #tpu.pack_format<interleaved>} : vector<32xbf16> -> vector<16xf32>
        %add3A_171 = arith.addf %broadcast_in_dim3A_116, %unpack3A_169 : vector<16xf32>
        %add3A_172 = arith.addf %broadcast_in_dim3A_124, %unpack3A_170 : vector<16xf32>
        %add3A_173 = arith.constant 4 : i32
        %add3A_174 = vector.broadcast %add3A_173 : i32 to vector<16xi32>
        %add3A_175 = arith.addi %iota3A, %add3A_174 : vector<16xi32>
        %and3A_176 = arith.constant 31 : i32
        %and3A_177 = vector.broadcast %and3A_176 : i32 to vector<16xi32>
        %and3A_178 = arith.andi %add3A_175, %and3A_177 : vector<16xi32>
        %gather3A_179 = tpu.vector_load_idx %arg7[%add3A_109, %and3A_178] : memref<256x32xi32, #tpu.memory_space<vmem>>[vector<16xi32>, vector<16xi32>], vector<16xi32>,
        %gather3A_180 = tpu.vector_load_idx %arg6[%gather3A_179] : memref<4096xi32, #tpu.memory_space<vmem>>[vector<16xi32>], vector<16xi32>,
        %bitcast3A_181 = vector.bitcast %gather3A_180 : vector<16xi32> to vector<32xbf16>
        %unpack3A_182 = tpu.unpack_subelements %bitcast3A_181, 0 {pack_format = #tpu.pack_format<interleaved>} : vector<32xbf16> -> vector<16xf32>
        %unpack3A_183 = tpu.unpack_subelements %bitcast3A_181, 1 {pack_format = #tpu.pack_format<interleaved>} : vector<32xbf16> -> vector<16xf32>
        %add3A_184 = arith.addf %add3A_132, %unpack3A_182 : vector<16xf32>
        %add3A_185 = arith.addf %add3A_133, %unpack3A_183 : vector<16xf32>
        %add3A_186 = arith.constant 5 : i32
        %add3A_187 = vector.broadcast %add3A_186 : i32 to vector<16xi32>
        %add3A_188 = arith.addi %iota3A, %add3A_187 : vector<16xi32>
        %and3A_189 = arith.constant 31 : i32
        %and3A_190 = vector.broadcast %and3A_189 : i32 to vector<16xi32>
        %and3A_191 = arith.andi %add3A_188, %and3A_190 : vector<16xi32>
        %gather3A_192 = tpu.vector_load_idx %arg7[%add3A_109, %and3A_191] : memref<256x32xi32, #tpu.memory_space<vmem>>[vector<16xi32>, vector<16xi32>], vector<16xi32>,
        %gather3A_193 = tpu.vector_load_idx %arg6[%gather3A_192] : memref<4096xi32, #tpu.memory_space<vmem>>[vector<16xi32>], vector<16xi32>,
        %bitcast3A_194 = vector.bitcast %gather3A_193 : vector<16xi32> to vector<32xbf16>
        %unpack3A_195 = tpu.unpack_subelements %bitcast3A_194, 0 {pack_format = #tpu.pack_format<interleaved>} : vector<32xbf16> -> vector<16xf32>
        %unpack3A_196 = tpu.unpack_subelements %bitcast3A_194, 1 {pack_format = #tpu.pack_format<interleaved>} : vector<32xbf16> -> vector<16xf32>
        %add3A_197 = arith.addf %add3A_145, %unpack3A_195 : vector<16xf32>
        %add3A_198 = arith.addf %add3A_146, %unpack3A_196 : vector<16xf32>
        %add3A_199 = arith.constant 6 : i32
        %add3A_200 = vector.broadcast %add3A_199 : i32 to vector<16xi32>
        %add3A_201 = arith.addi %iota3A, %add3A_200 : vector<16xi32>
        %and3A_202 = arith.constant 31 : i32
        %and3A_203 = vector.broadcast %and3A_202 : i32 to vector<16xi32>
        %and3A_204 = arith.andi %add3A_201, %and3A_203 : vector<16xi32>
        %gather3A_205 = tpu.vector_load_idx %arg7[%add3A_109, %and3A_204] : memref<256x32xi32, #tpu.memory_space<vmem>>[vector<16xi32>, vector<16xi32>], vector<16xi32>,
        %gather3A_206 = tpu.vector_load_idx %arg6[%gather3A_205] : memref<4096xi32, #tpu.memory_space<vmem>>[vector<16xi32>], vector<16xi32>,
        %bitcast3A_207 = vector.bitcast %gather3A_206 : vector<16xi32> to vector<32xbf16>
        %unpack3A_208 = tpu.unpack_subelements %bitcast3A_207, 0 {pack_format = #tpu.pack_format<interleaved>} : vector<32xbf16> -> vector<16xf32>
        %unpack3A_209 = tpu.unpack_subelements %bitcast3A_207, 1 {pack_format = #tpu.pack_format<interleaved>} : vector<32xbf16> -> vector<16xf32>
        %add3A_210 = arith.addf %add3A_158, %unpack3A_208 : vector<16xf32>
        %add3A_211 = arith.addf %add3A_159, %unpack3A_209 : vector<16xf32>
        %add3A_212 = arith.constant 7 : i32
        %add3A_213 = vector.broadcast %add3A_212 : i32 to vector<16xi32>
        %add3A_214 = arith.addi %iota3A, %add3A_213 : vector<16xi32>
        %and3A_215 = arith.constant 31 : i32
        %and3A_216 = vector.broadcast %and3A_215 : i32 to vector<16xi32>
        %and3A_217 = arith.andi %add3A_214, %and3A_216 : vector<16xi32>
        %gather3A_218 = tpu.vector_load_idx %arg7[%add3A_109, %and3A_217] : memref<256x32xi32, #tpu.memory_space<vmem>>[vector<16xi32>, vector<16xi32>], vector<16xi32>,
        %gather3A_219 = tpu.vector_load_idx %arg6[%gather3A_218] : memref<4096xi32, #tpu.memory_space<vmem>>[vector<16xi32>], vector<16xi32>,
        %bitcast3A_220 = vector.bitcast %gather3A_219 : vector<16xi32> to vector<32xbf16>
        %unpack3A_221 = tpu.unpack_subelements %bitcast3A_220, 0 {pack_format = #tpu.pack_format<interleaved>} : vector<32xbf16> -> vector<16xf32>
        %unpack3A_222 = tpu.unpack_subelements %bitcast3A_220, 1 {pack_format = #tpu.pack_format<interleaved>} : vector<32xbf16> -> vector<16xf32>
        %add3A_223 = arith.addf %add3A_171, %unpack3A_221 : vector<16xf32>
        %add3A_224 = arith.addf %add3A_172, %unpack3A_222 : vector<16xf32>
        %add3A_225 = arith.constant 8 : i32
        %add3A_226 = vector.broadcast %add3A_225 : i32 to vector<16xi32>
        %add3A_227 = arith.addi %iota3A, %add3A_226 : vector<16xi32>
        %and3A_228 = arith.constant 31 : i32
        %and3A_229 = vector.broadcast %and3A_228 : i32 to vector<16xi32>
        %and3A_230 = arith.andi %add3A_227, %and3A_229 : vector<16xi32>
        %gather3A_231 = tpu.vector_load_idx %arg7[%add3A_109, %and3A_230] : memref<256x32xi32, #tpu.memory_space<vmem>>[vector<16xi32>, vector<16xi32>], vector<16xi32>,
        %gather3A_232 = tpu.vector_load_idx %arg6[%gather3A_231] : memref<4096xi32, #tpu.memory_space<vmem>>[vector<16xi32>], vector<16xi32>,
        %bitcast3A_233 = vector.bitcast %gather3A_232 : vector<16xi32> to vector<32xbf16>
        %unpack3A_234 = tpu.unpack_subelements %bitcast3A_233, 0 {pack_format = #tpu.pack_format<interleaved>} : vector<32xbf16> -> vector<16xf32>
        %unpack3A_235 = tpu.unpack_subelements %bitcast3A_233, 1 {pack_format = #tpu.pack_format<interleaved>} : vector<32xbf16> -> vector<16xf32>
        %add3A_236 = arith.addf %add3A_184, %unpack3A_234 : vector<16xf32>
        %add3A_237 = arith.addf %add3A_185, %unpack3A_235 : vector<16xf32>
        %add3A_238 = arith.constant 9 : i32
        %add3A_239 = vector.broadcast %add3A_238 : i32 to vector<16xi32>
        %add3A_240 = arith.addi %iota3A, %add3A_239 : vector<16xi32>
        %and3A_241 = arith.constant 31 : i32
        %and3A_242 = vector.broadcast %and3A_241 : i32 to vector<16xi32>
        %and3A_243 = arith.andi %add3A_240, %and3A_242 : vector<16xi32>
        %gather3A_244 = tpu.vector_load_idx %arg7[%add3A_109, %and3A_243] : memref<256x32xi32, #tpu.memory_space<vmem>>[vector<16xi32>, vector<16xi32>], vector<16xi32>,
        %gather3A_245 = tpu.vector_load_idx %arg6[%gather3A_244] : memref<4096xi32, #tpu.memory_space<vmem>>[vector<16xi32>], vector<16xi32>,
        %bitcast3A_246 = vector.bitcast %gather3A_245 : vector<16xi32> to vector<32xbf16>
        %unpack3A_247 = tpu.unpack_subelements %bitcast3A_246, 0 {pack_format = #tpu.pack_format<interleaved>} : vector<32xbf16> -> vector<16xf32>
        %unpack3A_248 = tpu.unpack_subelements %bitcast3A_246, 1 {pack_format = #tpu.pack_format<interleaved>} : vector<32xbf16> -> vector<16xf32>
        %add3A_249 = arith.addf %add3A_197, %unpack3A_247 : vector<16xf32>
        %add3A_250 = arith.addf %add3A_198, %unpack3A_248 : vector<16xf32>
        %add3A_251 = arith.constant 10 : i32
        %add3A_252 = vector.broadcast %add3A_251 : i32 to vector<16xi32>
        %add3A_253 = arith.addi %iota3A, %add3A_252 : vector<16xi32>
        %and3A_254 = arith.constant 31 : i32
        %and3A_255 = vector.broadcast %and3A_254 : i32 to vector<16xi32>
        %and3A_256 = arith.andi %add3A_253, %and3A_255 : vector<16xi32>
        %gather3A_257 = tpu.vector_load_idx %arg7[%add3A_109, %and3A_256] : memref<256x32xi32, #tpu.memory_space<vmem>>[vector<16xi32>, vector<16xi32>], vector<16xi32>,
        %gather3A_258 = tpu.vector_load_idx %arg6[%gather3A_257] : memref<4096xi32, #tpu.memory_space<vmem>>[vector<16xi32>], vector<16xi32>,
        %bitcast3A_259 = vector.bitcast %gather3A_258 : vector<16xi32> to vector<32xbf16>
        %unpack3A_260 = tpu.unpack_subelements %bitcast3A_259, 0 {pack_format = #tpu.pack_format<interleaved>} : vector<32xbf16> -> vector<16xf32>
        %unpack3A_261 = tpu.unpack_subelements %bitcast3A_259, 1 {pack_format = #tpu.pack_format<interleaved>} : vector<32xbf16> -> vector<16xf32>
        %add3A_262 = arith.addf %add3A_210, %unpack3A_260 : vector<16xf32>
        %add3A_263 = arith.addf %add3A_211, %unpack3A_261 : vector<16xf32>
        %add3A_264 = arith.constant 11 : i32
        %add3A_265 = vector.broadcast %add3A_264 : i32 to vector<16xi32>
        %add3A_266 = arith.addi %iota3A, %add3A_265 : vector<16xi32>
        %and3A_267 = arith.constant 31 : i32
        %and3A_268 = vector.broadcast %and3A_267 : i32 to vector<16xi32>
        %and3A_269 = arith.andi %add3A_266, %and3A_268 : vector<16xi32>
        %gather3A_270 = tpu.vector_load_idx %arg7[%add3A_109, %and3A_269] : memref<256x32xi32, #tpu.memory_space<vmem>>[vector<16xi32>, vector<16xi32>], vector<16xi32>,
        %gather3A_271 = tpu.vector_load_idx %arg6[%gather3A_270] : memref<4096xi32, #tpu.memory_space<vmem>>[vector<16xi32>], vector<16xi32>,
        %bitcast3A_272 = vector.bitcast %gather3A_271 : vector<16xi32> to vector<32xbf16>
        %unpack3A_273 = tpu.unpack_subelements %bitcast3A_272, 0 {pack_format = #tpu.pack_format<interleaved>} : vector<32xbf16> -> vector<16xf32>
        %unpack3A_274 = tpu.unpack_subelements %bitcast3A_272, 1 {pack_format = #tpu.pack_format<interleaved>} : vector<32xbf16> -> vector<16xf32>
        %add3A_275 = arith.addf %add3A_223, %unpack3A_273 : vector<16xf32>
        %add3A_276 = arith.addf %add3A_224, %unpack3A_274 : vector<16xf32>
        %add3A_277 = arith.constant 12 : i32
        %add3A_278 = vector.broadcast %add3A_277 : i32 to vector<16xi32>
        %add3A_279 = arith.addi %iota3A, %add3A_278 : vector<16xi32>
        %and3A_280 = arith.constant 31 : i32
        %and3A_281 = vector.broadcast %and3A_280 : i32 to vector<16xi32>
        %and3A_282 = arith.andi %add3A_279, %and3A_281 : vector<16xi32>
        %gather3A_283 = tpu.vector_load_idx %arg7[%add3A_109, %and3A_282] : memref<256x32xi32, #tpu.memory_space<vmem>>[vector<16xi32>, vector<16xi32>], vector<16xi32>,
        %gather3A_284 = tpu.vector_load_idx %arg6[%gather3A_283] : memref<4096xi32, #tpu.memory_space<vmem>>[vector<16xi32>], vector<16xi32>,
        %bitcast3A_285 = vector.bitcast %gather3A_284 : vector<16xi32> to vector<32xbf16>
        %unpack3A_286 = tpu.unpack_subelements %bitcast3A_285, 0 {pack_format = #tpu.pack_format<interleaved>} : vector<32xbf16> -> vector<16xf32>
        %unpack3A_287 = tpu.unpack_subelements %bitcast3A_285, 1 {pack_format = #tpu.pack_format<interleaved>} : vector<32xbf16> -> vector<16xf32>
        %add3A_288 = arith.addf %add3A_236, %unpack3A_286 : vector<16xf32>
        %add3A_289 = arith.addf %add3A_237, %unpack3A_287 : vector<16xf32>
        %add3A_290 = arith.constant 13 : i32
        %add3A_291 = vector.broadcast %add3A_290 : i32 to vector<16xi32>
        %add3A_292 = arith.addi %iota3A, %add3A_291 : vector<16xi32>
        %and3A_293 = arith.constant 31 : i32
        %and3A_294 = vector.broadcast %and3A_293 : i32 to vector<16xi32>
        %and3A_295 = arith.andi %add3A_292, %and3A_294 : vector<16xi32>
        %gather3A_296 = tpu.vector_load_idx %arg7[%add3A_109, %and3A_295] : memref<256x32xi32, #tpu.memory_space<vmem>>[vector<16xi32>, vector<16xi32>], vector<16xi32>,
        %gather3A_297 = tpu.vector_load_idx %arg6[%gather3A_296] : memref<4096xi32, #tpu.memory_space<vmem>>[vector<16xi32>], vector<16xi32>,
        %bitcast3A_298 = vector.bitcast %gather3A_297 : vector<16xi32> to vector<32xbf16>
        %unpack3A_299 = tpu.unpack_subelements %bitcast3A_298, 0 {pack_format = #tpu.pack_format<interleaved>} : vector<32xbf16> -> vector<16xf32>
        %unpack3A_300 = tpu.unpack_subelements %bitcast3A_298, 1 {pack_format = #tpu.pack_format<interleaved>} : vector<32xbf16> -> vector<16xf32>
        %add3A_301 = arith.addf %add3A_249, %unpack3A_299 : vector<16xf32>
        %add3A_302 = arith.addf %add3A_250, %unpack3A_300 : vector<16xf32>
        %add3A_303 = arith.constant 14 : i32
        %add3A_304 = vector.broadcast %add3A_303 : i32 to vector<16xi32>
        %add3A_305 = arith.addi %iota3A, %add3A_304 : vector<16xi32>
        %and3A_306 = arith.constant 31 : i32
        %and3A_307 = vector.broadcast %and3A_306 : i32 to vector<16xi32>
        %and3A_308 = arith.andi %add3A_305, %and3A_307 : vector<16xi32>
        %gather3A_309 = tpu.vector_load_idx %arg7[%add3A_109, %and3A_308] : memref<256x32xi32, #tpu.memory_space<vmem>>[vector<16xi32>, vector<16xi32>], vector<16xi32>,
        %gather3A_310 = tpu.vector_load_idx %arg6[%gather3A_309] : memref<4096xi32, #tpu.memory_space<vmem>>[vector<16xi32>], vector<16xi32>,
        %bitcast3A_311 = vector.bitcast %gather3A_310 : vector<16xi32> to vector<32xbf16>
        %unpack3A_312 = tpu.unpack_subelements %bitcast3A_311, 0 {pack_format = #tpu.pack_format<interleaved>} : vector<32xbf16> -> vector<16xf32>
        %unpack3A_313 = tpu.unpack_subelements %bitcast3A_311, 1 {pack_format = #tpu.pack_format<interleaved>} : vector<32xbf16> -> vector<16xf32>
        %add3A_314 = arith.addf %add3A_262, %unpack3A_312 : vector<16xf32>
        %add3A_315 = arith.addf %add3A_263, %unpack3A_313 : vector<16xf32>
        %add3A_316 = arith.constant 15 : i32
        %add3A_317 = vector.broadcast %add3A_316 : i32 to vector<16xi32>
        %add3A_318 = arith.addi %iota3A, %add3A_317 : vector<16xi32>
        %and3A_319 = arith.constant 31 : i32
        %and3A_320 = vector.broadcast %and3A_319 : i32 to vector<16xi32>
        %and3A_321 = arith.andi %add3A_318, %and3A_320 : vector<16xi32>
        %gather3A_322 = tpu.vector_load_idx %arg7[%add3A_109, %and3A_321] : memref<256x32xi32, #tpu.memory_space<vmem>>[vector<16xi32>, vector<16xi32>], vector<16xi32>,
        %gather3A_323 = tpu.vector_load_idx %arg6[%gather3A_322] : memref<4096xi32, #tpu.memory_space<vmem>>[vector<16xi32>], vector<16xi32>,
        %bitcast3A_324 = vector.bitcast %gather3A_323 : vector<16xi32> to vector<32xbf16>
        %unpack3A_325 = tpu.unpack_subelements %bitcast3A_324, 0 {pack_format = #tpu.pack_format<interleaved>} : vector<32xbf16> -> vector<16xf32>
        %unpack3A_326 = tpu.unpack_subelements %bitcast3A_324, 1 {pack_format = #tpu.pack_format<interleaved>} : vector<32xbf16> -> vector<16xf32>
        %add3A_327 = arith.addf %add3A_275, %unpack3A_325 : vector<16xf32>
        %add3A_328 = arith.addf %add3A_276, %unpack3A_326 : vector<16xf32>
        %add3A_329 = arith.constant 16 : i32
        %add3A_330 = vector.broadcast %add3A_329 : i32 to vector<16xi32>
        %add3A_331 = arith.addi %iota3A, %add3A_330 : vector<16xi32>
        %and3A_332 = arith.constant 31 : i32
        %and3A_333 = vector.broadcast %and3A_332 : i32 to vector<16xi32>
        %and3A_334 = arith.andi %add3A_331, %and3A_333 : vector<16xi32>
        %gather3A_335 = tpu.vector_load_idx %arg7[%add3A_109, %and3A_334] : memref<256x32xi32, #tpu.memory_space<vmem>>[vector<16xi32>, vector<16xi32>], vector<16xi32>,
        %gather3A_336 = tpu.vector_load_idx %arg6[%gather3A_335] : memref<4096xi32, #tpu.memory_space<vmem>>[vector<16xi32>], vector<16xi32>,
        %bitcast3A_337 = vector.bitcast %gather3A_336 : vector<16xi32> to vector<32xbf16>
        %unpack3A_338 = tpu.unpack_subelements %bitcast3A_337, 0 {pack_format = #tpu.pack_format<interleaved>} : vector<32xbf16> -> vector<16xf32>
        %unpack3A_339 = tpu.unpack_subelements %bitcast3A_337, 1 {pack_format = #tpu.pack_format<interleaved>} : vector<32xbf16> -> vector<16xf32>
        %add3A_340 = arith.addf %add3A_288, %unpack3A_338 : vector<16xf32>
        %add3A_341 = arith.addf %add3A_289, %unpack3A_339 : vector<16xf32>
        %add3A_342 = arith.constant 17 : i32
        %add3A_343 = vector.broadcast %add3A_342 : i32 to vector<16xi32>
        %add3A_344 = arith.addi %iota3A, %add3A_343 : vector<16xi32>
        %and3A_345 = arith.constant 31 : i32
        %and3A_346 = vector.broadcast %and3A_345 : i32 to vector<16xi32>
        %and3A_347 = arith.andi %add3A_344, %and3A_346 : vector<16xi32>
        %gather3A_348 = tpu.vector_load_idx %arg7[%add3A_109, %and3A_347] : memref<256x32xi32, #tpu.memory_space<vmem>>[vector<16xi32>, vector<16xi32>], vector<16xi32>,
        %gather3A_349 = tpu.vector_load_idx %arg6[%gather3A_348] : memref<4096xi32, #tpu.memory_space<vmem>>[vector<16xi32>], vector<16xi32>,
        %bitcast3A_350 = vector.bitcast %gather3A_349 : vector<16xi32> to vector<32xbf16>
        %unpack3A_351 = tpu.unpack_subelements %bitcast3A_350, 0 {pack_format = #tpu.pack_format<interleaved>} : vector<32xbf16> -> vector<16xf32>
        %unpack3A_352 = tpu.unpack_subelements %bitcast3A_350, 1 {pack_format = #tpu.pack_format<interleaved>} : vector<32xbf16> -> vector<16xf32>
        %add3A_353 = arith.addf %add3A_301, %unpack3A_351 : vector<16xf32>
        %add3A_354 = arith.addf %add3A_302, %unpack3A_352 : vector<16xf32>
        %add3A_355 = arith.constant 18 : i32
        %add3A_356 = vector.broadcast %add3A_355 : i32 to vector<16xi32>
        %add3A_357 = arith.addi %iota3A, %add3A_356 : vector<16xi32>
        %and3A_358 = arith.constant 31 : i32
        %and3A_359 = vector.broadcast %and3A_358 : i32 to vector<16xi32>
        %and3A_360 = arith.andi %add3A_357, %and3A_359 : vector<16xi32>
        %gather3A_361 = tpu.vector_load_idx %arg7[%add3A_109, %and3A_360] : memref<256x32xi32, #tpu.memory_space<vmem>>[vector<16xi32>, vector<16xi32>], vector<16xi32>,
        %gather3A_362 = tpu.vector_load_idx %arg6[%gather3A_361] : memref<4096xi32, #tpu.memory_space<vmem>>[vector<16xi32>], vector<16xi32>,
        %bitcast3A_363 = vector.bitcast %gather3A_362 : vector<16xi32> to vector<32xbf16>
        %unpack3A_364 = tpu.unpack_subelements %bitcast3A_363, 0 {pack_format = #tpu.pack_format<interleaved>} : vector<32xbf16> -> vector<16xf32>
        %unpack3A_365 = tpu.unpack_subelements %bitcast3A_363, 1 {pack_format = #tpu.pack_format<interleaved>} : vector<32xbf16> -> vector<16xf32>
        %add3A_366 = arith.addf %add3A_314, %unpack3A_364 : vector<16xf32>
        %add3A_367 = arith.addf %add3A_315, %unpack3A_365 : vector<16xf32>
        %add3A_368 = arith.constant 19 : i32
        %add3A_369 = vector.broadcast %add3A_368 : i32 to vector<16xi32>
        %add3A_370 = arith.addi %iota3A, %add3A_369 : vector<16xi32>
        %and3A_371 = arith.constant 31 : i32
        %and3A_372 = vector.broadcast %and3A_371 : i32 to vector<16xi32>
        %and3A_373 = arith.andi %add3A_370, %and3A_372 : vector<16xi32>
        %gather3A_374 = tpu.vector_load_idx %arg7[%add3A_109, %and3A_373] : memref<256x32xi32, #tpu.memory_space<vmem>>[vector<16xi32>, vector<16xi32>], vector<16xi32>,
        %gather3A_375 = tpu.vector_load_idx %arg6[%gather3A_374] : memref<4096xi32, #tpu.memory_space<vmem>>[vector<16xi32>], vector<16xi32>,
        %bitcast3A_376 = vector.bitcast %gather3A_375 : vector<16xi32> to vector<32xbf16>
        %unpack3A_377 = tpu.unpack_subelements %bitcast3A_376, 0 {pack_format = #tpu.pack_format<interleaved>} : vector<32xbf16> -> vector<16xf32>
        %unpack3A_378 = tpu.unpack_subelements %bitcast3A_376, 1 {pack_format = #tpu.pack_format<interleaved>} : vector<32xbf16> -> vector<16xf32>
        %add3A_379 = arith.addf %add3A_327, %unpack3A_377 : vector<16xf32>
        %add3A_380 = arith.addf %add3A_328, %unpack3A_378 : vector<16xf32>
        %add3A_381 = arith.constant 20 : i32
        %add3A_382 = vector.broadcast %add3A_381 : i32 to vector<16xi32>
        %add3A_383 = arith.addi %iota3A, %add3A_382 : vector<16xi32>
        %and3A_384 = arith.constant 31 : i32
        %and3A_385 = vector.broadcast %and3A_384 : i32 to vector<16xi32>
        %and3A_386 = arith.andi %add3A_383, %and3A_385 : vector<16xi32>
        %gather3A_387 = tpu.vector_load_idx %arg7[%add3A_109, %and3A_386] : memref<256x32xi32, #tpu.memory_space<vmem>>[vector<16xi32>, vector<16xi32>], vector<16xi32>,
        %gather3A_388 = tpu.vector_load_idx %arg6[%gather3A_387] : memref<4096xi32, #tpu.memory_space<vmem>>[vector<16xi32>], vector<16xi32>,
        %bitcast3A_389 = vector.bitcast %gather3A_388 : vector<16xi32> to vector<32xbf16>
        %unpack3A_390 = tpu.unpack_subelements %bitcast3A_389, 0 {pack_format = #tpu.pack_format<interleaved>} : vector<32xbf16> -> vector<16xf32>
        %unpack3A_391 = tpu.unpack_subelements %bitcast3A_389, 1 {pack_format = #tpu.pack_format<interleaved>} : vector<32xbf16> -> vector<16xf32>
        %add3A_392 = arith.addf %add3A_340, %unpack3A_390 : vector<16xf32>
        %add3A_393 = arith.addf %add3A_341, %unpack3A_391 : vector<16xf32>
        %add3A_394 = arith.constant 21 : i32
        %add3A_395 = vector.broadcast %add3A_394 : i32 to vector<16xi32>
        %add3A_396 = arith.addi %iota3A, %add3A_395 : vector<16xi32>
        %and3A_397 = arith.constant 31 : i32
        %and3A_398 = vector.broadcast %and3A_397 : i32 to vector<16xi32>
        %and3A_399 = arith.andi %add3A_396, %and3A_398 : vector<16xi32>
        %gather3A_400 = tpu.vector_load_idx %arg7[%add3A_109, %and3A_399] : memref<256x32xi32, #tpu.memory_space<vmem>>[vector<16xi32>, vector<16xi32>], vector<16xi32>,
        %gather3A_401 = tpu.vector_load_idx %arg6[%gather3A_400] : memref<4096xi32, #tpu.memory_space<vmem>>[vector<16xi32>], vector<16xi32>,
        %bitcast3A_402 = vector.bitcast %gather3A_401 : vector<16xi32> to vector<32xbf16>
        %unpack3A_403 = tpu.unpack_subelements %bitcast3A_402, 0 {pack_format = #tpu.pack_format<interleaved>} : vector<32xbf16> -> vector<16xf32>
        %unpack3A_404 = tpu.unpack_subelements %bitcast3A_402, 1 {pack_format = #tpu.pack_format<interleaved>} : vector<32xbf16> -> vector<16xf32>
        %add3A_405 = arith.addf %add3A_353, %unpack3A_403 : vector<16xf32>
        %add3A_406 = arith.addf %add3A_354, %unpack3A_404 : vector<16xf32>
        %add3A_407 = arith.constant 22 : i32
        %add3A_408 = vector.broadcast %add3A_407 : i32 to vector<16xi32>
        %add3A_409 = arith.addi %iota3A, %add3A_408 : vector<16xi32>
        %and3A_410 = arith.constant 31 : i32
        %and3A_411 = vector.broadcast %and3A_410 : i32 to vector<16xi32>
        %and3A_412 = arith.andi %add3A_409, %and3A_411 : vector<16xi32>
        %gather3A_413 = tpu.vector_load_idx %arg7[%add3A_109, %and3A_412] : memref<256x32xi32, #tpu.memory_space<vmem>>[vector<16xi32>, vector<16xi32>], vector<16xi32>,
        %gather3A_414 = tpu.vector_load_idx %arg6[%gather3A_413] : memref<4096xi32, #tpu.memory_space<vmem>>[vector<16xi32>], vector<16xi32>,
        %bitcast3A_415 = vector.bitcast %gather3A_414 : vector<16xi32> to vector<32xbf16>
        %unpack3A_416 = tpu.unpack_subelements %bitcast3A_415, 0 {pack_format = #tpu.pack_format<interleaved>} : vector<32xbf16> -> vector<16xf32>
        %unpack3A_417 = tpu.unpack_subelements %bitcast3A_415, 1 {pack_format = #tpu.pack_format<interleaved>} : vector<32xbf16> -> vector<16xf32>
        %add3A_418 = arith.addf %add3A_366, %unpack3A_416 : vector<16xf32>
        %add3A_419 = arith.addf %add3A_367, %unpack3A_417 : vector<16xf32>
        %add3A_420 = arith.constant 23 : i32
        %add3A_421 = vector.broadcast %add3A_420 : i32 to vector<16xi32>
        %add3A_422 = arith.addi %iota3A, %add3A_421 : vector<16xi32>
        %and3A_423 = arith.constant 31 : i32
        %and3A_424 = vector.broadcast %and3A_423 : i32 to vector<16xi32>
        %and3A_425 = arith.andi %add3A_422, %and3A_424 : vector<16xi32>
        %gather3A_426 = tpu.vector_load_idx %arg7[%add3A_109, %and3A_425] : memref<256x32xi32, #tpu.memory_space<vmem>>[vector<16xi32>, vector<16xi32>], vector<16xi32>,
        %gather3A_427 = tpu.vector_load_idx %arg6[%gather3A_426] : memref<4096xi32, #tpu.memory_space<vmem>>[vector<16xi32>], vector<16xi32>,
        %bitcast3A_428 = vector.bitcast %gather3A_427 : vector<16xi32> to vector<32xbf16>
        %unpack3A_429 = tpu.unpack_subelements %bitcast3A_428, 0 {pack_format = #tpu.pack_format<interleaved>} : vector<32xbf16> -> vector<16xf32>
        %unpack3A_430 = tpu.unpack_subelements %bitcast3A_428, 1 {pack_format = #tpu.pack_format<interleaved>} : vector<32xbf16> -> vector<16xf32>
        %add3A_431 = arith.addf %add3A_379, %unpack3A_429 : vector<16xf32>
        %add3A_432 = arith.addf %add3A_380, %unpack3A_430 : vector<16xf32>
        %add3A_433 = arith.constant 24 : i32
        %add3A_434 = vector.broadcast %add3A_433 : i32 to vector<16xi32>
        %add3A_435 = arith.addi %iota3A, %add3A_434 : vector<16xi32>
        %and3A_436 = arith.constant 31 : i32
        %and3A_437 = vector.broadcast %and3A_436 : i32 to vector<16xi32>
        %and3A_438 = arith.andi %add3A_435, %and3A_437 : vector<16xi32>
        %gather3A_439 = tpu.vector_load_idx %arg7[%add3A_109, %and3A_438] : memref<256x32xi32, #tpu.memory_space<vmem>>[vector<16xi32>, vector<16xi32>], vector<16xi32>,
        %gather3A_440 = tpu.vector_load_idx %arg6[%gather3A_439] : memref<4096xi32, #tpu.memory_space<vmem>>[vector<16xi32>], vector<16xi32>,
        %bitcast3A_441 = vector.bitcast %gather3A_440 : vector<16xi32> to vector<32xbf16>
        %unpack3A_442 = tpu.unpack_subelements %bitcast3A_441, 0 {pack_format = #tpu.pack_format<interleaved>} : vector<32xbf16> -> vector<16xf32>
        %unpack3A_443 = tpu.unpack_subelements %bitcast3A_441, 1 {pack_format = #tpu.pack_format<interleaved>} : vector<32xbf16> -> vector<16xf32>
        %add3A_444 = arith.addf %add3A_392, %unpack3A_442 : vector<16xf32>
        %add3A_445 = arith.addf %add3A_393, %unpack3A_443 : vector<16xf32>
        %add3A_446 = arith.constant 25 : i32
        %add3A_447 = vector.broadcast %add3A_446 : i32 to vector<16xi32>
        %add3A_448 = arith.addi %iota3A, %add3A_447 : vector<16xi32>
        %and3A_449 = arith.constant 31 : i32
        %and3A_450 = vector.broadcast %and3A_449 : i32 to vector<16xi32>
        %and3A_451 = arith.andi %add3A_448, %and3A_450 : vector<16xi32>
        %gather3A_452 = tpu.vector_load_idx %arg7[%add3A_109, %and3A_451] : memref<256x32xi32, #tpu.memory_space<vmem>>[vector<16xi32>, vector<16xi32>], vector<16xi32>,
        %gather3A_453 = tpu.vector_load_idx %arg6[%gather3A_452] : memref<4096xi32, #tpu.memory_space<vmem>>[vector<16xi32>], vector<16xi32>,
        %bitcast3A_454 = vector.bitcast %gather3A_453 : vector<16xi32> to vector<32xbf16>
        %unpack3A_455 = tpu.unpack_subelements %bitcast3A_454, 0 {pack_format = #tpu.pack_format<interleaved>} : vector<32xbf16> -> vector<16xf32>
        %unpack3A_456 = tpu.unpack_subelements %bitcast3A_454, 1 {pack_format = #tpu.pack_format<interleaved>} : vector<32xbf16> -> vector<16xf32>
        %add3A_457 = arith.addf %add3A_405, %unpack3A_455 : vector<16xf32>
        %add3A_458 = arith.addf %add3A_406, %unpack3A_456 : vector<16xf32>
        %add3A_459 = arith.constant 26 : i32
        %add3A_460 = vector.broadcast %add3A_459 : i32 to vector<16xi32>
        %add3A_461 = arith.addi %iota3A, %add3A_460 : vector<16xi32>
        %and3A_462 = arith.constant 31 : i32
        %and3A_463 = vector.broadcast %and3A_462 : i32 to vector<16xi32>
        %and3A_464 = arith.andi %add3A_461, %and3A_463 : vector<16xi32>
        %gather3A_465 = tpu.vector_load_idx %arg7[%add3A_109, %and3A_464] : memref<256x32xi32, #tpu.memory_space<vmem>>[vector<16xi32>, vector<16xi32>], vector<16xi32>,
        %gather3A_466 = tpu.vector_load_idx %arg6[%gather3A_465] : memref<4096xi32, #tpu.memory_space<vmem>>[vector<16xi32>], vector<16xi32>,
        %bitcast3A_467 = vector.bitcast %gather3A_466 : vector<16xi32> to vector<32xbf16>
        %unpack3A_468 = tpu.unpack_subelements %bitcast3A_467, 0 {pack_format = #tpu.pack_format<interleaved>} : vector<32xbf16> -> vector<16xf32>
        %unpack3A_469 = tpu.unpack_subelements %bitcast3A_467, 1 {pack_format = #tpu.pack_format<interleaved>} : vector<32xbf16> -> vector<16xf32>
        %add3A_470 = arith.addf %add3A_418, %unpack3A_468 : vector<16xf32>
        %add3A_471 = arith.addf %add3A_419, %unpack3A_469 : vector<16xf32>
        %add3A_472 = arith.constant 27 : i32
        %add3A_473 = vector.broadcast %add3A_472 : i32 to vector<16xi32>
        %add3A_474 = arith.addi %iota3A, %add3A_473 : vector<16xi32>
        %and3A_475 = arith.constant 31 : i32
        %and3A_476 = vector.broadcast %and3A_475 : i32 to vector<16xi32>
        %and3A_477 = arith.andi %add3A_474, %and3A_476 : vector<16xi32>
        %gather3A_478 = tpu.vector_load_idx %arg7[%add3A_109, %and3A_477] : memref<256x32xi32, #tpu.memory_space<vmem>>[vector<16xi32>, vector<16xi32>], vector<16xi32>,
        %gather3A_479 = tpu.vector_load_idx %arg6[%gather3A_478] : memref<4096xi32, #tpu.memory_space<vmem>>[vector<16xi32>], vector<16xi32>,
        %bitcast3A_480 = vector.bitcast %gather3A_479 : vector<16xi32> to vector<32xbf16>
        %unpack3A_481 = tpu.unpack_subelements %bitcast3A_480, 0 {pack_format = #tpu.pack_format<interleaved>} : vector<32xbf16> -> vector<16xf32>
        %unpack3A_482 = tpu.unpack_subelements %bitcast3A_480, 1 {pack_format = #tpu.pack_format<interleaved>} : vector<32xbf16> -> vector<16xf32>
        %add3A_483 = arith.addf %add3A_431, %unpack3A_481 : vector<16xf32>
        %add3A_484 = arith.addf %add3A_432, %unpack3A_482 : vector<16xf32>
        %add3A_485 = arith.constant 28 : i32
        %add3A_486 = vector.broadcast %add3A_485 : i32 to vector<16xi32>
        %add3A_487 = arith.addi %iota3A, %add3A_486 : vector<16xi32>
        %and3A_488 = arith.constant 31 : i32
        %and3A_489 = vector.broadcast %and3A_488 : i32 to vector<16xi32>
        %and3A_490 = arith.andi %add3A_487, %and3A_489 : vector<16xi32>
        %gather3A_491 = tpu.vector_load_idx %arg7[%add3A_109, %and3A_490] : memref<256x32xi32, #tpu.memory_space<vmem>>[vector<16xi32>, vector<16xi32>], vector<16xi32>,
        %gather3A_492 = tpu.vector_load_idx %arg6[%gather3A_491] : memref<4096xi32, #tpu.memory_space<vmem>>[vector<16xi32>], vector<16xi32>,
        %bitcast3A_493 = vector.bitcast %gather3A_492 : vector<16xi32> to vector<32xbf16>
        %unpack3A_494 = tpu.unpack_subelements %bitcast3A_493, 0 {pack_format = #tpu.pack_format<interleaved>} : vector<32xbf16> -> vector<16xf32>
        %unpack3A_495 = tpu.unpack_subelements %bitcast3A_493, 1 {pack_format = #tpu.pack_format<interleaved>} : vector<32xbf16> -> vector<16xf32>
        %add3A_496 = arith.addf %add3A_444, %unpack3A_494 : vector<16xf32>
        %add3A_497 = arith.addf %add3A_445, %unpack3A_495 : vector<16xf32>
        %add3A_498 = arith.constant 29 : i32
        %add3A_499 = vector.broadcast %add3A_498 : i32 to vector<16xi32>
        %add3A_500 = arith.addi %iota3A, %add3A_499 : vector<16xi32>
        %and3A_501 = arith.constant 31 : i32
        %and3A_502 = vector.broadcast %and3A_501 : i32 to vector<16xi32>
        %and3A_503 = arith.andi %add3A_500, %and3A_502 : vector<16xi32>
        %gather3A_504 = tpu.vector_load_idx %arg7[%add3A_109, %and3A_503] : memref<256x32xi32, #tpu.memory_space<vmem>>[vector<16xi32>, vector<16xi32>], vector<16xi32>,
        %gather3A_505 = tpu.vector_load_idx %arg6[%gather3A_504] : memref<4096xi32, #tpu.memory_space<vmem>>[vector<16xi32>], vector<16xi32>,
        %bitcast3A_506 = vector.bitcast %gather3A_505 : vector<16xi32> to vector<32xbf16>
        %unpack3A_507 = tpu.unpack_subelements %bitcast3A_506, 0 {pack_format = #tpu.pack_format<interleaved>} : vector<32xbf16> -> vector<16xf32>
        %unpack3A_508 = tpu.unpack_subelements %bitcast3A_506, 1 {pack_format = #tpu.pack_format<interleaved>} : vector<32xbf16> -> vector<16xf32>
        %add3A_509 = arith.addf %add3A_457, %unpack3A_507 : vector<16xf32>
        %add3A_510 = arith.addf %add3A_458, %unpack3A_508 : vector<16xf32>
        %add3A_511 = arith.constant 30 : i32
        %add3A_512 = vector.broadcast %add3A_511 : i32 to vector<16xi32>
        %add3A_513 = arith.addi %iota3A, %add3A_512 : vector<16xi32>
        %and3A_514 = arith.constant 31 : i32
        %and3A_515 = vector.broadcast %and3A_514 : i32 to vector<16xi32>
        %and3A_516 = arith.andi %add3A_513, %and3A_515 : vector<16xi32>
        %gather3A_517 = tpu.vector_load_idx %arg7[%add3A_109, %and3A_516] : memref<256x32xi32, #tpu.memory_space<vmem>>[vector<16xi32>, vector<16xi32>], vector<16xi32>,
        %gather3A_518 = tpu.vector_load_idx %arg6[%gather3A_517] : memref<4096xi32, #tpu.memory_space<vmem>>[vector<16xi32>], vector<16xi32>,
        %bitcast3A_519 = vector.bitcast %gather3A_518 : vector<16xi32> to vector<32xbf16>
        %unpack3A_520 = tpu.unpack_subelements %bitcast3A_519, 0 {pack_format = #tpu.pack_format<interleaved>} : vector<32xbf16> -> vector<16xf32>
        %unpack3A_521 = tpu.unpack_subelements %bitcast3A_519, 1 {pack_format = #tpu.pack_format<interleaved>} : vector<32xbf16> -> vector<16xf32>
        %add3A_522 = arith.addf %add3A_470, %unpack3A_520 : vector<16xf32>
        %add3A_523 = arith.addf %add3A_471, %unpack3A_521 : vector<16xf32>
        %add3A_524 = arith.constant 31 : i32
        %add3A_525 = vector.broadcast %add3A_524 : i32 to vector<16xi32>
        %add3A_526 = arith.addi %iota3A, %add3A_525 : vector<16xi32>
        %and3A_527 = arith.constant 31 : i32
        %and3A_528 = vector.broadcast %and3A_527 : i32 to vector<16xi32>
        %and3A_529 = arith.andi %add3A_526, %and3A_528 : vector<16xi32>
        %gather3A_530 = tpu.vector_load_idx %arg7[%add3A_109, %and3A_529] : memref<256x32xi32, #tpu.memory_space<vmem>>[vector<16xi32>, vector<16xi32>], vector<16xi32>,
        %gather3A_531 = tpu.vector_load_idx %arg6[%gather3A_530] : memref<4096xi32, #tpu.memory_space<vmem>>[vector<16xi32>], vector<16xi32>,
        %bitcast3A_532 = vector.bitcast %gather3A_531 : vector<16xi32> to vector<32xbf16>
        %unpack3A_533 = tpu.unpack_subelements %bitcast3A_532, 0 {pack_format = #tpu.pack_format<interleaved>} : vector<32xbf16> -> vector<16xf32>
        %unpack3A_534 = tpu.unpack_subelements %bitcast3A_532, 1 {pack_format = #tpu.pack_format<interleaved>} : vector<32xbf16> -> vector<16xf32>
        %add3A_535 = arith.addf %add3A_483, %unpack3A_533 : vector<16xf32>
        %add3A_536 = arith.addf %add3A_484, %unpack3A_534 : vector<16xf32>
        %add3A_537 = arith.addf %add3A_496, %add3A_509 : vector<16xf32>
        %add3A_538 = arith.addf %add3A_522, %add3A_535 : vector<16xf32>
        %add3A_539 = arith.addf %add3A_537, %add3A_538 : vector<16xf32>
        %add3A_540 = arith.addf %add3A_497, %add3A_510 : vector<16xf32>
        %add3A_541 = arith.addf %add3A_523, %add3A_536 : vector<16xf32>
        %add3A_542 = arith.addf %add3A_540, %add3A_541 : vector<16xf32>
        %mul3A_543 = arith.constant 256 : i32
        %mul3A_544 = arith.muli %add3A_58, %mul3A_543 : i32
        %mul3A_545 = arith.constant 16 : i32
        %mul3A_546 = arith.muli %scan3A_104, %mul3A_545 : i32
        %add3A_547 = arith.addi %mul3A_544, %mul3A_546 : i32
        %swap3A = arith.index_cast %add3A_547 : i32 to index
        %swap3A_548 = tpu.vector_load %arg9[%swap3A] {strides = array<i32>} : memref<4096xf32, #tpu.memory_space<vmem>>, vector<16xf32>,
        tpu.vector_store %arg9[%swap3A], %add3A_539 {strides = array<i32>} : memref<4096xf32, #tpu.memory_space<vmem>>, vector<16xf32>,
        %swap3A_549 = arith.index_cast %add3A_547 : i32 to index
        %swap3A_550 = tpu.vector_load %arg10[%swap3A_549] {strides = array<i32>} : memref<4096xf32, #tpu.memory_space<vmem>>, vector<16xf32>,
        tpu.vector_store %arg10[%swap3A_549], %add3A_542 {strides = array<i32>} : memref<4096xf32, #tpu.memory_space<vmem>>, vector<16xf32>,
        %scan3A_551 = arith.constant 0 : i32
        scf.yield %scan3A_551 : i32
      }
      %scan3A_76 = arith.constant 16 : i32
      %mul3A_77 = arith.constant 2 : i32
      %mul3A_78 = arith.muli %scan3A_53, %mul3A_77 : i32
      %add3A_79 = arith.constant 1 : i32
      %add3A_80 = arith.addi %mul3A_78, %add3A_79 : i32
      %mul3A_81 = arith.constant 4096 : i32
      %mul3A_82 = arith.muli %add3A_4, %mul3A_81 : i32
      %add3A_83 = arith.constant 0 : i32
      %add3A_84 = arith.addi %mul3A_82, %add3A_83 : i32
      %dma_wait3A_85 = arith.constant 0 : i32
      %dma_wait3A_86 = tpu.memref_slice %arg3[%add3A_84, %dma_wait3A_85] : memref<262144x32xi32, #tpu.memory_space<hbm>> -> memref<256x32xi32, #tpu.memory_space<hbm>>
      %dma_wait3A_87 = arith.constant 0 : i32
      %dma_wait3A_88 = tpu.memref_slice %arg3[%add3A_84, %dma_wait3A_87] : memref<262144x32xi32, #tpu.memory_space<hbm>> -> memref<256x32xi32, #tpu.memory_space<hbm>>
      tpu.wait_dma2 semaphore(%arg12 : memref<!tpu.dma_semaphore, #tpu.memory_space<semaphore_mem>>) src(%dma_wait3A_88 : memref<256x32xi32, #tpu.memory_space<hbm>>) dst(%arg8 : memref<256x32xi32, #tpu.memory_space<vmem>>)
      %add3A_89 = arith.constant 2 : i32
      %add3A_90 = arith.addi %add3A_80, %add3A_89 : i32
      %lt3A_91 = arith.constant 16 : i32
      %lt3A_92 = arith.cmpi slt, %add3A_90, %lt3A_91 : i32
      %convert_element_type3A_93 = arith.extui %lt3A_92 : i1 to i32
      %cond3A_94 = arith.constant 0 : i32
      %cond3A_95 = arith.cmpi ne, %convert_element_type3A_93, %cond3A_94 : i32
      scf.if %cond3A_95 {
        %add3A_104 = arith.constant 2 : i32
        %add3A_105 = arith.addi %add3A_80, %add3A_104 : i32
        %mul3A_106 = arith.constant 4096 : i32
        %mul3A_107 = arith.muli %add3A_4, %mul3A_106 : i32
        %mul3A_108 = arith.constant 256 : i32
        %mul3A_109 = arith.muli %add3A_105, %mul3A_108 : i32
        %add3A_110 = arith.addi %mul3A_107, %mul3A_109 : i32
        %dma_start3A_111 = arith.constant 0 : i32
        %dma_start3A_112 = tpu.memref_slice %arg3[%add3A_110, %dma_start3A_111] : memref<262144x32xi32, #tpu.memory_space<hbm>> -> memref<256x32xi32, #tpu.memory_space<hbm>>
        %dma_start3A_113 = arith.constant 0 : i32
        %dma_start3A_114 = tpu.memref_slice %arg3[%add3A_110, %dma_start3A_113] : memref<262144x32xi32, #tpu.memory_space<hbm>> -> memref<256x32xi32, #tpu.memory_space<hbm>>
        tpu.enqueue_dma source(%dma_start3A_114 : memref<256x32xi32, #tpu.memory_space<hbm>>) target(%arg8 : memref<256x32xi32, #tpu.memory_space<vmem>>) target_semaphore(%arg12 : memref<!tpu.dma_semaphore, #tpu.memory_space<semaphore_mem>>)
      } else {
      }
      %scan3A_96 = arith.constant 0 : i32
      %scan3A_97 = arith.constant 0 : i32
      %scan3A_98 = arith.constant 16 : i32
      %scan3A_99 = arith.addi %scan3A_97, %scan3A_98 : i32
      %scan3A_100 = arith.constant 1 : i32
      %scan3A_101 = scf.for %scan3A_104 = %scan3A_97 to %scan3A_99 step %scan3A_100 iter_args(%scan3A_105 = %scan3A_96) -> (i32)  : i32 {
        %mul3A_106 = arith.constant 16 : i32
        %mul3A_107 = arith.muli %scan3A_104, %mul3A_106 : i32
        %add3A_108 = vector.broadcast %mul3A_107 : i32 to vector<16xi32>
        %add3A_109 = arith.addi %add3A_108, %iota3A : vector<16xi32>
        %broadcast_in_dim3A = arith.constant 0.000000e+00 : f32
        %broadcast_in_dim3A_110 = vector.broadcast %broadcast_in_dim3A : f32 to vector<16xf32>
        %broadcast_in_dim3A_111 = arith.constant 0.000000e+00 : f32
        %broadcast_in_dim3A_112 = vector.broadcast %broadcast_in_dim3A_111 : f32 to vector<16xf32>
        %broadcast_in_dim3A_113 = arith.constant 0.000000e+00 : f32
        %broadcast_in_dim3A_114 = vector.broadcast %broadcast_in_dim3A_113 : f32 to vector<16xf32>
        %broadcast_in_dim3A_115 = arith.constant 0.000000e+00 : f32
        %broadcast_in_dim3A_116 = vector.broadcast %broadcast_in_dim3A_115 : f32 to vector<16xf32>
        %broadcast_in_dim3A_117 = arith.constant 0.000000e+00 : f32
        %broadcast_in_dim3A_118 = vector.broadcast %broadcast_in_dim3A_117 : f32 to vector<16xf32>
        %broadcast_in_dim3A_119 = arith.constant 0.000000e+00 : f32
        %broadcast_in_dim3A_120 = vector.broadcast %broadcast_in_dim3A_119 : f32 to vector<16xf32>
        %broadcast_in_dim3A_121 = arith.constant 0.000000e+00 : f32
        %broadcast_in_dim3A_122 = vector.broadcast %broadcast_in_dim3A_121 : f32 to vector<16xf32>
        %broadcast_in_dim3A_123 = arith.constant 0.000000e+00 : f32
        %broadcast_in_dim3A_124 = vector.broadcast %broadcast_in_dim3A_123 : f32 to vector<16xf32>
        %add3A_125 = arith.constant 0 : i32
        %add3A_126 = vector.broadcast %add3A_125 : i32 to vector<16xi32>
        %add3A_127 = arith.addi %iota3A, %add3A_126 : vector<16xi32>
        %and3A = arith.constant 31 : i32
        %and3A_128 = vector.broadcast %and3A : i32 to vector<16xi32>
        %and3A_129 = arith.andi %add3A_127, %and3A_128 : vector<16xi32>
        %gather3A = tpu.vector_load_idx %arg8[%add3A_109, %and3A_129] : memref<256x32xi32, #tpu.memory_space<vmem>>[vector<16xi32>, vector<16xi32>], vector<16xi32>,
        %gather3A_130 = tpu.vector_load_idx %arg6[%gather3A] : memref<4096xi32, #tpu.memory_space<vmem>>[vector<16xi32>], vector<16xi32>,
        %bitcast3A = vector.bitcast %gather3A_130 : vector<16xi32> to vector<32xbf16>
        %unpack3A = tpu.unpack_subelements %bitcast3A, 0 {pack_format = #tpu.pack_format<interleaved>} : vector<32xbf16> -> vector<16xf32>
        %unpack3A_131 = tpu.unpack_subelements %bitcast3A, 1 {pack_format = #tpu.pack_format<interleaved>} : vector<32xbf16> -> vector<16xf32>
        %add3A_132 = arith.addf %broadcast_in_dim3A_110, %unpack3A : vector<16xf32>
        %add3A_133 = arith.addf %broadcast_in_dim3A_118, %unpack3A_131 : vector<16xf32>
        %add3A_134 = arith.constant 1 : i32
        %add3A_135 = vector.broadcast %add3A_134 : i32 to vector<16xi32>
        %add3A_136 = arith.addi %iota3A, %add3A_135 : vector<16xi32>
        %and3A_137 = arith.constant 31 : i32
        %and3A_138 = vector.broadcast %and3A_137 : i32 to vector<16xi32>
        %and3A_139 = arith.andi %add3A_136, %and3A_138 : vector<16xi32>
        %gather3A_140 = tpu.vector_load_idx %arg8[%add3A_109, %and3A_139] : memref<256x32xi32, #tpu.memory_space<vmem>>[vector<16xi32>, vector<16xi32>], vector<16xi32>,
        %gather3A_141 = tpu.vector_load_idx %arg6[%gather3A_140] : memref<4096xi32, #tpu.memory_space<vmem>>[vector<16xi32>], vector<16xi32>,
        %bitcast3A_142 = vector.bitcast %gather3A_141 : vector<16xi32> to vector<32xbf16>
        %unpack3A_143 = tpu.unpack_subelements %bitcast3A_142, 0 {pack_format = #tpu.pack_format<interleaved>} : vector<32xbf16> -> vector<16xf32>
        %unpack3A_144 = tpu.unpack_subelements %bitcast3A_142, 1 {pack_format = #tpu.pack_format<interleaved>} : vector<32xbf16> -> vector<16xf32>
        %add3A_145 = arith.addf %broadcast_in_dim3A_112, %unpack3A_143 : vector<16xf32>
        %add3A_146 = arith.addf %broadcast_in_dim3A_120, %unpack3A_144 : vector<16xf32>
        %add3A_147 = arith.constant 2 : i32
        %add3A_148 = vector.broadcast %add3A_147 : i32 to vector<16xi32>
        %add3A_149 = arith.addi %iota3A, %add3A_148 : vector<16xi32>
        %and3A_150 = arith.constant 31 : i32
        %and3A_151 = vector.broadcast %and3A_150 : i32 to vector<16xi32>
        %and3A_152 = arith.andi %add3A_149, %and3A_151 : vector<16xi32>
        %gather3A_153 = tpu.vector_load_idx %arg8[%add3A_109, %and3A_152] : memref<256x32xi32, #tpu.memory_space<vmem>>[vector<16xi32>, vector<16xi32>], vector<16xi32>,
        %gather3A_154 = tpu.vector_load_idx %arg6[%gather3A_153] : memref<4096xi32, #tpu.memory_space<vmem>>[vector<16xi32>], vector<16xi32>,
        %bitcast3A_155 = vector.bitcast %gather3A_154 : vector<16xi32> to vector<32xbf16>
        %unpack3A_156 = tpu.unpack_subelements %bitcast3A_155, 0 {pack_format = #tpu.pack_format<interleaved>} : vector<32xbf16> -> vector<16xf32>
        %unpack3A_157 = tpu.unpack_subelements %bitcast3A_155, 1 {pack_format = #tpu.pack_format<interleaved>} : vector<32xbf16> -> vector<16xf32>
        %add3A_158 = arith.addf %broadcast_in_dim3A_114, %unpack3A_156 : vector<16xf32>
        %add3A_159 = arith.addf %broadcast_in_dim3A_122, %unpack3A_157 : vector<16xf32>
        %add3A_160 = arith.constant 3 : i32
        %add3A_161 = vector.broadcast %add3A_160 : i32 to vector<16xi32>
        %add3A_162 = arith.addi %iota3A, %add3A_161 : vector<16xi32>
        %and3A_163 = arith.constant 31 : i32
        %and3A_164 = vector.broadcast %and3A_163 : i32 to vector<16xi32>
        %and3A_165 = arith.andi %add3A_162, %and3A_164 : vector<16xi32>
        %gather3A_166 = tpu.vector_load_idx %arg8[%add3A_109, %and3A_165] : memref<256x32xi32, #tpu.memory_space<vmem>>[vector<16xi32>, vector<16xi32>], vector<16xi32>,
        %gather3A_167 = tpu.vector_load_idx %arg6[%gather3A_166] : memref<4096xi32, #tpu.memory_space<vmem>>[vector<16xi32>], vector<16xi32>,
        %bitcast3A_168 = vector.bitcast %gather3A_167 : vector<16xi32> to vector<32xbf16>
        %unpack3A_169 = tpu.unpack_subelements %bitcast3A_168, 0 {pack_format = #tpu.pack_format<interleaved>} : vector<32xbf16> -> vector<16xf32>
        %unpack3A_170 = tpu.unpack_subelements %bitcast3A_168, 1 {pack_format = #tpu.pack_format<interleaved>} : vector<32xbf16> -> vector<16xf32>
        %add3A_171 = arith.addf %broadcast_in_dim3A_116, %unpack3A_169 : vector<16xf32>
        %add3A_172 = arith.addf %broadcast_in_dim3A_124, %unpack3A_170 : vector<16xf32>
        %add3A_173 = arith.constant 4 : i32
        %add3A_174 = vector.broadcast %add3A_173 : i32 to vector<16xi32>
        %add3A_175 = arith.addi %iota3A, %add3A_174 : vector<16xi32>
        %and3A_176 = arith.constant 31 : i32
        %and3A_177 = vector.broadcast %and3A_176 : i32 to vector<16xi32>
        %and3A_178 = arith.andi %add3A_175, %and3A_177 : vector<16xi32>
        %gather3A_179 = tpu.vector_load_idx %arg8[%add3A_109, %and3A_178] : memref<256x32xi32, #tpu.memory_space<vmem>>[vector<16xi32>, vector<16xi32>], vector<16xi32>,
        %gather3A_180 = tpu.vector_load_idx %arg6[%gather3A_179] : memref<4096xi32, #tpu.memory_space<vmem>>[vector<16xi32>], vector<16xi32>,
        %bitcast3A_181 = vector.bitcast %gather3A_180 : vector<16xi32> to vector<32xbf16>
        %unpack3A_182 = tpu.unpack_subelements %bitcast3A_181, 0 {pack_format = #tpu.pack_format<interleaved>} : vector<32xbf16> -> vector<16xf32>
        %unpack3A_183 = tpu.unpack_subelements %bitcast3A_181, 1 {pack_format = #tpu.pack_format<interleaved>} : vector<32xbf16> -> vector<16xf32>
        %add3A_184 = arith.addf %add3A_132, %unpack3A_182 : vector<16xf32>
        %add3A_185 = arith.addf %add3A_133, %unpack3A_183 : vector<16xf32>
        %add3A_186 = arith.constant 5 : i32
        %add3A_187 = vector.broadcast %add3A_186 : i32 to vector<16xi32>
        %add3A_188 = arith.addi %iota3A, %add3A_187 : vector<16xi32>
        %and3A_189 = arith.constant 31 : i32
        %and3A_190 = vector.broadcast %and3A_189 : i32 to vector<16xi32>
        %and3A_191 = arith.andi %add3A_188, %and3A_190 : vector<16xi32>
        %gather3A_192 = tpu.vector_load_idx %arg8[%add3A_109, %and3A_191] : memref<256x32xi32, #tpu.memory_space<vmem>>[vector<16xi32>, vector<16xi32>], vector<16xi32>,
        %gather3A_193 = tpu.vector_load_idx %arg6[%gather3A_192] : memref<4096xi32, #tpu.memory_space<vmem>>[vector<16xi32>], vector<16xi32>,
        %bitcast3A_194 = vector.bitcast %gather3A_193 : vector<16xi32> to vector<32xbf16>
        %unpack3A_195 = tpu.unpack_subelements %bitcast3A_194, 0 {pack_format = #tpu.pack_format<interleaved>} : vector<32xbf16> -> vector<16xf32>
        %unpack3A_196 = tpu.unpack_subelements %bitcast3A_194, 1 {pack_format = #tpu.pack_format<interleaved>} : vector<32xbf16> -> vector<16xf32>
        %add3A_197 = arith.addf %add3A_145, %unpack3A_195 : vector<16xf32>
        %add3A_198 = arith.addf %add3A_146, %unpack3A_196 : vector<16xf32>
        %add3A_199 = arith.constant 6 : i32
        %add3A_200 = vector.broadcast %add3A_199 : i32 to vector<16xi32>
        %add3A_201 = arith.addi %iota3A, %add3A_200 : vector<16xi32>
        %and3A_202 = arith.constant 31 : i32
        %and3A_203 = vector.broadcast %and3A_202 : i32 to vector<16xi32>
        %and3A_204 = arith.andi %add3A_201, %and3A_203 : vector<16xi32>
        %gather3A_205 = tpu.vector_load_idx %arg8[%add3A_109, %and3A_204] : memref<256x32xi32, #tpu.memory_space<vmem>>[vector<16xi32>, vector<16xi32>], vector<16xi32>,
        %gather3A_206 = tpu.vector_load_idx %arg6[%gather3A_205] : memref<4096xi32, #tpu.memory_space<vmem>>[vector<16xi32>], vector<16xi32>,
        %bitcast3A_207 = vector.bitcast %gather3A_206 : vector<16xi32> to vector<32xbf16>
        %unpack3A_208 = tpu.unpack_subelements %bitcast3A_207, 0 {pack_format = #tpu.pack_format<interleaved>} : vector<32xbf16> -> vector<16xf32>
        %unpack3A_209 = tpu.unpack_subelements %bitcast3A_207, 1 {pack_format = #tpu.pack_format<interleaved>} : vector<32xbf16> -> vector<16xf32>
        %add3A_210 = arith.addf %add3A_158, %unpack3A_208 : vector<16xf32>
        %add3A_211 = arith.addf %add3A_159, %unpack3A_209 : vector<16xf32>
        %add3A_212 = arith.constant 7 : i32
        %add3A_213 = vector.broadcast %add3A_212 : i32 to vector<16xi32>
        %add3A_214 = arith.addi %iota3A, %add3A_213 : vector<16xi32>
        %and3A_215 = arith.constant 31 : i32
        %and3A_216 = vector.broadcast %and3A_215 : i32 to vector<16xi32>
        %and3A_217 = arith.andi %add3A_214, %and3A_216 : vector<16xi32>
        %gather3A_218 = tpu.vector_load_idx %arg8[%add3A_109, %and3A_217] : memref<256x32xi32, #tpu.memory_space<vmem>>[vector<16xi32>, vector<16xi32>], vector<16xi32>,
        %gather3A_219 = tpu.vector_load_idx %arg6[%gather3A_218] : memref<4096xi32, #tpu.memory_space<vmem>>[vector<16xi32>], vector<16xi32>,
        %bitcast3A_220 = vector.bitcast %gather3A_219 : vector<16xi32> to vector<32xbf16>
        %unpack3A_221 = tpu.unpack_subelements %bitcast3A_220, 0 {pack_format = #tpu.pack_format<interleaved>} : vector<32xbf16> -> vector<16xf32>
        %unpack3A_222 = tpu.unpack_subelements %bitcast3A_220, 1 {pack_format = #tpu.pack_format<interleaved>} : vector<32xbf16> -> vector<16xf32>
        %add3A_223 = arith.addf %add3A_171, %unpack3A_221 : vector<16xf32>
        %add3A_224 = arith.addf %add3A_172, %unpack3A_222 : vector<16xf32>
        %add3A_225 = arith.constant 8 : i32
        %add3A_226 = vector.broadcast %add3A_225 : i32 to vector<16xi32>
        %add3A_227 = arith.addi %iota3A, %add3A_226 : vector<16xi32>
        %and3A_228 = arith.constant 31 : i32
        %and3A_229 = vector.broadcast %and3A_228 : i32 to vector<16xi32>
        %and3A_230 = arith.andi %add3A_227, %and3A_229 : vector<16xi32>
        %gather3A_231 = tpu.vector_load_idx %arg8[%add3A_109, %and3A_230] : memref<256x32xi32, #tpu.memory_space<vmem>>[vector<16xi32>, vector<16xi32>], vector<16xi32>,
        %gather3A_232 = tpu.vector_load_idx %arg6[%gather3A_231] : memref<4096xi32, #tpu.memory_space<vmem>>[vector<16xi32>], vector<16xi32>,
        %bitcast3A_233 = vector.bitcast %gather3A_232 : vector<16xi32> to vector<32xbf16>
        %unpack3A_234 = tpu.unpack_subelements %bitcast3A_233, 0 {pack_format = #tpu.pack_format<interleaved>} : vector<32xbf16> -> vector<16xf32>
        %unpack3A_235 = tpu.unpack_subelements %bitcast3A_233, 1 {pack_format = #tpu.pack_format<interleaved>} : vector<32xbf16> -> vector<16xf32>
        %add3A_236 = arith.addf %add3A_184, %unpack3A_234 : vector<16xf32>
        %add3A_237 = arith.addf %add3A_185, %unpack3A_235 : vector<16xf32>
        %add3A_238 = arith.constant 9 : i32
        %add3A_239 = vector.broadcast %add3A_238 : i32 to vector<16xi32>
        %add3A_240 = arith.addi %iota3A, %add3A_239 : vector<16xi32>
        %and3A_241 = arith.constant 31 : i32
        %and3A_242 = vector.broadcast %and3A_241 : i32 to vector<16xi32>
        %and3A_243 = arith.andi %add3A_240, %and3A_242 : vector<16xi32>
        %gather3A_244 = tpu.vector_load_idx %arg8[%add3A_109, %and3A_243] : memref<256x32xi32, #tpu.memory_space<vmem>>[vector<16xi32>, vector<16xi32>], vector<16xi32>,
        %gather3A_245 = tpu.vector_load_idx %arg6[%gather3A_244] : memref<4096xi32, #tpu.memory_space<vmem>>[vector<16xi32>], vector<16xi32>,
        %bitcast3A_246 = vector.bitcast %gather3A_245 : vector<16xi32> to vector<32xbf16>
        %unpack3A_247 = tpu.unpack_subelements %bitcast3A_246, 0 {pack_format = #tpu.pack_format<interleaved>} : vector<32xbf16> -> vector<16xf32>
        %unpack3A_248 = tpu.unpack_subelements %bitcast3A_246, 1 {pack_format = #tpu.pack_format<interleaved>} : vector<32xbf16> -> vector<16xf32>
        %add3A_249 = arith.addf %add3A_197, %unpack3A_247 : vector<16xf32>
        %add3A_250 = arith.addf %add3A_198, %unpack3A_248 : vector<16xf32>
        %add3A_251 = arith.constant 10 : i32
        %add3A_252 = vector.broadcast %add3A_251 : i32 to vector<16xi32>
        %add3A_253 = arith.addi %iota3A, %add3A_252 : vector<16xi32>
        %and3A_254 = arith.constant 31 : i32
        %and3A_255 = vector.broadcast %and3A_254 : i32 to vector<16xi32>
        %and3A_256 = arith.andi %add3A_253, %and3A_255 : vector<16xi32>
        %gather3A_257 = tpu.vector_load_idx %arg8[%add3A_109, %and3A_256] : memref<256x32xi32, #tpu.memory_space<vmem>>[vector<16xi32>, vector<16xi32>], vector<16xi32>,
        %gather3A_258 = tpu.vector_load_idx %arg6[%gather3A_257] : memref<4096xi32, #tpu.memory_space<vmem>>[vector<16xi32>], vector<16xi32>,
        %bitcast3A_259 = vector.bitcast %gather3A_258 : vector<16xi32> to vector<32xbf16>
        %unpack3A_260 = tpu.unpack_subelements %bitcast3A_259, 0 {pack_format = #tpu.pack_format<interleaved>} : vector<32xbf16> -> vector<16xf32>
        %unpack3A_261 = tpu.unpack_subelements %bitcast3A_259, 1 {pack_format = #tpu.pack_format<interleaved>} : vector<32xbf16> -> vector<16xf32>
        %add3A_262 = arith.addf %add3A_210, %unpack3A_260 : vector<16xf32>
        %add3A_263 = arith.addf %add3A_211, %unpack3A_261 : vector<16xf32>
        %add3A_264 = arith.constant 11 : i32
        %add3A_265 = vector.broadcast %add3A_264 : i32 to vector<16xi32>
        %add3A_266 = arith.addi %iota3A, %add3A_265 : vector<16xi32>
        %and3A_267 = arith.constant 31 : i32
        %and3A_268 = vector.broadcast %and3A_267 : i32 to vector<16xi32>
        %and3A_269 = arith.andi %add3A_266, %and3A_268 : vector<16xi32>
        %gather3A_270 = tpu.vector_load_idx %arg8[%add3A_109, %and3A_269] : memref<256x32xi32, #tpu.memory_space<vmem>>[vector<16xi32>, vector<16xi32>], vector<16xi32>,
        %gather3A_271 = tpu.vector_load_idx %arg6[%gather3A_270] : memref<4096xi32, #tpu.memory_space<vmem>>[vector<16xi32>], vector<16xi32>,
        %bitcast3A_272 = vector.bitcast %gather3A_271 : vector<16xi32> to vector<32xbf16>
        %unpack3A_273 = tpu.unpack_subelements %bitcast3A_272, 0 {pack_format = #tpu.pack_format<interleaved>} : vector<32xbf16> -> vector<16xf32>
        %unpack3A_274 = tpu.unpack_subelements %bitcast3A_272, 1 {pack_format = #tpu.pack_format<interleaved>} : vector<32xbf16> -> vector<16xf32>
        %add3A_275 = arith.addf %add3A_223, %unpack3A_273 : vector<16xf32>
        %add3A_276 = arith.addf %add3A_224, %unpack3A_274 : vector<16xf32>
        %add3A_277 = arith.constant 12 : i32
        %add3A_278 = vector.broadcast %add3A_277 : i32 to vector<16xi32>
        %add3A_279 = arith.addi %iota3A, %add3A_278 : vector<16xi32>
        %and3A_280 = arith.constant 31 : i32
        %and3A_281 = vector.broadcast %and3A_280 : i32 to vector<16xi32>
        %and3A_282 = arith.andi %add3A_279, %and3A_281 : vector<16xi32>
        %gather3A_283 = tpu.vector_load_idx %arg8[%add3A_109, %and3A_282] : memref<256x32xi32, #tpu.memory_space<vmem>>[vector<16xi32>, vector<16xi32>], vector<16xi32>,
        %gather3A_284 = tpu.vector_load_idx %arg6[%gather3A_283] : memref<4096xi32, #tpu.memory_space<vmem>>[vector<16xi32>], vector<16xi32>,
        %bitcast3A_285 = vector.bitcast %gather3A_284 : vector<16xi32> to vector<32xbf16>
        %unpack3A_286 = tpu.unpack_subelements %bitcast3A_285, 0 {pack_format = #tpu.pack_format<interleaved>} : vector<32xbf16> -> vector<16xf32>
        %unpack3A_287 = tpu.unpack_subelements %bitcast3A_285, 1 {pack_format = #tpu.pack_format<interleaved>} : vector<32xbf16> -> vector<16xf32>
        %add3A_288 = arith.addf %add3A_236, %unpack3A_286 : vector<16xf32>
        %add3A_289 = arith.addf %add3A_237, %unpack3A_287 : vector<16xf32>
        %add3A_290 = arith.constant 13 : i32
        %add3A_291 = vector.broadcast %add3A_290 : i32 to vector<16xi32>
        %add3A_292 = arith.addi %iota3A, %add3A_291 : vector<16xi32>
        %and3A_293 = arith.constant 31 : i32
        %and3A_294 = vector.broadcast %and3A_293 : i32 to vector<16xi32>
        %and3A_295 = arith.andi %add3A_292, %and3A_294 : vector<16xi32>
        %gather3A_296 = tpu.vector_load_idx %arg8[%add3A_109, %and3A_295] : memref<256x32xi32, #tpu.memory_space<vmem>>[vector<16xi32>, vector<16xi32>], vector<16xi32>,
        %gather3A_297 = tpu.vector_load_idx %arg6[%gather3A_296] : memref<4096xi32, #tpu.memory_space<vmem>>[vector<16xi32>], vector<16xi32>,
        %bitcast3A_298 = vector.bitcast %gather3A_297 : vector<16xi32> to vector<32xbf16>
        %unpack3A_299 = tpu.unpack_subelements %bitcast3A_298, 0 {pack_format = #tpu.pack_format<interleaved>} : vector<32xbf16> -> vector<16xf32>
        %unpack3A_300 = tpu.unpack_subelements %bitcast3A_298, 1 {pack_format = #tpu.pack_format<interleaved>} : vector<32xbf16> -> vector<16xf32>
        %add3A_301 = arith.addf %add3A_249, %unpack3A_299 : vector<16xf32>
        %add3A_302 = arith.addf %add3A_250, %unpack3A_300 : vector<16xf32>
        %add3A_303 = arith.constant 14 : i32
        %add3A_304 = vector.broadcast %add3A_303 : i32 to vector<16xi32>
        %add3A_305 = arith.addi %iota3A, %add3A_304 : vector<16xi32>
        %and3A_306 = arith.constant 31 : i32
        %and3A_307 = vector.broadcast %and3A_306 : i32 to vector<16xi32>
        %and3A_308 = arith.andi %add3A_305, %and3A_307 : vector<16xi32>
        %gather3A_309 = tpu.vector_load_idx %arg8[%add3A_109, %and3A_308] : memref<256x32xi32, #tpu.memory_space<vmem>>[vector<16xi32>, vector<16xi32>], vector<16xi32>,
        %gather3A_310 = tpu.vector_load_idx %arg6[%gather3A_309] : memref<4096xi32, #tpu.memory_space<vmem>>[vector<16xi32>], vector<16xi32>,
        %bitcast3A_311 = vector.bitcast %gather3A_310 : vector<16xi32> to vector<32xbf16>
        %unpack3A_312 = tpu.unpack_subelements %bitcast3A_311, 0 {pack_format = #tpu.pack_format<interleaved>} : vector<32xbf16> -> vector<16xf32>
        %unpack3A_313 = tpu.unpack_subelements %bitcast3A_311, 1 {pack_format = #tpu.pack_format<interleaved>} : vector<32xbf16> -> vector<16xf32>
        %add3A_314 = arith.addf %add3A_262, %unpack3A_312 : vector<16xf32>
        %add3A_315 = arith.addf %add3A_263, %unpack3A_313 : vector<16xf32>
        %add3A_316 = arith.constant 15 : i32
        %add3A_317 = vector.broadcast %add3A_316 : i32 to vector<16xi32>
        %add3A_318 = arith.addi %iota3A, %add3A_317 : vector<16xi32>
        %and3A_319 = arith.constant 31 : i32
        %and3A_320 = vector.broadcast %and3A_319 : i32 to vector<16xi32>
        %and3A_321 = arith.andi %add3A_318, %and3A_320 : vector<16xi32>
        %gather3A_322 = tpu.vector_load_idx %arg8[%add3A_109, %and3A_321] : memref<256x32xi32, #tpu.memory_space<vmem>>[vector<16xi32>, vector<16xi32>], vector<16xi32>,
        %gather3A_323 = tpu.vector_load_idx %arg6[%gather3A_322] : memref<4096xi32, #tpu.memory_space<vmem>>[vector<16xi32>], vector<16xi32>,
        %bitcast3A_324 = vector.bitcast %gather3A_323 : vector<16xi32> to vector<32xbf16>
        %unpack3A_325 = tpu.unpack_subelements %bitcast3A_324, 0 {pack_format = #tpu.pack_format<interleaved>} : vector<32xbf16> -> vector<16xf32>
        %unpack3A_326 = tpu.unpack_subelements %bitcast3A_324, 1 {pack_format = #tpu.pack_format<interleaved>} : vector<32xbf16> -> vector<16xf32>
        %add3A_327 = arith.addf %add3A_275, %unpack3A_325 : vector<16xf32>
        %add3A_328 = arith.addf %add3A_276, %unpack3A_326 : vector<16xf32>
        %add3A_329 = arith.constant 16 : i32
        %add3A_330 = vector.broadcast %add3A_329 : i32 to vector<16xi32>
        %add3A_331 = arith.addi %iota3A, %add3A_330 : vector<16xi32>
        %and3A_332 = arith.constant 31 : i32
        %and3A_333 = vector.broadcast %and3A_332 : i32 to vector<16xi32>
        %and3A_334 = arith.andi %add3A_331, %and3A_333 : vector<16xi32>
        %gather3A_335 = tpu.vector_load_idx %arg8[%add3A_109, %and3A_334] : memref<256x32xi32, #tpu.memory_space<vmem>>[vector<16xi32>, vector<16xi32>], vector<16xi32>,
        %gather3A_336 = tpu.vector_load_idx %arg6[%gather3A_335] : memref<4096xi32, #tpu.memory_space<vmem>>[vector<16xi32>], vector<16xi32>,
        %bitcast3A_337 = vector.bitcast %gather3A_336 : vector<16xi32> to vector<32xbf16>
        %unpack3A_338 = tpu.unpack_subelements %bitcast3A_337, 0 {pack_format = #tpu.pack_format<interleaved>} : vector<32xbf16> -> vector<16xf32>
        %unpack3A_339 = tpu.unpack_subelements %bitcast3A_337, 1 {pack_format = #tpu.pack_format<interleaved>} : vector<32xbf16> -> vector<16xf32>
        %add3A_340 = arith.addf %add3A_288, %unpack3A_338 : vector<16xf32>
        %add3A_341 = arith.addf %add3A_289, %unpack3A_339 : vector<16xf32>
        %add3A_342 = arith.constant 17 : i32
        %add3A_343 = vector.broadcast %add3A_342 : i32 to vector<16xi32>
        %add3A_344 = arith.addi %iota3A, %add3A_343 : vector<16xi32>
        %and3A_345 = arith.constant 31 : i32
        %and3A_346 = vector.broadcast %and3A_345 : i32 to vector<16xi32>
        %and3A_347 = arith.andi %add3A_344, %and3A_346 : vector<16xi32>
        %gather3A_348 = tpu.vector_load_idx %arg8[%add3A_109, %and3A_347] : memref<256x32xi32, #tpu.memory_space<vmem>>[vector<16xi32>, vector<16xi32>], vector<16xi32>,
        %gather3A_349 = tpu.vector_load_idx %arg6[%gather3A_348] : memref<4096xi32, #tpu.memory_space<vmem>>[vector<16xi32>], vector<16xi32>,
        %bitcast3A_350 = vector.bitcast %gather3A_349 : vector<16xi32> to vector<32xbf16>
        %unpack3A_351 = tpu.unpack_subelements %bitcast3A_350, 0 {pack_format = #tpu.pack_format<interleaved>} : vector<32xbf16> -> vector<16xf32>
        %unpack3A_352 = tpu.unpack_subelements %bitcast3A_350, 1 {pack_format = #tpu.pack_format<interleaved>} : vector<32xbf16> -> vector<16xf32>
        %add3A_353 = arith.addf %add3A_301, %unpack3A_351 : vector<16xf32>
        %add3A_354 = arith.addf %add3A_302, %unpack3A_352 : vector<16xf32>
        %add3A_355 = arith.constant 18 : i32
        %add3A_356 = vector.broadcast %add3A_355 : i32 to vector<16xi32>
        %add3A_357 = arith.addi %iota3A, %add3A_356 : vector<16xi32>
        %and3A_358 = arith.constant 31 : i32
        %and3A_359 = vector.broadcast %and3A_358 : i32 to vector<16xi32>
        %and3A_360 = arith.andi %add3A_357, %and3A_359 : vector<16xi32>
        %gather3A_361 = tpu.vector_load_idx %arg8[%add3A_109, %and3A_360] : memref<256x32xi32, #tpu.memory_space<vmem>>[vector<16xi32>, vector<16xi32>], vector<16xi32>,
        %gather3A_362 = tpu.vector_load_idx %arg6[%gather3A_361] : memref<4096xi32, #tpu.memory_space<vmem>>[vector<16xi32>], vector<16xi32>,
        %bitcast3A_363 = vector.bitcast %gather3A_362 : vector<16xi32> to vector<32xbf16>
        %unpack3A_364 = tpu.unpack_subelements %bitcast3A_363, 0 {pack_format = #tpu.pack_format<interleaved>} : vector<32xbf16> -> vector<16xf32>
        %unpack3A_365 = tpu.unpack_subelements %bitcast3A_363, 1 {pack_format = #tpu.pack_format<interleaved>} : vector<32xbf16> -> vector<16xf32>
        %add3A_366 = arith.addf %add3A_314, %unpack3A_364 : vector<16xf32>
        %add3A_367 = arith.addf %add3A_315, %unpack3A_365 : vector<16xf32>
        %add3A_368 = arith.constant 19 : i32
        %add3A_369 = vector.broadcast %add3A_368 : i32 to vector<16xi32>
        %add3A_370 = arith.addi %iota3A, %add3A_369 : vector<16xi32>
        %and3A_371 = arith.constant 31 : i32
        %and3A_372 = vector.broadcast %and3A_371 : i32 to vector<16xi32>
        %and3A_373 = arith.andi %add3A_370, %and3A_372 : vector<16xi32>
        %gather3A_374 = tpu.vector_load_idx %arg8[%add3A_109, %and3A_373] : memref<256x32xi32, #tpu.memory_space<vmem>>[vector<16xi32>, vector<16xi32>], vector<16xi32>,
        %gather3A_375 = tpu.vector_load_idx %arg6[%gather3A_374] : memref<4096xi32, #tpu.memory_space<vmem>>[vector<16xi32>], vector<16xi32>,
        %bitcast3A_376 = vector.bitcast %gather3A_375 : vector<16xi32> to vector<32xbf16>
        %unpack3A_377 = tpu.unpack_subelements %bitcast3A_376, 0 {pack_format = #tpu.pack_format<interleaved>} : vector<32xbf16> -> vector<16xf32>
        %unpack3A_378 = tpu.unpack_subelements %bitcast3A_376, 1 {pack_format = #tpu.pack_format<interleaved>} : vector<32xbf16> -> vector<16xf32>
        %add3A_379 = arith.addf %add3A_327, %unpack3A_377 : vector<16xf32>
        %add3A_380 = arith.addf %add3A_328, %unpack3A_378 : vector<16xf32>
        %add3A_381 = arith.constant 20 : i32
        %add3A_382 = vector.broadcast %add3A_381 : i32 to vector<16xi32>
        %add3A_383 = arith.addi %iota3A, %add3A_382 : vector<16xi32>
        %and3A_384 = arith.constant 31 : i32
        %and3A_385 = vector.broadcast %and3A_384 : i32 to vector<16xi32>
        %and3A_386 = arith.andi %add3A_383, %and3A_385 : vector<16xi32>
        %gather3A_387 = tpu.vector_load_idx %arg8[%add3A_109, %and3A_386] : memref<256x32xi32, #tpu.memory_space<vmem>>[vector<16xi32>, vector<16xi32>], vector<16xi32>,
        %gather3A_388 = tpu.vector_load_idx %arg6[%gather3A_387] : memref<4096xi32, #tpu.memory_space<vmem>>[vector<16xi32>], vector<16xi32>,
        %bitcast3A_389 = vector.bitcast %gather3A_388 : vector<16xi32> to vector<32xbf16>
        %unpack3A_390 = tpu.unpack_subelements %bitcast3A_389, 0 {pack_format = #tpu.pack_format<interleaved>} : vector<32xbf16> -> vector<16xf32>
        %unpack3A_391 = tpu.unpack_subelements %bitcast3A_389, 1 {pack_format = #tpu.pack_format<interleaved>} : vector<32xbf16> -> vector<16xf32>
        %add3A_392 = arith.addf %add3A_340, %unpack3A_390 : vector<16xf32>
        %add3A_393 = arith.addf %add3A_341, %unpack3A_391 : vector<16xf32>
        %add3A_394 = arith.constant 21 : i32
        %add3A_395 = vector.broadcast %add3A_394 : i32 to vector<16xi32>
        %add3A_396 = arith.addi %iota3A, %add3A_395 : vector<16xi32>
        %and3A_397 = arith.constant 31 : i32
        %and3A_398 = vector.broadcast %and3A_397 : i32 to vector<16xi32>
        %and3A_399 = arith.andi %add3A_396, %and3A_398 : vector<16xi32>
        %gather3A_400 = tpu.vector_load_idx %arg8[%add3A_109, %and3A_399] : memref<256x32xi32, #tpu.memory_space<vmem>>[vector<16xi32>, vector<16xi32>], vector<16xi32>,
        %gather3A_401 = tpu.vector_load_idx %arg6[%gather3A_400] : memref<4096xi32, #tpu.memory_space<vmem>>[vector<16xi32>], vector<16xi32>,
        %bitcast3A_402 = vector.bitcast %gather3A_401 : vector<16xi32> to vector<32xbf16>
        %unpack3A_403 = tpu.unpack_subelements %bitcast3A_402, 0 {pack_format = #tpu.pack_format<interleaved>} : vector<32xbf16> -> vector<16xf32>
        %unpack3A_404 = tpu.unpack_subelements %bitcast3A_402, 1 {pack_format = #tpu.pack_format<interleaved>} : vector<32xbf16> -> vector<16xf32>
        %add3A_405 = arith.addf %add3A_353, %unpack3A_403 : vector<16xf32>
        %add3A_406 = arith.addf %add3A_354, %unpack3A_404 : vector<16xf32>
        %add3A_407 = arith.constant 22 : i32
        %add3A_408 = vector.broadcast %add3A_407 : i32 to vector<16xi32>
        %add3A_409 = arith.addi %iota3A, %add3A_408 : vector<16xi32>
        %and3A_410 = arith.constant 31 : i32
        %and3A_411 = vector.broadcast %and3A_410 : i32 to vector<16xi32>
        %and3A_412 = arith.andi %add3A_409, %and3A_411 : vector<16xi32>
        %gather3A_413 = tpu.vector_load_idx %arg8[%add3A_109, %and3A_412] : memref<256x32xi32, #tpu.memory_space<vmem>>[vector<16xi32>, vector<16xi32>], vector<16xi32>,
        %gather3A_414 = tpu.vector_load_idx %arg6[%gather3A_413] : memref<4096xi32, #tpu.memory_space<vmem>>[vector<16xi32>], vector<16xi32>,
        %bitcast3A_415 = vector.bitcast %gather3A_414 : vector<16xi32> to vector<32xbf16>
        %unpack3A_416 = tpu.unpack_subelements %bitcast3A_415, 0 {pack_format = #tpu.pack_format<interleaved>} : vector<32xbf16> -> vector<16xf32>
        %unpack3A_417 = tpu.unpack_subelements %bitcast3A_415, 1 {pack_format = #tpu.pack_format<interleaved>} : vector<32xbf16> -> vector<16xf32>
        %add3A_418 = arith.addf %add3A_366, %unpack3A_416 : vector<16xf32>
        %add3A_419 = arith.addf %add3A_367, %unpack3A_417 : vector<16xf32>
        %add3A_420 = arith.constant 23 : i32
        %add3A_421 = vector.broadcast %add3A_420 : i32 to vector<16xi32>
        %add3A_422 = arith.addi %iota3A, %add3A_421 : vector<16xi32>
        %and3A_423 = arith.constant 31 : i32
        %and3A_424 = vector.broadcast %and3A_423 : i32 to vector<16xi32>
        %and3A_425 = arith.andi %add3A_422, %and3A_424 : vector<16xi32>
        %gather3A_426 = tpu.vector_load_idx %arg8[%add3A_109, %and3A_425] : memref<256x32xi32, #tpu.memory_space<vmem>>[vector<16xi32>, vector<16xi32>], vector<16xi32>,
        %gather3A_427 = tpu.vector_load_idx %arg6[%gather3A_426] : memref<4096xi32, #tpu.memory_space<vmem>>[vector<16xi32>], vector<16xi32>,
        %bitcast3A_428 = vector.bitcast %gather3A_427 : vector<16xi32> to vector<32xbf16>
        %unpack3A_429 = tpu.unpack_subelements %bitcast3A_428, 0 {pack_format = #tpu.pack_format<interleaved>} : vector<32xbf16> -> vector<16xf32>
        %unpack3A_430 = tpu.unpack_subelements %bitcast3A_428, 1 {pack_format = #tpu.pack_format<interleaved>} : vector<32xbf16> -> vector<16xf32>
        %add3A_431 = arith.addf %add3A_379, %unpack3A_429 : vector<16xf32>
        %add3A_432 = arith.addf %add3A_380, %unpack3A_430 : vector<16xf32>
        %add3A_433 = arith.constant 24 : i32
        %add3A_434 = vector.broadcast %add3A_433 : i32 to vector<16xi32>
        %add3A_435 = arith.addi %iota3A, %add3A_434 : vector<16xi32>
        %and3A_436 = arith.constant 31 : i32
        %and3A_437 = vector.broadcast %and3A_436 : i32 to vector<16xi32>
        %and3A_438 = arith.andi %add3A_435, %and3A_437 : vector<16xi32>
        %gather3A_439 = tpu.vector_load_idx %arg8[%add3A_109, %and3A_438] : memref<256x32xi32, #tpu.memory_space<vmem>>[vector<16xi32>, vector<16xi32>], vector<16xi32>,
        %gather3A_440 = tpu.vector_load_idx %arg6[%gather3A_439] : memref<4096xi32, #tpu.memory_space<vmem>>[vector<16xi32>], vector<16xi32>,
        %bitcast3A_441 = vector.bitcast %gather3A_440 : vector<16xi32> to vector<32xbf16>
        %unpack3A_442 = tpu.unpack_subelements %bitcast3A_441, 0 {pack_format = #tpu.pack_format<interleaved>} : vector<32xbf16> -> vector<16xf32>
        %unpack3A_443 = tpu.unpack_subelements %bitcast3A_441, 1 {pack_format = #tpu.pack_format<interleaved>} : vector<32xbf16> -> vector<16xf32>
        %add3A_444 = arith.addf %add3A_392, %unpack3A_442 : vector<16xf32>
        %add3A_445 = arith.addf %add3A_393, %unpack3A_443 : vector<16xf32>
        %add3A_446 = arith.constant 25 : i32
        %add3A_447 = vector.broadcast %add3A_446 : i32 to vector<16xi32>
        %add3A_448 = arith.addi %iota3A, %add3A_447 : vector<16xi32>
        %and3A_449 = arith.constant 31 : i32
        %and3A_450 = vector.broadcast %and3A_449 : i32 to vector<16xi32>
        %and3A_451 = arith.andi %add3A_448, %and3A_450 : vector<16xi32>
        %gather3A_452 = tpu.vector_load_idx %arg8[%add3A_109, %and3A_451] : memref<256x32xi32, #tpu.memory_space<vmem>>[vector<16xi32>, vector<16xi32>], vector<16xi32>,
        %gather3A_453 = tpu.vector_load_idx %arg6[%gather3A_452] : memref<4096xi32, #tpu.memory_space<vmem>>[vector<16xi32>], vector<16xi32>,
        %bitcast3A_454 = vector.bitcast %gather3A_453 : vector<16xi32> to vector<32xbf16>
        %unpack3A_455 = tpu.unpack_subelements %bitcast3A_454, 0 {pack_format = #tpu.pack_format<interleaved>} : vector<32xbf16> -> vector<16xf32>
        %unpack3A_456 = tpu.unpack_subelements %bitcast3A_454, 1 {pack_format = #tpu.pack_format<interleaved>} : vector<32xbf16> -> vector<16xf32>
        %add3A_457 = arith.addf %add3A_405, %unpack3A_455 : vector<16xf32>
        %add3A_458 = arith.addf %add3A_406, %unpack3A_456 : vector<16xf32>
        %add3A_459 = arith.constant 26 : i32
        %add3A_460 = vector.broadcast %add3A_459 : i32 to vector<16xi32>
        %add3A_461 = arith.addi %iota3A, %add3A_460 : vector<16xi32>
        %and3A_462 = arith.constant 31 : i32
        %and3A_463 = vector.broadcast %and3A_462 : i32 to vector<16xi32>
        %and3A_464 = arith.andi %add3A_461, %and3A_463 : vector<16xi32>
        %gather3A_465 = tpu.vector_load_idx %arg8[%add3A_109, %and3A_464] : memref<256x32xi32, #tpu.memory_space<vmem>>[vector<16xi32>, vector<16xi32>], vector<16xi32>,
        %gather3A_466 = tpu.vector_load_idx %arg6[%gather3A_465] : memref<4096xi32, #tpu.memory_space<vmem>>[vector<16xi32>], vector<16xi32>,
        %bitcast3A_467 = vector.bitcast %gather3A_466 : vector<16xi32> to vector<32xbf16>
        %unpack3A_468 = tpu.unpack_subelements %bitcast3A_467, 0 {pack_format = #tpu.pack_format<interleaved>} : vector<32xbf16> -> vector<16xf32>
        %unpack3A_469 = tpu.unpack_subelements %bitcast3A_467, 1 {pack_format = #tpu.pack_format<interleaved>} : vector<32xbf16> -> vector<16xf32>
        %add3A_470 = arith.addf %add3A_418, %unpack3A_468 : vector<16xf32>
        %add3A_471 = arith.addf %add3A_419, %unpack3A_469 : vector<16xf32>
        %add3A_472 = arith.constant 27 : i32
        %add3A_473 = vector.broadcast %add3A_472 : i32 to vector<16xi32>
        %add3A_474 = arith.addi %iota3A, %add3A_473 : vector<16xi32>
        %and3A_475 = arith.constant 31 : i32
        %and3A_476 = vector.broadcast %and3A_475 : i32 to vector<16xi32>
        %and3A_477 = arith.andi %add3A_474, %and3A_476 : vector<16xi32>
        %gather3A_478 = tpu.vector_load_idx %arg8[%add3A_109, %and3A_477] : memref<256x32xi32, #tpu.memory_space<vmem>>[vector<16xi32>, vector<16xi32>], vector<16xi32>,
        %gather3A_479 = tpu.vector_load_idx %arg6[%gather3A_478] : memref<4096xi32, #tpu.memory_space<vmem>>[vector<16xi32>], vector<16xi32>,
        %bitcast3A_480 = vector.bitcast %gather3A_479 : vector<16xi32> to vector<32xbf16>
        %unpack3A_481 = tpu.unpack_subelements %bitcast3A_480, 0 {pack_format = #tpu.pack_format<interleaved>} : vector<32xbf16> -> vector<16xf32>
        %unpack3A_482 = tpu.unpack_subelements %bitcast3A_480, 1 {pack_format = #tpu.pack_format<interleaved>} : vector<32xbf16> -> vector<16xf32>
        %add3A_483 = arith.addf %add3A_431, %unpack3A_481 : vector<16xf32>
        %add3A_484 = arith.addf %add3A_432, %unpack3A_482 : vector<16xf32>
        %add3A_485 = arith.constant 28 : i32
        %add3A_486 = vector.broadcast %add3A_485 : i32 to vector<16xi32>
        %add3A_487 = arith.addi %iota3A, %add3A_486 : vector<16xi32>
        %and3A_488 = arith.constant 31 : i32
        %and3A_489 = vector.broadcast %and3A_488 : i32 to vector<16xi32>
        %and3A_490 = arith.andi %add3A_487, %and3A_489 : vector<16xi32>
        %gather3A_491 = tpu.vector_load_idx %arg8[%add3A_109, %and3A_490] : memref<256x32xi32, #tpu.memory_space<vmem>>[vector<16xi32>, vector<16xi32>], vector<16xi32>,
        %gather3A_492 = tpu.vector_load_idx %arg6[%gather3A_491] : memref<4096xi32, #tpu.memory_space<vmem>>[vector<16xi32>], vector<16xi32>,
        %bitcast3A_493 = vector.bitcast %gather3A_492 : vector<16xi32> to vector<32xbf16>
        %unpack3A_494 = tpu.unpack_subelements %bitcast3A_493, 0 {pack_format = #tpu.pack_format<interleaved>} : vector<32xbf16> -> vector<16xf32>
        %unpack3A_495 = tpu.unpack_subelements %bitcast3A_493, 1 {pack_format = #tpu.pack_format<interleaved>} : vector<32xbf16> -> vector<16xf32>
        %add3A_496 = arith.addf %add3A_444, %unpack3A_494 : vector<16xf32>
        %add3A_497 = arith.addf %add3A_445, %unpack3A_495 : vector<16xf32>
        %add3A_498 = arith.constant 29 : i32
        %add3A_499 = vector.broadcast %add3A_498 : i32 to vector<16xi32>
        %add3A_500 = arith.addi %iota3A, %add3A_499 : vector<16xi32>
        %and3A_501 = arith.constant 31 : i32
        %and3A_502 = vector.broadcast %and3A_501 : i32 to vector<16xi32>
        %and3A_503 = arith.andi %add3A_500, %and3A_502 : vector<16xi32>
        %gather3A_504 = tpu.vector_load_idx %arg8[%add3A_109, %and3A_503] : memref<256x32xi32, #tpu.memory_space<vmem>>[vector<16xi32>, vector<16xi32>], vector<16xi32>,
        %gather3A_505 = tpu.vector_load_idx %arg6[%gather3A_504] : memref<4096xi32, #tpu.memory_space<vmem>>[vector<16xi32>], vector<16xi32>,
        %bitcast3A_506 = vector.bitcast %gather3A_505 : vector<16xi32> to vector<32xbf16>
        %unpack3A_507 = tpu.unpack_subelements %bitcast3A_506, 0 {pack_format = #tpu.pack_format<interleaved>} : vector<32xbf16> -> vector<16xf32>
        %unpack3A_508 = tpu.unpack_subelements %bitcast3A_506, 1 {pack_format = #tpu.pack_format<interleaved>} : vector<32xbf16> -> vector<16xf32>
        %add3A_509 = arith.addf %add3A_457, %unpack3A_507 : vector<16xf32>
        %add3A_510 = arith.addf %add3A_458, %unpack3A_508 : vector<16xf32>
        %add3A_511 = arith.constant 30 : i32
        %add3A_512 = vector.broadcast %add3A_511 : i32 to vector<16xi32>
        %add3A_513 = arith.addi %iota3A, %add3A_512 : vector<16xi32>
        %and3A_514 = arith.constant 31 : i32
        %and3A_515 = vector.broadcast %and3A_514 : i32 to vector<16xi32>
        %and3A_516 = arith.andi %add3A_513, %and3A_515 : vector<16xi32>
        %gather3A_517 = tpu.vector_load_idx %arg8[%add3A_109, %and3A_516] : memref<256x32xi32, #tpu.memory_space<vmem>>[vector<16xi32>, vector<16xi32>], vector<16xi32>,
        %gather3A_518 = tpu.vector_load_idx %arg6[%gather3A_517] : memref<4096xi32, #tpu.memory_space<vmem>>[vector<16xi32>], vector<16xi32>,
        %bitcast3A_519 = vector.bitcast %gather3A_518 : vector<16xi32> to vector<32xbf16>
        %unpack3A_520 = tpu.unpack_subelements %bitcast3A_519, 0 {pack_format = #tpu.pack_format<interleaved>} : vector<32xbf16> -> vector<16xf32>
        %unpack3A_521 = tpu.unpack_subelements %bitcast3A_519, 1 {pack_format = #tpu.pack_format<interleaved>} : vector<32xbf16> -> vector<16xf32>
        %add3A_522 = arith.addf %add3A_470, %unpack3A_520 : vector<16xf32>
        %add3A_523 = arith.addf %add3A_471, %unpack3A_521 : vector<16xf32>
        %add3A_524 = arith.constant 31 : i32
        %add3A_525 = vector.broadcast %add3A_524 : i32 to vector<16xi32>
        %add3A_526 = arith.addi %iota3A, %add3A_525 : vector<16xi32>
        %and3A_527 = arith.constant 31 : i32
        %and3A_528 = vector.broadcast %and3A_527 : i32 to vector<16xi32>
        %and3A_529 = arith.andi %add3A_526, %and3A_528 : vector<16xi32>
        %gather3A_530 = tpu.vector_load_idx %arg8[%add3A_109, %and3A_529] : memref<256x32xi32, #tpu.memory_space<vmem>>[vector<16xi32>, vector<16xi32>], vector<16xi32>,
        %gather3A_531 = tpu.vector_load_idx %arg6[%gather3A_530] : memref<4096xi32, #tpu.memory_space<vmem>>[vector<16xi32>], vector<16xi32>,
        %bitcast3A_532 = vector.bitcast %gather3A_531 : vector<16xi32> to vector<32xbf16>
        %unpack3A_533 = tpu.unpack_subelements %bitcast3A_532, 0 {pack_format = #tpu.pack_format<interleaved>} : vector<32xbf16> -> vector<16xf32>
        %unpack3A_534 = tpu.unpack_subelements %bitcast3A_532, 1 {pack_format = #tpu.pack_format<interleaved>} : vector<32xbf16> -> vector<16xf32>
        %add3A_535 = arith.addf %add3A_483, %unpack3A_533 : vector<16xf32>
        %add3A_536 = arith.addf %add3A_484, %unpack3A_534 : vector<16xf32>
        %add3A_537 = arith.addf %add3A_496, %add3A_509 : vector<16xf32>
        %add3A_538 = arith.addf %add3A_522, %add3A_535 : vector<16xf32>
        %add3A_539 = arith.addf %add3A_537, %add3A_538 : vector<16xf32>
        %add3A_540 = arith.addf %add3A_497, %add3A_510 : vector<16xf32>
        %add3A_541 = arith.addf %add3A_523, %add3A_536 : vector<16xf32>
        %add3A_542 = arith.addf %add3A_540, %add3A_541 : vector<16xf32>
        %mul3A_543 = arith.constant 256 : i32
        %mul3A_544 = arith.muli %add3A_80, %mul3A_543 : i32
        %mul3A_545 = arith.constant 16 : i32
        %mul3A_546 = arith.muli %scan3A_104, %mul3A_545 : i32
        %add3A_547 = arith.addi %mul3A_544, %mul3A_546 : i32
        %swap3A = arith.index_cast %add3A_547 : i32 to index
        %swap3A_548 = tpu.vector_load %arg9[%swap3A] {strides = array<i32>} : memref<4096xf32, #tpu.memory_space<vmem>>, vector<16xf32>,
        tpu.vector_store %arg9[%swap3A], %add3A_539 {strides = array<i32>} : memref<4096xf32, #tpu.memory_space<vmem>>, vector<16xf32>,
        %swap3A_549 = arith.index_cast %add3A_547 : i32 to index
        %swap3A_550 = tpu.vector_load %arg10[%swap3A_549] {strides = array<i32>} : memref<4096xf32, #tpu.memory_space<vmem>>, vector<16xf32>,
        tpu.vector_store %arg10[%swap3A_549], %add3A_542 {strides = array<i32>} : memref<4096xf32, #tpu.memory_space<vmem>>, vector<16xf32>,
        %scan3A_551 = arith.constant 0 : i32
        scf.yield %scan3A_551 : i32
      }
      %scan3A_102 = arith.constant 16 : i32
      %scan3A_103 = arith.constant 0 : i32
      scf.yield %scan3A_103 : i32
    }
    %scan3A_25 = arith.constant 8 : i32
    "tpu.region"() ({
      %run_scoped3A = tpu.sem_alloc : memref<!tpu.dma_semaphore, #tpu.memory_space<semaphore_mem>>
      %dma_start3A_53 = arith.constant 0 : i32
      %dma_start3A_54 = tpu.memref_slice %arg4[%add3A_4, %dma_start3A_53] : memref<64x4096xf32, #tpu.memory_space<hbm>> -> memref<1x4096xf32, #tpu.memory_space<hbm>>
      %dma_start3A_55 = tpu.memref_squeeze %dma_start3A_54 : memref<1x4096xf32, #tpu.memory_space<hbm>> -> memref<4096xf32, #tpu.memory_space<hbm>>
      %dma_start3A_56 = arith.constant 0 : i32
      %dma_start3A_57 = tpu.memref_slice %arg4[%add3A_4, %dma_start3A_56] : memref<64x4096xf32, #tpu.memory_space<hbm>> -> memref<1x4096xf32, #tpu.memory_space<hbm>>
      %dma_start3A_58 = tpu.memref_squeeze %dma_start3A_57 : memref<1x4096xf32, #tpu.memory_space<hbm>> -> memref<4096xf32, #tpu.memory_space<hbm>>
      tpu.enqueue_dma source(%arg9 : memref<4096xf32, #tpu.memory_space<vmem>>) target(%dma_start3A_58 : memref<4096xf32, #tpu.memory_space<hbm>>) target_semaphore(%run_scoped3A : memref<!tpu.dma_semaphore, #tpu.memory_space<semaphore_mem>>)
      %dma_wait3A = arith.constant 0 : i32
      %dma_wait3A_59 = tpu.memref_slice %arg4[%add3A_4, %dma_wait3A] : memref<64x4096xf32, #tpu.memory_space<hbm>> -> memref<1x4096xf32, #tpu.memory_space<hbm>>
      %dma_wait3A_60 = tpu.memref_squeeze %dma_wait3A_59 : memref<1x4096xf32, #tpu.memory_space<hbm>> -> memref<4096xf32, #tpu.memory_space<hbm>>
      %dma_wait3A_61 = arith.constant 0 : i32
      %dma_wait3A_62 = tpu.memref_slice %arg4[%add3A_4, %dma_wait3A_61] : memref<64x4096xf32, #tpu.memory_space<hbm>> -> memref<1x4096xf32, #tpu.memory_space<hbm>>
      %dma_wait3A_63 = tpu.memref_squeeze %dma_wait3A_62 : memref<1x4096xf32, #tpu.memory_space<hbm>> -> memref<4096xf32, #tpu.memory_space<hbm>>
      tpu.wait_dma2 semaphore(%run_scoped3A : memref<!tpu.dma_semaphore, #tpu.memory_space<semaphore_mem>>) src(%arg9 : memref<4096xf32, #tpu.memory_space<vmem>>) dst(%dma_wait3A_63 : memref<4096xf32, #tpu.memory_space<hbm>>)
      tpu.yield
    }) : () -> ()
    "tpu.region"() ({
      %run_scoped3A = tpu.sem_alloc : memref<!tpu.dma_semaphore, #tpu.memory_space<semaphore_mem>>
      %dma_start3A_53 = arith.constant 0 : i32
      %dma_start3A_54 = tpu.memref_slice %arg5[%add3A_4, %dma_start3A_53] : memref<64x4096xf32, #tpu.memory_space<hbm>> -> memref<1x4096xf32, #tpu.memory_space<hbm>>
      %dma_start3A_55 = tpu.memref_squeeze %dma_start3A_54 : memref<1x4096xf32, #tpu.memory_space<hbm>> -> memref<4096xf32, #tpu.memory_space<hbm>>
      %dma_start3A_56 = arith.constant 0 : i32
      %dma_start3A_57 = tpu.memref_slice %arg5[%add3A_4, %dma_start3A_56] : memref<64x4096xf32, #tpu.memory_space<hbm>> -> memref<1x4096xf32, #tpu.memory_space<hbm>>
      %dma_start3A_58 = tpu.memref_squeeze %dma_start3A_57 : memref<1x4096xf32, #tpu.memory_space<hbm>> -> memref<4096xf32, #tpu.memory_space<hbm>>
      tpu.enqueue_dma source(%arg10 : memref<4096xf32, #tpu.memory_space<vmem>>) target(%dma_start3A_58 : memref<4096xf32, #tpu.memory_space<hbm>>) target_semaphore(%run_scoped3A : memref<!tpu.dma_semaphore, #tpu.memory_space<semaphore_mem>>)
      %dma_wait3A = arith.constant 0 : i32
      %dma_wait3A_59 = tpu.memref_slice %arg5[%add3A_4, %dma_wait3A] : memref<64x4096xf32, #tpu.memory_space<hbm>> -> memref<1x4096xf32, #tpu.memory_space<hbm>>
      %dma_wait3A_60 = tpu.memref_squeeze %dma_wait3A_59 : memref<1x4096xf32, #tpu.memory_space<hbm>> -> memref<4096xf32, #tpu.memory_space<hbm>>
      %dma_wait3A_61 = arith.constant 0 : i32
      %dma_wait3A_62 = tpu.memref_slice %arg5[%add3A_4, %dma_wait3A_61] : memref<64x4096xf32, #tpu.memory_space<hbm>> -> memref<1x4096xf32, #tpu.memory_space<hbm>>
      %dma_wait3A_63 = tpu.memref_squeeze %dma_wait3A_62 : memref<1x4096xf32, #tpu.memory_space<hbm>> -> memref<4096xf32, #tpu.memory_space<hbm>>
      tpu.wait_dma2 semaphore(%run_scoped3A : memref<!tpu.dma_semaphore, #tpu.memory_space<semaphore_mem>>) src(%arg10 : memref<4096xf32, #tpu.memory_space<vmem>>) dst(%dma_wait3A_63 : memref<4096xf32, #tpu.memory_space<hbm>>)
      tpu.yield
    }) : () -> ()
    %mul3A_26 = arith.constant 2 : i32
    %mul3A_27 = arith.muli %add3A, %mul3A_26 : i32
    %add3A_28 = arith.constant 1 : i32
    %add3A_29 = arith.addi %mul3A_27, %add3A_28 : i32
    "tpu.region"() ({
      %run_scoped3A = tpu.sem_alloc : memref<!tpu.dma_semaphore, #tpu.memory_space<semaphore_mem>>
      %dma_start3A_53 = arith.constant 0 : i32
      %dma_start3A_54 = tpu.memref_slice %arg2[%add3A_29, %dma_start3A_53] : memref<64x4096xi32, #tpu.memory_space<hbm>> -> memref<1x4096xi32, #tpu.memory_space<hbm>>
      %dma_start3A_55 = tpu.memref_squeeze %dma_start3A_54 : memref<1x4096xi32, #tpu.memory_space<hbm>> -> memref<4096xi32, #tpu.memory_space<hbm>>
      %dma_start3A_56 = arith.constant 0 : i32
      %dma_start3A_57 = tpu.memref_slice %arg2[%add3A_29, %dma_start3A_56] : memref<64x4096xi32, #tpu.memory_space<hbm>> -> memref<1x4096xi32, #tpu.memory_space<hbm>>
      %dma_start3A_58 = tpu.memref_squeeze %dma_start3A_57 : memref<1x4096xi32, #tpu.memory_space<hbm>> -> memref<4096xi32, #tpu.memory_space<hbm>>
      tpu.enqueue_dma source(%dma_start3A_58 : memref<4096xi32, #tpu.memory_space<hbm>>) target(%arg6 : memref<4096xi32, #tpu.memory_space<vmem>>) target_semaphore(%run_scoped3A : memref<!tpu.dma_semaphore, #tpu.memory_space<semaphore_mem>>)
      %dma_wait3A = arith.constant 0 : i32
      %dma_wait3A_59 = tpu.memref_slice %arg2[%add3A_29, %dma_wait3A] : memref<64x4096xi32, #tpu.memory_space<hbm>> -> memref<1x4096xi32, #tpu.memory_space<hbm>>
      %dma_wait3A_60 = tpu.memref_squeeze %dma_wait3A_59 : memref<1x4096xi32, #tpu.memory_space<hbm>> -> memref<4096xi32, #tpu.memory_space<hbm>>
      %dma_wait3A_61 = arith.constant 0 : i32
      %dma_wait3A_62 = tpu.memref_slice %arg2[%add3A_29, %dma_wait3A_61] : memref<64x4096xi32, #tpu.memory_space<hbm>> -> memref<1x4096xi32, #tpu.memory_space<hbm>>
      %dma_wait3A_63 = tpu.memref_squeeze %dma_wait3A_62 : memref<1x4096xi32, #tpu.memory_space<hbm>> -> memref<4096xi32, #tpu.memory_space<hbm>>
      tpu.wait_dma2 semaphore(%run_scoped3A : memref<!tpu.dma_semaphore, #tpu.memory_space<semaphore_mem>>) src(%dma_wait3A_63 : memref<4096xi32, #tpu.memory_space<hbm>>) dst(%arg6 : memref<4096xi32, #tpu.memory_space<vmem>>)
      tpu.yield
    }) : () -> ()
    %mul3A_30 = arith.constant 4096 : i32
    %mul3A_31 = arith.muli %add3A_29, %mul3A_30 : i32
    %add3A_32 = arith.constant 0 : i32
    %add3A_33 = arith.addi %mul3A_31, %add3A_32 : i32
    %dma_start3A_34 = arith.constant 0 : i32
    %dma_start3A_35 = tpu.memref_slice %arg3[%add3A_33, %dma_start3A_34] : memref<262144x32xi32, #tpu.memory_space<hbm>> -> memref<256x32xi32, #tpu.memory_space<hbm>>
    %dma_start3A_36 = arith.constant 0 : i32
    %dma_start3A_37 = tpu.memref_slice %arg3[%add3A_33, %dma_start3A_36] : memref<262144x32xi32, #tpu.memory_space<hbm>> -> memref<256x32xi32, #tpu.memory_space<hbm>>
    tpu.enqueue_dma source(%dma_start3A_37 : memref<256x32xi32, #tpu.memory_space<hbm>>) target(%arg7 : memref<256x32xi32, #tpu.memory_space<vmem>>) target_semaphore(%arg11 : memref<!tpu.dma_semaphore, #tpu.memory_space<semaphore_mem>>)
    %mul3A_38 = arith.constant 4096 : i32
    %mul3A_39 = arith.muli %add3A_29, %mul3A_38 : i32
    %add3A_40 = arith.constant 256 : i32
    %add3A_41 = arith.addi %mul3A_39, %add3A_40 : i32
    %dma_start3A_42 = arith.constant 0 : i32
    %dma_start3A_43 = tpu.memref_slice %arg3[%add3A_41, %dma_start3A_42] : memref<262144x32xi32, #tpu.memory_space<hbm>> -> memref<256x32xi32, #tpu.memory_space<hbm>>
    %dma_start3A_44 = arith.constant 0 : i32
    %dma_start3A_45 = tpu.memref_slice %arg3[%add3A_41, %dma_start3A_44] : memref<262144x32xi32, #tpu.memory_space<hbm>> -> memref<256x32xi32, #tpu.memory_space<hbm>>
    tpu.enqueue_dma source(%dma_start3A_45 : memref<256x32xi32, #tpu.memory_space<hbm>>) target(%arg8 : memref<256x32xi32, #tpu.memory_space<vmem>>) target_semaphore(%arg12 : memref<!tpu.dma_semaphore, #tpu.memory_space<semaphore_mem>>)
    %scan3A_46 = arith.constant 0 : i32
    %scan3A_47 = arith.constant 0 : i32
    %scan3A_48 = arith.constant 8 : i32
    %scan3A_49 = arith.addi %scan3A_47, %scan3A_48 : i32
    %scan3A_50 = arith.constant 1 : i32
    %scan3A_51 = scf.for %scan3A_53 = %scan3A_47 to %scan3A_49 step %scan3A_50 iter_args(%scan3A_54 = %scan3A_46) -> (i32)  : i32 {
      %mul3A_55 = arith.constant 2 : i32
      %mul3A_56 = arith.muli %scan3A_53, %mul3A_55 : i32
      %add3A_57 = arith.constant 0 : i32
      %add3A_58 = arith.addi %mul3A_56, %add3A_57 : i32
      %mul3A_59 = arith.constant 4096 : i32
      %mul3A_60 = arith.muli %add3A_29, %mul3A_59 : i32
      %add3A_61 = arith.constant 0 : i32
      %add3A_62 = arith.addi %mul3A_60, %add3A_61 : i32
      %dma_wait3A = arith.constant 0 : i32
      %dma_wait3A_63 = tpu.memref_slice %arg3[%add3A_62, %dma_wait3A] : memref<262144x32xi32, #tpu.memory_space<hbm>> -> memref<256x32xi32, #tpu.memory_space<hbm>>
      %dma_wait3A_64 = arith.constant 0 : i32
      %dma_wait3A_65 = tpu.memref_slice %arg3[%add3A_62, %dma_wait3A_64] : memref<262144x32xi32, #tpu.memory_space<hbm>> -> memref<256x32xi32, #tpu.memory_space<hbm>>
      tpu.wait_dma2 semaphore(%arg11 : memref<!tpu.dma_semaphore, #tpu.memory_space<semaphore_mem>>) src(%dma_wait3A_65 : memref<256x32xi32, #tpu.memory_space<hbm>>) dst(%arg7 : memref<256x32xi32, #tpu.memory_space<vmem>>)
      %add3A_66 = arith.constant 2 : i32
      %add3A_67 = arith.addi %add3A_58, %add3A_66 : i32
      %lt3A = arith.constant 16 : i32
      %lt3A_68 = arith.cmpi slt, %add3A_67, %lt3A : i32
      %convert_element_type3A = arith.extui %lt3A_68 : i1 to i32
      %cond3A = arith.constant 0 : i32
      %cond3A_69 = arith.cmpi ne, %convert_element_type3A, %cond3A : i32
      scf.if %cond3A_69 {
        %add3A_104 = arith.constant 2 : i32
        %add3A_105 = arith.addi %add3A_58, %add3A_104 : i32
        %mul3A_106 = arith.constant 4096 : i32
        %mul3A_107 = arith.muli %add3A_29, %mul3A_106 : i32
        %mul3A_108 = arith.constant 256 : i32
        %mul3A_109 = arith.muli %add3A_105, %mul3A_108 : i32
        %add3A_110 = arith.addi %mul3A_107, %mul3A_109 : i32
        %dma_start3A_111 = arith.constant 0 : i32
        %dma_start3A_112 = tpu.memref_slice %arg3[%add3A_110, %dma_start3A_111] : memref<262144x32xi32, #tpu.memory_space<hbm>> -> memref<256x32xi32, #tpu.memory_space<hbm>>
        %dma_start3A_113 = arith.constant 0 : i32
        %dma_start3A_114 = tpu.memref_slice %arg3[%add3A_110, %dma_start3A_113] : memref<262144x32xi32, #tpu.memory_space<hbm>> -> memref<256x32xi32, #tpu.memory_space<hbm>>
        tpu.enqueue_dma source(%dma_start3A_114 : memref<256x32xi32, #tpu.memory_space<hbm>>) target(%arg7 : memref<256x32xi32, #tpu.memory_space<vmem>>) target_semaphore(%arg11 : memref<!tpu.dma_semaphore, #tpu.memory_space<semaphore_mem>>)
      } else {
      }
      %scan3A_70 = arith.constant 0 : i32
      %scan3A_71 = arith.constant 0 : i32
      %scan3A_72 = arith.constant 16 : i32
      %scan3A_73 = arith.addi %scan3A_71, %scan3A_72 : i32
      %scan3A_74 = arith.constant 1 : i32
      %scan3A_75 = scf.for %scan3A_104 = %scan3A_71 to %scan3A_73 step %scan3A_74 iter_args(%scan3A_105 = %scan3A_70) -> (i32)  : i32 {
        %mul3A_106 = arith.constant 16 : i32
        %mul3A_107 = arith.muli %scan3A_104, %mul3A_106 : i32
        %add3A_108 = vector.broadcast %mul3A_107 : i32 to vector<16xi32>
        %add3A_109 = arith.addi %add3A_108, %iota3A : vector<16xi32>
        %broadcast_in_dim3A = arith.constant 0.000000e+00 : f32
        %broadcast_in_dim3A_110 = vector.broadcast %broadcast_in_dim3A : f32 to vector<16xf32>
        %broadcast_in_dim3A_111 = arith.constant 0.000000e+00 : f32
        %broadcast_in_dim3A_112 = vector.broadcast %broadcast_in_dim3A_111 : f32 to vector<16xf32>
        %broadcast_in_dim3A_113 = arith.constant 0.000000e+00 : f32
        %broadcast_in_dim3A_114 = vector.broadcast %broadcast_in_dim3A_113 : f32 to vector<16xf32>
        %broadcast_in_dim3A_115 = arith.constant 0.000000e+00 : f32
        %broadcast_in_dim3A_116 = vector.broadcast %broadcast_in_dim3A_115 : f32 to vector<16xf32>
        %broadcast_in_dim3A_117 = arith.constant 0.000000e+00 : f32
        %broadcast_in_dim3A_118 = vector.broadcast %broadcast_in_dim3A_117 : f32 to vector<16xf32>
        %broadcast_in_dim3A_119 = arith.constant 0.000000e+00 : f32
        %broadcast_in_dim3A_120 = vector.broadcast %broadcast_in_dim3A_119 : f32 to vector<16xf32>
        %broadcast_in_dim3A_121 = arith.constant 0.000000e+00 : f32
        %broadcast_in_dim3A_122 = vector.broadcast %broadcast_in_dim3A_121 : f32 to vector<16xf32>
        %broadcast_in_dim3A_123 = arith.constant 0.000000e+00 : f32
        %broadcast_in_dim3A_124 = vector.broadcast %broadcast_in_dim3A_123 : f32 to vector<16xf32>
        %add3A_125 = arith.constant 0 : i32
        %add3A_126 = vector.broadcast %add3A_125 : i32 to vector<16xi32>
        %add3A_127 = arith.addi %iota3A, %add3A_126 : vector<16xi32>
        %and3A = arith.constant 31 : i32
        %and3A_128 = vector.broadcast %and3A : i32 to vector<16xi32>
        %and3A_129 = arith.andi %add3A_127, %and3A_128 : vector<16xi32>
        %gather3A = tpu.vector_load_idx %arg7[%add3A_109, %and3A_129] : memref<256x32xi32, #tpu.memory_space<vmem>>[vector<16xi32>, vector<16xi32>], vector<16xi32>,
        %gather3A_130 = tpu.vector_load_idx %arg6[%gather3A] : memref<4096xi32, #tpu.memory_space<vmem>>[vector<16xi32>], vector<16xi32>,
        %bitcast3A = vector.bitcast %gather3A_130 : vector<16xi32> to vector<32xbf16>
        %unpack3A = tpu.unpack_subelements %bitcast3A, 0 {pack_format = #tpu.pack_format<interleaved>} : vector<32xbf16> -> vector<16xf32>
        %unpack3A_131 = tpu.unpack_subelements %bitcast3A, 1 {pack_format = #tpu.pack_format<interleaved>} : vector<32xbf16> -> vector<16xf32>
        %add3A_132 = arith.addf %broadcast_in_dim3A_110, %unpack3A : vector<16xf32>
        %add3A_133 = arith.addf %broadcast_in_dim3A_118, %unpack3A_131 : vector<16xf32>
        %add3A_134 = arith.constant 1 : i32
        %add3A_135 = vector.broadcast %add3A_134 : i32 to vector<16xi32>
        %add3A_136 = arith.addi %iota3A, %add3A_135 : vector<16xi32>
        %and3A_137 = arith.constant 31 : i32
        %and3A_138 = vector.broadcast %and3A_137 : i32 to vector<16xi32>
        %and3A_139 = arith.andi %add3A_136, %and3A_138 : vector<16xi32>
        %gather3A_140 = tpu.vector_load_idx %arg7[%add3A_109, %and3A_139] : memref<256x32xi32, #tpu.memory_space<vmem>>[vector<16xi32>, vector<16xi32>], vector<16xi32>,
        %gather3A_141 = tpu.vector_load_idx %arg6[%gather3A_140] : memref<4096xi32, #tpu.memory_space<vmem>>[vector<16xi32>], vector<16xi32>,
        %bitcast3A_142 = vector.bitcast %gather3A_141 : vector<16xi32> to vector<32xbf16>
        %unpack3A_143 = tpu.unpack_subelements %bitcast3A_142, 0 {pack_format = #tpu.pack_format<interleaved>} : vector<32xbf16> -> vector<16xf32>
        %unpack3A_144 = tpu.unpack_subelements %bitcast3A_142, 1 {pack_format = #tpu.pack_format<interleaved>} : vector<32xbf16> -> vector<16xf32>
        %add3A_145 = arith.addf %broadcast_in_dim3A_112, %unpack3A_143 : vector<16xf32>
        %add3A_146 = arith.addf %broadcast_in_dim3A_120, %unpack3A_144 : vector<16xf32>
        %add3A_147 = arith.constant 2 : i32
        %add3A_148 = vector.broadcast %add3A_147 : i32 to vector<16xi32>
        %add3A_149 = arith.addi %iota3A, %add3A_148 : vector<16xi32>
        %and3A_150 = arith.constant 31 : i32
        %and3A_151 = vector.broadcast %and3A_150 : i32 to vector<16xi32>
        %and3A_152 = arith.andi %add3A_149, %and3A_151 : vector<16xi32>
        %gather3A_153 = tpu.vector_load_idx %arg7[%add3A_109, %and3A_152] : memref<256x32xi32, #tpu.memory_space<vmem>>[vector<16xi32>, vector<16xi32>], vector<16xi32>,
        %gather3A_154 = tpu.vector_load_idx %arg6[%gather3A_153] : memref<4096xi32, #tpu.memory_space<vmem>>[vector<16xi32>], vector<16xi32>,
        %bitcast3A_155 = vector.bitcast %gather3A_154 : vector<16xi32> to vector<32xbf16>
        %unpack3A_156 = tpu.unpack_subelements %bitcast3A_155, 0 {pack_format = #tpu.pack_format<interleaved>} : vector<32xbf16> -> vector<16xf32>
        %unpack3A_157 = tpu.unpack_subelements %bitcast3A_155, 1 {pack_format = #tpu.pack_format<interleaved>} : vector<32xbf16> -> vector<16xf32>
        %add3A_158 = arith.addf %broadcast_in_dim3A_114, %unpack3A_156 : vector<16xf32>
        %add3A_159 = arith.addf %broadcast_in_dim3A_122, %unpack3A_157 : vector<16xf32>
        %add3A_160 = arith.constant 3 : i32
        %add3A_161 = vector.broadcast %add3A_160 : i32 to vector<16xi32>
        %add3A_162 = arith.addi %iota3A, %add3A_161 : vector<16xi32>
        %and3A_163 = arith.constant 31 : i32
        %and3A_164 = vector.broadcast %and3A_163 : i32 to vector<16xi32>
        %and3A_165 = arith.andi %add3A_162, %and3A_164 : vector<16xi32>
        %gather3A_166 = tpu.vector_load_idx %arg7[%add3A_109, %and3A_165] : memref<256x32xi32, #tpu.memory_space<vmem>>[vector<16xi32>, vector<16xi32>], vector<16xi32>,
        %gather3A_167 = tpu.vector_load_idx %arg6[%gather3A_166] : memref<4096xi32, #tpu.memory_space<vmem>>[vector<16xi32>], vector<16xi32>,
        %bitcast3A_168 = vector.bitcast %gather3A_167 : vector<16xi32> to vector<32xbf16>
        %unpack3A_169 = tpu.unpack_subelements %bitcast3A_168, 0 {pack_format = #tpu.pack_format<interleaved>} : vector<32xbf16> -> vector<16xf32>
        %unpack3A_170 = tpu.unpack_subelements %bitcast3A_168, 1 {pack_format = #tpu.pack_format<interleaved>} : vector<32xbf16> -> vector<16xf32>
        %add3A_171 = arith.addf %broadcast_in_dim3A_116, %unpack3A_169 : vector<16xf32>
        %add3A_172 = arith.addf %broadcast_in_dim3A_124, %unpack3A_170 : vector<16xf32>
        %add3A_173 = arith.constant 4 : i32
        %add3A_174 = vector.broadcast %add3A_173 : i32 to vector<16xi32>
        %add3A_175 = arith.addi %iota3A, %add3A_174 : vector<16xi32>
        %and3A_176 = arith.constant 31 : i32
        %and3A_177 = vector.broadcast %and3A_176 : i32 to vector<16xi32>
        %and3A_178 = arith.andi %add3A_175, %and3A_177 : vector<16xi32>
        %gather3A_179 = tpu.vector_load_idx %arg7[%add3A_109, %and3A_178] : memref<256x32xi32, #tpu.memory_space<vmem>>[vector<16xi32>, vector<16xi32>], vector<16xi32>,
        %gather3A_180 = tpu.vector_load_idx %arg6[%gather3A_179] : memref<4096xi32, #tpu.memory_space<vmem>>[vector<16xi32>], vector<16xi32>,
        %bitcast3A_181 = vector.bitcast %gather3A_180 : vector<16xi32> to vector<32xbf16>
        %unpack3A_182 = tpu.unpack_subelements %bitcast3A_181, 0 {pack_format = #tpu.pack_format<interleaved>} : vector<32xbf16> -> vector<16xf32>
        %unpack3A_183 = tpu.unpack_subelements %bitcast3A_181, 1 {pack_format = #tpu.pack_format<interleaved>} : vector<32xbf16> -> vector<16xf32>
        %add3A_184 = arith.addf %add3A_132, %unpack3A_182 : vector<16xf32>
        %add3A_185 = arith.addf %add3A_133, %unpack3A_183 : vector<16xf32>
        %add3A_186 = arith.constant 5 : i32
        %add3A_187 = vector.broadcast %add3A_186 : i32 to vector<16xi32>
        %add3A_188 = arith.addi %iota3A, %add3A_187 : vector<16xi32>
        %and3A_189 = arith.constant 31 : i32
        %and3A_190 = vector.broadcast %and3A_189 : i32 to vector<16xi32>
        %and3A_191 = arith.andi %add3A_188, %and3A_190 : vector<16xi32>
        %gather3A_192 = tpu.vector_load_idx %arg7[%add3A_109, %and3A_191] : memref<256x32xi32, #tpu.memory_space<vmem>>[vector<16xi32>, vector<16xi32>], vector<16xi32>,
        %gather3A_193 = tpu.vector_load_idx %arg6[%gather3A_192] : memref<4096xi32, #tpu.memory_space<vmem>>[vector<16xi32>], vector<16xi32>,
        %bitcast3A_194 = vector.bitcast %gather3A_193 : vector<16xi32> to vector<32xbf16>
        %unpack3A_195 = tpu.unpack_subelements %bitcast3A_194, 0 {pack_format = #tpu.pack_format<interleaved>} : vector<32xbf16> -> vector<16xf32>
        %unpack3A_196 = tpu.unpack_subelements %bitcast3A_194, 1 {pack_format = #tpu.pack_format<interleaved>} : vector<32xbf16> -> vector<16xf32>
        %add3A_197 = arith.addf %add3A_145, %unpack3A_195 : vector<16xf32>
        %add3A_198 = arith.addf %add3A_146, %unpack3A_196 : vector<16xf32>
        %add3A_199 = arith.constant 6 : i32
        %add3A_200 = vector.broadcast %add3A_199 : i32 to vector<16xi32>
        %add3A_201 = arith.addi %iota3A, %add3A_200 : vector<16xi32>
        %and3A_202 = arith.constant 31 : i32
        %and3A_203 = vector.broadcast %and3A_202 : i32 to vector<16xi32>
        %and3A_204 = arith.andi %add3A_201, %and3A_203 : vector<16xi32>
        %gather3A_205 = tpu.vector_load_idx %arg7[%add3A_109, %and3A_204] : memref<256x32xi32, #tpu.memory_space<vmem>>[vector<16xi32>, vector<16xi32>], vector<16xi32>,
        %gather3A_206 = tpu.vector_load_idx %arg6[%gather3A_205] : memref<4096xi32, #tpu.memory_space<vmem>>[vector<16xi32>], vector<16xi32>,
        %bitcast3A_207 = vector.bitcast %gather3A_206 : vector<16xi32> to vector<32xbf16>
        %unpack3A_208 = tpu.unpack_subelements %bitcast3A_207, 0 {pack_format = #tpu.pack_format<interleaved>} : vector<32xbf16> -> vector<16xf32>
        %unpack3A_209 = tpu.unpack_subelements %bitcast3A_207, 1 {pack_format = #tpu.pack_format<interleaved>} : vector<32xbf16> -> vector<16xf32>
        %add3A_210 = arith.addf %add3A_158, %unpack3A_208 : vector<16xf32>
        %add3A_211 = arith.addf %add3A_159, %unpack3A_209 : vector<16xf32>
        %add3A_212 = arith.constant 7 : i32
        %add3A_213 = vector.broadcast %add3A_212 : i32 to vector<16xi32>
        %add3A_214 = arith.addi %iota3A, %add3A_213 : vector<16xi32>
        %and3A_215 = arith.constant 31 : i32
        %and3A_216 = vector.broadcast %and3A_215 : i32 to vector<16xi32>
        %and3A_217 = arith.andi %add3A_214, %and3A_216 : vector<16xi32>
        %gather3A_218 = tpu.vector_load_idx %arg7[%add3A_109, %and3A_217] : memref<256x32xi32, #tpu.memory_space<vmem>>[vector<16xi32>, vector<16xi32>], vector<16xi32>,
        %gather3A_219 = tpu.vector_load_idx %arg6[%gather3A_218] : memref<4096xi32, #tpu.memory_space<vmem>>[vector<16xi32>], vector<16xi32>,
        %bitcast3A_220 = vector.bitcast %gather3A_219 : vector<16xi32> to vector<32xbf16>
        %unpack3A_221 = tpu.unpack_subelements %bitcast3A_220, 0 {pack_format = #tpu.pack_format<interleaved>} : vector<32xbf16> -> vector<16xf32>
        %unpack3A_222 = tpu.unpack_subelements %bitcast3A_220, 1 {pack_format = #tpu.pack_format<interleaved>} : vector<32xbf16> -> vector<16xf32>
        %add3A_223 = arith.addf %add3A_171, %unpack3A_221 : vector<16xf32>
        %add3A_224 = arith.addf %add3A_172, %unpack3A_222 : vector<16xf32>
        %add3A_225 = arith.constant 8 : i32
        %add3A_226 = vector.broadcast %add3A_225 : i32 to vector<16xi32>
        %add3A_227 = arith.addi %iota3A, %add3A_226 : vector<16xi32>
        %and3A_228 = arith.constant 31 : i32
        %and3A_229 = vector.broadcast %and3A_228 : i32 to vector<16xi32>
        %and3A_230 = arith.andi %add3A_227, %and3A_229 : vector<16xi32>
        %gather3A_231 = tpu.vector_load_idx %arg7[%add3A_109, %and3A_230] : memref<256x32xi32, #tpu.memory_space<vmem>>[vector<16xi32>, vector<16xi32>], vector<16xi32>,
        %gather3A_232 = tpu.vector_load_idx %arg6[%gather3A_231] : memref<4096xi32, #tpu.memory_space<vmem>>[vector<16xi32>], vector<16xi32>,
        %bitcast3A_233 = vector.bitcast %gather3A_232 : vector<16xi32> to vector<32xbf16>
        %unpack3A_234 = tpu.unpack_subelements %bitcast3A_233, 0 {pack_format = #tpu.pack_format<interleaved>} : vector<32xbf16> -> vector<16xf32>
        %unpack3A_235 = tpu.unpack_subelements %bitcast3A_233, 1 {pack_format = #tpu.pack_format<interleaved>} : vector<32xbf16> -> vector<16xf32>
        %add3A_236 = arith.addf %add3A_184, %unpack3A_234 : vector<16xf32>
        %add3A_237 = arith.addf %add3A_185, %unpack3A_235 : vector<16xf32>
        %add3A_238 = arith.constant 9 : i32
        %add3A_239 = vector.broadcast %add3A_238 : i32 to vector<16xi32>
        %add3A_240 = arith.addi %iota3A, %add3A_239 : vector<16xi32>
        %and3A_241 = arith.constant 31 : i32
        %and3A_242 = vector.broadcast %and3A_241 : i32 to vector<16xi32>
        %and3A_243 = arith.andi %add3A_240, %and3A_242 : vector<16xi32>
        %gather3A_244 = tpu.vector_load_idx %arg7[%add3A_109, %and3A_243] : memref<256x32xi32, #tpu.memory_space<vmem>>[vector<16xi32>, vector<16xi32>], vector<16xi32>,
        %gather3A_245 = tpu.vector_load_idx %arg6[%gather3A_244] : memref<4096xi32, #tpu.memory_space<vmem>>[vector<16xi32>], vector<16xi32>,
        %bitcast3A_246 = vector.bitcast %gather3A_245 : vector<16xi32> to vector<32xbf16>
        %unpack3A_247 = tpu.unpack_subelements %bitcast3A_246, 0 {pack_format = #tpu.pack_format<interleaved>} : vector<32xbf16> -> vector<16xf32>
        %unpack3A_248 = tpu.unpack_subelements %bitcast3A_246, 1 {pack_format = #tpu.pack_format<interleaved>} : vector<32xbf16> -> vector<16xf32>
        %add3A_249 = arith.addf %add3A_197, %unpack3A_247 : vector<16xf32>
        %add3A_250 = arith.addf %add3A_198, %unpack3A_248 : vector<16xf32>
        %add3A_251 = arith.constant 10 : i32
        %add3A_252 = vector.broadcast %add3A_251 : i32 to vector<16xi32>
        %add3A_253 = arith.addi %iota3A, %add3A_252 : vector<16xi32>
        %and3A_254 = arith.constant 31 : i32
        %and3A_255 = vector.broadcast %and3A_254 : i32 to vector<16xi32>
        %and3A_256 = arith.andi %add3A_253, %and3A_255 : vector<16xi32>
        %gather3A_257 = tpu.vector_load_idx %arg7[%add3A_109, %and3A_256] : memref<256x32xi32, #tpu.memory_space<vmem>>[vector<16xi32>, vector<16xi32>], vector<16xi32>,
        %gather3A_258 = tpu.vector_load_idx %arg6[%gather3A_257] : memref<4096xi32, #tpu.memory_space<vmem>>[vector<16xi32>], vector<16xi32>,
        %bitcast3A_259 = vector.bitcast %gather3A_258 : vector<16xi32> to vector<32xbf16>
        %unpack3A_260 = tpu.unpack_subelements %bitcast3A_259, 0 {pack_format = #tpu.pack_format<interleaved>} : vector<32xbf16> -> vector<16xf32>
        %unpack3A_261 = tpu.unpack_subelements %bitcast3A_259, 1 {pack_format = #tpu.pack_format<interleaved>} : vector<32xbf16> -> vector<16xf32>
        %add3A_262 = arith.addf %add3A_210, %unpack3A_260 : vector<16xf32>
        %add3A_263 = arith.addf %add3A_211, %unpack3A_261 : vector<16xf32>
        %add3A_264 = arith.constant 11 : i32
        %add3A_265 = vector.broadcast %add3A_264 : i32 to vector<16xi32>
        %add3A_266 = arith.addi %iota3A, %add3A_265 : vector<16xi32>
        %and3A_267 = arith.constant 31 : i32
        %and3A_268 = vector.broadcast %and3A_267 : i32 to vector<16xi32>
        %and3A_269 = arith.andi %add3A_266, %and3A_268 : vector<16xi32>
        %gather3A_270 = tpu.vector_load_idx %arg7[%add3A_109, %and3A_269] : memref<256x32xi32, #tpu.memory_space<vmem>>[vector<16xi32>, vector<16xi32>], vector<16xi32>,
        %gather3A_271 = tpu.vector_load_idx %arg6[%gather3A_270] : memref<4096xi32, #tpu.memory_space<vmem>>[vector<16xi32>], vector<16xi32>,
        %bitcast3A_272 = vector.bitcast %gather3A_271 : vector<16xi32> to vector<32xbf16>
        %unpack3A_273 = tpu.unpack_subelements %bitcast3A_272, 0 {pack_format = #tpu.pack_format<interleaved>} : vector<32xbf16> -> vector<16xf32>
        %unpack3A_274 = tpu.unpack_subelements %bitcast3A_272, 1 {pack_format = #tpu.pack_format<interleaved>} : vector<32xbf16> -> vector<16xf32>
        %add3A_275 = arith.addf %add3A_223, %unpack3A_273 : vector<16xf32>
        %add3A_276 = arith.addf %add3A_224, %unpack3A_274 : vector<16xf32>
        %add3A_277 = arith.constant 12 : i32
        %add3A_278 = vector.broadcast %add3A_277 : i32 to vector<16xi32>
        %add3A_279 = arith.addi %iota3A, %add3A_278 : vector<16xi32>
        %and3A_280 = arith.constant 31 : i32
        %and3A_281 = vector.broadcast %and3A_280 : i32 to vector<16xi32>
        %and3A_282 = arith.andi %add3A_279, %and3A_281 : vector<16xi32>
        %gather3A_283 = tpu.vector_load_idx %arg7[%add3A_109, %and3A_282] : memref<256x32xi32, #tpu.memory_space<vmem>>[vector<16xi32>, vector<16xi32>], vector<16xi32>,
        %gather3A_284 = tpu.vector_load_idx %arg6[%gather3A_283] : memref<4096xi32, #tpu.memory_space<vmem>>[vector<16xi32>], vector<16xi32>,
        %bitcast3A_285 = vector.bitcast %gather3A_284 : vector<16xi32> to vector<32xbf16>
        %unpack3A_286 = tpu.unpack_subelements %bitcast3A_285, 0 {pack_format = #tpu.pack_format<interleaved>} : vector<32xbf16> -> vector<16xf32>
        %unpack3A_287 = tpu.unpack_subelements %bitcast3A_285, 1 {pack_format = #tpu.pack_format<interleaved>} : vector<32xbf16> -> vector<16xf32>
        %add3A_288 = arith.addf %add3A_236, %unpack3A_286 : vector<16xf32>
        %add3A_289 = arith.addf %add3A_237, %unpack3A_287 : vector<16xf32>
        %add3A_290 = arith.constant 13 : i32
        %add3A_291 = vector.broadcast %add3A_290 : i32 to vector<16xi32>
        %add3A_292 = arith.addi %iota3A, %add3A_291 : vector<16xi32>
        %and3A_293 = arith.constant 31 : i32
        %and3A_294 = vector.broadcast %and3A_293 : i32 to vector<16xi32>
        %and3A_295 = arith.andi %add3A_292, %and3A_294 : vector<16xi32>
        %gather3A_296 = tpu.vector_load_idx %arg7[%add3A_109, %and3A_295] : memref<256x32xi32, #tpu.memory_space<vmem>>[vector<16xi32>, vector<16xi32>], vector<16xi32>,
        %gather3A_297 = tpu.vector_load_idx %arg6[%gather3A_296] : memref<4096xi32, #tpu.memory_space<vmem>>[vector<16xi32>], vector<16xi32>,
        %bitcast3A_298 = vector.bitcast %gather3A_297 : vector<16xi32> to vector<32xbf16>
        %unpack3A_299 = tpu.unpack_subelements %bitcast3A_298, 0 {pack_format = #tpu.pack_format<interleaved>} : vector<32xbf16> -> vector<16xf32>
        %unpack3A_300 = tpu.unpack_subelements %bitcast3A_298, 1 {pack_format = #tpu.pack_format<interleaved>} : vector<32xbf16> -> vector<16xf32>
        %add3A_301 = arith.addf %add3A_249, %unpack3A_299 : vector<16xf32>
        %add3A_302 = arith.addf %add3A_250, %unpack3A_300 : vector<16xf32>
        %add3A_303 = arith.constant 14 : i32
        %add3A_304 = vector.broadcast %add3A_303 : i32 to vector<16xi32>
        %add3A_305 = arith.addi %iota3A, %add3A_304 : vector<16xi32>
        %and3A_306 = arith.constant 31 : i32
        %and3A_307 = vector.broadcast %and3A_306 : i32 to vector<16xi32>
        %and3A_308 = arith.andi %add3A_305, %and3A_307 : vector<16xi32>
        %gather3A_309 = tpu.vector_load_idx %arg7[%add3A_109, %and3A_308] : memref<256x32xi32, #tpu.memory_space<vmem>>[vector<16xi32>, vector<16xi32>], vector<16xi32>,
        %gather3A_310 = tpu.vector_load_idx %arg6[%gather3A_309] : memref<4096xi32, #tpu.memory_space<vmem>>[vector<16xi32>], vector<16xi32>,
        %bitcast3A_311 = vector.bitcast %gather3A_310 : vector<16xi32> to vector<32xbf16>
        %unpack3A_312 = tpu.unpack_subelements %bitcast3A_311, 0 {pack_format = #tpu.pack_format<interleaved>} : vector<32xbf16> -> vector<16xf32>
        %unpack3A_313 = tpu.unpack_subelements %bitcast3A_311, 1 {pack_format = #tpu.pack_format<interleaved>} : vector<32xbf16> -> vector<16xf32>
        %add3A_314 = arith.addf %add3A_262, %unpack3A_312 : vector<16xf32>
        %add3A_315 = arith.addf %add3A_263, %unpack3A_313 : vector<16xf32>
        %add3A_316 = arith.constant 15 : i32
        %add3A_317 = vector.broadcast %add3A_316 : i32 to vector<16xi32>
        %add3A_318 = arith.addi %iota3A, %add3A_317 : vector<16xi32>
        %and3A_319 = arith.constant 31 : i32
        %and3A_320 = vector.broadcast %and3A_319 : i32 to vector<16xi32>
        %and3A_321 = arith.andi %add3A_318, %and3A_320 : vector<16xi32>
        %gather3A_322 = tpu.vector_load_idx %arg7[%add3A_109, %and3A_321] : memref<256x32xi32, #tpu.memory_space<vmem>>[vector<16xi32>, vector<16xi32>], vector<16xi32>,
        %gather3A_323 = tpu.vector_load_idx %arg6[%gather3A_322] : memref<4096xi32, #tpu.memory_space<vmem>>[vector<16xi32>], vector<16xi32>,
        %bitcast3A_324 = vector.bitcast %gather3A_323 : vector<16xi32> to vector<32xbf16>
        %unpack3A_325 = tpu.unpack_subelements %bitcast3A_324, 0 {pack_format = #tpu.pack_format<interleaved>} : vector<32xbf16> -> vector<16xf32>
        %unpack3A_326 = tpu.unpack_subelements %bitcast3A_324, 1 {pack_format = #tpu.pack_format<interleaved>} : vector<32xbf16> -> vector<16xf32>
        %add3A_327 = arith.addf %add3A_275, %unpack3A_325 : vector<16xf32>
        %add3A_328 = arith.addf %add3A_276, %unpack3A_326 : vector<16xf32>
        %add3A_329 = arith.constant 16 : i32
        %add3A_330 = vector.broadcast %add3A_329 : i32 to vector<16xi32>
        %add3A_331 = arith.addi %iota3A, %add3A_330 : vector<16xi32>
        %and3A_332 = arith.constant 31 : i32
        %and3A_333 = vector.broadcast %and3A_332 : i32 to vector<16xi32>
        %and3A_334 = arith.andi %add3A_331, %and3A_333 : vector<16xi32>
        %gather3A_335 = tpu.vector_load_idx %arg7[%add3A_109, %and3A_334] : memref<256x32xi32, #tpu.memory_space<vmem>>[vector<16xi32>, vector<16xi32>], vector<16xi32>,
        %gather3A_336 = tpu.vector_load_idx %arg6[%gather3A_335] : memref<4096xi32, #tpu.memory_space<vmem>>[vector<16xi32>], vector<16xi32>,
        %bitcast3A_337 = vector.bitcast %gather3A_336 : vector<16xi32> to vector<32xbf16>
        %unpack3A_338 = tpu.unpack_subelements %bitcast3A_337, 0 {pack_format = #tpu.pack_format<interleaved>} : vector<32xbf16> -> vector<16xf32>
        %unpack3A_339 = tpu.unpack_subelements %bitcast3A_337, 1 {pack_format = #tpu.pack_format<interleaved>} : vector<32xbf16> -> vector<16xf32>
        %add3A_340 = arith.addf %add3A_288, %unpack3A_338 : vector<16xf32>
        %add3A_341 = arith.addf %add3A_289, %unpack3A_339 : vector<16xf32>
        %add3A_342 = arith.constant 17 : i32
        %add3A_343 = vector.broadcast %add3A_342 : i32 to vector<16xi32>
        %add3A_344 = arith.addi %iota3A, %add3A_343 : vector<16xi32>
        %and3A_345 = arith.constant 31 : i32
        %and3A_346 = vector.broadcast %and3A_345 : i32 to vector<16xi32>
        %and3A_347 = arith.andi %add3A_344, %and3A_346 : vector<16xi32>
        %gather3A_348 = tpu.vector_load_idx %arg7[%add3A_109, %and3A_347] : memref<256x32xi32, #tpu.memory_space<vmem>>[vector<16xi32>, vector<16xi32>], vector<16xi32>,
        %gather3A_349 = tpu.vector_load_idx %arg6[%gather3A_348] : memref<4096xi32, #tpu.memory_space<vmem>>[vector<16xi32>], vector<16xi32>,
        %bitcast3A_350 = vector.bitcast %gather3A_349 : vector<16xi32> to vector<32xbf16>
        %unpack3A_351 = tpu.unpack_subelements %bitcast3A_350, 0 {pack_format = #tpu.pack_format<interleaved>} : vector<32xbf16> -> vector<16xf32>
        %unpack3A_352 = tpu.unpack_subelements %bitcast3A_350, 1 {pack_format = #tpu.pack_format<interleaved>} : vector<32xbf16> -> vector<16xf32>
        %add3A_353 = arith.addf %add3A_301, %unpack3A_351 : vector<16xf32>
        %add3A_354 = arith.addf %add3A_302, %unpack3A_352 : vector<16xf32>
        %add3A_355 = arith.constant 18 : i32
        %add3A_356 = vector.broadcast %add3A_355 : i32 to vector<16xi32>
        %add3A_357 = arith.addi %iota3A, %add3A_356 : vector<16xi32>
        %and3A_358 = arith.constant 31 : i32
        %and3A_359 = vector.broadcast %and3A_358 : i32 to vector<16xi32>
        %and3A_360 = arith.andi %add3A_357, %and3A_359 : vector<16xi32>
        %gather3A_361 = tpu.vector_load_idx %arg7[%add3A_109, %and3A_360] : memref<256x32xi32, #tpu.memory_space<vmem>>[vector<16xi32>, vector<16xi32>], vector<16xi32>,
        %gather3A_362 = tpu.vector_load_idx %arg6[%gather3A_361] : memref<4096xi32, #tpu.memory_space<vmem>>[vector<16xi32>], vector<16xi32>,
        %bitcast3A_363 = vector.bitcast %gather3A_362 : vector<16xi32> to vector<32xbf16>
        %unpack3A_364 = tpu.unpack_subelements %bitcast3A_363, 0 {pack_format = #tpu.pack_format<interleaved>} : vector<32xbf16> -> vector<16xf32>
        %unpack3A_365 = tpu.unpack_subelements %bitcast3A_363, 1 {pack_format = #tpu.pack_format<interleaved>} : vector<32xbf16> -> vector<16xf32>
        %add3A_366 = arith.addf %add3A_314, %unpack3A_364 : vector<16xf32>
        %add3A_367 = arith.addf %add3A_315, %unpack3A_365 : vector<16xf32>
        %add3A_368 = arith.constant 19 : i32
        %add3A_369 = vector.broadcast %add3A_368 : i32 to vector<16xi32>
        %add3A_370 = arith.addi %iota3A, %add3A_369 : vector<16xi32>
        %and3A_371 = arith.constant 31 : i32
        %and3A_372 = vector.broadcast %and3A_371 : i32 to vector<16xi32>
        %and3A_373 = arith.andi %add3A_370, %and3A_372 : vector<16xi32>
        %gather3A_374 = tpu.vector_load_idx %arg7[%add3A_109, %and3A_373] : memref<256x32xi32, #tpu.memory_space<vmem>>[vector<16xi32>, vector<16xi32>], vector<16xi32>,
        %gather3A_375 = tpu.vector_load_idx %arg6[%gather3A_374] : memref<4096xi32, #tpu.memory_space<vmem>>[vector<16xi32>], vector<16xi32>,
        %bitcast3A_376 = vector.bitcast %gather3A_375 : vector<16xi32> to vector<32xbf16>
        %unpack3A_377 = tpu.unpack_subelements %bitcast3A_376, 0 {pack_format = #tpu.pack_format<interleaved>} : vector<32xbf16> -> vector<16xf32>
        %unpack3A_378 = tpu.unpack_subelements %bitcast3A_376, 1 {pack_format = #tpu.pack_format<interleaved>} : vector<32xbf16> -> vector<16xf32>
        %add3A_379 = arith.addf %add3A_327, %unpack3A_377 : vector<16xf32>
        %add3A_380 = arith.addf %add3A_328, %unpack3A_378 : vector<16xf32>
        %add3A_381 = arith.constant 20 : i32
        %add3A_382 = vector.broadcast %add3A_381 : i32 to vector<16xi32>
        %add3A_383 = arith.addi %iota3A, %add3A_382 : vector<16xi32>
        %and3A_384 = arith.constant 31 : i32
        %and3A_385 = vector.broadcast %and3A_384 : i32 to vector<16xi32>
        %and3A_386 = arith.andi %add3A_383, %and3A_385 : vector<16xi32>
        %gather3A_387 = tpu.vector_load_idx %arg7[%add3A_109, %and3A_386] : memref<256x32xi32, #tpu.memory_space<vmem>>[vector<16xi32>, vector<16xi32>], vector<16xi32>,
        %gather3A_388 = tpu.vector_load_idx %arg6[%gather3A_387] : memref<4096xi32, #tpu.memory_space<vmem>>[vector<16xi32>], vector<16xi32>,
        %bitcast3A_389 = vector.bitcast %gather3A_388 : vector<16xi32> to vector<32xbf16>
        %unpack3A_390 = tpu.unpack_subelements %bitcast3A_389, 0 {pack_format = #tpu.pack_format<interleaved>} : vector<32xbf16> -> vector<16xf32>
        %unpack3A_391 = tpu.unpack_subelements %bitcast3A_389, 1 {pack_format = #tpu.pack_format<interleaved>} : vector<32xbf16> -> vector<16xf32>
        %add3A_392 = arith.addf %add3A_340, %unpack3A_390 : vector<16xf32>
        %add3A_393 = arith.addf %add3A_341, %unpack3A_391 : vector<16xf32>
        %add3A_394 = arith.constant 21 : i32
        %add3A_395 = vector.broadcast %add3A_394 : i32 to vector<16xi32>
        %add3A_396 = arith.addi %iota3A, %add3A_395 : vector<16xi32>
        %and3A_397 = arith.constant 31 : i32
        %and3A_398 = vector.broadcast %and3A_397 : i32 to vector<16xi32>
        %and3A_399 = arith.andi %add3A_396, %and3A_398 : vector<16xi32>
        %gather3A_400 = tpu.vector_load_idx %arg7[%add3A_109, %and3A_399] : memref<256x32xi32, #tpu.memory_space<vmem>>[vector<16xi32>, vector<16xi32>], vector<16xi32>,
        %gather3A_401 = tpu.vector_load_idx %arg6[%gather3A_400] : memref<4096xi32, #tpu.memory_space<vmem>>[vector<16xi32>], vector<16xi32>,
        %bitcast3A_402 = vector.bitcast %gather3A_401 : vector<16xi32> to vector<32xbf16>
        %unpack3A_403 = tpu.unpack_subelements %bitcast3A_402, 0 {pack_format = #tpu.pack_format<interleaved>} : vector<32xbf16> -> vector<16xf32>
        %unpack3A_404 = tpu.unpack_subelements %bitcast3A_402, 1 {pack_format = #tpu.pack_format<interleaved>} : vector<32xbf16> -> vector<16xf32>
        %add3A_405 = arith.addf %add3A_353, %unpack3A_403 : vector<16xf32>
        %add3A_406 = arith.addf %add3A_354, %unpack3A_404 : vector<16xf32>
        %add3A_407 = arith.constant 22 : i32
        %add3A_408 = vector.broadcast %add3A_407 : i32 to vector<16xi32>
        %add3A_409 = arith.addi %iota3A, %add3A_408 : vector<16xi32>
        %and3A_410 = arith.constant 31 : i32
        %and3A_411 = vector.broadcast %and3A_410 : i32 to vector<16xi32>
        %and3A_412 = arith.andi %add3A_409, %and3A_411 : vector<16xi32>
        %gather3A_413 = tpu.vector_load_idx %arg7[%add3A_109, %and3A_412] : memref<256x32xi32, #tpu.memory_space<vmem>>[vector<16xi32>, vector<16xi32>], vector<16xi32>,
        %gather3A_414 = tpu.vector_load_idx %arg6[%gather3A_413] : memref<4096xi32, #tpu.memory_space<vmem>>[vector<16xi32>], vector<16xi32>,
        %bitcast3A_415 = vector.bitcast %gather3A_414 : vector<16xi32> to vector<32xbf16>
        %unpack3A_416 = tpu.unpack_subelements %bitcast3A_415, 0 {pack_format = #tpu.pack_format<interleaved>} : vector<32xbf16> -> vector<16xf32>
        %unpack3A_417 = tpu.unpack_subelements %bitcast3A_415, 1 {pack_format = #tpu.pack_format<interleaved>} : vector<32xbf16> -> vector<16xf32>
        %add3A_418 = arith.addf %add3A_366, %unpack3A_416 : vector<16xf32>
        %add3A_419 = arith.addf %add3A_367, %unpack3A_417 : vector<16xf32>
        %add3A_420 = arith.constant 23 : i32
        %add3A_421 = vector.broadcast %add3A_420 : i32 to vector<16xi32>
        %add3A_422 = arith.addi %iota3A, %add3A_421 : vector<16xi32>
        %and3A_423 = arith.constant 31 : i32
        %and3A_424 = vector.broadcast %and3A_423 : i32 to vector<16xi32>
        %and3A_425 = arith.andi %add3A_422, %and3A_424 : vector<16xi32>
        %gather3A_426 = tpu.vector_load_idx %arg7[%add3A_109, %and3A_425] : memref<256x32xi32, #tpu.memory_space<vmem>>[vector<16xi32>, vector<16xi32>], vector<16xi32>,
        %gather3A_427 = tpu.vector_load_idx %arg6[%gather3A_426] : memref<4096xi32, #tpu.memory_space<vmem>>[vector<16xi32>], vector<16xi32>,
        %bitcast3A_428 = vector.bitcast %gather3A_427 : vector<16xi32> to vector<32xbf16>
        %unpack3A_429 = tpu.unpack_subelements %bitcast3A_428, 0 {pack_format = #tpu.pack_format<interleaved>} : vector<32xbf16> -> vector<16xf32>
        %unpack3A_430 = tpu.unpack_subelements %bitcast3A_428, 1 {pack_format = #tpu.pack_format<interleaved>} : vector<32xbf16> -> vector<16xf32>
        %add3A_431 = arith.addf %add3A_379, %unpack3A_429 : vector<16xf32>
        %add3A_432 = arith.addf %add3A_380, %unpack3A_430 : vector<16xf32>
        %add3A_433 = arith.constant 24 : i32
        %add3A_434 = vector.broadcast %add3A_433 : i32 to vector<16xi32>
        %add3A_435 = arith.addi %iota3A, %add3A_434 : vector<16xi32>
        %and3A_436 = arith.constant 31 : i32
        %and3A_437 = vector.broadcast %and3A_436 : i32 to vector<16xi32>
        %and3A_438 = arith.andi %add3A_435, %and3A_437 : vector<16xi32>
        %gather3A_439 = tpu.vector_load_idx %arg7[%add3A_109, %and3A_438] : memref<256x32xi32, #tpu.memory_space<vmem>>[vector<16xi32>, vector<16xi32>], vector<16xi32>,
        %gather3A_440 = tpu.vector_load_idx %arg6[%gather3A_439] : memref<4096xi32, #tpu.memory_space<vmem>>[vector<16xi32>], vector<16xi32>,
        %bitcast3A_441 = vector.bitcast %gather3A_440 : vector<16xi32> to vector<32xbf16>
        %unpack3A_442 = tpu.unpack_subelements %bitcast3A_441, 0 {pack_format = #tpu.pack_format<interleaved>} : vector<32xbf16> -> vector<16xf32>
        %unpack3A_443 = tpu.unpack_subelements %bitcast3A_441, 1 {pack_format = #tpu.pack_format<interleaved>} : vector<32xbf16> -> vector<16xf32>
        %add3A_444 = arith.addf %add3A_392, %unpack3A_442 : vector<16xf32>
        %add3A_445 = arith.addf %add3A_393, %unpack3A_443 : vector<16xf32>
        %add3A_446 = arith.constant 25 : i32
        %add3A_447 = vector.broadcast %add3A_446 : i32 to vector<16xi32>
        %add3A_448 = arith.addi %iota3A, %add3A_447 : vector<16xi32>
        %and3A_449 = arith.constant 31 : i32
        %and3A_450 = vector.broadcast %and3A_449 : i32 to vector<16xi32>
        %and3A_451 = arith.andi %add3A_448, %and3A_450 : vector<16xi32>
        %gather3A_452 = tpu.vector_load_idx %arg7[%add3A_109, %and3A_451] : memref<256x32xi32, #tpu.memory_space<vmem>>[vector<16xi32>, vector<16xi32>], vector<16xi32>,
        %gather3A_453 = tpu.vector_load_idx %arg6[%gather3A_452] : memref<4096xi32, #tpu.memory_space<vmem>>[vector<16xi32>], vector<16xi32>,
        %bitcast3A_454 = vector.bitcast %gather3A_453 : vector<16xi32> to vector<32xbf16>
        %unpack3A_455 = tpu.unpack_subelements %bitcast3A_454, 0 {pack_format = #tpu.pack_format<interleaved>} : vector<32xbf16> -> vector<16xf32>
        %unpack3A_456 = tpu.unpack_subelements %bitcast3A_454, 1 {pack_format = #tpu.pack_format<interleaved>} : vector<32xbf16> -> vector<16xf32>
        %add3A_457 = arith.addf %add3A_405, %unpack3A_455 : vector<16xf32>
        %add3A_458 = arith.addf %add3A_406, %unpack3A_456 : vector<16xf32>
        %add3A_459 = arith.constant 26 : i32
        %add3A_460 = vector.broadcast %add3A_459 : i32 to vector<16xi32>
        %add3A_461 = arith.addi %iota3A, %add3A_460 : vector<16xi32>
        %and3A_462 = arith.constant 31 : i32
        %and3A_463 = vector.broadcast %and3A_462 : i32 to vector<16xi32>
        %and3A_464 = arith.andi %add3A_461, %and3A_463 : vector<16xi32>
        %gather3A_465 = tpu.vector_load_idx %arg7[%add3A_109, %and3A_464] : memref<256x32xi32, #tpu.memory_space<vmem>>[vector<16xi32>, vector<16xi32>], vector<16xi32>,
        %gather3A_466 = tpu.vector_load_idx %arg6[%gather3A_465] : memref<4096xi32, #tpu.memory_space<vmem>>[vector<16xi32>], vector<16xi32>,
        %bitcast3A_467 = vector.bitcast %gather3A_466 : vector<16xi32> to vector<32xbf16>
        %unpack3A_468 = tpu.unpack_subelements %bitcast3A_467, 0 {pack_format = #tpu.pack_format<interleaved>} : vector<32xbf16> -> vector<16xf32>
        %unpack3A_469 = tpu.unpack_subelements %bitcast3A_467, 1 {pack_format = #tpu.pack_format<interleaved>} : vector<32xbf16> -> vector<16xf32>
        %add3A_470 = arith.addf %add3A_418, %unpack3A_468 : vector<16xf32>
        %add3A_471 = arith.addf %add3A_419, %unpack3A_469 : vector<16xf32>
        %add3A_472 = arith.constant 27 : i32
        %add3A_473 = vector.broadcast %add3A_472 : i32 to vector<16xi32>
        %add3A_474 = arith.addi %iota3A, %add3A_473 : vector<16xi32>
        %and3A_475 = arith.constant 31 : i32
        %and3A_476 = vector.broadcast %and3A_475 : i32 to vector<16xi32>
        %and3A_477 = arith.andi %add3A_474, %and3A_476 : vector<16xi32>
        %gather3A_478 = tpu.vector_load_idx %arg7[%add3A_109, %and3A_477] : memref<256x32xi32, #tpu.memory_space<vmem>>[vector<16xi32>, vector<16xi32>], vector<16xi32>,
        %gather3A_479 = tpu.vector_load_idx %arg6[%gather3A_478] : memref<4096xi32, #tpu.memory_space<vmem>>[vector<16xi32>], vector<16xi32>,
        %bitcast3A_480 = vector.bitcast %gather3A_479 : vector<16xi32> to vector<32xbf16>
        %unpack3A_481 = tpu.unpack_subelements %bitcast3A_480, 0 {pack_format = #tpu.pack_format<interleaved>} : vector<32xbf16> -> vector<16xf32>
        %unpack3A_482 = tpu.unpack_subelements %bitcast3A_480, 1 {pack_format = #tpu.pack_format<interleaved>} : vector<32xbf16> -> vector<16xf32>
        %add3A_483 = arith.addf %add3A_431, %unpack3A_481 : vector<16xf32>
        %add3A_484 = arith.addf %add3A_432, %unpack3A_482 : vector<16xf32>
        %add3A_485 = arith.constant 28 : i32
        %add3A_486 = vector.broadcast %add3A_485 : i32 to vector<16xi32>
        %add3A_487 = arith.addi %iota3A, %add3A_486 : vector<16xi32>
        %and3A_488 = arith.constant 31 : i32
        %and3A_489 = vector.broadcast %and3A_488 : i32 to vector<16xi32>
        %and3A_490 = arith.andi %add3A_487, %and3A_489 : vector<16xi32>
        %gather3A_491 = tpu.vector_load_idx %arg7[%add3A_109, %and3A_490] : memref<256x32xi32, #tpu.memory_space<vmem>>[vector<16xi32>, vector<16xi32>], vector<16xi32>,
        %gather3A_492 = tpu.vector_load_idx %arg6[%gather3A_491] : memref<4096xi32, #tpu.memory_space<vmem>>[vector<16xi32>], vector<16xi32>,
        %bitcast3A_493 = vector.bitcast %gather3A_492 : vector<16xi32> to vector<32xbf16>
        %unpack3A_494 = tpu.unpack_subelements %bitcast3A_493, 0 {pack_format = #tpu.pack_format<interleaved>} : vector<32xbf16> -> vector<16xf32>
        %unpack3A_495 = tpu.unpack_subelements %bitcast3A_493, 1 {pack_format = #tpu.pack_format<interleaved>} : vector<32xbf16> -> vector<16xf32>
        %add3A_496 = arith.addf %add3A_444, %unpack3A_494 : vector<16xf32>
        %add3A_497 = arith.addf %add3A_445, %unpack3A_495 : vector<16xf32>
        %add3A_498 = arith.constant 29 : i32
        %add3A_499 = vector.broadcast %add3A_498 : i32 to vector<16xi32>
        %add3A_500 = arith.addi %iota3A, %add3A_499 : vector<16xi32>
        %and3A_501 = arith.constant 31 : i32
        %and3A_502 = vector.broadcast %and3A_501 : i32 to vector<16xi32>
        %and3A_503 = arith.andi %add3A_500, %and3A_502 : vector<16xi32>
        %gather3A_504 = tpu.vector_load_idx %arg7[%add3A_109, %and3A_503] : memref<256x32xi32, #tpu.memory_space<vmem>>[vector<16xi32>, vector<16xi32>], vector<16xi32>,
        %gather3A_505 = tpu.vector_load_idx %arg6[%gather3A_504] : memref<4096xi32, #tpu.memory_space<vmem>>[vector<16xi32>], vector<16xi32>,
        %bitcast3A_506 = vector.bitcast %gather3A_505 : vector<16xi32> to vector<32xbf16>
        %unpack3A_507 = tpu.unpack_subelements %bitcast3A_506, 0 {pack_format = #tpu.pack_format<interleaved>} : vector<32xbf16> -> vector<16xf32>
        %unpack3A_508 = tpu.unpack_subelements %bitcast3A_506, 1 {pack_format = #tpu.pack_format<interleaved>} : vector<32xbf16> -> vector<16xf32>
        %add3A_509 = arith.addf %add3A_457, %unpack3A_507 : vector<16xf32>
        %add3A_510 = arith.addf %add3A_458, %unpack3A_508 : vector<16xf32>
        %add3A_511 = arith.constant 30 : i32
        %add3A_512 = vector.broadcast %add3A_511 : i32 to vector<16xi32>
        %add3A_513 = arith.addi %iota3A, %add3A_512 : vector<16xi32>
        %and3A_514 = arith.constant 31 : i32
        %and3A_515 = vector.broadcast %and3A_514 : i32 to vector<16xi32>
        %and3A_516 = arith.andi %add3A_513, %and3A_515 : vector<16xi32>
        %gather3A_517 = tpu.vector_load_idx %arg7[%add3A_109, %and3A_516] : memref<256x32xi32, #tpu.memory_space<vmem>>[vector<16xi32>, vector<16xi32>], vector<16xi32>,
        %gather3A_518 = tpu.vector_load_idx %arg6[%gather3A_517] : memref<4096xi32, #tpu.memory_space<vmem>>[vector<16xi32>], vector<16xi32>,
        %bitcast3A_519 = vector.bitcast %gather3A_518 : vector<16xi32> to vector<32xbf16>
        %unpack3A_520 = tpu.unpack_subelements %bitcast3A_519, 0 {pack_format = #tpu.pack_format<interleaved>} : vector<32xbf16> -> vector<16xf32>
        %unpack3A_521 = tpu.unpack_subelements %bitcast3A_519, 1 {pack_format = #tpu.pack_format<interleaved>} : vector<32xbf16> -> vector<16xf32>
        %add3A_522 = arith.addf %add3A_470, %unpack3A_520 : vector<16xf32>
        %add3A_523 = arith.addf %add3A_471, %unpack3A_521 : vector<16xf32>
        %add3A_524 = arith.constant 31 : i32
        %add3A_525 = vector.broadcast %add3A_524 : i32 to vector<16xi32>
        %add3A_526 = arith.addi %iota3A, %add3A_525 : vector<16xi32>
        %and3A_527 = arith.constant 31 : i32
        %and3A_528 = vector.broadcast %and3A_527 : i32 to vector<16xi32>
        %and3A_529 = arith.andi %add3A_526, %and3A_528 : vector<16xi32>
        %gather3A_530 = tpu.vector_load_idx %arg7[%add3A_109, %and3A_529] : memref<256x32xi32, #tpu.memory_space<vmem>>[vector<16xi32>, vector<16xi32>], vector<16xi32>,
        %gather3A_531 = tpu.vector_load_idx %arg6[%gather3A_530] : memref<4096xi32, #tpu.memory_space<vmem>>[vector<16xi32>], vector<16xi32>,
        %bitcast3A_532 = vector.bitcast %gather3A_531 : vector<16xi32> to vector<32xbf16>
        %unpack3A_533 = tpu.unpack_subelements %bitcast3A_532, 0 {pack_format = #tpu.pack_format<interleaved>} : vector<32xbf16> -> vector<16xf32>
        %unpack3A_534 = tpu.unpack_subelements %bitcast3A_532, 1 {pack_format = #tpu.pack_format<interleaved>} : vector<32xbf16> -> vector<16xf32>
        %add3A_535 = arith.addf %add3A_483, %unpack3A_533 : vector<16xf32>
        %add3A_536 = arith.addf %add3A_484, %unpack3A_534 : vector<16xf32>
        %add3A_537 = arith.addf %add3A_496, %add3A_509 : vector<16xf32>
        %add3A_538 = arith.addf %add3A_522, %add3A_535 : vector<16xf32>
        %add3A_539 = arith.addf %add3A_537, %add3A_538 : vector<16xf32>
        %add3A_540 = arith.addf %add3A_497, %add3A_510 : vector<16xf32>
        %add3A_541 = arith.addf %add3A_523, %add3A_536 : vector<16xf32>
        %add3A_542 = arith.addf %add3A_540, %add3A_541 : vector<16xf32>
        %mul3A_543 = arith.constant 256 : i32
        %mul3A_544 = arith.muli %add3A_58, %mul3A_543 : i32
        %mul3A_545 = arith.constant 16 : i32
        %mul3A_546 = arith.muli %scan3A_104, %mul3A_545 : i32
        %add3A_547 = arith.addi %mul3A_544, %mul3A_546 : i32
        %swap3A = arith.index_cast %add3A_547 : i32 to index
        %swap3A_548 = tpu.vector_load %arg9[%swap3A] {strides = array<i32>} : memref<4096xf32, #tpu.memory_space<vmem>>, vector<16xf32>,
        tpu.vector_store %arg9[%swap3A], %add3A_539 {strides = array<i32>} : memref<4096xf32, #tpu.memory_space<vmem>>, vector<16xf32>,
        %swap3A_549 = arith.index_cast %add3A_547 : i32 to index
        %swap3A_550 = tpu.vector_load %arg10[%swap3A_549] {strides = array<i32>} : memref<4096xf32, #tpu.memory_space<vmem>>, vector<16xf32>,
        tpu.vector_store %arg10[%swap3A_549], %add3A_542 {strides = array<i32>} : memref<4096xf32, #tpu.memory_space<vmem>>, vector<16xf32>,
        %scan3A_551 = arith.constant 0 : i32
        scf.yield %scan3A_551 : i32
      }
      %scan3A_76 = arith.constant 16 : i32
      %mul3A_77 = arith.constant 2 : i32
      %mul3A_78 = arith.muli %scan3A_53, %mul3A_77 : i32
      %add3A_79 = arith.constant 1 : i32
      %add3A_80 = arith.addi %mul3A_78, %add3A_79 : i32
      %mul3A_81 = arith.constant 4096 : i32
      %mul3A_82 = arith.muli %add3A_29, %mul3A_81 : i32
      %add3A_83 = arith.constant 0 : i32
      %add3A_84 = arith.addi %mul3A_82, %add3A_83 : i32
      %dma_wait3A_85 = arith.constant 0 : i32
      %dma_wait3A_86 = tpu.memref_slice %arg3[%add3A_84, %dma_wait3A_85] : memref<262144x32xi32, #tpu.memory_space<hbm>> -> memref<256x32xi32, #tpu.memory_space<hbm>>
      %dma_wait3A_87 = arith.constant 0 : i32
      %dma_wait3A_88 = tpu.memref_slice %arg3[%add3A_84, %dma_wait3A_87] : memref<262144x32xi32, #tpu.memory_space<hbm>> -> memref<256x32xi32, #tpu.memory_space<hbm>>
      tpu.wait_dma2 semaphore(%arg12 : memref<!tpu.dma_semaphore, #tpu.memory_space<semaphore_mem>>) src(%dma_wait3A_88 : memref<256x32xi32, #tpu.memory_space<hbm>>) dst(%arg8 : memref<256x32xi32, #tpu.memory_space<vmem>>)
      %add3A_89 = arith.constant 2 : i32
      %add3A_90 = arith.addi %add3A_80, %add3A_89 : i32
      %lt3A_91 = arith.constant 16 : i32
      %lt3A_92 = arith.cmpi slt, %add3A_90, %lt3A_91 : i32
      %convert_element_type3A_93 = arith.extui %lt3A_92 : i1 to i32
      %cond3A_94 = arith.constant 0 : i32
      %cond3A_95 = arith.cmpi ne, %convert_element_type3A_93, %cond3A_94 : i32
      scf.if %cond3A_95 {
        %add3A_104 = arith.constant 2 : i32
        %add3A_105 = arith.addi %add3A_80, %add3A_104 : i32
        %mul3A_106 = arith.constant 4096 : i32
        %mul3A_107 = arith.muli %add3A_29, %mul3A_106 : i32
        %mul3A_108 = arith.constant 256 : i32
        %mul3A_109 = arith.muli %add3A_105, %mul3A_108 : i32
        %add3A_110 = arith.addi %mul3A_107, %mul3A_109 : i32
        %dma_start3A_111 = arith.constant 0 : i32
        %dma_start3A_112 = tpu.memref_slice %arg3[%add3A_110, %dma_start3A_111] : memref<262144x32xi32, #tpu.memory_space<hbm>> -> memref<256x32xi32, #tpu.memory_space<hbm>>
        %dma_start3A_113 = arith.constant 0 : i32
        %dma_start3A_114 = tpu.memref_slice %arg3[%add3A_110, %dma_start3A_113] : memref<262144x32xi32, #tpu.memory_space<hbm>> -> memref<256x32xi32, #tpu.memory_space<hbm>>
        tpu.enqueue_dma source(%dma_start3A_114 : memref<256x32xi32, #tpu.memory_space<hbm>>) target(%arg8 : memref<256x32xi32, #tpu.memory_space<vmem>>) target_semaphore(%arg12 : memref<!tpu.dma_semaphore, #tpu.memory_space<semaphore_mem>>)
      } else {
      }
      %scan3A_96 = arith.constant 0 : i32
      %scan3A_97 = arith.constant 0 : i32
      %scan3A_98 = arith.constant 16 : i32
      %scan3A_99 = arith.addi %scan3A_97, %scan3A_98 : i32
      %scan3A_100 = arith.constant 1 : i32
      %scan3A_101 = scf.for %scan3A_104 = %scan3A_97 to %scan3A_99 step %scan3A_100 iter_args(%scan3A_105 = %scan3A_96) -> (i32)  : i32 {
        %mul3A_106 = arith.constant 16 : i32
        %mul3A_107 = arith.muli %scan3A_104, %mul3A_106 : i32
        %add3A_108 = vector.broadcast %mul3A_107 : i32 to vector<16xi32>
        %add3A_109 = arith.addi %add3A_108, %iota3A : vector<16xi32>
        %broadcast_in_dim3A = arith.constant 0.000000e+00 : f32
        %broadcast_in_dim3A_110 = vector.broadcast %broadcast_in_dim3A : f32 to vector<16xf32>
        %broadcast_in_dim3A_111 = arith.constant 0.000000e+00 : f32
        %broadcast_in_dim3A_112 = vector.broadcast %broadcast_in_dim3A_111 : f32 to vector<16xf32>
        %broadcast_in_dim3A_113 = arith.constant 0.000000e+00 : f32
        %broadcast_in_dim3A_114 = vector.broadcast %broadcast_in_dim3A_113 : f32 to vector<16xf32>
        %broadcast_in_dim3A_115 = arith.constant 0.000000e+00 : f32
        %broadcast_in_dim3A_116 = vector.broadcast %broadcast_in_dim3A_115 : f32 to vector<16xf32>
        %broadcast_in_dim3A_117 = arith.constant 0.000000e+00 : f32
        %broadcast_in_dim3A_118 = vector.broadcast %broadcast_in_dim3A_117 : f32 to vector<16xf32>
        %broadcast_in_dim3A_119 = arith.constant 0.000000e+00 : f32
        %broadcast_in_dim3A_120 = vector.broadcast %broadcast_in_dim3A_119 : f32 to vector<16xf32>
        %broadcast_in_dim3A_121 = arith.constant 0.000000e+00 : f32
        %broadcast_in_dim3A_122 = vector.broadcast %broadcast_in_dim3A_121 : f32 to vector<16xf32>
        %broadcast_in_dim3A_123 = arith.constant 0.000000e+00 : f32
        %broadcast_in_dim3A_124 = vector.broadcast %broadcast_in_dim3A_123 : f32 to vector<16xf32>
        %add3A_125 = arith.constant 0 : i32
        %add3A_126 = vector.broadcast %add3A_125 : i32 to vector<16xi32>
        %add3A_127 = arith.addi %iota3A, %add3A_126 : vector<16xi32>
        %and3A = arith.constant 31 : i32
        %and3A_128 = vector.broadcast %and3A : i32 to vector<16xi32>
        %and3A_129 = arith.andi %add3A_127, %and3A_128 : vector<16xi32>
        %gather3A = tpu.vector_load_idx %arg8[%add3A_109, %and3A_129] : memref<256x32xi32, #tpu.memory_space<vmem>>[vector<16xi32>, vector<16xi32>], vector<16xi32>,
        %gather3A_130 = tpu.vector_load_idx %arg6[%gather3A] : memref<4096xi32, #tpu.memory_space<vmem>>[vector<16xi32>], vector<16xi32>,
        %bitcast3A = vector.bitcast %gather3A_130 : vector<16xi32> to vector<32xbf16>
        %unpack3A = tpu.unpack_subelements %bitcast3A, 0 {pack_format = #tpu.pack_format<interleaved>} : vector<32xbf16> -> vector<16xf32>
        %unpack3A_131 = tpu.unpack_subelements %bitcast3A, 1 {pack_format = #tpu.pack_format<interleaved>} : vector<32xbf16> -> vector<16xf32>
        %add3A_132 = arith.addf %broadcast_in_dim3A_110, %unpack3A : vector<16xf32>
        %add3A_133 = arith.addf %broadcast_in_dim3A_118, %unpack3A_131 : vector<16xf32>
        %add3A_134 = arith.constant 1 : i32
        %add3A_135 = vector.broadcast %add3A_134 : i32 to vector<16xi32>
        %add3A_136 = arith.addi %iota3A, %add3A_135 : vector<16xi32>
        %and3A_137 = arith.constant 31 : i32
        %and3A_138 = vector.broadcast %and3A_137 : i32 to vector<16xi32>
        %and3A_139 = arith.andi %add3A_136, %and3A_138 : vector<16xi32>
        %gather3A_140 = tpu.vector_load_idx %arg8[%add3A_109, %and3A_139] : memref<256x32xi32, #tpu.memory_space<vmem>>[vector<16xi32>, vector<16xi32>], vector<16xi32>,
        %gather3A_141 = tpu.vector_load_idx %arg6[%gather3A_140] : memref<4096xi32, #tpu.memory_space<vmem>>[vector<16xi32>], vector<16xi32>,
        %bitcast3A_142 = vector.bitcast %gather3A_141 : vector<16xi32> to vector<32xbf16>
        %unpack3A_143 = tpu.unpack_subelements %bitcast3A_142, 0 {pack_format = #tpu.pack_format<interleaved>} : vector<32xbf16> -> vector<16xf32>
        %unpack3A_144 = tpu.unpack_subelements %bitcast3A_142, 1 {pack_format = #tpu.pack_format<interleaved>} : vector<32xbf16> -> vector<16xf32>
        %add3A_145 = arith.addf %broadcast_in_dim3A_112, %unpack3A_143 : vector<16xf32>
        %add3A_146 = arith.addf %broadcast_in_dim3A_120, %unpack3A_144 : vector<16xf32>
        %add3A_147 = arith.constant 2 : i32
        %add3A_148 = vector.broadcast %add3A_147 : i32 to vector<16xi32>
        %add3A_149 = arith.addi %iota3A, %add3A_148 : vector<16xi32>
        %and3A_150 = arith.constant 31 : i32
        %and3A_151 = vector.broadcast %and3A_150 : i32 to vector<16xi32>
        %and3A_152 = arith.andi %add3A_149, %and3A_151 : vector<16xi32>
        %gather3A_153 = tpu.vector_load_idx %arg8[%add3A_109, %and3A_152] : memref<256x32xi32, #tpu.memory_space<vmem>>[vector<16xi32>, vector<16xi32>], vector<16xi32>,
        %gather3A_154 = tpu.vector_load_idx %arg6[%gather3A_153] : memref<4096xi32, #tpu.memory_space<vmem>>[vector<16xi32>], vector<16xi32>,
        %bitcast3A_155 = vector.bitcast %gather3A_154 : vector<16xi32> to vector<32xbf16>
        %unpack3A_156 = tpu.unpack_subelements %bitcast3A_155, 0 {pack_format = #tpu.pack_format<interleaved>} : vector<32xbf16> -> vector<16xf32>
        %unpack3A_157 = tpu.unpack_subelements %bitcast3A_155, 1 {pack_format = #tpu.pack_format<interleaved>} : vector<32xbf16> -> vector<16xf32>
        %add3A_158 = arith.addf %broadcast_in_dim3A_114, %unpack3A_156 : vector<16xf32>
        %add3A_159 = arith.addf %broadcast_in_dim3A_122, %unpack3A_157 : vector<16xf32>
        %add3A_160 = arith.constant 3 : i32
        %add3A_161 = vector.broadcast %add3A_160 : i32 to vector<16xi32>
        %add3A_162 = arith.addi %iota3A, %add3A_161 : vector<16xi32>
        %and3A_163 = arith.constant 31 : i32
        %and3A_164 = vector.broadcast %and3A_163 : i32 to vector<16xi32>
        %and3A_165 = arith.andi %add3A_162, %and3A_164 : vector<16xi32>
        %gather3A_166 = tpu.vector_load_idx %arg8[%add3A_109, %and3A_165] : memref<256x32xi32, #tpu.memory_space<vmem>>[vector<16xi32>, vector<16xi32>], vector<16xi32>,
        %gather3A_167 = tpu.vector_load_idx %arg6[%gather3A_166] : memref<4096xi32, #tpu.memory_space<vmem>>[vector<16xi32>], vector<16xi32>,
        %bitcast3A_168 = vector.bitcast %gather3A_167 : vector<16xi32> to vector<32xbf16>
        %unpack3A_169 = tpu.unpack_subelements %bitcast3A_168, 0 {pack_format = #tpu.pack_format<interleaved>} : vector<32xbf16> -> vector<16xf32>
        %unpack3A_170 = tpu.unpack_subelements %bitcast3A_168, 1 {pack_format = #tpu.pack_format<interleaved>} : vector<32xbf16> -> vector<16xf32>
        %add3A_171 = arith.addf %broadcast_in_dim3A_116, %unpack3A_169 : vector<16xf32>
        %add3A_172 = arith.addf %broadcast_in_dim3A_124, %unpack3A_170 : vector<16xf32>
        %add3A_173 = arith.constant 4 : i32
        %add3A_174 = vector.broadcast %add3A_173 : i32 to vector<16xi32>
        %add3A_175 = arith.addi %iota3A, %add3A_174 : vector<16xi32>
        %and3A_176 = arith.constant 31 : i32
        %and3A_177 = vector.broadcast %and3A_176 : i32 to vector<16xi32>
        %and3A_178 = arith.andi %add3A_175, %and3A_177 : vector<16xi32>
        %gather3A_179 = tpu.vector_load_idx %arg8[%add3A_109, %and3A_178] : memref<256x32xi32, #tpu.memory_space<vmem>>[vector<16xi32>, vector<16xi32>], vector<16xi32>,
        %gather3A_180 = tpu.vector_load_idx %arg6[%gather3A_179] : memref<4096xi32, #tpu.memory_space<vmem>>[vector<16xi32>], vector<16xi32>,
        %bitcast3A_181 = vector.bitcast %gather3A_180 : vector<16xi32> to vector<32xbf16>
        %unpack3A_182 = tpu.unpack_subelements %bitcast3A_181, 0 {pack_format = #tpu.pack_format<interleaved>} : vector<32xbf16> -> vector<16xf32>
        %unpack3A_183 = tpu.unpack_subelements %bitcast3A_181, 1 {pack_format = #tpu.pack_format<interleaved>} : vector<32xbf16> -> vector<16xf32>
        %add3A_184 = arith.addf %add3A_132, %unpack3A_182 : vector<16xf32>
        %add3A_185 = arith.addf %add3A_133, %unpack3A_183 : vector<16xf32>
        %add3A_186 = arith.constant 5 : i32
        %add3A_187 = vector.broadcast %add3A_186 : i32 to vector<16xi32>
        %add3A_188 = arith.addi %iota3A, %add3A_187 : vector<16xi32>
        %and3A_189 = arith.constant 31 : i32
        %and3A_190 = vector.broadcast %and3A_189 : i32 to vector<16xi32>
        %and3A_191 = arith.andi %add3A_188, %and3A_190 : vector<16xi32>
        %gather3A_192 = tpu.vector_load_idx %arg8[%add3A_109, %and3A_191] : memref<256x32xi32, #tpu.memory_space<vmem>>[vector<16xi32>, vector<16xi32>], vector<16xi32>,
        %gather3A_193 = tpu.vector_load_idx %arg6[%gather3A_192] : memref<4096xi32, #tpu.memory_space<vmem>>[vector<16xi32>], vector<16xi32>,
        %bitcast3A_194 = vector.bitcast %gather3A_193 : vector<16xi32> to vector<32xbf16>
        %unpack3A_195 = tpu.unpack_subelements %bitcast3A_194, 0 {pack_format = #tpu.pack_format<interleaved>} : vector<32xbf16> -> vector<16xf32>
        %unpack3A_196 = tpu.unpack_subelements %bitcast3A_194, 1 {pack_format = #tpu.pack_format<interleaved>} : vector<32xbf16> -> vector<16xf32>
        %add3A_197 = arith.addf %add3A_145, %unpack3A_195 : vector<16xf32>
        %add3A_198 = arith.addf %add3A_146, %unpack3A_196 : vector<16xf32>
        %add3A_199 = arith.constant 6 : i32
        %add3A_200 = vector.broadcast %add3A_199 : i32 to vector<16xi32>
        %add3A_201 = arith.addi %iota3A, %add3A_200 : vector<16xi32>
        %and3A_202 = arith.constant 31 : i32
        %and3A_203 = vector.broadcast %and3A_202 : i32 to vector<16xi32>
        %and3A_204 = arith.andi %add3A_201, %and3A_203 : vector<16xi32>
        %gather3A_205 = tpu.vector_load_idx %arg8[%add3A_109, %and3A_204] : memref<256x32xi32, #tpu.memory_space<vmem>>[vector<16xi32>, vector<16xi32>], vector<16xi32>,
        %gather3A_206 = tpu.vector_load_idx %arg6[%gather3A_205] : memref<4096xi32, #tpu.memory_space<vmem>>[vector<16xi32>], vector<16xi32>,
        %bitcast3A_207 = vector.bitcast %gather3A_206 : vector<16xi32> to vector<32xbf16>
        %unpack3A_208 = tpu.unpack_subelements %bitcast3A_207, 0 {pack_format = #tpu.pack_format<interleaved>} : vector<32xbf16> -> vector<16xf32>
        %unpack3A_209 = tpu.unpack_subelements %bitcast3A_207, 1 {pack_format = #tpu.pack_format<interleaved>} : vector<32xbf16> -> vector<16xf32>
        %add3A_210 = arith.addf %add3A_158, %unpack3A_208 : vector<16xf32>
        %add3A_211 = arith.addf %add3A_159, %unpack3A_209 : vector<16xf32>
        %add3A_212 = arith.constant 7 : i32
        %add3A_213 = vector.broadcast %add3A_212 : i32 to vector<16xi32>
        %add3A_214 = arith.addi %iota3A, %add3A_213 : vector<16xi32>
        %and3A_215 = arith.constant 31 : i32
        %and3A_216 = vector.broadcast %and3A_215 : i32 to vector<16xi32>
        %and3A_217 = arith.andi %add3A_214, %and3A_216 : vector<16xi32>
        %gather3A_218 = tpu.vector_load_idx %arg8[%add3A_109, %and3A_217] : memref<256x32xi32, #tpu.memory_space<vmem>>[vector<16xi32>, vector<16xi32>], vector<16xi32>,
        %gather3A_219 = tpu.vector_load_idx %arg6[%gather3A_218] : memref<4096xi32, #tpu.memory_space<vmem>>[vector<16xi32>], vector<16xi32>,
        %bitcast3A_220 = vector.bitcast %gather3A_219 : vector<16xi32> to vector<32xbf16>
        %unpack3A_221 = tpu.unpack_subelements %bitcast3A_220, 0 {pack_format = #tpu.pack_format<interleaved>} : vector<32xbf16> -> vector<16xf32>
        %unpack3A_222 = tpu.unpack_subelements %bitcast3A_220, 1 {pack_format = #tpu.pack_format<interleaved>} : vector<32xbf16> -> vector<16xf32>
        %add3A_223 = arith.addf %add3A_171, %unpack3A_221 : vector<16xf32>
        %add3A_224 = arith.addf %add3A_172, %unpack3A_222 : vector<16xf32>
        %add3A_225 = arith.constant 8 : i32
        %add3A_226 = vector.broadcast %add3A_225 : i32 to vector<16xi32>
        %add3A_227 = arith.addi %iota3A, %add3A_226 : vector<16xi32>
        %and3A_228 = arith.constant 31 : i32
        %and3A_229 = vector.broadcast %and3A_228 : i32 to vector<16xi32>
        %and3A_230 = arith.andi %add3A_227, %and3A_229 : vector<16xi32>
        %gather3A_231 = tpu.vector_load_idx %arg8[%add3A_109, %and3A_230] : memref<256x32xi32, #tpu.memory_space<vmem>>[vector<16xi32>, vector<16xi32>], vector<16xi32>,
        %gather3A_232 = tpu.vector_load_idx %arg6[%gather3A_231] : memref<4096xi32, #tpu.memory_space<vmem>>[vector<16xi32>], vector<16xi32>,
        %bitcast3A_233 = vector.bitcast %gather3A_232 : vector<16xi32> to vector<32xbf16>
        %unpack3A_234 = tpu.unpack_subelements %bitcast3A_233, 0 {pack_format = #tpu.pack_format<interleaved>} : vector<32xbf16> -> vector<16xf32>
        %unpack3A_235 = tpu.unpack_subelements %bitcast3A_233, 1 {pack_format = #tpu.pack_format<interleaved>} : vector<32xbf16> -> vector<16xf32>
        %add3A_236 = arith.addf %add3A_184, %unpack3A_234 : vector<16xf32>
        %add3A_237 = arith.addf %add3A_185, %unpack3A_235 : vector<16xf32>
        %add3A_238 = arith.constant 9 : i32
        %add3A_239 = vector.broadcast %add3A_238 : i32 to vector<16xi32>
        %add3A_240 = arith.addi %iota3A, %add3A_239 : vector<16xi32>
        %and3A_241 = arith.constant 31 : i32
        %and3A_242 = vector.broadcast %and3A_241 : i32 to vector<16xi32>
        %and3A_243 = arith.andi %add3A_240, %and3A_242 : vector<16xi32>
        %gather3A_244 = tpu.vector_load_idx %arg8[%add3A_109, %and3A_243] : memref<256x32xi32, #tpu.memory_space<vmem>>[vector<16xi32>, vector<16xi32>], vector<16xi32>,
        %gather3A_245 = tpu.vector_load_idx %arg6[%gather3A_244] : memref<4096xi32, #tpu.memory_space<vmem>>[vector<16xi32>], vector<16xi32>,
        %bitcast3A_246 = vector.bitcast %gather3A_245 : vector<16xi32> to vector<32xbf16>
        %unpack3A_247 = tpu.unpack_subelements %bitcast3A_246, 0 {pack_format = #tpu.pack_format<interleaved>} : vector<32xbf16> -> vector<16xf32>
        %unpack3A_248 = tpu.unpack_subelements %bitcast3A_246, 1 {pack_format = #tpu.pack_format<interleaved>} : vector<32xbf16> -> vector<16xf32>
        %add3A_249 = arith.addf %add3A_197, %unpack3A_247 : vector<16xf32>
        %add3A_250 = arith.addf %add3A_198, %unpack3A_248 : vector<16xf32>
        %add3A_251 = arith.constant 10 : i32
        %add3A_252 = vector.broadcast %add3A_251 : i32 to vector<16xi32>
        %add3A_253 = arith.addi %iota3A, %add3A_252 : vector<16xi32>
        %and3A_254 = arith.constant 31 : i32
        %and3A_255 = vector.broadcast %and3A_254 : i32 to vector<16xi32>
        %and3A_256 = arith.andi %add3A_253, %and3A_255 : vector<16xi32>
        %gather3A_257 = tpu.vector_load_idx %arg8[%add3A_109, %and3A_256] : memref<256x32xi32, #tpu.memory_space<vmem>>[vector<16xi32>, vector<16xi32>], vector<16xi32>,
        %gather3A_258 = tpu.vector_load_idx %arg6[%gather3A_257] : memref<4096xi32, #tpu.memory_space<vmem>>[vector<16xi32>], vector<16xi32>,
        %bitcast3A_259 = vector.bitcast %gather3A_258 : vector<16xi32> to vector<32xbf16>
        %unpack3A_260 = tpu.unpack_subelements %bitcast3A_259, 0 {pack_format = #tpu.pack_format<interleaved>} : vector<32xbf16> -> vector<16xf32>
        %unpack3A_261 = tpu.unpack_subelements %bitcast3A_259, 1 {pack_format = #tpu.pack_format<interleaved>} : vector<32xbf16> -> vector<16xf32>
        %add3A_262 = arith.addf %add3A_210, %unpack3A_260 : vector<16xf32>
        %add3A_263 = arith.addf %add3A_211, %unpack3A_261 : vector<16xf32>
        %add3A_264 = arith.constant 11 : i32
        %add3A_265 = vector.broadcast %add3A_264 : i32 to vector<16xi32>
        %add3A_266 = arith.addi %iota3A, %add3A_265 : vector<16xi32>
        %and3A_267 = arith.constant 31 : i32
        %and3A_268 = vector.broadcast %and3A_267 : i32 to vector<16xi32>
        %and3A_269 = arith.andi %add3A_266, %and3A_268 : vector<16xi32>
        %gather3A_270 = tpu.vector_load_idx %arg8[%add3A_109, %and3A_269] : memref<256x32xi32, #tpu.memory_space<vmem>>[vector<16xi32>, vector<16xi32>], vector<16xi32>,
        %gather3A_271 = tpu.vector_load_idx %arg6[%gather3A_270] : memref<4096xi32, #tpu.memory_space<vmem>>[vector<16xi32>], vector<16xi32>,
        %bitcast3A_272 = vector.bitcast %gather3A_271 : vector<16xi32> to vector<32xbf16>
        %unpack3A_273 = tpu.unpack_subelements %bitcast3A_272, 0 {pack_format = #tpu.pack_format<interleaved>} : vector<32xbf16> -> vector<16xf32>
        %unpack3A_274 = tpu.unpack_subelements %bitcast3A_272, 1 {pack_format = #tpu.pack_format<interleaved>} : vector<32xbf16> -> vector<16xf32>
        %add3A_275 = arith.addf %add3A_223, %unpack3A_273 : vector<16xf32>
        %add3A_276 = arith.addf %add3A_224, %unpack3A_274 : vector<16xf32>
        %add3A_277 = arith.constant 12 : i32
        %add3A_278 = vector.broadcast %add3A_277 : i32 to vector<16xi32>
        %add3A_279 = arith.addi %iota3A, %add3A_278 : vector<16xi32>
        %and3A_280 = arith.constant 31 : i32
        %and3A_281 = vector.broadcast %and3A_280 : i32 to vector<16xi32>
        %and3A_282 = arith.andi %add3A_279, %and3A_281 : vector<16xi32>
        %gather3A_283 = tpu.vector_load_idx %arg8[%add3A_109, %and3A_282] : memref<256x32xi32, #tpu.memory_space<vmem>>[vector<16xi32>, vector<16xi32>], vector<16xi32>,
        %gather3A_284 = tpu.vector_load_idx %arg6[%gather3A_283] : memref<4096xi32, #tpu.memory_space<vmem>>[vector<16xi32>], vector<16xi32>,
        %bitcast3A_285 = vector.bitcast %gather3A_284 : vector<16xi32> to vector<32xbf16>
        %unpack3A_286 = tpu.unpack_subelements %bitcast3A_285, 0 {pack_format = #tpu.pack_format<interleaved>} : vector<32xbf16> -> vector<16xf32>
        %unpack3A_287 = tpu.unpack_subelements %bitcast3A_285, 1 {pack_format = #tpu.pack_format<interleaved>} : vector<32xbf16> -> vector<16xf32>
        %add3A_288 = arith.addf %add3A_236, %unpack3A_286 : vector<16xf32>
        %add3A_289 = arith.addf %add3A_237, %unpack3A_287 : vector<16xf32>
        %add3A_290 = arith.constant 13 : i32
        %add3A_291 = vector.broadcast %add3A_290 : i32 to vector<16xi32>
        %add3A_292 = arith.addi %iota3A, %add3A_291 : vector<16xi32>
        %and3A_293 = arith.constant 31 : i32
        %and3A_294 = vector.broadcast %and3A_293 : i32 to vector<16xi32>
        %and3A_295 = arith.andi %add3A_292, %and3A_294 : vector<16xi32>
        %gather3A_296 = tpu.vector_load_idx %arg8[%add3A_109, %and3A_295] : memref<256x32xi32, #tpu.memory_space<vmem>>[vector<16xi32>, vector<16xi32>], vector<16xi32>,
        %gather3A_297 = tpu.vector_load_idx %arg6[%gather3A_296] : memref<4096xi32, #tpu.memory_space<vmem>>[vector<16xi32>], vector<16xi32>,
        %bitcast3A_298 = vector.bitcast %gather3A_297 : vector<16xi32> to vector<32xbf16>
        %unpack3A_299 = tpu.unpack_subelements %bitcast3A_298, 0 {pack_format = #tpu.pack_format<interleaved>} : vector<32xbf16> -> vector<16xf32>
        %unpack3A_300 = tpu.unpack_subelements %bitcast3A_298, 1 {pack_format = #tpu.pack_format<interleaved>} : vector<32xbf16> -> vector<16xf32>
        %add3A_301 = arith.addf %add3A_249, %unpack3A_299 : vector<16xf32>
        %add3A_302 = arith.addf %add3A_250, %unpack3A_300 : vector<16xf32>
        %add3A_303 = arith.constant 14 : i32
        %add3A_304 = vector.broadcast %add3A_303 : i32 to vector<16xi32>
        %add3A_305 = arith.addi %iota3A, %add3A_304 : vector<16xi32>
        %and3A_306 = arith.constant 31 : i32
        %and3A_307 = vector.broadcast %and3A_306 : i32 to vector<16xi32>
        %and3A_308 = arith.andi %add3A_305, %and3A_307 : vector<16xi32>
        %gather3A_309 = tpu.vector_load_idx %arg8[%add3A_109, %and3A_308] : memref<256x32xi32, #tpu.memory_space<vmem>>[vector<16xi32>, vector<16xi32>], vector<16xi32>,
        %gather3A_310 = tpu.vector_load_idx %arg6[%gather3A_309] : memref<4096xi32, #tpu.memory_space<vmem>>[vector<16xi32>], vector<16xi32>,
        %bitcast3A_311 = vector.bitcast %gather3A_310 : vector<16xi32> to vector<32xbf16>
        %unpack3A_312 = tpu.unpack_subelements %bitcast3A_311, 0 {pack_format = #tpu.pack_format<interleaved>} : vector<32xbf16> -> vector<16xf32>
        %unpack3A_313 = tpu.unpack_subelements %bitcast3A_311, 1 {pack_format = #tpu.pack_format<interleaved>} : vector<32xbf16> -> vector<16xf32>
        %add3A_314 = arith.addf %add3A_262, %unpack3A_312 : vector<16xf32>
        %add3A_315 = arith.addf %add3A_263, %unpack3A_313 : vector<16xf32>
        %add3A_316 = arith.constant 15 : i32
        %add3A_317 = vector.broadcast %add3A_316 : i32 to vector<16xi32>
        %add3A_318 = arith.addi %iota3A, %add3A_317 : vector<16xi32>
        %and3A_319 = arith.constant 31 : i32
        %and3A_320 = vector.broadcast %and3A_319 : i32 to vector<16xi32>
        %and3A_321 = arith.andi %add3A_318, %and3A_320 : vector<16xi32>
        %gather3A_322 = tpu.vector_load_idx %arg8[%add3A_109, %and3A_321] : memref<256x32xi32, #tpu.memory_space<vmem>>[vector<16xi32>, vector<16xi32>], vector<16xi32>,
        %gather3A_323 = tpu.vector_load_idx %arg6[%gather3A_322] : memref<4096xi32, #tpu.memory_space<vmem>>[vector<16xi32>], vector<16xi32>,
        %bitcast3A_324 = vector.bitcast %gather3A_323 : vector<16xi32> to vector<32xbf16>
        %unpack3A_325 = tpu.unpack_subelements %bitcast3A_324, 0 {pack_format = #tpu.pack_format<interleaved>} : vector<32xbf16> -> vector<16xf32>
        %unpack3A_326 = tpu.unpack_subelements %bitcast3A_324, 1 {pack_format = #tpu.pack_format<interleaved>} : vector<32xbf16> -> vector<16xf32>
        %add3A_327 = arith.addf %add3A_275, %unpack3A_325 : vector<16xf32>
        %add3A_328 = arith.addf %add3A_276, %unpack3A_326 : vector<16xf32>
        %add3A_329 = arith.constant 16 : i32
        %add3A_330 = vector.broadcast %add3A_329 : i32 to vector<16xi32>
        %add3A_331 = arith.addi %iota3A, %add3A_330 : vector<16xi32>
        %and3A_332 = arith.constant 31 : i32
        %and3A_333 = vector.broadcast %and3A_332 : i32 to vector<16xi32>
        %and3A_334 = arith.andi %add3A_331, %and3A_333 : vector<16xi32>
        %gather3A_335 = tpu.vector_load_idx %arg8[%add3A_109, %and3A_334] : memref<256x32xi32, #tpu.memory_space<vmem>>[vector<16xi32>, vector<16xi32>], vector<16xi32>,
        %gather3A_336 = tpu.vector_load_idx %arg6[%gather3A_335] : memref<4096xi32, #tpu.memory_space<vmem>>[vector<16xi32>], vector<16xi32>,
        %bitcast3A_337 = vector.bitcast %gather3A_336 : vector<16xi32> to vector<32xbf16>
        %unpack3A_338 = tpu.unpack_subelements %bitcast3A_337, 0 {pack_format = #tpu.pack_format<interleaved>} : vector<32xbf16> -> vector<16xf32>
        %unpack3A_339 = tpu.unpack_subelements %bitcast3A_337, 1 {pack_format = #tpu.pack_format<interleaved>} : vector<32xbf16> -> vector<16xf32>
        %add3A_340 = arith.addf %add3A_288, %unpack3A_338 : vector<16xf32>
        %add3A_341 = arith.addf %add3A_289, %unpack3A_339 : vector<16xf32>
        %add3A_342 = arith.constant 17 : i32
        %add3A_343 = vector.broadcast %add3A_342 : i32 to vector<16xi32>
        %add3A_344 = arith.addi %iota3A, %add3A_343 : vector<16xi32>
        %and3A_345 = arith.constant 31 : i32
        %and3A_346 = vector.broadcast %and3A_345 : i32 to vector<16xi32>
        %and3A_347 = arith.andi %add3A_344, %and3A_346 : vector<16xi32>
        %gather3A_348 = tpu.vector_load_idx %arg8[%add3A_109, %and3A_347] : memref<256x32xi32, #tpu.memory_space<vmem>>[vector<16xi32>, vector<16xi32>], vector<16xi32>,
        %gather3A_349 = tpu.vector_load_idx %arg6[%gather3A_348] : memref<4096xi32, #tpu.memory_space<vmem>>[vector<16xi32>], vector<16xi32>,
        %bitcast3A_350 = vector.bitcast %gather3A_349 : vector<16xi32> to vector<32xbf16>
        %unpack3A_351 = tpu.unpack_subelements %bitcast3A_350, 0 {pack_format = #tpu.pack_format<interleaved>} : vector<32xbf16> -> vector<16xf32>
        %unpack3A_352 = tpu.unpack_subelements %bitcast3A_350, 1 {pack_format = #tpu.pack_format<interleaved>} : vector<32xbf16> -> vector<16xf32>
        %add3A_353 = arith.addf %add3A_301, %unpack3A_351 : vector<16xf32>
        %add3A_354 = arith.addf %add3A_302, %unpack3A_352 : vector<16xf32>
        %add3A_355 = arith.constant 18 : i32
        %add3A_356 = vector.broadcast %add3A_355 : i32 to vector<16xi32>
        %add3A_357 = arith.addi %iota3A, %add3A_356 : vector<16xi32>
        %and3A_358 = arith.constant 31 : i32
        %and3A_359 = vector.broadcast %and3A_358 : i32 to vector<16xi32>
        %and3A_360 = arith.andi %add3A_357, %and3A_359 : vector<16xi32>
        %gather3A_361 = tpu.vector_load_idx %arg8[%add3A_109, %and3A_360] : memref<256x32xi32, #tpu.memory_space<vmem>>[vector<16xi32>, vector<16xi32>], vector<16xi32>,
        %gather3A_362 = tpu.vector_load_idx %arg6[%gather3A_361] : memref<4096xi32, #tpu.memory_space<vmem>>[vector<16xi32>], vector<16xi32>,
        %bitcast3A_363 = vector.bitcast %gather3A_362 : vector<16xi32> to vector<32xbf16>
        %unpack3A_364 = tpu.unpack_subelements %bitcast3A_363, 0 {pack_format = #tpu.pack_format<interleaved>} : vector<32xbf16> -> vector<16xf32>
        %unpack3A_365 = tpu.unpack_subelements %bitcast3A_363, 1 {pack_format = #tpu.pack_format<interleaved>} : vector<32xbf16> -> vector<16xf32>
        %add3A_366 = arith.addf %add3A_314, %unpack3A_364 : vector<16xf32>
        %add3A_367 = arith.addf %add3A_315, %unpack3A_365 : vector<16xf32>
        %add3A_368 = arith.constant 19 : i32
        %add3A_369 = vector.broadcast %add3A_368 : i32 to vector<16xi32>
        %add3A_370 = arith.addi %iota3A, %add3A_369 : vector<16xi32>
        %and3A_371 = arith.constant 31 : i32
        %and3A_372 = vector.broadcast %and3A_371 : i32 to vector<16xi32>
        %and3A_373 = arith.andi %add3A_370, %and3A_372 : vector<16xi32>
        %gather3A_374 = tpu.vector_load_idx %arg8[%add3A_109, %and3A_373] : memref<256x32xi32, #tpu.memory_space<vmem>>[vector<16xi32>, vector<16xi32>], vector<16xi32>,
        %gather3A_375 = tpu.vector_load_idx %arg6[%gather3A_374] : memref<4096xi32, #tpu.memory_space<vmem>>[vector<16xi32>], vector<16xi32>,
        %bitcast3A_376 = vector.bitcast %gather3A_375 : vector<16xi32> to vector<32xbf16>
        %unpack3A_377 = tpu.unpack_subelements %bitcast3A_376, 0 {pack_format = #tpu.pack_format<interleaved>} : vector<32xbf16> -> vector<16xf32>
        %unpack3A_378 = tpu.unpack_subelements %bitcast3A_376, 1 {pack_format = #tpu.pack_format<interleaved>} : vector<32xbf16> -> vector<16xf32>
        %add3A_379 = arith.addf %add3A_327, %unpack3A_377 : vector<16xf32>
        %add3A_380 = arith.addf %add3A_328, %unpack3A_378 : vector<16xf32>
        %add3A_381 = arith.constant 20 : i32
        %add3A_382 = vector.broadcast %add3A_381 : i32 to vector<16xi32>
        %add3A_383 = arith.addi %iota3A, %add3A_382 : vector<16xi32>
        %and3A_384 = arith.constant 31 : i32
        %and3A_385 = vector.broadcast %and3A_384 : i32 to vector<16xi32>
        %and3A_386 = arith.andi %add3A_383, %and3A_385 : vector<16xi32>
        %gather3A_387 = tpu.vector_load_idx %arg8[%add3A_109, %and3A_386] : memref<256x32xi32, #tpu.memory_space<vmem>>[vector<16xi32>, vector<16xi32>], vector<16xi32>,
        %gather3A_388 = tpu.vector_load_idx %arg6[%gather3A_387] : memref<4096xi32, #tpu.memory_space<vmem>>[vector<16xi32>], vector<16xi32>,
        %bitcast3A_389 = vector.bitcast %gather3A_388 : vector<16xi32> to vector<32xbf16>
        %unpack3A_390 = tpu.unpack_subelements %bitcast3A_389, 0 {pack_format = #tpu.pack_format<interleaved>} : vector<32xbf16> -> vector<16xf32>
        %unpack3A_391 = tpu.unpack_subelements %bitcast3A_389, 1 {pack_format = #tpu.pack_format<interleaved>} : vector<32xbf16> -> vector<16xf32>
        %add3A_392 = arith.addf %add3A_340, %unpack3A_390 : vector<16xf32>
        %add3A_393 = arith.addf %add3A_341, %unpack3A_391 : vector<16xf32>
        %add3A_394 = arith.constant 21 : i32
        %add3A_395 = vector.broadcast %add3A_394 : i32 to vector<16xi32>
        %add3A_396 = arith.addi %iota3A, %add3A_395 : vector<16xi32>
        %and3A_397 = arith.constant 31 : i32
        %and3A_398 = vector.broadcast %and3A_397 : i32 to vector<16xi32>
        %and3A_399 = arith.andi %add3A_396, %and3A_398 : vector<16xi32>
        %gather3A_400 = tpu.vector_load_idx %arg8[%add3A_109, %and3A_399] : memref<256x32xi32, #tpu.memory_space<vmem>>[vector<16xi32>, vector<16xi32>], vector<16xi32>,
        %gather3A_401 = tpu.vector_load_idx %arg6[%gather3A_400] : memref<4096xi32, #tpu.memory_space<vmem>>[vector<16xi32>], vector<16xi32>,
        %bitcast3A_402 = vector.bitcast %gather3A_401 : vector<16xi32> to vector<32xbf16>
        %unpack3A_403 = tpu.unpack_subelements %bitcast3A_402, 0 {pack_format = #tpu.pack_format<interleaved>} : vector<32xbf16> -> vector<16xf32>
        %unpack3A_404 = tpu.unpack_subelements %bitcast3A_402, 1 {pack_format = #tpu.pack_format<interleaved>} : vector<32xbf16> -> vector<16xf32>
        %add3A_405 = arith.addf %add3A_353, %unpack3A_403 : vector<16xf32>
        %add3A_406 = arith.addf %add3A_354, %unpack3A_404 : vector<16xf32>
        %add3A_407 = arith.constant 22 : i32
        %add3A_408 = vector.broadcast %add3A_407 : i32 to vector<16xi32>
        %add3A_409 = arith.addi %iota3A, %add3A_408 : vector<16xi32>
        %and3A_410 = arith.constant 31 : i32
        %and3A_411 = vector.broadcast %and3A_410 : i32 to vector<16xi32>
        %and3A_412 = arith.andi %add3A_409, %and3A_411 : vector<16xi32>
        %gather3A_413 = tpu.vector_load_idx %arg8[%add3A_109, %and3A_412] : memref<256x32xi32, #tpu.memory_space<vmem>>[vector<16xi32>, vector<16xi32>], vector<16xi32>,
        %gather3A_414 = tpu.vector_load_idx %arg6[%gather3A_413] : memref<4096xi32, #tpu.memory_space<vmem>>[vector<16xi32>], vector<16xi32>,
        %bitcast3A_415 = vector.bitcast %gather3A_414 : vector<16xi32> to vector<32xbf16>
        %unpack3A_416 = tpu.unpack_subelements %bitcast3A_415, 0 {pack_format = #tpu.pack_format<interleaved>} : vector<32xbf16> -> vector<16xf32>
        %unpack3A_417 = tpu.unpack_subelements %bitcast3A_415, 1 {pack_format = #tpu.pack_format<interleaved>} : vector<32xbf16> -> vector<16xf32>
        %add3A_418 = arith.addf %add3A_366, %unpack3A_416 : vector<16xf32>
        %add3A_419 = arith.addf %add3A_367, %unpack3A_417 : vector<16xf32>
        %add3A_420 = arith.constant 23 : i32
        %add3A_421 = vector.broadcast %add3A_420 : i32 to vector<16xi32>
        %add3A_422 = arith.addi %iota3A, %add3A_421 : vector<16xi32>
        %and3A_423 = arith.constant 31 : i32
        %and3A_424 = vector.broadcast %and3A_423 : i32 to vector<16xi32>
        %and3A_425 = arith.andi %add3A_422, %and3A_424 : vector<16xi32>
        %gather3A_426 = tpu.vector_load_idx %arg8[%add3A_109, %and3A_425] : memref<256x32xi32, #tpu.memory_space<vmem>>[vector<16xi32>, vector<16xi32>], vector<16xi32>,
        %gather3A_427 = tpu.vector_load_idx %arg6[%gather3A_426] : memref<4096xi32, #tpu.memory_space<vmem>>[vector<16xi32>], vector<16xi32>,
        %bitcast3A_428 = vector.bitcast %gather3A_427 : vector<16xi32> to vector<32xbf16>
        %unpack3A_429 = tpu.unpack_subelements %bitcast3A_428, 0 {pack_format = #tpu.pack_format<interleaved>} : vector<32xbf16> -> vector<16xf32>
        %unpack3A_430 = tpu.unpack_subelements %bitcast3A_428, 1 {pack_format = #tpu.pack_format<interleaved>} : vector<32xbf16> -> vector<16xf32>
        %add3A_431 = arith.addf %add3A_379, %unpack3A_429 : vector<16xf32>
        %add3A_432 = arith.addf %add3A_380, %unpack3A_430 : vector<16xf32>
        %add3A_433 = arith.constant 24 : i32
        %add3A_434 = vector.broadcast %add3A_433 : i32 to vector<16xi32>
        %add3A_435 = arith.addi %iota3A, %add3A_434 : vector<16xi32>
        %and3A_436 = arith.constant 31 : i32
        %and3A_437 = vector.broadcast %and3A_436 : i32 to vector<16xi32>
        %and3A_438 = arith.andi %add3A_435, %and3A_437 : vector<16xi32>
        %gather3A_439 = tpu.vector_load_idx %arg8[%add3A_109, %and3A_438] : memref<256x32xi32, #tpu.memory_space<vmem>>[vector<16xi32>, vector<16xi32>], vector<16xi32>,
        %gather3A_440 = tpu.vector_load_idx %arg6[%gather3A_439] : memref<4096xi32, #tpu.memory_space<vmem>>[vector<16xi32>], vector<16xi32>,
        %bitcast3A_441 = vector.bitcast %gather3A_440 : vector<16xi32> to vector<32xbf16>
        %unpack3A_442 = tpu.unpack_subelements %bitcast3A_441, 0 {pack_format = #tpu.pack_format<interleaved>} : vector<32xbf16> -> vector<16xf32>
        %unpack3A_443 = tpu.unpack_subelements %bitcast3A_441, 1 {pack_format = #tpu.pack_format<interleaved>} : vector<32xbf16> -> vector<16xf32>
        %add3A_444 = arith.addf %add3A_392, %unpack3A_442 : vector<16xf32>
        %add3A_445 = arith.addf %add3A_393, %unpack3A_443 : vector<16xf32>
        %add3A_446 = arith.constant 25 : i32
        %add3A_447 = vector.broadcast %add3A_446 : i32 to vector<16xi32>
        %add3A_448 = arith.addi %iota3A, %add3A_447 : vector<16xi32>
        %and3A_449 = arith.constant 31 : i32
        %and3A_450 = vector.broadcast %and3A_449 : i32 to vector<16xi32>
        %and3A_451 = arith.andi %add3A_448, %and3A_450 : vector<16xi32>
        %gather3A_452 = tpu.vector_load_idx %arg8[%add3A_109, %and3A_451] : memref<256x32xi32, #tpu.memory_space<vmem>>[vector<16xi32>, vector<16xi32>], vector<16xi32>,
        %gather3A_453 = tpu.vector_load_idx %arg6[%gather3A_452] : memref<4096xi32, #tpu.memory_space<vmem>>[vector<16xi32>], vector<16xi32>,
        %bitcast3A_454 = vector.bitcast %gather3A_453 : vector<16xi32> to vector<32xbf16>
        %unpack3A_455 = tpu.unpack_subelements %bitcast3A_454, 0 {pack_format = #tpu.pack_format<interleaved>} : vector<32xbf16> -> vector<16xf32>
        %unpack3A_456 = tpu.unpack_subelements %bitcast3A_454, 1 {pack_format = #tpu.pack_format<interleaved>} : vector<32xbf16> -> vector<16xf32>
        %add3A_457 = arith.addf %add3A_405, %unpack3A_455 : vector<16xf32>
        %add3A_458 = arith.addf %add3A_406, %unpack3A_456 : vector<16xf32>
        %add3A_459 = arith.constant 26 : i32
        %add3A_460 = vector.broadcast %add3A_459 : i32 to vector<16xi32>
        %add3A_461 = arith.addi %iota3A, %add3A_460 : vector<16xi32>
        %and3A_462 = arith.constant 31 : i32
        %and3A_463 = vector.broadcast %and3A_462 : i32 to vector<16xi32>
        %and3A_464 = arith.andi %add3A_461, %and3A_463 : vector<16xi32>
        %gather3A_465 = tpu.vector_load_idx %arg8[%add3A_109, %and3A_464] : memref<256x32xi32, #tpu.memory_space<vmem>>[vector<16xi32>, vector<16xi32>], vector<16xi32>,
        %gather3A_466 = tpu.vector_load_idx %arg6[%gather3A_465] : memref<4096xi32, #tpu.memory_space<vmem>>[vector<16xi32>], vector<16xi32>,
        %bitcast3A_467 = vector.bitcast %gather3A_466 : vector<16xi32> to vector<32xbf16>
        %unpack3A_468 = tpu.unpack_subelements %bitcast3A_467, 0 {pack_format = #tpu.pack_format<interleaved>} : vector<32xbf16> -> vector<16xf32>
        %unpack3A_469 = tpu.unpack_subelements %bitcast3A_467, 1 {pack_format = #tpu.pack_format<interleaved>} : vector<32xbf16> -> vector<16xf32>
        %add3A_470 = arith.addf %add3A_418, %unpack3A_468 : vector<16xf32>
        %add3A_471 = arith.addf %add3A_419, %unpack3A_469 : vector<16xf32>
        %add3A_472 = arith.constant 27 : i32
        %add3A_473 = vector.broadcast %add3A_472 : i32 to vector<16xi32>
        %add3A_474 = arith.addi %iota3A, %add3A_473 : vector<16xi32>
        %and3A_475 = arith.constant 31 : i32
        %and3A_476 = vector.broadcast %and3A_475 : i32 to vector<16xi32>
        %and3A_477 = arith.andi %add3A_474, %and3A_476 : vector<16xi32>
        %gather3A_478 = tpu.vector_load_idx %arg8[%add3A_109, %and3A_477] : memref<256x32xi32, #tpu.memory_space<vmem>>[vector<16xi32>, vector<16xi32>], vector<16xi32>,
        %gather3A_479 = tpu.vector_load_idx %arg6[%gather3A_478] : memref<4096xi32, #tpu.memory_space<vmem>>[vector<16xi32>], vector<16xi32>,
        %bitcast3A_480 = vector.bitcast %gather3A_479 : vector<16xi32> to vector<32xbf16>
        %unpack3A_481 = tpu.unpack_subelements %bitcast3A_480, 0 {pack_format = #tpu.pack_format<interleaved>} : vector<32xbf16> -> vector<16xf32>
        %unpack3A_482 = tpu.unpack_subelements %bitcast3A_480, 1 {pack_format = #tpu.pack_format<interleaved>} : vector<32xbf16> -> vector<16xf32>
        %add3A_483 = arith.addf %add3A_431, %unpack3A_481 : vector<16xf32>
        %add3A_484 = arith.addf %add3A_432, %unpack3A_482 : vector<16xf32>
        %add3A_485 = arith.constant 28 : i32
        %add3A_486 = vector.broadcast %add3A_485 : i32 to vector<16xi32>
        %add3A_487 = arith.addi %iota3A, %add3A_486 : vector<16xi32>
        %and3A_488 = arith.constant 31 : i32
        %and3A_489 = vector.broadcast %and3A_488 : i32 to vector<16xi32>
        %and3A_490 = arith.andi %add3A_487, %and3A_489 : vector<16xi32>
        %gather3A_491 = tpu.vector_load_idx %arg8[%add3A_109, %and3A_490] : memref<256x32xi32, #tpu.memory_space<vmem>>[vector<16xi32>, vector<16xi32>], vector<16xi32>,
        %gather3A_492 = tpu.vector_load_idx %arg6[%gather3A_491] : memref<4096xi32, #tpu.memory_space<vmem>>[vector<16xi32>], vector<16xi32>,
        %bitcast3A_493 = vector.bitcast %gather3A_492 : vector<16xi32> to vector<32xbf16>
        %unpack3A_494 = tpu.unpack_subelements %bitcast3A_493, 0 {pack_format = #tpu.pack_format<interleaved>} : vector<32xbf16> -> vector<16xf32>
        %unpack3A_495 = tpu.unpack_subelements %bitcast3A_493, 1 {pack_format = #tpu.pack_format<interleaved>} : vector<32xbf16> -> vector<16xf32>
        %add3A_496 = arith.addf %add3A_444, %unpack3A_494 : vector<16xf32>
        %add3A_497 = arith.addf %add3A_445, %unpack3A_495 : vector<16xf32>
        %add3A_498 = arith.constant 29 : i32
        %add3A_499 = vector.broadcast %add3A_498 : i32 to vector<16xi32>
        %add3A_500 = arith.addi %iota3A, %add3A_499 : vector<16xi32>
        %and3A_501 = arith.constant 31 : i32
        %and3A_502 = vector.broadcast %and3A_501 : i32 to vector<16xi32>
        %and3A_503 = arith.andi %add3A_500, %and3A_502 : vector<16xi32>
        %gather3A_504 = tpu.vector_load_idx %arg8[%add3A_109, %and3A_503] : memref<256x32xi32, #tpu.memory_space<vmem>>[vector<16xi32>, vector<16xi32>], vector<16xi32>,
        %gather3A_505 = tpu.vector_load_idx %arg6[%gather3A_504] : memref<4096xi32, #tpu.memory_space<vmem>>[vector<16xi32>], vector<16xi32>,
        %bitcast3A_506 = vector.bitcast %gather3A_505 : vector<16xi32> to vector<32xbf16>
        %unpack3A_507 = tpu.unpack_subelements %bitcast3A_506, 0 {pack_format = #tpu.pack_format<interleaved>} : vector<32xbf16> -> vector<16xf32>
        %unpack3A_508 = tpu.unpack_subelements %bitcast3A_506, 1 {pack_format = #tpu.pack_format<interleaved>} : vector<32xbf16> -> vector<16xf32>
        %add3A_509 = arith.addf %add3A_457, %unpack3A_507 : vector<16xf32>
        %add3A_510 = arith.addf %add3A_458, %unpack3A_508 : vector<16xf32>
        %add3A_511 = arith.constant 30 : i32
        %add3A_512 = vector.broadcast %add3A_511 : i32 to vector<16xi32>
        %add3A_513 = arith.addi %iota3A, %add3A_512 : vector<16xi32>
        %and3A_514 = arith.constant 31 : i32
        %and3A_515 = vector.broadcast %and3A_514 : i32 to vector<16xi32>
        %and3A_516 = arith.andi %add3A_513, %and3A_515 : vector<16xi32>
        %gather3A_517 = tpu.vector_load_idx %arg8[%add3A_109, %and3A_516] : memref<256x32xi32, #tpu.memory_space<vmem>>[vector<16xi32>, vector<16xi32>], vector<16xi32>,
        %gather3A_518 = tpu.vector_load_idx %arg6[%gather3A_517] : memref<4096xi32, #tpu.memory_space<vmem>>[vector<16xi32>], vector<16xi32>,
        %bitcast3A_519 = vector.bitcast %gather3A_518 : vector<16xi32> to vector<32xbf16>
        %unpack3A_520 = tpu.unpack_subelements %bitcast3A_519, 0 {pack_format = #tpu.pack_format<interleaved>} : vector<32xbf16> -> vector<16xf32>
        %unpack3A_521 = tpu.unpack_subelements %bitcast3A_519, 1 {pack_format = #tpu.pack_format<interleaved>} : vector<32xbf16> -> vector<16xf32>
        %add3A_522 = arith.addf %add3A_470, %unpack3A_520 : vector<16xf32>
        %add3A_523 = arith.addf %add3A_471, %unpack3A_521 : vector<16xf32>
        %add3A_524 = arith.constant 31 : i32
        %add3A_525 = vector.broadcast %add3A_524 : i32 to vector<16xi32>
        %add3A_526 = arith.addi %iota3A, %add3A_525 : vector<16xi32>
        %and3A_527 = arith.constant 31 : i32
        %and3A_528 = vector.broadcast %and3A_527 : i32 to vector<16xi32>
        %and3A_529 = arith.andi %add3A_526, %and3A_528 : vector<16xi32>
        %gather3A_530 = tpu.vector_load_idx %arg8[%add3A_109, %and3A_529] : memref<256x32xi32, #tpu.memory_space<vmem>>[vector<16xi32>, vector<16xi32>], vector<16xi32>,
        %gather3A_531 = tpu.vector_load_idx %arg6[%gather3A_530] : memref<4096xi32, #tpu.memory_space<vmem>>[vector<16xi32>], vector<16xi32>,
        %bitcast3A_532 = vector.bitcast %gather3A_531 : vector<16xi32> to vector<32xbf16>
        %unpack3A_533 = tpu.unpack_subelements %bitcast3A_532, 0 {pack_format = #tpu.pack_format<interleaved>} : vector<32xbf16> -> vector<16xf32>
        %unpack3A_534 = tpu.unpack_subelements %bitcast3A_532, 1 {pack_format = #tpu.pack_format<interleaved>} : vector<32xbf16> -> vector<16xf32>
        %add3A_535 = arith.addf %add3A_483, %unpack3A_533 : vector<16xf32>
        %add3A_536 = arith.addf %add3A_484, %unpack3A_534 : vector<16xf32>
        %add3A_537 = arith.addf %add3A_496, %add3A_509 : vector<16xf32>
        %add3A_538 = arith.addf %add3A_522, %add3A_535 : vector<16xf32>
        %add3A_539 = arith.addf %add3A_537, %add3A_538 : vector<16xf32>
        %add3A_540 = arith.addf %add3A_497, %add3A_510 : vector<16xf32>
        %add3A_541 = arith.addf %add3A_523, %add3A_536 : vector<16xf32>
        %add3A_542 = arith.addf %add3A_540, %add3A_541 : vector<16xf32>
        %mul3A_543 = arith.constant 256 : i32
        %mul3A_544 = arith.muli %add3A_80, %mul3A_543 : i32
        %mul3A_545 = arith.constant 16 : i32
        %mul3A_546 = arith.muli %scan3A_104, %mul3A_545 : i32
        %add3A_547 = arith.addi %mul3A_544, %mul3A_546 : i32
        %swap3A = arith.index_cast %add3A_547 : i32 to index
        %swap3A_548 = tpu.vector_load %arg9[%swap3A] {strides = array<i32>} : memref<4096xf32, #tpu.memory_space<vmem>>, vector<16xf32>,
        tpu.vector_store %arg9[%swap3A], %add3A_539 {strides = array<i32>} : memref<4096xf32, #tpu.memory_space<vmem>>, vector<16xf32>,
        %swap3A_549 = arith.index_cast %add3A_547 : i32 to index
        %swap3A_550 = tpu.vector_load %arg10[%swap3A_549] {strides = array<i32>} : memref<4096xf32, #tpu.memory_space<vmem>>, vector<16xf32>,
        tpu.vector_store %arg10[%swap3A_549], %add3A_542 {strides = array<i32>} : memref<4096xf32, #tpu.memory_space<vmem>>, vector<16xf32>,
        %scan3A_551 = arith.constant 0 : i32
        scf.yield %scan3A_551 : i32
      }
      %scan3A_102 = arith.constant 16 : i32
      %scan3A_103 = arith.constant 0 : i32
      scf.yield %scan3A_103 : i32
    }
    %scan3A_52 = arith.constant 8 : i32
    "tpu.region"() ({
      %run_scoped3A = tpu.sem_alloc : memref<!tpu.dma_semaphore, #tpu.memory_space<semaphore_mem>>
      %dma_start3A_53 = arith.constant 0 : i32
      %dma_start3A_54 = tpu.memref_slice %arg4[%add3A_29, %dma_start3A_53] : memref<64x4096xf32, #tpu.memory_space<hbm>> -> memref<1x4096xf32, #tpu.memory_space<hbm>>
      %dma_start3A_55 = tpu.memref_squeeze %dma_start3A_54 : memref<1x4096xf32, #tpu.memory_space<hbm>> -> memref<4096xf32, #tpu.memory_space<hbm>>
      %dma_start3A_56 = arith.constant 0 : i32
      %dma_start3A_57 = tpu.memref_slice %arg4[%add3A_29, %dma_start3A_56] : memref<64x4096xf32, #tpu.memory_space<hbm>> -> memref<1x4096xf32, #tpu.memory_space<hbm>>
      %dma_start3A_58 = tpu.memref_squeeze %dma_start3A_57 : memref<1x4096xf32, #tpu.memory_space<hbm>> -> memref<4096xf32, #tpu.memory_space<hbm>>
      tpu.enqueue_dma source(%arg9 : memref<4096xf32, #tpu.memory_space<vmem>>) target(%dma_start3A_58 : memref<4096xf32, #tpu.memory_space<hbm>>) target_semaphore(%run_scoped3A : memref<!tpu.dma_semaphore, #tpu.memory_space<semaphore_mem>>)
      %dma_wait3A = arith.constant 0 : i32
      %dma_wait3A_59 = tpu.memref_slice %arg4[%add3A_29, %dma_wait3A] : memref<64x4096xf32, #tpu.memory_space<hbm>> -> memref<1x4096xf32, #tpu.memory_space<hbm>>
      %dma_wait3A_60 = tpu.memref_squeeze %dma_wait3A_59 : memref<1x4096xf32, #tpu.memory_space<hbm>> -> memref<4096xf32, #tpu.memory_space<hbm>>
      %dma_wait3A_61 = arith.constant 0 : i32
      %dma_wait3A_62 = tpu.memref_slice %arg4[%add3A_29, %dma_wait3A_61] : memref<64x4096xf32, #tpu.memory_space<hbm>> -> memref<1x4096xf32, #tpu.memory_space<hbm>>
      %dma_wait3A_63 = tpu.memref_squeeze %dma_wait3A_62 : memref<1x4096xf32, #tpu.memory_space<hbm>> -> memref<4096xf32, #tpu.memory_space<hbm>>
      tpu.wait_dma2 semaphore(%run_scoped3A : memref<!tpu.dma_semaphore, #tpu.memory_space<semaphore_mem>>) src(%arg9 : memref<4096xf32, #tpu.memory_space<vmem>>) dst(%dma_wait3A_63 : memref<4096xf32, #tpu.memory_space<hbm>>)
      tpu.yield
    }) : () -> ()
    "tpu.region"() ({
      %run_scoped3A = tpu.sem_alloc : memref<!tpu.dma_semaphore, #tpu.memory_space<semaphore_mem>>
      %dma_start3A_53 = arith.constant 0 : i32
      %dma_start3A_54 = tpu.memref_slice %arg5[%add3A_29, %dma_start3A_53] : memref<64x4096xf32, #tpu.memory_space<hbm>> -> memref<1x4096xf32, #tpu.memory_space<hbm>>
      %dma_start3A_55 = tpu.memref_squeeze %dma_start3A_54 : memref<1x4096xf32, #tpu.memory_space<hbm>> -> memref<4096xf32, #tpu.memory_space<hbm>>
      %dma_start3A_56 = arith.constant 0 : i32
      %dma_start3A_57 = tpu.memref_slice %arg5[%add3A_29, %dma_start3A_56] : memref<64x4096xf32, #tpu.memory_space<hbm>> -> memref<1x4096xf32, #tpu.memory_space<hbm>>
      %dma_start3A_58 = tpu.memref_squeeze %dma_start3A_57 : memref<1x4096xf32, #tpu.memory_space<hbm>> -> memref<4096xf32, #tpu.memory_space<hbm>>
      tpu.enqueue_dma source(%arg10 : memref<4096xf32, #tpu.memory_space<vmem>>) target(%dma_start3A_58 : memref<4096xf32, #tpu.memory_space<hbm>>) target_semaphore(%run_scoped3A : memref<!tpu.dma_semaphore, #tpu.memory_space<semaphore_mem>>)
      %dma_wait3A = arith.constant 0 : i32
      %dma_wait3A_59 = tpu.memref_slice %arg5[%add3A_29, %dma_wait3A] : memref<64x4096xf32, #tpu.memory_space<hbm>> -> memref<1x4096xf32, #tpu.memory_space<hbm>>
      %dma_wait3A_60 = tpu.memref_squeeze %dma_wait3A_59 : memref<1x4096xf32, #tpu.memory_space<hbm>> -> memref<4096xf32, #tpu.memory_space<hbm>>
      %dma_wait3A_61 = arith.constant 0 : i32
      %dma_wait3A_62 = tpu.memref_slice %arg5[%add3A_29, %dma_wait3A_61] : memref<64x4096xf32, #tpu.memory_space<hbm>> -> memref<1x4096xf32, #tpu.memory_space<hbm>>
      %dma_wait3A_63 = tpu.memref_squeeze %dma_wait3A_62 : memref<1x4096xf32, #tpu.memory_space<hbm>> -> memref<4096xf32, #tpu.memory_space<hbm>>
      tpu.wait_dma2 semaphore(%run_scoped3A : memref<!tpu.dma_semaphore, #tpu.memory_space<semaphore_mem>>) src(%arg10 : memref<4096xf32, #tpu.memory_space<vmem>>) dst(%dma_wait3A_63 : memref<4096xf32, #tpu.memory_space<hbm>>)
      tpu.yield
    }) : () -> ()
    return
  }
}

module attributes {stable_mosaic.version = 14 : i64} {
  func.func @_tc_body(%arg0: memref<1x1xf32, #tpu.memory_space<smem>>, %arg1: memref<64x1xf32, #tpu.memory_space<vmem>>, %arg2: memref<64x1xf32, #tpu.memory_space<vmem>>, %arg3: memref<64x4096xi32, #tpu.memory_space<vmem>>, %arg4: memref<64x4096xf32, #tpu.memory_space<vmem>>, %arg5: memref<64x4096xf32, #tpu.memory_space<vmem>>, %arg6: memref<64x4096xi32, #tpu.memory_space<vmem>>, %arg7: memref<64x4096xf32, #tpu.memory_space<vmem>>) attributes {dimension_semantics = [], scalar_prefetch = 0 : i64, scratch_operands = 0 : i64, tpu.core_type = #tpu.core_type<tc>} {
    %get3A = arith.constant 0 : index
    %get3A_0 = arith.constant 0 : index
    %get3A_1 = memref.load %arg0[%get3A, %get3A_0] : memref<1x1xf32, #tpu.memory_space<smem>>
    %get3A_2 = arith.constant 0 : index
    %get3A_3 = arith.constant 0 : index
    %get3A_4 = vector.load %arg3[%get3A_2, %get3A_3] : memref<64x4096xi32, #tpu.memory_space<vmem>>, vector<64x4096xi32>
    %shift_left3A = arith.constant 16 : i32
    %shift_left3A_5 = vector.broadcast %shift_left3A : i32 to vector<64x4096xi32>
    %shift_left3A_6 = arith.shli %get3A_4, %shift_left3A_5 : vector<64x4096xi32>
    %bitcast_convert_type3A = tpu.bitcast %shift_left3A_6 : vector<64x4096xi32> -> vector<64x4096xf32>
    %and3A = arith.constant -65536 : i32
    %and3A_7 = vector.broadcast %and3A : i32 to vector<64x4096xi32>
    %and3A_8 = arith.andi %get3A_4, %and3A_7 : vector<64x4096xi32>
    %bitcast_convert_type3A_9 = tpu.bitcast %and3A_8 : vector<64x4096xi32> -> vector<64x4096xf32>
    %get3A_10 = arith.constant 0 : index
    %get3A_11 = arith.constant 0 : index
    %get3A_12 = vector.load %arg1[%get3A_10, %get3A_11] : memref<64x1xf32, #tpu.memory_space<vmem>>, vector<64x1xf32>
    %mul3A = vector.broadcast %get3A_12 : vector<64x1xf32> to vector<64x4096xf32>
    %mul3A_13 = arith.mulf %bitcast_convert_type3A, %mul3A : vector<64x4096xf32>
    %get3A_14 = arith.constant 0 : index
    %get3A_15 = arith.constant 0 : index
    %get3A_16 = vector.load %arg2[%get3A_14, %get3A_15] : memref<64x1xf32, #tpu.memory_space<vmem>>, vector<64x1xf32>
    %mul3A_17 = vector.broadcast %get3A_16 : vector<64x1xf32> to vector<64x4096xf32>
    %mul3A_18 = arith.mulf %bitcast_convert_type3A_9, %mul3A_17 : vector<64x4096xf32>
    %add3A = arith.addf %mul3A_13, %mul3A_18 : vector<64x4096xf32>
    %get3A_19 = arith.constant 0 : index
    %get3A_20 = arith.constant 0 : index
    %get3A_21 = vector.load %arg4[%get3A_19, %get3A_20] : memref<64x4096xf32, #tpu.memory_space<vmem>>, vector<64x4096xf32>
    %mul3A_22 = arith.mulf %bitcast_convert_type3A, %get3A_21 : vector<64x4096xf32>
    %get3A_23 = arith.constant 0 : index
    %get3A_24 = arith.constant 0 : index
    %get3A_25 = vector.load %arg5[%get3A_23, %get3A_24] : memref<64x4096xf32, #tpu.memory_space<vmem>>, vector<64x4096xf32>
    %mul3A_26 = arith.mulf %bitcast_convert_type3A_9, %get3A_25 : vector<64x4096xf32>
    %add3A_27 = arith.addf %mul3A_22, %mul3A_26 : vector<64x4096xf32>
    %mul3A_28 = vector.broadcast %get3A_1 : f32 to vector<64x4096xf32>
    %mul3A_29 = arith.mulf %mul3A_28, %add3A_27 : vector<64x4096xf32>
    %add3A_30 = arith.addf %add3A, %mul3A_29 : vector<64x4096xf32>
    %get3A_31 = arith.constant 0 : index
    %get3A_32 = arith.constant 0 : index
    %get3A_33 = vector.load %arg6[%get3A_31, %get3A_32] : memref<64x4096xi32, #tpu.memory_space<vmem>>, vector<64x4096xi32>
    %get3A_34 = arith.constant dense<0> : vector<64x4096xi32>
    %get3A_35 = arith.cmpi ne, %get3A_33, %get3A_34 : vector<64x4096xi32>
    %jit3A = arith.constant -1.000000e+09 : f32
    %broadcast_in_dim3A = vector.broadcast %jit3A : f32 to vector<64x4096xf32>
    %select_n3A = arith.select %get3A_35, %broadcast_in_dim3A, %add3A_30 : vector<64x4096xi1>, vector<64x4096xf32>
    %reduce_max3A = arith.constant dense<0xFF800000> : vector<64xf32>
    %reduce_max3A_36 = vector.multi_reduction <maximumf>, %select_n3A, %reduce_max3A [1] : vector<64x4096xf32> to vector<64xf32>
    %broadcast_in_dim3A_37 = vector.shape_cast %reduce_max3A_36 : vector<64xf32> to vector<64x1xf32>
    %sub3A = vector.broadcast %broadcast_in_dim3A_37 : vector<64x1xf32> to vector<64x4096xf32>
    %sub3A_38 = arith.subf %select_n3A, %sub3A : vector<64x4096xf32>
    %exp3A = math.exp %sub3A_38 : vector<64x4096xf32>
    %reduce_sum3A = arith.constant dense<0.000000e+00> : vector<64xf32>
    %reduce_sum3A_39 = vector.multi_reduction <add>, %exp3A, %reduce_sum3A [1] : vector<64x4096xf32> to vector<64xf32>
    %broadcast_in_dim3A_40 = vector.shape_cast %reduce_sum3A_39 : vector<64xf32> to vector<64x1xf32>
    %log3A = math.log %broadcast_in_dim3A_40 : vector<64x1xf32>
    %add3A_41 = arith.addf %broadcast_in_dim3A_37, %log3A : vector<64x1xf32>
    %sub3A_42 = vector.broadcast %add3A_41 : vector<64x1xf32> to vector<64x4096xf32>
    %sub3A_43 = arith.subf %select_n3A, %sub3A_42 : vector<64x4096xf32>
    %swap3A = arith.constant 0 : index
    %swap3A_44 = arith.constant 0 : index
    %swap3A_45 = vector.load %arg7[%swap3A, %swap3A_44] : memref<64x4096xf32, #tpu.memory_space<vmem>>, vector<64x4096xf32>
    tpu.vector_store %arg7[%swap3A, %swap3A_44], %sub3A_43 {strides = array<i32>} : memref<64x4096xf32, #tpu.memory_space<vmem>>, vector<64x4096xf32>,
    return
  }
}

</mosaic_0001>

<sc_bundles>
// kernel: kernel.4.cloned.1.call-start
scs
__scs_entry_jumppad:
0x0: {  	(pc) =	sbr.rel $0x88, $3  }
0x1: {  	(tag) =	ssettag $0x0;
	lr =	simm.s32 $0x1  }
0x2: {  	[smem:$0x3F9C] =	sst lr;
	_ =	strace $0xD0000000  }
0x3: {  	_ = 	snop  }
0x4: {  	_ = 	snop  }
0x5: {  	_ = 	snop  }
0x6: {  	_ = 	snop  }
0x7: {  	_ = 	snop  }
__scs_overlays_trampoline_lowered:
0x8: {  	[smem:$0x3FAB] =	sst s0  }
0x9: {  	[smem:$0x3FAC] =	sst s1  }
0xa: {  	[smem:$0x3FAD] =	sst s2  }
0xb: {  	[smem:$0x3FAE] =	sst s3  }
0xc: {  	[smem:$0x3FAF] =	sst s4  }
0xd: {  	[smem:$0x3FB0] =	sst s5  }
0xe: {  	[smem:$0x3FB1] =	sst s6  }
0xf: {  	[smem:$0x3FB2] =	sst s7  }
0x10: {  	[smem:$0x3FB3] =	sst s8  }
0x11: {  	[smem:$0x3FB4] =	sst s9;
	s0 =	simm.s32 @!p0 $0x0  }
0x12: {  	s1 =	sld [smem:$0x3F9A];
	s0 =	simm.s32 @p0 $0x1  }
0x13: {  	[smem:$0x3FB5] =	sst s0;
	s0 =	simm.s32 @!p1 $0x0  }
0x14: {  	s2 =	sld [smem:$0x3F99];
	s0 =	simm.s32 @p1 $0x1  }
0x15: {  	[smem:$0x3FB6] =	sst s0;
	s0 =	simm.s32 @!p2 $0x0  }
0x16: {  	s3 =	sld [smem:$0x3FDB];
	s0 =	simm.s32 @p2 $0x1  }
0x17: {  	s4 =	simm.s32 $0x1BF5;
	[smem:$0x3FB8] =	sst s0  }
0x18: {  	s0 =	sld [smem:$0x3F9B];
	_ =	swait.ge [sflag:s4], $0x0  }
0x19: {  	s7 =	sld [smem:$0x3F9C]  }
0x1a: {  	s8 =	sadd.s32 $0xFFFFE003, lr  }
0x1b: {  	s9 =	sadd.s32 $0xFFFFFEF7, lr;
	s5 =	simm.s32 $0xFFFFFFFF;
	p2 =	slt.u32 s8, $0xFFFFF086  }
0x1c: {  	p1 =	slt.u32 s9, $0xF7A;
	s5 =	simm.s32 @!p2 $0x0  }
0x1d: {  	s5 =	simm.s32 @p1 $0x1;
	p0 =	seq.s32 s7, s2  }
0x1e: {  	s7 =	smul.u32 @!p0 $0xF7A, s2;
	p2 =	seq.s32 @!p0 s5, $0x0  }
0x1f: {  	s9 =	smul.u32 $0xF7A, s1;
	s8 =	simm.s32 @!p0 $0x1BF5;
	p2 =	por !p2, p0  }
0x20: {  	[sflag:s8] =	ssyncset.s32 @!p0 $0xFFFFF086;
	s6 =	sadd.s32 @!p0 s3, s7;
	s7 =	simm.s32 @!p0 $0x108  }
0x21: {  	s3 =	sadd.s32 s3, s9;
	s6 =	sadd.s32 @!p0 $0x88, s6;
	s7 =	simm.s32 @p2 $0x1082  }
0x22: {  	[simem:s7], [sflag:s8] =	dma.local @!p0 [hbm:s6], $0xF7A  }
0x23: {  	s9 =	sor.u32 $0xD0000000, s2;
	s6 =	simm.s32 $0x108;
	_ =	swait.ge @!p0 [sflag:s8], $0x0  }
0x24: {  	s3 =	sadd.s32 $0x88, s3;
	s6 =	simm.s32 @!p1 $0x1082;
	[sflag:s4] =	ssyncset.s32 $0xFFFFF086  }
0x25: {  	[simem:s6], [sflag:s4] =	dma.local [hbm:s3], $0xF7A  }
0x26: {  	[smem:$0x3F9C] =	sst s1;
	(tag) =	ssettag s2;
	_ =	strace s9  }
0x27: {  	s1 =	sld [smem:$0x3FAC]  }
0x28: {  	s2 =	sld [smem:$0x3FAD]  }
0x29: {  	s4 =	sld [smem:$0x3FAF]  }
0x2a: {  	p0 =	seq.s32 s5, $0x0;
	s5 =	sld [smem:$0x3FB0]  }
0x2b: {  	s6 =	sld [smem:$0x3FB1]  }
0x2c: {  	s7 =	sld [smem:$0x3FB2]  }
0x2d: {  	s3 =	simm.s32 $0x108;
	s8 =	sld [smem:$0x3FB3]  }
0x2e: {  	s3 =	simm.s32 @!p0 $0x1082;
	s9 =	sld [smem:$0x3FB4]  }
0x2f: {  	lr =	sadd.s32 s0, s3;
	s0 =	sld [smem:$0x3FAB]  }
0x30: {  	s3 =	sld [smem:$0x3FAE]  }
0x31: {  	[smem:$0x3FB7] =	sst s10  }
0x32: {  	s10 =	sld [smem:$0x3FB5];
	_ =	sdelay $0x3  }
0x33: {  	p0 =	seq.s32 s10, $0x1;
	s10 =	sld [smem:$0x3FB7];
	_ =	sdelay $0x3  }
0x34: {  	[smem:$0x3FB7] =	sst s10  }
0x35: {  	s10 =	sld [smem:$0x3FB6];
	_ =	sdelay $0x3  }
0x36: {  	p1 =	seq.s32 s10, $0x1;
	s10 =	sld [smem:$0x3FB7];
	_ =	sdelay $0x3  }
0x37: {  	[smem:$0x3FB7] =	sst s10  }
0x38: {  	s10 =	sld [smem:$0x3FB8]  }
0x39: {  	_ = 	snop;
	(pc) =	sbr.ind lr, $3  }
0x3a: {  	_ = 	snop  }
0x3b: {  	_ = 	snop  }
0x3c: {  	p2 =	seq.s32 s10, $0x1;
	s10 =	sld [smem:$0x3FB7]  }
0x3d: {  	_ =	shalt  }
0x3e: {  	_ =	shalt  }
0x3f: {  	_ =	shalt  }
0x40: {  	_ =	shalt  }
0x41: {  	_ =	shalt  }
0x42: {  	_ =	shalt  }
0x43: {  	_ =	shalt  }
0x44: {  	_ =	shalt  }
0x45: {  	_ =	shalt  }
0x46: {  	_ =	shalt  }
0x47: {  	_ =	shalt  }
0x48: {  	_ =	shalt  }
0x49: {  	_ =	shalt  }
0x4a: {  	_ =	shalt  }
0x4b: {  	_ =	shalt  }
0x4c: {  	_ =	shalt  }
0x4d: {  	_ =	shalt  }
0x4e: {  	_ =	shalt  }
0x4f: {  	_ =	shalt  }
0x50: {  	_ =	shalt  }
0x51: {  	_ =	shalt  }
0x52: {  	_ =	shalt  }
0x53: {  	_ =	shalt  }
0x54: {  	_ =	shalt  }
0x55: {  	_ =	shalt  }
0x56: {  	_ =	shalt  }
0x57: {  	_ =	shalt  }
0x58: {  	_ =	shalt  }
0x59: {  	_ =	shalt  }
0x5a: {  	_ =	shalt  }
0x5b: {  	_ =	shalt  }
0x5c: {  	_ =	shalt  }
0x5d: {  	_ =	shalt  }
0x5e: {  	_ =	shalt  }
0x5f: {  	_ =	shalt  }
0x60: {  	_ =	shalt  }
0x61: {  	_ =	shalt  }
0x62: {  	_ =	shalt  }
0x63: {  	_ =	shalt  }
0x64: {  	_ =	shalt  }
0x65: {  	_ =	shalt  }
0x66: {  	_ =	shalt  }
0x67: {  	_ =	shalt  }
0x68: {  	_ =	shalt  }
0x69: {  	_ =	shalt  }
0x6a: {  	_ =	shalt  }
0x6b: {  	_ =	shalt  }
0x6c: {  	_ =	shalt  }
0x6d: {  	_ =	shalt  }
0x6e: {  	_ =	shalt  }
0x6f: {  	_ =	shalt  }
0x70: {  	_ =	shalt  }
0x71: {  	_ =	shalt  }
0x72: {  	_ =	shalt  }
0x73: {  	_ =	shalt  }
0x74: {  	_ =	shalt  }
0x75: {  	_ =	shalt  }
0x76: {  	_ =	shalt  }
0x77: {  	_ =	shalt  }
0x78: {  	_ =	shalt  }
0x79: {  	_ =	shalt  }
0x7a: {  	_ =	shalt  }
0x7b: {  	_ =	shalt  }
0x7c: {  	_ =	shalt  }
0x7d: {  	_ =	shalt  }
0x7e: {  	_ =	shalt  }
0x7f: {  	_ =	shalt  }
0x80: {  	_ =	shalt  }
0x81: {  	_ =	shalt  }
0x82: {  	_ =	shalt  }
0x83: {  	_ =	shalt  }
0x84: {  	_ =	shalt  }
0x85: {  	_ =	shalt  }
0x86: {  	_ =	shalt  }
0x87: {  	_ =	shalt  }
.Lfunc_end0:
.L_simem_size_0:
called_computation_lowered:
.L_overlay_start_0:
0x88: {  	s2 =	sld [smem:$0x3FD9]  }
0x89: {  	s3 =	sld [smem:$0x3FFE];
	_ =	sdelay $0x1  }
0x8a: {  	s1 =	srdreg.scid  }
0x8b: {  	s0 =	sand.u32 $0x1, s1  }
0x8c: {  	s17 =	sshll.u32 s0, $0xA;
	s2 =	sadd.s32 s3, s2  }
0x8d: {  	s2 =	sadd.s32 s2, s17  }
0x8e: {  	[smem:$0x3FC3] =	sst s2  }
0x8f: {  	_ = 	snop  }
0x90: {  	s2 =	sld [smem:$0x3FD0];
	(tm) =	ssettm $0x1  }
0x91: {  	s18 =	sld [smem:$0x3FFB];
	_ =	sdelay $0x3  }
0x92: {  	_ =	strace s18  }
0x93: {  	s3 =	sld [smem:$0x3FFC];
	_ =	sdelay $0x3  }
0x94: {  	_ =	strace s3  }
0x95: {  	s3 =	sld [smem:$0x3FFD];
	_ =	sdelay $0x3  }
0x96: {  	_ =	strace s3  }
0x97: {  	_ =	strace $0x8FFFFFFF  }
0x98: {  	s19 =	sld [smem:$0x3FDB];
	_ =	sdelay $0x1  }
0x99: {  	s4 =	simm.s32 $_scs_section_size  }
0x9a: {  	s5 =	simm.s32 $_size__tile_overlayer_lowered;
	s6 =	simm.s32 $_tile_overlayer_lowered  }
0x9b: {  	s22 =	simm.s32 $0x1BFF;
	s21 =	sshll.u32 s6, $0x1;
	s3 =	sadd.s32 s4, s19  }
0x9c: {  	s7 =	simm.s32 $0x0;
	s20 =	sshll.u32 s5, $0x1;
	s5 =	sadd.s32 s21, s3  }
0x9d: {  	[timem:s7], [sflag:s22] =	dma.local [hbm:s5], s20  }
0x9e: {  	_ =	swait.ge [sflag:s22], s20  }
0x9f: {  	s4 =	ssub.s32 $0x0, s20;
	[sflag:s22] =	ssyncset.done $0x0  }
0xa0: {  	[sflag:s22] =	ssyncadd.s32 s4;
	_ =	sdelay $0x1  }
0xa1: {  	s23 =	simm.s32 $0x1B8B  }
0xa2: {  	_ =	swait.ge [sflag:s23], $0x1  }
0xa3: {  	[sflag:s23] =	ssyncset.done $0x0  }
0xa4: {  	s25 =	simm.s32 $0x1B8E;
	s24 =	sld [smem:$0x3FFE];
	[sflag:s23] =	ssyncadd.s32 $0xFFFFFFFF  }
0xa5: {  	s26 =	simm.s32 $execute0_lowered;
	[smem:$0x3FD2] =	sst s25  }
0xa6: {  	s5 =	sshll.u32 s26, $0x1;
	_ =	strace $0x80000046;
	[dreg:$0x1] =	wrdreg $0xFFFFFFFF  }
0xa7: {  	s28 =	simm.s32 $_size_execute0_lowered;
	s3 =	sadd.s32 s3, s5;
	[dreg:$0x0] =	wrdreg $0x0  }
0xa8: {  	s5 =	sshll.u32 s28, $0x1;
	[dreg:$0x2] =	wrdreg s3  }
0xa9: {  	[dreg:$0x3] =	wrdreg s5  }
0xaa: {  	[dreg:$0x4] =	wrdreg $0xC0  }
0xab: {  	_ =	task [dreg:s7], $0x5FFFF  }
0xac: {  	[dreg:$0x1] =	wrdreg $0xFFFFFFFF  }
0xad: {  	[dreg:$0x0] =	wrdreg $0x60  }
0xae: {  	[dreg:$0x2] =	wrdreg s2  }
0xaf: {  	[dreg:$0x3] =	wrdreg s24  }
0xb0: {  	[dreg:$0x4] =	wrdreg $0x9  }
0xb1: {  	_ =	task.clear_ibuf [dreg:s7], $0x5FFFF;
	_ =	strace $0x90000046  }
0xb2: {  	s29 =	simm.s32 $0x9;
	_ =	strace $0x80000048  }
0xb3: {  	_ =	swait.ge [sflag:s29], $0x1  }
0xb4: {  	[sflag:s29] =	ssyncadd.s32 $0xFFFFFFFF  }
0xb5: {  	_ =	strace $0x90000048  }
0xb6: {  	_ =	sfence  }
0xb7: {  	s30 =	sld [smem:$0x0];
	_ =	sdelay $0x2  }
0xb8: {  	s31 =	sshll.u32 s1, $0xD;
	s1 =	sshrl.u32 s1, $0x2  }
0xb9: {  	s3 =	sand.u32 $0x4000, s31;
	s1 =	sadd.s32 s1, s30  }
0xba: {  	s0 =	sor.u32 s3, s0;
	s1 =	sshll.u32 s1, $0x11  }
0xbb: {  	s0 =	sor.u32 s1, s0  }
0xbc: {  	s0 =	sadd.s32 $0x8F2B, s0  }
0xbd: {  	[sflag:s0] =	ssyncadd.remote.s32 $0x1  }
0xbe: {  	_ =	sfence.sel $0xFFFF  }
0xbf: {  	[dreg:$0x0] =	wrdreg $0xFFFFFFFF;
	(pc) =	sbr.abs _section_cstart, $3  }
0xc0: {  	[dreg:$0x1] =	wrdreg $0xFFFFFFFF  }
0xc1: {  	_ =	task.clear_ibuf [dreg:s7], $0x2FFFF;
	_ =	strace $0x9FFFFFFF  }
0xc2: {  	(tm) =	ssettm $0x7FFFFFFF  }
0xc3: {  	_ =	shalt  }
tec
execute0_lowered:
.L_overlay_start_1:
0x0: {  	(tag) =	ssettag $0x1  }
0x1: {  	v10 =	vlaneseq.u32  }
0x2: {  	v0 =	vimm.s32 $0x14131211;
	v1 =	vimm.s32 $0x18171615;
	v2 =	vimm.s32 $0x1C1B1A19  }
0x3: {  	v3 =	vimm.s32 $0x1F1E1D;
	v46 =	vimm.s32 $0x15141312;
	v4 =	vimm.s32 $0x19181716  }
0x4: {  	vm0 =	vcmask $0x1F10;
	v6 =	vimm.s32 $0x1D1C1B1A;
	v50 =	vimm.s32 $0x1001F1E  }
0x5: {  	v7 =	vimm.s32 $0x16151413;
	v8 =	vimm.s32 $0x1A191817;
	v9 =	vimm.s32 $0x1E1D1C1B  }
0x6: {  	v18 =	vimm.s32 $0x201001F;
	v19 =	vimm.s32 $0x3020100;
	v20 =	vimm.s32 $0x17161514  }
0x7: {  	v21 =	vimm.s32 $0x1B1A1918;
	v34 =	vimm.s32 $0x76543210;
	v35 =	vimm.s32 $0x87654321  }
0x8: {  	v36 =	vimm.s32 $0x98765432;
	v39 =	vimm.s32 $0xA9876543;
	v40 =	vimm.s32 $0x32107654  }
0x9: {  	vm15 =	vcmask $0x2F10;
	vm1 =	vcmask $0x3F30;
	v11 =	vmul.u32 $0x80, v10  }
0xa: {  	v16 =	vadd.s32 $0x1, v10;
	v54 =	vadd.s32 $0x2, v10;
	v55 =	vadd.s32 $0x3, v10  }
0xb: {  	v15 =	vadd.s32 $0x4, v10;
	v17 =	vadd.s32 $0x5, v10;
	v58 =	vadd.s32 $0x6, v10  }
0xc: {  	v49 =	vadd.s32 $0x7, v10;
	v59 =	vadd.s32 $0x8, v10;
	v60 =	vadd.s32 $0x9, v10  }
0xd: {  	v61 =	vadd.s32 $0xA, v10;
	v63 =	vadd.s32 $0xB, v10;
	v13 =	vadd.s32 $0xC, v10  }
0xe: {  	v57 =	vadd.s32 $0xD, v10;
	v56 =	vadd.s32 $0xE, v10;
	v62 =	vadd.s32 $0xF, v10  }
0xf: {  	s0 =	rddreg [dreg:$0x0];
	s2 =	simm.s32 $0x0;
	v0 =	vunpack.c.0.s8.s32 v0;
	v1 =	vunpack.c.0.s8.s32 v1;
	v2 =	vunpack.c.0.s8.s32 v2  }
0x10: {  	v27 =	vunpack.c.0.s8.s32 v3;
	v3 =	vunpack.c.0.s8.s32 v46;
	v4 =	vunpack.c.0.s8.s32 v4;
	[smem:$0x7FF] =	sst s2  }
0x11: {  	s3 =	rddreg [dreg:$0x1];
	v48 =	vunpack.c.0.s8.s32 v6;
	v6 =	vunpack.c.0.s8.s32 v50;
	v7 =	vunpack.c.0.s8.s32 v7;
	_ =	strace $0x80000047;
	[tilespmem:$0x1FE40] =	vst v13  }
0x12: {  	v8 =	vunpack.c.0.s8.s32 v8;
	v9 =	vunpack.c.0.s8.s32 v9;
	v28 =	vunpack.c.0.s8.s32 v18;
	[tilespmem:$0x1FE60] =	vst v15  }
0x13: {  	v18 =	vunpack.c.0.s8.s32 v19;
	v19 =	vimm.s32 $0x1F1E1D1C;
	v25 =	vunpack.c.0.s8.s32 v21;
	[tilespmem:$0x1FE70] =	vst v16  }
0x14: {  	v38 =	vunpack.c.l.s4.s8 v36;
	v42 =	vunpack.c.l.s4.s8 v40;
	v50 =	vimm.s32 $0x6543A987;
	[tilespmem:$0x1FE80] =	vst v17  }
0x15: {  	v29 =	vunpack.c.0.s8.s32 v19;
	v19 =	vunpack.c.0.s8.s32 v20;
	v20 =	vimm.s32 $0x4030201;
	[tilespmem:$0x1FE90] =	vst v54  }
0x16: {  	[tilespmem:$0x1FEA0] =	vst v55;
	v0 =	vsel vm0, v1, v0;
	v5 =	vsel vm0, v27, v2;
	v47 =	vsel vm0, v4, v3  }
0x17: {  	[tilespmem:$0x1FEB0] =	vst v58;
	v26 =	vsel vm0, v6, v48;
	v7 =	vsel vm0, v8, v7;
	v31 =	vsel vm0, v28, v9  }
0x18: {  	[tilespmem:$0x1FEC0] =	vst v59;
	v21 =	vunpack.c.0.s8.s32 v20;
	v1 =	vsel vm0, v2, v1;
	v3 =	vsel vm0, v48, v4  }
0x19: {  	[tilespmem:$0x1FED0] =	vst v60;
	v32 =	vsel vm0, v9, v8;
	v4 =	vunpack.c.l.s4.s8 v39;
	v46 =	vunpack.c.0.s8.s32 v42  }
0x1a: {  	[tilespmem:$0x1FEE0] =	vst v49;
	v48 =	vimm.s32 $0x54329876;
	v8 =	vimm.s32 $0xE0D0C0B;
	v12 =	vcombine.low v0, v5  }
0x1b: {  	[tilespmem:$0x1FEF0] =	vst v61;
	v18 =	vsel vm0, v18, v29;
	v19 =	vsel vm0, v25, v19;
	v14 =	vcombine.low v47, v26  }
0x1c: {  	[tilespmem:$0x1FF10] =	vst v57;
	v22 =	vcombine.low v7, v31;
	v37 =	vsel vm0, v29, v25;
	v47 =	vimm.s32 $0x43218765  }
0x1d: {  	s1 =	srdreg.scid;
	[tilespmem:$0x1FF20] =	vst v56;
	v8 =	vunpack.c.0.s8.s32 v8;
	v33 =	vcombine.low v19, v18;
	v19 =	vimm.s32 $0x5040302  }
0x1e: {  	s5 =	stileid.u32;
	s18 =	simm.s32 $0x80;
	s19 =	simm.s32 $0x400;
	[tilespmem:$0x1FF30] =	vst v62;
	v53 =	vsel vm0, v21, v27;
	v45 =	vunpack.c.0.s8.s32 v4;
	v4 =	vunpack.c.l.s4.s8 v50  }
0x1f: {  	s20 =	simm.s32 $0x3;
	s21 =	simm.s32 $0x1000;
	s22 =	simm.s32 $0x9000;
	[tilespmem:$0x1FF40] =	vst v63;
	v21 =	vor.u32 $0x10, v10;
	v51 =	vunpack.c.0.s8.s32 v19;
	v19 =	vimm.s32 $0x6050403  }
0x20: {  	s23 =	simm.s32 $0x1;
	s24 =	simm.s32 $0x2;
	s28 =	simm.s32 $0x0;
	[tilespmem:$0x1FE30] =	vst v11;
	v52 =	vunpack.c.0.s8.s32 v19;
	v19 =	vcombine.low v1, v53;
	v1 =	vunpack.c.0.s8.s32 v38  }
0x21: {  	s1 =	sand.u32 $0x1, s1;
	s4 =	sshll.u32 s5, $0x1;
	s5 =	sshll.u32 s5, $0xE;
	[tilespmem:$0x1FE20] =	vst v12;
	v4 =	vunpack.c.0.s8.s32 v4;
	v53 =	vimm.s32 $0xD0C0B0A;
	v2 =	vsel vm0, v51, v6  }
0x22: {  	s11 =	sadd.s32 $0x1000, s3;
	s15 =	sadd.s32 $0x401000, s3;
	s16 =	sadd.s32 $0x409000, s3;
	[tilespmem:$0x1FE50] =	vst v14;
	v51 =	vimm.s32 $0xB0A0908;
	v24 =	vcombine.low v3, v2;
	v3 =	vunpack.c.l.s4.s8 v35  }
0x23: {  	s12 =	sadd.s32 $0x2000, s3;
	s13 =	sadd.s32 $0x3000, s3;
	s4 =	sor.u32 s1, s4;
	[tilespmem:$0x1FF00] =	vst v22;
	v0 =	vsel vm0, v52, v28;
	v2 =	vunpack.c.l.s4.s8 v34;
	v43 =	vand.u32 $0xF, v1  }
0x24: {  	s3 =	sadd.s32 $0x4000, s3;
	s1 =	ssub.s32 $0x2, s1;
	s6 =	sshll.u32 s4, $0x8;
	[tilespmem:$0x1FF70] =	vst v21;
	v4 =	vand.u32 $0xF, v4;
	v44 =	vcombine.low v32, v0;
	v3 =	vunpack.c.0.s8.s32 v3  }
0x25: {  	s7 =	sshrl.u32 s1, $0x1;
	s29 =	sshll.u32 s4, $0x11;
	s4 =	sshllo.u32 s4, $0x1;
	[tilespmem:$0x1FF60] =	vst v33;
	v30 =	vcombine.low v26, v43;
	v0 =	vand.u32 $0xF, v46;
	v2 =	vunpack.c.0.s8.s32 v2  }
0x26: {  	s6 =	sor.u32 s5, s6;
	s1 =	ssub.s32 s1, s7;
	s30 =	sadd.s32 s11, s29;
	[tilespmem:$0x1FFE0] =	vst v19;
	v4 =	vsel vm15, v4, v28;
	v41 =	vand.u32 $0xF, v3;
	v3 =	vunpack.c.l.s4.s8 v48  }
0x27: {  	s31 =	sadd.s32 s29, s12;
	s8 =	sshll.u32 s4, $0x7;
	s7 =	sadd.s32 s29, s3;
	v32 =	vsel vm1, v8, v4;
	[tilespmem:$0x1FFF0] =	vst v24;
	v20 =	vcombine.low v37, v2;
	v2 =	vunpack.c.l.s4.s8 v47  }
0x28: {  	s4 =	sshll.u32 s4, $0x10;
	s6 =	sand.u32 $0x38300, s6;
	[dreg:$0x4] =	wrdreg s30;
	[tilespmem:$0x1FFA0] =	vst v30;
	v18 =	vcombine.low v5, v41;
	v5 =	vunpack.c.0.s8.s32 v51;
	v3 =	vunpack.c.0.s8.s32 v3  }
0x29: {  	[dreg:$0x5] =	wrdreg s31;
	s5 =	sor.u32 s5, s8;
	s11 =	sadd.s32 s11, s4;
	v7 =	vunpack.c.0.s8.s32 v53;
	v0 =	vsel vm15, v0, v29;
	[tilespmem:$0x1FFB0] =	vst v32;
	v2 =	vunpack.c.0.s8.s32 v2  }
0x2a: {  	s12 =	sadd.s32 s4, s12;
	s14 =	sadd.s32 s4, s3;
	s9 =	sshrl.u32 s6, $0x3;
	v52 =	vimm.s32 $0xC0B0A09;
	[tilespmem:$0x1FFD0] =	vst v44;
	v23 =	vsel vm1, v5, v0;
	v3 =	vand.u32 $0xF, v3  }
0x2b: {  	s17 =	smax.u32 s1, $0x1;
	s5 =	sand.u32 $0x38380, s5;
	s6 =	sadd.s32 s0, s9;
	[tilespmem:$0x1FFC0] =	vst v18;
	v2 =	vand.u32 $0xF, v2;
	v3 =	vsel vm15, v3, v6;
	v6 =	vunpack.c.0.s8.s32 v52  }
0x2c: {  	s8 =	sadd.s32 s15, s9;
	s9 =	sadd.s32 s16, s9;
	s5 =	sshrl.u32 s5, $0x3;
	[tilespmem:$0x1FF90] =	vst v23;
	v2 =	vsel vm15, v2, v27;
	v25 =	vsel vm1, v7, v3  }
0x2d: {  	[dreg:$0x3] =	wrdreg s6;
	s6 =	sadd.s32 s29, s13;
	s10 =	sadd.s32 s0, s5;
	v1 =	vand.u32 $0xF, v45;
	v28 =	vsel vm1, v6, v2;
	[tilespmem:$0x1FF50] =	vst v25  }
0x2e: {  	s13 =	sadd.s32 s4, s13;
	s15 =	sadd.s32 s15, s5;
	s16 =	sadd.s32 s16, s5;
	v26 =	vcombine.low v31, v1;
	[tilespmem:$0x1FF80] =	vst v28  }
.LBB2_1:
0x2f: {  	s0 =	rddreg [dreg:$0x3]  }
0x30: {  	[tilespmem:s2], [sflag:$0x3] =	stream.strided.gather [hbm4b:s0+s18], $0x1000, s19, s18, $0x38;
	[tilespmem:$0x13000] =	vst v63  }
0x31: {  	_ =	swait.ge [sflag:s20], $0x1000  }
0x32: {  	s29 =	simm.s32 $0x12100;
	s30 =	simm.s32 $0x11100;
	[sflag:s20] =	ssyncset.done $0x0  }
0x33: {  	s31 =	simm.s32 $0x12000;
	s25 =	rddreg [dreg:$0x4];
	[sflag:s20] =	ssyncadd.s32 $0xFFFFF000  }
0x34: {  	[tilespmem:s21], [sflag:$0x1] =	stream.linear.gather [hbm4b:s25+s2], $0x8000, $0x38;
	[tilespmem:$0x13000] =	vst v63  }
0x35: {  	s1 =	simm.s32 $0x11000;
	s0 =	simm.s32 $0x0;
	s26 =	rddreg [dreg:$0x5]  }
0x36: {  	[tilespmem:s22], [sflag:$0x2] =	stream.linear.gather [hbm4b:s26+s2], $0x8000, $0x38;
	[tilespmem:$0x13000] =	vst v63  }
.LBB2_2:
0x37: {  	s3 =	simm.s32 $0x0  }
0x38: {  	v0 =	vmov s3  }
0x39: {  	v0 =	vshll.u32 v0, $0x7  }
0x3a: {  	v0 =	vor.u32 v11, v0  }
0x3b: {  	v1 =	vor.u32 v23, v0  }
0x3c: {  	_ =	swait.ge [sflag:s23], $0x8000;
	s25 =	sshll.u32 s0, $0xD;
	p0 =	seq.s32 s0, $0x7;
	v2 =	vor.u32 v28, v0  }
0x3d: {  	[sflag:s23] =	ssyncset.done $0x0;
	s3 =	sadd.s32 @!p0 s25, s6;
	v3 =	vor.u32 v25, v0  }
0x3e: {  	s4 =	simm.s32 @!p0 $0x0;
	s5 =	simm.s32 @!p0 $0x1000;
	[sflag:s23] =	ssyncadd.s32 $0xFFFF8000;
	v4 =	vor.u32 v20, v0  }
0x3f: {  	[tilespmem:s5], [sflag:$0x1] =	stream.linear.gather @!p0 [hbm4b:s3+s4], $0x8000, $0x38;
	v5 =	vor.u32 v18, v0;
	[tilespmem:$0x13000] =	vst v63  }
0x40: {  	v6 =	vor.u32 v30, v0;
	v1 =	vld.idx.msk [tilespmem:v1+s21+$0x0], $0xffff  }
0x41: {  	v7 =	vor.u32 v33, v0;
	v2 =	vld.idx.msk [tilespmem:v2+s21+$0x0], $0xffff  }
0x42: {  	v8 =	vor.u32 v19, v0;
	v3 =	vld.idx.msk [tilespmem:v3+s21+$0x0], $0xffff  }
0x43: {  	v9 =	vor.u32 v24, v0;
	v4 =	vld.idx.msk [tilespmem:v4+s21+$0x0], $0xffff  }
0x44: {  	v51 =	vor.u32 v21, v0;
	v5 =	vld.idx.msk [tilespmem:v5+s21+$0x0], $0xffff  }
0x45: {  	v34 =	vor.u32 v12, v0;
	v6 =	vld.idx.msk [tilespmem:v6+s21+$0x0], $0xffff  }
0x46: {  	v35 =	vor.u32 v14, v0;
	v7 =	vld.idx.msk [tilespmem:v7+s21+$0x0], $0xffff  }
0x47: {  	v36 =	vor.u32 v13, v0;
	v8 =	vld.idx.msk [tilespmem:v8+s21+$0x0], $0xffff  }
0x48: {  	v37 =	vor.u32 v10, v0;
	v9 =	vld.idx.msk [tilespmem:v9+s21+$0x0], $0xffff  }
0x49: {  	v38 =	vor.u32 v15, v0;
	v33 =	vld.idx.msk [tilespmem:v51+s21+$0x0], $0xffff  }
0x4a: {  	v39 =	vor.u32 v16, v0;
	v34 =	vld.idx.msk [tilespmem:v34+s21+$0x0], $0xffff  }
0x4b: {  	v52 =	vor.u32 v17, v0;
	v35 =	vld.idx.msk [tilespmem:v35+s21+$0x0], $0xffff  }
0x4c: {  	v41 =	vor.u32 v59, v0;
	v40 =	vld.idx.msk [tilespmem:v36+s21+$0x0], $0xffff  }
0x4d: {  	v53 =	vor.u32 v60, v0;
	v37 =	vld.idx.msk [tilespmem:v37+s21+$0x0], $0xffff  }
0x4e: {  	v47 =	vor.u32 v56, v0;
	v38 =	vld.idx.msk [tilespmem:v38+s21+$0x0], $0xffff  }
0x4f: {  	v50 =	vor.u32 v58, v0;
	v39 =	vld.idx.msk [tilespmem:v39+s21+$0x0], $0xffff  }
0x50: {  	v36 =	vld.idx.msk [tilespmem:v52+s21+$0x0], $0xffff;
	v52 =	vor.u32 v61, v0  }
0x51: {  	v41 =	vld.idx.msk [tilespmem:v41+s21+$0x0], $0xffff  }
0x52: {  	v51 =	vld.idx.msk [tilespmem:v53+s21+$0x0], $0xffff  }
0x53: {  	v47 =	vld.idx.msk [tilespmem:v47+s21+$0x0], $0xffff  }
0x54: {  	v50 =	vld.idx.msk [tilespmem:v50+s21+$0x0], $0xffff  }
0x55: {  	v52 =	vld.idx.msk [tilespmem:v52+s21+$0x0], $0xffff  }
0x56: {  	v1 =	vld.idx.msk [tilespmem:v1+s2+$0x0], $0xffff  }
0x57: {  	v2 =	vld.idx.msk [tilespmem:v2+s2+$0x0], $0xffff  }
0x58: {  	v3 =	vld.idx.msk [tilespmem:v3+s2+$0x0], $0xffff  }
0x59: {  	v4 =	vld.idx.msk [tilespmem:v4+s2+$0x0], $0xffff  }
0x5a: {  	v5 =	vld.idx.msk [tilespmem:v5+s2+$0x0], $0xffff  }
0x5b: {  	v6 =	vld.idx.msk [tilespmem:v6+s2+$0x0], $0xffff  }
0x5c: {  	v7 =	vld.idx.msk [tilespmem:v7+s2+$0x0], $0xffff  }
0x5d: {  	v8 =	vld.idx.msk [tilespmem:v8+s2+$0x0], $0xffff  }
0x5e: {  	v44 =	vor.u32 v44, v0;
	v43 =	vld.idx.msk [tilespmem:v34+s2+$0x0], $0xffff;
	v34 =	vor.u32 v57, v0  }
0x5f: {  	v45 =	vor.u32 v26, v0;
	v46 =	vor.u32 v32, v0;
	v48 =	vor.u32 v62, v0;
	v37 =	vld.idx.msk [tilespmem:v37+s2+$0x0], $0xffff  }
0x60: {  	v10 =	vor.u32 v22, v0;
	v54 =	vor.u32 v54, v0;
	v55 =	vor.u32 v55, v0;
	v42 =	vld.idx.msk [tilespmem:v33+s2+$0x0], $0xffff  }
0x61: {  	v53 =	vor.u32 v63, v0;
	v0 =	vor.u32 v49, v0;
	v39 =	vld.idx.msk [tilespmem:v39+s2+$0x0], $0xffff;
	v27 =	vunpack.i.u.bf16.f32 v1  }
0x62: {  	v38 =	vld.idx.msk [tilespmem:v38+s2+$0x0], $0xffff;
	v1 =	vunpack.i.l.bf16.f32 v1;
	v29 =	vunpack.i.u.bf16.f32 v2;
	v2 =	vunpack.i.l.bf16.f32 v2  }
0x63: {  	v58 =	vld.idx.msk [tilespmem:v34+s21+$0x0], $0xffff;
	v33 =	vunpack.i.u.bf16.f32 v3;
	v34 =	vunpack.i.l.bf16.f32 v3;
	v3 =	vunpack.i.u.bf16.f32 v4  }
0x64: {  	v31 =	vmovc v59;
	v19 =	vmovc v60;
	v60 =	vld.idx.msk [tilespmem:v36+s2+$0x0], $0xffff;
	v4 =	vunpack.i.l.bf16.f32 v4;
	v59 =	vunpack.i.u.bf16.f32 v5;
	v49 =	vunpack.i.l.bf16.f32 v37  }
0x65: {  	v61 =	vld.idx.msk [tilespmem:v35+s2+$0x0], $0xffff;
	v5 =	vunpack.i.l.bf16.f32 v5;
	v35 =	vunpack.i.u.bf16.f32 v6;
	v36 =	vunpack.i.l.bf16.f32 v6  }
0x66: {  	v18 =	vmovc v57;
	v22 =	vmovc v63;
	v41 =	vld.idx.msk [tilespmem:v41+s2+$0x0], $0xffff;
	v6 =	vunpack.i.u.bf16.f32 v37;
	v63 =	vunpack.i.l.bf16.f32 v39;
	v39 =	vunpack.i.u.bf16.f32 v39  }
0x67: {  	v57 =	vmovc v24;
	v24 =	vmovc v62;
	v51 =	vld.idx.msk [tilespmem:v51+s2+$0x0], $0xffff;
	v62 =	vadd.f32 $0.0e+00, v49;
	v49 =	vunpack.i.l.bf16.f32 v38;
	v6 =	vadd.f32 $0.0e+00, v6  }
0x68: {  	v40 =	vld.idx.msk [tilespmem:v40+s2+$0x0], $0xffff;
	v38 =	vunpack.i.u.bf16.f32 v38;
	v63 =	vadd.f32 $0.0e+00, v63;
	v39 =	vadd.f32 $0.0e+00, v39  }
0x69: {  	v0 =	vld.idx.msk [tilespmem:v0+s21+$0x0], $0xffff;
	v37 =	vadd.f32 v49, v62;
	v62 =	vunpack.i.u.bf16.f32 v7;
	v6 =	vadd.f32 v38, v6  }
0x6a: {  	v54 =	vld.idx.msk [tilespmem:v54+s21+$0x0], $0xffff;
	v49 =	vunpack.i.l.bf16.f32 v60;
	v7 =	vunpack.i.l.bf16.f32 v7;
	v60 =	vunpack.i.u.bf16.f32 v60  }
0x6b: {  	v55 =	vld.idx.msk [tilespmem:v55+s21+$0x0], $0xffff;
	v39 =	vadd.f32 v60, v39;
	v60 =	vunpack.i.u.bf16.f32 v41;
	v41 =	vunpack.i.l.bf16.f32 v41  }
0x6c: {  	v38 =	vadd.f32 v49, v63;
	v63 =	vunpack.i.u.bf16.f32 v8;
	v37 =	vadd.f32 v41, v37;
	v58 =	vld.idx.msk [tilespmem:v58+s2+$0x0], $0xffff  }
0x6d: {  	v9 =	vld.idx.msk [tilespmem:v9+s2+$0x0], $0xffff;
	v6 =	vadd.f32 v60, v6;
	v41 =	vunpack.i.l.bf16.f32 v51;
	v51 =	vunpack.i.u.bf16.f32 v51  }
0x6e: {  	v47 =	vld.idx.msk [tilespmem:v47+s2+$0x0], $0xffff;
	v39 =	vadd.f32 v51, v39;
	v51 =	vunpack.i.u.bf16.f32 v40;
	v40 =	vunpack.i.l.bf16.f32 v40  }
0x6f: {  	v52 =	vld.idx.msk [tilespmem:v52+s2+$0x0], $0xffff;
	v8 =	vunpack.i.l.bf16.f32 v8;
	v38 =	vadd.f32 v41, v38;
	v37 =	vadd.f32 v40, v37  }
0x70: {  	v49 =	vld.idx.msk [tilespmem:v10+s21+$0x0], $0xffff;
	v41 =	vunpack.i.u.bf16.f32 v42;
	v42 =	vunpack.i.l.bf16.f32 v42;
	v6 =	vadd.f32 v51, v6  }
0x71: {  	v51 =	vunpack.i.u.bf16.f32 v43;
	v0 =	vld.idx.msk [tilespmem:v0+s2+$0x0], $0xffff;
	v37 =	vadd.f32 v42, v37;
	v40 =	vunpack.i.l.bf16.f32 v58  }
0x72: {  	v6 =	vadd.f32 v41, v6;
	v58 =	vunpack.i.u.bf16.f32 v58;
	v38 =	vadd.f32 v40, v38;
	v40 =	vld.idx.msk [tilespmem:v53+s21+$0x0], $0xffff  }
0x73: {  	v43 =	vunpack.i.l.bf16.f32 v43;
	v42 =	vld.idx.msk [tilespmem:v50+s2+$0x0], $0xffff;
	v7 =	vadd.f32 v7, v37;
	v39 =	vadd.f32 v58, v39  }
0x74: {  	v60 =	vunpack.i.u.bf16.f32 v9;
	v6 =	vadd.f32 v62, v6;
	v38 =	vadd.f32 v43, v38;
	v43 =	vld.idx.msk [tilespmem:v48+s21+$0x0], $0xffff  }
0x75: {  	v41 =	vunpack.i.u.bf16.f32 v61;
	v50 =	vunpack.i.u.bf16.f32 v47;
	v53 =	vld.idx.msk [tilespmem:v55+s2+$0x0], $0xffff;
	v39 =	vadd.f32 v51, v39  }
0x76: {  	v4 =	vadd.f32 v4, v7;
	v3 =	vadd.f32 v3, v6;
	v48 =	vunpack.i.l.bf16.f32 v61;
	v61 =	vld.idx.msk [tilespmem:v54+s2+$0x0], $0xffff  }
0x77: {  	v37 =	vunpack.i.l.bf16.f32 v47;
	v8 =	vadd.f32 v8, v38;
	v54 =	vadd.f32 v63, v39  }
0x78: {  	v44 =	vld.idx.msk [tilespmem:v44+s21+$0x0], $0xffff;
	v6 =	vunpack.i.l.bf16.f32 v52;
	v55 =	vunpack.i.u.bf16.f32 v52;
	v1 =	vadd.f32 v1, v4  }
0x79: {  	v58 =	vld.idx.msk [tilespmem:v45+s21+$0x0], $0xffff;
	v4 =	vunpack.i.l.bf16.f32 v42;
	v5 =	vadd.f32 v5, v8;
	v7 =	vadd.f32 v59, v54  }
0x7a: {  	v63 =	vunpack.i.l.bf16.f32 v0;
	v62 =	vunpack.i.l.bf16.f32 v53;
	v47 =	vunpack.i.u.bf16.f32 v53;
	v40 =	vld.idx.msk [tilespmem:v40+s2+$0x0], $0xffff  }
0x7b: {  	v59 =	vld.idx.msk [tilespmem:v46+s21+$0x0], $0xffff;
	v2 =	vadd.f32 v2, v5;
	v5 =	vadd.f32 v29, v7;
	v7 =	vunpack.i.l.bf16.f32 v61  }
0x7c: {  	v46 =	vadd.f32 $0.0e+00, v62;
	v61 =	vunpack.i.u.bf16.f32 v61;
	v7 =	vadd.f32 $0.0e+00, v7;
	v43 =	vld.idx.msk [tilespmem:v43+s2+$0x0], $0xffff  }
0x7d: {  	v0 =	vunpack.i.u.bf16.f32 v0;
	v47 =	vadd.f32 $0.0e+00, v47;
	v45 =	vadd.f32 $0.0e+00, v61  }
0x7e: {  	v8 =	vunpack.i.u.bf16.f32 v42;
	v46 =	vadd.f32 v63, v46;
	v4 =	vadd.f32 v4, v7;
	v7 =	vld.idx.msk [tilespmem:v49+s2+$0x0], $0xffff  }
0x7f: {  	v0 =	vadd.f32 v0, v47;
	v8 =	vadd.f32 v8, v45;
	v51 =	vunpack.i.l.bf16.f32 v40  }
0x80: {  	v4 =	vadd.f32 v6, v4;
	v6 =	vld.idx.msk [tilespmem:v44+s2+$0x0], $0xffff;
	v40 =	vunpack.i.u.bf16.f32 v40;
	v52 =	vadd.f32 v51, v46  }
0x81: {  	v8 =	vadd.f32 v55, v8;
	v0 =	vadd.f32 v40, v0;
	v53 =	vunpack.i.l.bf16.f32 v43  }
0x82: {  	v9 =	vunpack.i.l.bf16.f32 v9;
	v54 =	vld.idx.msk [tilespmem:v58+s2+$0x0], $0xffff;
	v55 =	vunpack.i.u.bf16.f32 v43;
	v39 =	vadd.f32 v53, v52  }
0x83: {  	v8 =	vadd.f32 v50, v8;
	v0 =	vadd.f32 v55, v0;
	v58 =	vunpack.i.l.bf16.f32 v7  }
0x84: {  	v4 =	vadd.f32 v37, v4;
	v7 =	vunpack.i.u.bf16.f32 v7;
	v38 =	vadd.f32 v58, v39  }
0x85: {  	v59 =	vld.idx.msk [tilespmem:v59+s2+$0x0], $0xffff;
	v8 =	vadd.f32 v41, v8;
	v0 =	vadd.f32 v7, v0;
	v7 =	vunpack.i.l.bf16.f32 v6  }
0x86: {  	v4 =	vadd.f32 v48, v4;
	v6 =	vunpack.i.u.bf16.f32 v6;
	v7 =	vadd.f32 v7, v38  }
0x87: {  	v8 =	vadd.f32 v60, v8;
	v0 =	vadd.f32 v6, v0;
	v6 =	vunpack.i.l.bf16.f32 v54  }
0x88: {  	v4 =	vadd.f32 v9, v4;
	v9 =	vunpack.i.u.bf16.f32 v54;
	v6 =	vadd.f32 v6, v7  }
0x89: {  	v7 =	vadd.f32 v35, v8;
	v0 =	vadd.f32 v9, v0  }
0x8a: {  	v3 =	vadd.f32 v27, v3;
	v4 =	vadd.f32 v36, v4;
	v9 =	vunpack.i.u.bf16.f32 v59  }
0x8b: {  	s26 =	simm.s32 $0x10;
	v8 =	vunpack.i.l.bf16.f32 v59;
	v7 =	vadd.f32 v33, v7;
	v0 =	vadd.f32 v9, v0  }
0x8c: {  	v4 =	vadd.f32 v34, v4;
	v6 =	vadd.f32 v8, v6;
	v8 =	vmov s26  }
0x8d: {  	v3 =	vadd.f32 v5, v3;
	v8 =	vshll.u32 v8, $0x7;
	v0 =	vadd.f32 v0, v7  }
0x8e: {  	v1 =	vadd.f32 v2, v1;
	v2 =	vadd.f32 v6, v4;
	v6 =	vor.u32 v11, v8  }
0x8f: {  	v0 =	vadd.f32 v0, v3;
	v3 =	vor.u32 v25, v6  }
0x90: {  	v1 =	vadd.f32 v2, v1;
	_ =	sdelay $0x1  }
0x91: {  	[tilespmem:s1+$0x0] =	vst v1  }
0x92: {  	v4 =	vor.u32 v23, v6;
	[tilespmem:s31+$0x0] =	vst v0  }
0x93: {  	v3 =	vld.idx.msk [tilespmem:v3+s21+$0x0], $0xffff;
	_ =	sdelay $0x3  }
0x94: {  	v0 =	vld.idx.msk [tilespmem:v4+s21+$0x0], $0xffff  }
0x95: {  	v4 =	vld [tilespmem:$0x1FFC0];
	_ =	sdelay $0x1  }
0x96: {  	v10 =	vld [tilespmem:$0x1FF60];
	v2 =	vor.u32 v28, v6  }
0x97: {  	v34 =	vld.idx.msk [tilespmem:v3+s2+$0x0], $0xffff;
	v3 =	vor.u32 v21, v6;
	_ =	sdelay $0x1  }
0x98: {  	v4 =	vor.u32 v4, v6;
	_ =	sdelay $0x1  }
0x99: {  	v5 =	vor.u32 v30, v6;
	v2 =	vld.idx.msk [tilespmem:v2+s21+$0x0], $0xffff  }
0x9a: {  	v7 =	vor.u32 v10, v6;
	v3 =	vld.idx.msk [tilespmem:v3+s21+$0x0], $0xffff  }
0x9b: {  	v27 =	vld [tilespmem:$0x1FFE0];
	v61 =	vor.u32 v12, v6  }
0x9c: {  	v4 =	vld.idx.msk [tilespmem:v4+s21+$0x0], $0xffff  }
0x9d: {  	v28 =	vld [tilespmem:$0x1FFD0]  }
0x9e: {  	v62 =	vor.u32 v14, v6;
	v5 =	vld.idx.msk [tilespmem:v5+s21+$0x0], $0xffff  }
0x9f: {  	v7 =	vld.idx.msk [tilespmem:v7+s21+$0x0], $0xffff  }
0xa0: {  	v33 =	vld.idx.msk [tilespmem:v61+s21+$0x0], $0xffff  }
0xa1: {  	v9 =	vld.idx.msk [tilespmem:v2+s2+$0x0], $0xffff;
	v2 =	vor.u32 v57, v6  }
0xa2: {  	v54 =	vld.idx.msk [tilespmem:v3+s2+$0x0], $0xffff;
	v3 =	vor.u32 v16, v6  }
0xa3: {  	v35 =	vld.idx.msk [tilespmem:v62+s21+$0x0], $0xffff  }
0xa4: {  	v36 =	vld.idx.msk [tilespmem:v4+s2+$0x0], $0xffff;
	v4 =	vor.u32 v13, v6  }
0xa5: {  	v1 =	vor.u32 v20, v6;
	v8 =	vld.idx.msk [tilespmem:v0+s2+$0x0], $0xffff  }
0xa6: {  	v2 =	vld.idx.msk [tilespmem:v2+s21+$0x0], $0xffff  }
0xa7: {  	v0 =	vor.u32 v27, v6;
	v55 =	vld.idx.msk [tilespmem:v3+s21+$0x0], $0xffff  }
0xa8: {  	v3 =	vld [tilespmem:$0x1FEB0]  }
0xa9: {  	v4 =	vld.idx.msk [tilespmem:v4+s21+$0x0], $0xffff  }
0xaa: {  	v1 =	vld.idx.msk [tilespmem:v1+s21+$0x0], $0xffff  }
0xab: {  	v37 =	vld.idx.msk [tilespmem:v5+s2+$0x0], $0xffff  }
0xac: {  	v0 =	vld.idx.msk [tilespmem:v0+s21+$0x0], $0xffff  }
0xad: {  	v62 =	vor.u32 v3, v6;
	v3 =	vld [tilespmem:$0x1FEF0]  }
0xae: {  	v7 =	vld.idx.msk [tilespmem:v7+s2+$0x0], $0xffff  }
0xaf: {  	v38 =	vld.idx.msk [tilespmem:v2+s2+$0x0], $0xffff;
	v2 =	vlaneseq.u32  }
0xb0: {  	v41 =	vld.idx.msk [tilespmem:v35+s2+$0x0], $0xffff;
	v2 =	vor.u32 v2, v6  }
0xb1: {  	v63 =	vor.u32 v17, v6;
	v59 =	vld.idx.msk [tilespmem:v4+s2+$0x0], $0xffff  }
0xb2: {  	v4 =	vor.u32 v3, v6;
	v3 =	vld [tilespmem:$0x1FE90]  }
0xb3: {  	v5 =	vor.u32 v15, v6;
	v1 =	vld.idx.msk [tilespmem:v1+s2+$0x0], $0xffff  }
0xb4: {  	v29 =	vmov v57;
	v57 =	vld.idx.msk [tilespmem:v0+s2+$0x0], $0xffff;
	v0 =	vor.u32 v31, v6  }
0xb5: {  	v48 =	vld.idx.msk [tilespmem:v2+s21+$0x0], $0xffff  }
0xb6: {  	v58 =	vor.u32 v56, v6;
	v2 =	vor.u32 v18, v6;
	v18 =	vld.idx.msk [tilespmem:v63+s21+$0x0], $0xffff  }
0xb7: {  	v63 =	vor.u32 v3, v6;
	v3 =	vld [tilespmem:$0x1FEA0]  }
0xb8: {  	v46 =	vld.idx.msk [tilespmem:v5+s21+$0x0], $0xffff  }
0xb9: {  	v5 =	vor.u32 v19, v6;
	v35 =	vld.idx.msk [tilespmem:v0+s21+$0x0], $0xffff  }
0xba: {  	v44 =	vld.idx.msk [tilespmem:v33+s2+$0x0], $0xffff  }
0xbb: {  	v49 =	vunpack.i.u.bf16.f32 v1;
	v52 =	vunpack.i.l.bf16.f32 v1;
	v1 =	vld.idx.msk [tilespmem:v58+s21+$0x0], $0xffff  }
0xbc: {  	v61 =	vor.u32 v3, v6;
	v3 =	vld [tilespmem:$0x1FEE0]  }
0xbd: {  	v40 =	vor.u32 v26, v6;
	v39 =	vor.u32 v32, v6;
	v0 =	vld [tilespmem:$0x1FF00]  }
0xbe: {  	v50 =	vor.u32 v24, v6;
	v53 =	vor.u32 v22, v6;
	v42 =	vor.u32 v28, v6;
	v5 =	vld.idx.msk [tilespmem:v5+s21+$0x0], $0xffff  }
0xbf: {  	v45 =	vunpack.i.u.bf16.f32 v8;
	v47 =	vunpack.i.l.bf16.f32 v8;
	v56 =	vunpack.i.u.bf16.f32 v7;
	v2 =	vld.idx.msk [tilespmem:v2+s21+$0x0], $0xffff  }
0xc0: {  	v24 =	vmovc v10;
	v22 =	vmovc v15;
	v43 =	vunpack.i.u.bf16.f32 v9;
	v33 =	vunpack.i.u.bf16.f32 v34;
	v34 =	vunpack.i.l.bf16.f32 v34;
	v8 =	vld.idx.msk [tilespmem:v48+s2+$0x0], $0xffff  }
0xc1: {  	v30 =	vmovc v13;
	v32 =	vmovc v26;
	v58 =	vunpack.i.l.bf16.f32 v7;
	v51 =	vunpack.i.l.bf16.f32 v36;
	v60 =	vor.u32 v3, v6;
	v3 =	vld.idx.msk [tilespmem:v35+s2+$0x0], $0xffff  }
0xc2: {  	v26 =	vmovc v14;
	v21 =	vmovc v12;
	v0 =	vor.u32 v0, v6;
	v48 =	vunpack.i.u.bf16.f32 v36;
	v36 =	vunpack.i.l.bf16.f32 v37;
	v6 =	vld.idx.msk [tilespmem:v46+s2+$0x0], $0xffff  }
0xc3: {  	v19 =	vmovc v16;
	v31 =	vmovc v23;
	v46 =	vunpack.i.l.bf16.f32 v9;
	v35 =	vunpack.i.u.bf16.f32 v37;
	v9 =	vld.idx.msk [tilespmem:v55+s2+$0x0], $0xffff;
	v55 =	vunpack.i.u.bf16.f32 v57  }
0xc4: {  	s4 =	simm.s32 $0x20;
	s3 =	smov.u32 s1;
	s26 =	smov.u32 s31;
	v23 =	vmovc v17;
	v7 =	vld.idx.msk [tilespmem:v18+s2+$0x0], $0xffff;
	v18 =	vmovc v11;
	v57 =	vunpack.i.l.bf16.f32 v57;
	v37 =	vunpack.i.u.bf16.f32 v38;
	v38 =	vunpack.i.l.bf16.f32 v38  }
.LBB2_3:
0xc5: {  	_ =	sdelay $0x1  }
0xc6: {  	v10 =	vunpack.i.u.bf16.f32 v54  }
0xc7: {  	v54 =	vunpack.i.l.bf16.f32 v54;
	v4 =	vld.idx.msk [tilespmem:v4+s21+$0x0], $0xffff;
	v13 =	vunpack.i.u.bf16.f32 v59;
	v12 =	vunpack.i.u.bf16.f32 v3  }
0xc8: {  	v5 =	vld.idx.msk [tilespmem:v5+s2+$0x0], $0xffff;
	v14 =	vunpack.i.l.bf16.f32 v8;
	v15 =	vunpack.i.u.bf16.f32 v6;
	v3 =	vunpack.i.l.bf16.f32 v3  }
0xc9: {  	v63 =	vld.idx.msk [tilespmem:v63+s21+$0x0], $0xffff;
	v8 =	vunpack.i.u.bf16.f32 v8;
	v6 =	vunpack.i.l.bf16.f32 v6;
	v16 =	vunpack.i.u.bf16.f32 v9  }
0xca: {  	v62 =	vld.idx.msk [tilespmem:v62+s21+$0x0], $0xffff;
	v9 =	vunpack.i.l.bf16.f32 v9;
	v14 =	vadd.f32 $0.0e+00, v14;
	v8 =	vadd.f32 $0.0e+00, v8  }
0xcb: {  	v2 =	vld.idx.msk [tilespmem:v2+s2+$0x0], $0xffff;
	v17 =	vunpack.i.u.bf16.f32 v7;
	v9 =	vadd.f32 $0.0e+00, v9;
	v16 =	vadd.f32 $0.0e+00, v16  }
0xcc: {  	v61 =	vld.idx.msk [tilespmem:v61+s21+$0x0], $0xffff;
	v7 =	vunpack.i.l.bf16.f32 v7;
	v6 =	vadd.f32 v6, v14;
	v8 =	vadd.f32 v15, v8  }
0xcd: {  	v60 =	vld.idx.msk [tilespmem:v60+s21+$0x0], $0xffff;
	v7 =	vadd.f32 v7, v9;
	v9 =	vadd.f32 v17, v16;
	v14 =	vunpack.i.u.bf16.f32 v5  }
0xce: {  	v1 =	vld.idx.msk [tilespmem:v1+s2+$0x0], $0xffff;
	v5 =	vunpack.i.l.bf16.f32 v5;
	v3 =	vadd.f32 v3, v6;
	v6 =	vadd.f32 v12, v8  }
0xcf: {  	v59 =	vunpack.i.l.bf16.f32 v59;
	v4 =	vld.idx.msk [tilespmem:v4+s2+$0x0], $0xffff;
	v5 =	vadd.f32 v5, v7;
	v7 =	vadd.f32 v14, v9  }
0xd0: {  	v8 =	vunpack.i.u.bf16.f32 v2;
	v9 =	vld.idx.msk [tilespmem:v53+s21+$0x0], $0xffff;
	v2 =	vunpack.i.l.bf16.f32 v2;
	v3 =	vadd.f32 v59, v3  }
0xd1: {  	v11 =	vunpack.i.u.bf16.f32 v44;
	v53 =	vld.idx.msk [tilespmem:v63+s2+$0x0], $0xffff;
	v6 =	vadd.f32 v13, v6;
	v2 =	vadd.f32 v2, v5  }
0xd2: {  	v5 =	vadd.f32 v8, v7;
	v8 =	vunpack.i.l.bf16.f32 v44;
	v3 =	vadd.f32 v54, v3  }
0xd3: {  	v7 =	vld.idx.msk [tilespmem:v50+s21+$0x0], $0xffff;
	v6 =	vadd.f32 v10, v6;
	v10 =	vunpack.i.u.bf16.f32 v41;
	v2 =	vadd.f32 v8, v2  }
0xd4: {  	v50 =	vld.idx.msk [tilespmem:v62+s2+$0x0], $0xffff;
	v5 =	vadd.f32 v11, v5;
	v8 =	vunpack.i.l.bf16.f32 v41;
	v54 =	vunpack.i.u.bf16.f32 v1  }
0xd5: {  	v0 =	vld.idx.msk [tilespmem:v0+s21+$0x0], $0xffff;
	v1 =	vunpack.i.l.bf16.f32 v1;
	v17 =	vunpack.i.u.bf16.f32 v4;
	v3 =	vadd.f32 v58, v3  }
0xd6: {  	v11 =	vld.idx.msk [tilespmem:v61+s2+$0x0], $0xffff;
	v13 =	vunpack.i.l.bf16.f32 v53;
	v6 =	vadd.f32 v56, v6;
	v2 =	vadd.f32 v57, v2  }
0xd7: {  	v16 =	vld.idx.msk [tilespmem:v42+s21+$0x0], $0xffff;
	v5 =	vadd.f32 v55, v5;
	v58 =	vunpack.i.u.bf16.f32 v53;
	v13 =	vadd.f32 $0.0e+00, v13  }
0xd8: {  	v15 =	vld.idx.msk [tilespmem:v60+s2+$0x0], $0xffff;
	v4 =	vunpack.i.l.bf16.f32 v4;
	v42 =	vadd.f32 $0.0e+00, v58;
	v3 =	vadd.f32 v52, v3  }
0xd9: {  	v40 =	vld.idx.msk [tilespmem:v40+s21+$0x0], $0xffff;
	v12 =	vunpack.i.l.bf16.f32 v50;
	v6 =	vadd.f32 v49, v6;
	v2 =	vadd.f32 v51, v2  }
0xda: {  	v57 =	vunpack.i.u.bf16.f32 v50;
	v5 =	vadd.f32 v48, v5;
	v9 =	vld.idx.msk [tilespmem:v9+s2+$0x0], $0xffff;
	v12 =	vadd.f32 v12, v13  }
0xdb: {  	v39 =	vld.idx.msk [tilespmem:v39+s21+$0x0], $0xffff;
	v59 =	vunpack.i.l.bf16.f32 v11;
	v41 =	vadd.f32 v57, v42;
	v3 =	vadd.f32 v47, v3  }
0xdc: {  	v11 =	vunpack.i.u.bf16.f32 v11;
	v5 =	vadd.f32 v43, v5;
	v7 =	vld.idx.msk [tilespmem:v7+s2+$0x0], $0xffff;
	v43 =	vadd.f32 $0.0e+00, v59  }
0xdd: {  	v60 =	vunpack.i.l.bf16.f32 v15;
	v6 =	vadd.f32 v45, v6;
	v11 =	vadd.f32 $0.0e+00, v11  }
0xde: {  	v0 =	vld.idx.msk [tilespmem:v0+s2+$0x0], $0xffff;
	v61 =	vunpack.i.u.bf16.f32 v15;
	v4 =	vadd.f32 v4, v12;
	v62 =	vadd.f32 v60, v43  }
0xdf: {  	v2 =	vadd.f32 v46, v2;
	v11 =	vadd.f32 v61, v11;
	v63 =	vunpack.i.l.bf16.f32 v9  }
0xe0: {  	v16 =	vld.idx.msk [tilespmem:v16+s2+$0x0], $0xffff;
	v1 =	vadd.f32 v1, v4;
	v9 =	vunpack.i.u.bf16.f32 v9;
	v42 =	vadd.f32 v63, v62  }
0xe1: {  	v43 =	vadd.f32 v17, v41;
	v9 =	vadd.f32 v9, v11;
	v11 =	vunpack.i.l.bf16.f32 v7  }
0xe2: {  	v44 =	vld.idx.msk [tilespmem:v40+s2+$0x0], $0xffff;
	v1 =	vadd.f32 v8, v1;
	v4 =	vunpack.i.u.bf16.f32 v7;
	v7 =	vadd.f32 v11, v42  }
0xe3: {  	v11 =	vadd.f32 v54, v43;
	v4 =	vadd.f32 v4, v9;
	v9 =	vunpack.i.l.bf16.f32 v0  }
0xe4: {  	v45 =	vld.idx.msk [tilespmem:v39+s2+$0x0], $0xffff;
	v0 =	vunpack.i.u.bf16.f32 v0;
	v1 =	vadd.f32 v38, v1;
	v7 =	vadd.f32 v9, v7  }
0xe5: {  	v8 =	vadd.f32 v10, v11;
	v0 =	vadd.f32 v0, v4;
	v4 =	vunpack.i.l.bf16.f32 v16  }
0xe6: {  	v9 =	vunpack.i.u.bf16.f32 v16;
	v1 =	vadd.f32 v36, v1;
	v4 =	vadd.f32 v4, v7  }
0xe7: {  	v7 =	vadd.f32 v37, v8;
	v0 =	vadd.f32 v9, v0;
	v8 =	vunpack.i.l.bf16.f32 v44  }
0xe8: {  	v9 =	vunpack.i.u.bf16.f32 v44;
	v1 =	vadd.f32 v34, v1;
	v4 =	vadd.f32 v8, v4  }
0xe9: {  	v7 =	vadd.f32 v35, v7;
	v0 =	vadd.f32 v9, v0;
	v8 =	vunpack.i.l.bf16.f32 v45  }
0xea: {  	v9 =	vunpack.i.u.bf16.f32 v45;
	v4 =	vadd.f32 v8, v4;
	v8 =	vmov s4  }
0xeb: {  	v7 =	vadd.f32 v33, v7;
	v0 =	vadd.f32 v9, v0;
	v8 =	vshll.u32 v8, $0x7  }
0xec: {  	v2 =	vadd.f32 v2, v3;
	v1 =	vadd.f32 v4, v1;
	v3 =	vor.u32 v18, v8  }
0xed: {  	v4 =	vadd.f32 v5, v6;
	v0 =	vadd.f32 v0, v7;
	v5 =	vor.u32 v31, v3  }
0xee: {  	v1 =	vadd.f32 v1, v2  }
0xef: {  	s3 =	sadd.s32 $0x10, s3;
	v0 =	vadd.f32 v0, v4  }
0xf0: {  	s26 =	sadd.s32 $0x10, s26;
	[tilespmem:s3+$0x0] =	vst v1  }
0xf1: {  	[tilespmem:s26+$0x0] =	vst v0  }
0xf2: {  	v0 =	vld.idx.msk [tilespmem:v5+s21+$0x0], $0xffff;
	_ =	sdelay $0x4  }
0xf3: {  	v2 =	vld [tilespmem:$0x1FF80];
	_ =	sdelay $0x1  }
0xf4: {  	v5 =	vld [tilespmem:$0x1FFC0]  }
0xf5: {  	v8 =	vld.idx.msk [tilespmem:v0+s2+$0x0], $0xffff;
	v0 =	vor.u32 v27, v3;
	_ =	sdelay $0x1  }
0xf6: {  	v2 =	vor.u32 v2, v3;
	_ =	sdelay $0x2  }
0xf7: {  	v5 =	vor.u32 v5, v3;
	v0 =	vld.idx.msk [tilespmem:v0+s21+$0x0], $0xffff  }
0xf8: {  	v4 =	vor.u32 v25, v3  }
0xf9: {  	v7 =	vor.u32 v24, v3;
	v2 =	vld.idx.msk [tilespmem:v2+s21+$0x0], $0xffff;
	_ =	sdelay $0x1  }
0xfa: {  	v6 =	vld [tilespmem:$0x1FFA0]  }
0xfb: {  	v5 =	vld.idx.msk [tilespmem:v5+s21+$0x0], $0xffff  }
0xfc: {  	v11 =	vor.u32 v21, v3;
	v4 =	vld.idx.msk [tilespmem:v4+s21+$0x0], $0xffff  }
0xfd: {  	v46 =	vor.u32 v26, v3;
	v7 =	vld.idx.msk [tilespmem:v7+s21+$0x0], $0xffff  }
0xfe: {  	v15 =	vld.idx.msk [tilespmem:v0+s2+$0x0], $0xffff  }
0xff: {  	v0 =	vld [tilespmem:$0x1FEC0]  }
0x100: {  	v9 =	vld.idx.msk [tilespmem:v2+s2+$0x0], $0xffff;
	v2 =	vor.u32 v29, v3  }
0x101: {  	v11 =	vld.idx.msk [tilespmem:v11+s21+$0x0], $0xffff  }
0x102: {  	v6 =	vor.u32 v6, v3;
	v12 =	vld.idx.msk [tilespmem:v46+s21+$0x0], $0xffff  }
0x103: {  	v13 =	vld.idx.msk [tilespmem:v5+s2+$0x0], $0xffff;
	v5 =	vor.u32 v30, v3  }
0x104: {  	v10 =	vld.idx.msk [tilespmem:v4+s2+$0x0], $0xffff;
	v0 =	vor.u32 v0, v3  }
0x105: {  	v2 =	vld.idx.msk [tilespmem:v2+s21+$0x0], $0xffff  }
0x106: {  	v1 =	vor.u32 v20, v3;
	v4 =	vld [tilespmem:$0x1FF70]  }
0x107: {  	v6 =	vld.idx.msk [tilespmem:v6+s21+$0x0], $0xffff  }
0x108: {  	v5 =	vld.idx.msk [tilespmem:v5+s21+$0x0], $0xffff  }
0x109: {  	v47 =	vld.idx.msk [tilespmem:v0+s21+$0x0], $0xffff  }
0x10a: {  	v0 =	vld [tilespmem:$0x1FED0]  }
0x10b: {  	v1 =	vld.idx.msk [tilespmem:v1+s21+$0x0], $0xffff;
	v4 =	vor.u32 v4, v3  }
0x10c: {  	v7 =	vld.idx.msk [tilespmem:v7+s2+$0x0], $0xffff  }
0x10d: {  	v16 =	vld.idx.msk [tilespmem:v2+s2+$0x0], $0xffff;
	v2 =	vlaneseq.u32  }
0x10e: {  	v44 =	vld.idx.msk [tilespmem:v11+s2+$0x0], $0xffff;
	v2 =	vor.u32 v2, v3  }
0x10f: {  	v17 =	vor.u32 v0, v3;
	v0 =	vld [tilespmem:$0x1FF10]  }
0x110: {  	v4 =	vld.idx.msk [tilespmem:v4+s21+$0x0], $0xffff  }
0x111: {  	v14 =	vld.idx.msk [tilespmem:v6+s2+$0x0], $0xffff  }
0x112: {  	v59 =	vld.idx.msk [tilespmem:v5+s2+$0x0], $0xffff  }
0x113: {  	v35 =	vld.idx.msk [tilespmem:v2+s21+$0x0], $0xffff  }
0x114: {  	v6 =	vor.u32 v22, v3;
	v2 =	vor.u32 v0, v3;
	v0 =	vld [tilespmem:$0x1FFB0]  }
0x115: {  	v5 =	vld.idx.msk [tilespmem:v17+s21+$0x0], $0xffff  }
0x116: {  	v17 =	vld [tilespmem:$0x1FF40]  }
0x117: {  	v41 =	vld.idx.msk [tilespmem:v12+s2+$0x0], $0xffff  }
0x118: {  	v54 =	vld.idx.msk [tilespmem:v4+s2+$0x0], $0xffff;
	v4 =	vor.u32 v19, v3  }
0x119: {  	v6 =	vld.idx.msk [tilespmem:v6+s21+$0x0], $0xffff  }
0x11a: {  	v39 =	vor.u32 v0, v3;
	v0 =	vld [tilespmem:$0x1FF20]  }
0x11b: {  	v53 =	vor.u32 v17, v3;
	v17 =	vld [tilespmem:$0x1FE90]  }
0x11c: {  	v11 =	vor.u32 v23, v3;
	v1 =	vld.idx.msk [tilespmem:v1+s2+$0x0], $0xffff  }
0x11d: {  	v57 =	vld.idx.msk [tilespmem:v4+s21+$0x0], $0xffff  }
0x11e: {  	v4 =	vld [tilespmem:$0x1FEB0]  }
0x11f: {  	v58 =	vor.u32 v0, v3;
	v0 =	vld [tilespmem:$0x1FF30]  }
0x120: {  	v63 =	vor.u32 v17, v3;
	v17 =	vld [tilespmem:$0x1FEA0]  }
0x121: {  	v11 =	vld.idx.msk [tilespmem:v11+s21+$0x0], $0xffff  }
0x122: {  	v6 =	vld.idx.msk [tilespmem:v6+s2+$0x0], $0xffff  }
0x123: {  	v42 =	vor.u32 v28, v3;
	v62 =	vor.u32 v4, v3;
	v4 =	vld [tilespmem:$0x1FEF0]  }
0x124: {  	v40 =	vor.u32 v32, v3;
	v45 =	vunpack.i.u.bf16.f32 v8;
	v50 =	vor.u32 v0, v3;
	v0 =	vld [tilespmem:$0x1FF00]  }
0x125: {  	v56 =	vunpack.i.u.bf16.f32 v7;
	v33 =	vunpack.i.u.bf16.f32 v10;
	v61 =	vor.u32 v17, v3;
	v17 =	vld [tilespmem:$0x1FEE0]  }
0x126: {  	p1 =	sne.s32 s4, $0xF0;
	v34 =	vunpack.i.l.bf16.f32 v10;
	v43 =	vunpack.i.u.bf16.f32 v9;
	v46 =	vunpack.i.l.bf16.f32 v9;
	v9 =	vld.idx.msk [tilespmem:v57+s2+$0x0], $0xffff  }
.Ltmp0:
0x127: {  	v49 =	vunpack.i.u.bf16.f32 v1;
	v52 =	vunpack.i.l.bf16.f32 v1;
	v36 =	vunpack.i.l.bf16.f32 v14;
	v2 =	vld.idx.msk [tilespmem:v2+s21+$0x0], $0xffff;
	(pc) =	sbr.rel @p1 .LBB2_3-.Ltmp0, $4  }
0x128: {  	v48 =	vunpack.i.u.bf16.f32 v13;
	v51 =	vunpack.i.l.bf16.f32 v13;
	v55 =	vunpack.i.u.bf16.f32 v15;
	v1 =	vld.idx.msk [tilespmem:v58+s21+$0x0], $0xffff  }
0x129: {  	v37 =	vunpack.i.u.bf16.f32 v16;
	v38 =	vunpack.i.l.bf16.f32 v16;
	v58 =	vunpack.i.l.bf16.f32 v7;
	v7 =	vld.idx.msk [tilespmem:v11+s2+$0x0], $0xffff  }
0x12a: {  	v4 =	vor.u32 v4, v3;
	v0 =	vor.u32 v0, v3;
	v60 =	vor.u32 v17, v3;
	v3 =	vld.idx.msk [tilespmem:v47+s2+$0x0], $0xffff  }
0x12b: {  	s4 =	sadd.s32 $0x10, s4;
	v57 =	vunpack.i.l.bf16.f32 v15;
	v47 =	vunpack.i.l.bf16.f32 v8;
	v8 =	vld.idx.msk [tilespmem:v35+s2+$0x0], $0xffff;
	v35 =	vunpack.i.u.bf16.f32 v14  }
0x12c: {  	_ =	sdelay $0x3  }
0x12d: {  	v11 =	vunpack.i.u.bf16.f32 v6;
	v6 =	vunpack.i.l.bf16.f32 v6;
	v4 =	vld.idx.msk [tilespmem:v4+s21+$0x0], $0xffff;
	v10 =	vunpack.i.l.bf16.f32 v8  }
0x12e: {  	v5 =	vld.idx.msk [tilespmem:v5+s2+$0x0], $0xffff;
	v12 =	vunpack.i.l.bf16.f32 v9;
	v8 =	vunpack.i.u.bf16.f32 v8;
	v10 =	vadd.f32 $0.0e+00, v10  }
0x12f: {  	v9 =	vunpack.i.u.bf16.f32 v9;
	v15 =	vld.idx.msk [tilespmem:v60+s21+$0x0], $0xffff;
	v12 =	vadd.f32 $0.0e+00, v12;
	v8 =	vadd.f32 $0.0e+00, v8  }
0x130: {  	v2 =	vld.idx.msk [tilespmem:v2+s2+$0x0], $0xffff;
	v13 =	vunpack.i.l.bf16.f32 v54;
	v9 =	vadd.f32 $0.0e+00, v9;
	v6 =	vadd.f32 v6, v10  }
0x131: {  	v0 =	vld.idx.msk [tilespmem:v0+s21+$0x0], $0xffff;
	v10 =	vunpack.i.l.bf16.f32 v7;
	v8 =	vadd.f32 v11, v8;
	v7 =	vunpack.i.u.bf16.f32 v7  }
0x132: {  	v11 =	vld.idx.msk [tilespmem:v62+s21+$0x0], $0xffff;
	v7 =	vadd.f32 v7, v9;
	v9 =	vunpack.i.u.bf16.f32 v3;
	v3 =	vunpack.i.l.bf16.f32 v3  }
0x133: {  	v14 =	vunpack.i.u.bf16.f32 v59;
	v62 =	vld.idx.msk [tilespmem:v61+s21+$0x0], $0xffff;
	v10 =	vadd.f32 v10, v12;
	v3 =	vadd.f32 v3, v6  }
0x134: {  	v6 =	vld.idx.msk [tilespmem:v63+s21+$0x0], $0xffff;
	v8 =	vadd.f32 v9, v8;
	v9 =	vunpack.i.l.bf16.f32 v5;
	v5 =	vunpack.i.u.bf16.f32 v5  }
0x135: {  	v4 =	vld.idx.msk [tilespmem:v4+s2+$0x0], $0xffff;
	v63 =	vunpack.i.u.bf16.f32 v2;
	v2 =	vunpack.i.l.bf16.f32 v2;
	v9 =	vadd.f32 v9, v10  }
0x136: {  	v16 =	vld.idx.msk [tilespmem:v53+s21+$0x0], $0xffff;
	v10 =	vunpack.i.u.bf16.f32 v54;
	v5 =	vadd.f32 v5, v7;
	v7 =	vunpack.i.l.bf16.f32 v59  }
0x137: {  	v15 =	vld.idx.msk [tilespmem:v15+s2+$0x0], $0xffff;
	v3 =	vadd.f32 v7, v3;
	v7 =	vunpack.i.u.bf16.f32 v44;
	v8 =	vadd.f32 v14, v8  }
0x138: {  	v1 =	vld.idx.msk [tilespmem:v1+s2+$0x0], $0xffff;
	v2 =	vadd.f32 v2, v9;
	v5 =	vadd.f32 v63, v5;
	v9 =	vunpack.i.l.bf16.f32 v44  }
0x139: {  	v54 =	vld.idx.msk [tilespmem:v50+s21+$0x0], $0xffff;
	v3 =	vadd.f32 v13, v3;
	v8 =	vadd.f32 v10, v8;
	v10 =	vunpack.i.u.bf16.f32 v41  }
0x13a: {  	v17 =	vunpack.i.u.bf16.f32 v4;
	v2 =	vadd.f32 v9, v2;
	v5 =	vadd.f32 v7, v5;
	v11 =	vld.idx.msk [tilespmem:v11+s2+$0x0], $0xffff  }
0x13b: {  	v4 =	vunpack.i.l.bf16.f32 v4;
	v3 =	vadd.f32 v58, v3;
	v8 =	vadd.f32 v56, v8;
	v12 =	vld.idx.msk [tilespmem:v62+s2+$0x0], $0xffff  }
0x13c: {  	v63 =	vunpack.i.l.bf16.f32 v15;
	v2 =	vadd.f32 v57, v2;
	v5 =	vadd.f32 v55, v5;
	v6 =	vld.idx.msk [tilespmem:v6+s2+$0x0], $0xffff  }
0x13d: {  	v7 =	vunpack.i.l.bf16.f32 v41;
	v3 =	vadd.f32 v52, v3;
	v8 =	vadd.f32 v49, v8  }
0x13e: {  	v59 =	vld.idx.msk [tilespmem:v42+s21+$0x0], $0xffff;
	v9 =	vunpack.i.u.bf16.f32 v1;
	v2 =	vadd.f32 v51, v2;
	v5 =	vadd.f32 v48, v5  }
0x13f: {  	v40 =	vld.idx.msk [tilespmem:v40+s21+$0x0], $0xffff;
	v1 =	vunpack.i.l.bf16.f32 v1;
	v3 =	vadd.f32 v47, v3;
	v8 =	vadd.f32 v45, v8  }
0x140: {  	v16 =	vld.idx.msk [tilespmem:v16+s2+$0x0], $0xffff;
	v60 =	vunpack.i.u.bf16.f32 v11;
	v2 =	vadd.f32 v46, v2;
	v5 =	vadd.f32 v43, v5  }
0x141: {  	v39 =	vld.idx.msk [tilespmem:v39+s21+$0x0], $0xffff;
	v62 =	vunpack.i.l.bf16.f32 v12;
	v61 =	vunpack.i.u.bf16.f32 v6;
	v6 =	vunpack.i.l.bf16.f32 v6  }
0x142: {  	v14 =	vld.idx.msk [tilespmem:v54+s2+$0x0], $0xffff;
	v12 =	vunpack.i.u.bf16.f32 v12;
	v43 =	vadd.f32 $0.0e+00, v62;
	v6 =	vadd.f32 $0.0e+00, v6  }
0x143: {  	v11 =	vunpack.i.l.bf16.f32 v11;
	v12 =	vadd.f32 $0.0e+00, v12;
	v42 =	vadd.f32 $0.0e+00, v61  }
0x144: {  	v0 =	vld.idx.msk [tilespmem:v0+s2+$0x0], $0xffff;
	v44 =	vadd.f32 v63, v43;
	v6 =	vadd.f32 v11, v6;
	v11 =	vunpack.i.u.bf16.f32 v15  }
0x145: {  	v45 =	vunpack.i.l.bf16.f32 v16;
	v41 =	vadd.f32 v60, v42;
	v11 =	vadd.f32 v11, v12  }
0x146: {  	v13 =	vld.idx.msk [tilespmem:v59+s2+$0x0], $0xffff;
	v12 =	vadd.f32 v45, v44;
	v4 =	vadd.f32 v4, v6;
	v6 =	vunpack.i.u.bf16.f32 v16  }
0x147: {  	v46 =	vadd.f32 v17, v41;
	v6 =	vadd.f32 v6, v11;
	v11 =	vunpack.i.l.bf16.f32 v14  }
0x148: {  	v16 =	vld.idx.msk [tilespmem:v40+s2+$0x0], $0xffff;
	v1 =	vadd.f32 v1, v4;
	v4 =	vunpack.i.u.bf16.f32 v14;
	v11 =	vadd.f32 v11, v12  }
0x149: {  	v9 =	vadd.f32 v9, v46;
	v4 =	vadd.f32 v4, v6;
	v6 =	vunpack.i.l.bf16.f32 v0  }
0x14a: {  	v47 =	vld.idx.msk [tilespmem:v39+s2+$0x0], $0xffff;
	v0 =	vunpack.i.u.bf16.f32 v0;
	v1 =	vadd.f32 v7, v1;
	v6 =	vadd.f32 v6, v11  }
0x14b: {  	v7 =	vadd.f32 v10, v9;
	v0 =	vadd.f32 v0, v4;
	v4 =	vunpack.i.l.bf16.f32 v13  }
0x14c: {  	v9 =	vunpack.i.u.bf16.f32 v13;
	v1 =	vadd.f32 v38, v1;
	v4 =	vadd.f32 v4, v6  }
0x14d: {  	v6 =	vadd.f32 v37, v7;
	v7 =	vunpack.i.l.bf16.f32 v16;
	v0 =	vadd.f32 v9, v0  }
0x14e: {  	v9 =	vunpack.i.u.bf16.f32 v16;
	v1 =	vadd.f32 v36, v1;
	v4 =	vadd.f32 v7, v4  }
0x14f: {  	v6 =	vadd.f32 v35, v6;
	v7 =	vunpack.i.l.bf16.f32 v47;
	v0 =	vadd.f32 v9, v0  }
0x150: {  	v9 =	vunpack.i.u.bf16.f32 v47;
	v1 =	vadd.f32 v34, v1;
	v4 =	vadd.f32 v7, v4  }
0x151: {  	v6 =	vadd.f32 v33, v6;
	v0 =	vadd.f32 v9, v0  }
0x152: {  	v2 =	vadd.f32 v2, v3;
	v1 =	vadd.f32 v4, v1  }
0x153: {  	v3 =	vadd.f32 v5, v8;
	v0 =	vadd.f32 v0, v6  }
0x154: {  	v1 =	vadd.f32 v1, v2  }
0x155: {  	s3 =	sadd.s32 $0x10, s3;
	v0 =	vadd.f32 v0, v3  }
0x156: {  	s5 =	sadd.s32 $0x10, s26;
	[tilespmem:s3+$0x0] =	vst v1  }
0x157: {  	s4 =	simm.s32 $0x0;
	[tilespmem:s5+$0x0] =	vst v0  }
0x158: {  	v2 =	vmov s4;
	_ =	swait.ge [sflag:s24], $0x8000  }
0x159: {  	v1 =	vshll.u32 v2, $0x7;
	v2 =	vld [tilespmem:$0x1FF80]  }
0x15a: {  	v57 =	vld [tilespmem:$0x1FFC0]  }
0x15b: {  	v58 =	vld [tilespmem:$0x1FFA0]  }
0x15c: {  	v60 =	vld [tilespmem:$0x1FF70]  }
0x15d: {  	v59 =	vld [tilespmem:$0x1FEC0]  }
0x15e: {  	v63 =	vld [tilespmem:$0x1FED0]  }
0x15f: {  	v56 =	vld [tilespmem:$0x1FF10]  }
0x160: {  	v50 =	vlaneseq.u32;
	v0 =	vor.u32 v18, v1;
	v61 =	vld [tilespmem:$0x1FFB0]  }
0x161: {  	v1 =	vor.u32 v31, v0;
	v14 =	vor.u32 v50, v0;
	v50 =	vld [tilespmem:$0x1FF30]  }
0x162: {  	v3 =	vor.u32 v25, v0;
	v62 =	vld [tilespmem:$0x1FEF0]  }
0x163: {  	s4 =	simm.s32 @!p0 $0x0;
	v4 =	vor.u32 v20, v0;
	[sflag:s24] =	ssyncset.done $0x0;
	v34 =	vld [tilespmem:$0x1FE90]  }
0x164: {  	s3 =	sadd.s32 @!p0 s25, s7;
	s5 =	simm.s32 @!p0 $0x9000;
	v7 =	vor.u32 v24, v0;
	v54 =	vld [tilespmem:$0x1FEA0];
	[sflag:s24] =	ssyncadd.s32 $0xFFFF8000  }
0x165: {  	v8 =	vor.u32 v27, v0;
	v33 =	vld [tilespmem:$0x1FEE0];
	[tilespmem:s5], [sflag:$0x2] =	stream.linear.gather @!p0 [hbm4b:s3+s4], $0x8000, $0x38  }
0x166: {  	v9 =	vor.u32 v29, v0;
	v1 =	vld.idx.msk [tilespmem:v1+s22+$0x0], $0xffff  }
0x167: {  	v11 =	vor.u32 v21, v0;
	v3 =	vld.idx.msk [tilespmem:v3+s22+$0x0], $0xffff  }
0x168: {  	v48 =	vor.u32 v26, v0;
	v4 =	vld.idx.msk [tilespmem:v4+s22+$0x0], $0xffff  }
0x169: {  	v49 =	vor.u32 v30, v0;
	v7 =	vld.idx.msk [tilespmem:v7+s22+$0x0], $0xffff  }
0x16a: {  	v8 =	vld.idx.msk [tilespmem:v8+s22+$0x0], $0xffff  }
0x16b: {  	v51 =	vor.u32 v22, v0;
	v9 =	vld.idx.msk [tilespmem:v9+s22+$0x0], $0xffff  }
0x16c: {  	v16 =	vor.u32 v19, v0;
	v11 =	vld.idx.msk [tilespmem:v11+s22+$0x0], $0xffff  }
0x16d: {  	v17 =	vor.u32 v23, v0;
	v12 =	vld.idx.msk [tilespmem:v48+s22+$0x0], $0xffff  }
0x16e: {  	v13 =	vld.idx.msk [tilespmem:v49+s22+$0x0], $0xffff  }
0x16f: {  	v14 =	vld.idx.msk [tilespmem:v14+s22+$0x0], $0xffff  }
0x170: {  	v15 =	vld.idx.msk [tilespmem:v51+s22+$0x0], $0xffff;
	v2 =	vor.u32 v2, v0  }
0x171: {  	v16 =	vld.idx.msk [tilespmem:v16+s22+$0x0], $0xffff;
	v5 =	vor.u32 v57, v0  }
0x172: {  	v17 =	vld.idx.msk [tilespmem:v17+s22+$0x0], $0xffff;
	v6 =	vor.u32 v58, v0  }
0x173: {  	v49 =	vld [tilespmem:$0x1FF20];
	v10 =	vor.u32 v60, v0  }
0x174: {  	v51 =	vld [tilespmem:$0x1FF00];
	v52 =	vor.u32 v59, v0  }
0x175: {  	v2 =	vld.idx.msk [tilespmem:v2+s22+$0x0], $0xffff  }
0x176: {  	v53 =	vor.u32 v63, v0;
	v5 =	vld.idx.msk [tilespmem:v5+s22+$0x0], $0xffff  }
0x177: {  	v6 =	vld.idx.msk [tilespmem:v6+s22+$0x0], $0xffff  }
0x178: {  	v55 =	vor.u32 v56, v0;
	v10 =	vld.idx.msk [tilespmem:v10+s22+$0x0], $0xffff  }
0x179: {  	v45 =	vor.u32 v62, v0;
	v36 =	vld.idx.msk [tilespmem:v52+s22+$0x0], $0xffff  }
0x17a: {  	v47 =	vor.u32 v34, v0;
	v52 =	vld [tilespmem:$0x1FEB0]  }
0x17b: {  	v48 =	vor.u32 v54, v0;
	v44 =	vld.idx.msk [tilespmem:v53+s22+$0x0], $0xffff  }
0x17c: {  	v53 =	vld [tilespmem:$0x1FF40]  }
0x17d: {  	v42 =	vor.u32 v51, v0;
	v51 =	vld.idx.msk [tilespmem:v55+s22+$0x0], $0xffff  }
0x17e: {  	v45 =	vld.idx.msk [tilespmem:v45+s22+$0x0], $0xffff  }
0x17f: {  	v47 =	vld.idx.msk [tilespmem:v47+s22+$0x0], $0xffff  }
0x180: {  	v48 =	vld.idx.msk [tilespmem:v48+s22+$0x0], $0xffff  }
0x181: {  	v1 =	vld.idx.msk [tilespmem:v1+s2+$0x0], $0xffff  }
0x182: {  	v3 =	vld.idx.msk [tilespmem:v3+s2+$0x0], $0xffff  }
0x183: {  	v4 =	vld.idx.msk [tilespmem:v4+s2+$0x0], $0xffff  }
0x184: {  	v7 =	vld.idx.msk [tilespmem:v7+s2+$0x0], $0xffff  }
0x185: {  	v8 =	vld.idx.msk [tilespmem:v8+s2+$0x0], $0xffff  }
0x186: {  	v14 =	vld.idx.msk [tilespmem:v14+s2+$0x0], $0xffff  }
0x187: {  	v37 =	vor.u32 v28, v0;
	v38 =	vor.u32 v32, v0;
	v39 =	vor.u32 v61, v0;
	v16 =	vld.idx.msk [tilespmem:v16+s2+$0x0], $0xffff  }
0x188: {  	v41 =	vor.u32 v50, v0;
	v40 =	vor.u32 v49, v0;
	v43 =	vor.u32 v52, v0;
	v2 =	vld.idx.msk [tilespmem:v2+s2+$0x0], $0xffff  }
0x189: {  	v46 =	vor.u32 v53, v0;
	v0 =	vor.u32 v33, v0;
	v49 =	vunpack.i.u.bf16.f32 v1;
	v5 =	vld.idx.msk [tilespmem:v5+s2+$0x0], $0xffff  }
0x18a: {  	v1 =	vunpack.i.l.bf16.f32 v1;
	v55 =	vunpack.i.u.bf16.f32 v3;
	v3 =	vunpack.i.l.bf16.f32 v3;
	v6 =	vld.idx.msk [tilespmem:v6+s2+$0x0], $0xffff  }
0x18b: {  	v15 =	vld.idx.msk [tilespmem:v15+s2+$0x0], $0xffff;
	v53 =	vunpack.i.l.bf16.f32 v14;
	[tilespmem:$0x1FE00] =	vst v3;
	v3 =	vunpack.i.u.bf16.f32 v4;
	v4 =	vunpack.i.l.bf16.f32 v4  }
0x18c: {  	v9 =	vld.idx.msk [tilespmem:v9+s2+$0x0], $0xffff;
	[tilespmem:$0x1FE10] =	vst v55;
	v53 =	vadd.f32 $0.0e+00, v53;
	v55 =	vunpack.i.l.bf16.f32 v16;
	v16 =	vunpack.i.u.bf16.f32 v16  }
0x18d: {  	v17 =	vld.idx.msk [tilespmem:v17+s2+$0x0], $0xffff;
	v55 =	vadd.f32 $0.0e+00, v55;
	v16 =	vadd.f32 $0.0e+00, v16;
	v50 =	vunpack.i.u.bf16.f32 v2  }
0x18e: {  	v40 =	vld.idx.msk [tilespmem:v40+s22+$0x0], $0xffff;
	v2 =	vunpack.i.l.bf16.f32 v2;
	v52 =	vunpack.i.u.bf16.f32 v5;
	v5 =	vunpack.i.l.bf16.f32 v5  }
0x18f: {  	v54 =	vld.idx.msk [tilespmem:v36+s2+$0x0], $0xffff;
	v35 =	vunpack.i.u.bf16.f32 v6;
	v36 =	vunpack.i.l.bf16.f32 v6;
	v6 =	vunpack.i.u.bf16.f32 v14  }
0x190: {  	v44 =	vld.idx.msk [tilespmem:v44+s2+$0x0], $0xffff;
	v14 =	vunpack.i.l.bf16.f32 v15;
	v15 =	vunpack.i.u.bf16.f32 v15;
	v6 =	vadd.f32 $0.0e+00, v6  }
0x191: {  	v11 =	vld.idx.msk [tilespmem:v11+s2+$0x0], $0xffff;
	v14 =	vadd.f32 v14, v53;
	v53 =	vunpack.i.u.bf16.f32 v7;
	v7 =	vunpack.i.l.bf16.f32 v7  }
0x192: {  	v13 =	vld.idx.msk [tilespmem:v13+s2+$0x0], $0xffff;
	v6 =	vadd.f32 v15, v6;
	v15 =	vunpack.i.l.bf16.f32 v17;
	v17 =	vunpack.i.u.bf16.f32 v17  }
0x193: {  	v10 =	vld.idx.msk [tilespmem:v10+s2+$0x0], $0xffff;
	v15 =	vadd.f32 v15, v55;
	v55 =	vunpack.i.u.bf16.f32 v8;
	v8 =	vunpack.i.l.bf16.f32 v8  }
0x194: {  	v51 =	vld.idx.msk [tilespmem:v51+s2+$0x0], $0xffff;
	v16 =	vadd.f32 v17, v16;
	v17 =	vunpack.i.u.bf16.f32 v54;
	v54 =	vunpack.i.l.bf16.f32 v54  }
0x195: {  	v43 =	vld.idx.msk [tilespmem:v43+s22+$0x0], $0xffff;
	v14 =	vadd.f32 v54, v14;
	v6 =	vadd.f32 v17, v6;
	v17 =	vunpack.i.l.bf16.f32 v44  }
0x196: {  	v0 =	vld.idx.msk [tilespmem:v0+s22+$0x0], $0xffff;
	v54 =	vunpack.i.u.bf16.f32 v9;
	v44 =	vunpack.i.u.bf16.f32 v44;
	v15 =	vadd.f32 v17, v15  }
0x197: {  	v40 =	vld.idx.msk [tilespmem:v40+s2+$0x0], $0xffff;
	v16 =	vadd.f32 v44, v16;
	v44 =	vunpack.i.u.bf16.f32 v13;
	v13 =	vunpack.i.l.bf16.f32 v13  }
0x198: {  	v45 =	vld.idx.msk [tilespmem:v45+s2+$0x0], $0xffff;
	v17 =	vunpack.i.u.bf16.f32 v10;
	v10 =	vunpack.i.l.bf16.f32 v10;
	v13 =	vadd.f32 v13, v14  }
0x199: {  	v48 =	vld.idx.msk [tilespmem:v48+s2+$0x0], $0xffff;
	v6 =	vadd.f32 v44, v6;
	v14 =	vunpack.i.l.bf16.f32 v51;
	v51 =	vunpack.i.u.bf16.f32 v51  }
0x19a: {  	v44 =	vunpack.i.u.bf16.f32 v11;
	v14 =	vadd.f32 v14, v15;
	v15 =	vld.idx.msk [tilespmem:v46+s22+$0x0], $0xffff;
	v16 =	vadd.f32 v51, v16  }
0x19b: {  	v47 =	vld.idx.msk [tilespmem:v47+s2+$0x0], $0xffff;
	v11 =	vunpack.i.l.bf16.f32 v11;
	v10 =	vadd.f32 v10, v13;
	v6 =	vadd.f32 v17, v6  }
0x19c: {  	v46 =	vunpack.i.u.bf16.f32 v40;
	v11 =	vadd.f32 v11, v14;
	v14 =	vld.idx.msk [tilespmem:v41+s22+$0x0], $0xffff;
	v16 =	vadd.f32 v44, v16  }
0x19d: {  	v42 =	vld.idx.msk [tilespmem:v42+s22+$0x0], $0xffff;
	v7 =	vadd.f32 v7, v10;
	v6 =	vadd.f32 v53, v6;
	v10 =	vunpack.i.l.bf16.f32 v40  }
0x19e: {  	v0 =	vld.idx.msk [tilespmem:v0+s2+$0x0], $0xffff;
	v53 =	vunpack.i.l.bf16.f32 v48;
	v8 =	vadd.f32 v8, v11;
	v11 =	vadd.f32 v55, v16  }
0x19f: {  	v51 =	vld.idx.msk [tilespmem:v43+s2+$0x0], $0xffff;
	v40 =	vunpack.i.u.bf16.f32 v48;
	v4 =	vadd.f32 v4, v7;
	v3 =	vadd.f32 v3, v6  }
0x1a0: {  	v37 =	vld.idx.msk [tilespmem:v37+s22+$0x0], $0xffff;
	v16 =	vunpack.i.u.bf16.f32 v45;
	v5 =	vadd.f32 v5, v8;
	v7 =	vadd.f32 v52, v11  }
0x1a1: {  	v40 =	vadd.f32 $0.0e+00, v40;
	v11 =	vld.idx.msk [tilespmem:v38+s22+$0x0], $0xffff;
	v52 =	vunpack.i.u.bf16.f32 v47;
	v3 =	vadd.f32 v49, v3  }
0x1a2: {  	v49 =	vld.idx.msk [tilespmem:v15+s2+$0x0], $0xffff;
	v2 =	vadd.f32 v2, v5;
	v5 =	vadd.f32 v50, v7;
	v7 =	vunpack.i.l.bf16.f32 v47  }
0x1a3: {  	v12 =	vld.idx.msk [tilespmem:v12+s2+$0x0], $0xffff;
	v55 =	vunpack.i.l.bf16.f32 v0;
	v38 =	vadd.f32 $0.0e+00, v52;
	v7 =	vadd.f32 $0.0e+00, v7  }
0x1a4: {  	v8 =	vunpack.i.u.bf16.f32 v51;
	v1 =	vadd.f32 v1, v4;
	v4 =	vunpack.i.l.bf16.f32 v51;
	v14 =	vld.idx.msk [tilespmem:v14+s2+$0x0], $0xffff  }
0x1a5: {  	v0 =	vunpack.i.u.bf16.f32 v0;
	v51 =	vld.idx.msk [tilespmem:v39+s22+$0x0], $0xffff;
	v8 =	vadd.f32 v8, v38;
	v4 =	vadd.f32 v4, v7  }
0x1a6: {  	v6 =	vunpack.i.l.bf16.f32 v45;
	v0 =	vadd.f32 v0, v40;
	v39 =	vadd.f32 $0.0e+00, v53;
	v7 =	vld.idx.msk [tilespmem:v42+s2+$0x0], $0xffff  }
0x1a7: {  	v8 =	vadd.f32 v16, v8;
	v4 =	vadd.f32 v6, v4;
	v13 =	vunpack.i.u.bf16.f32 v49  }
0x1a8: {  	v39 =	vadd.f32 v55, v39;
	v42 =	vunpack.i.l.bf16.f32 v49;
	v6 =	vld.idx.msk [tilespmem:v37+s2+$0x0], $0xffff;
	v0 =	vadd.f32 v13, v0  }
0x1a9: {  	v8 =	vadd.f32 v46, v8;
	v4 =	vadd.f32 v10, v4;
	v10 =	vld.idx.msk [tilespmem:v11+s2+$0x0], $0xffff;
	v11 =	vunpack.i.u.bf16.f32 v14  }
0x1aa: {  	v17 =	vunpack.i.u.bf16.f32 v12;
	v43 =	vadd.f32 v42, v39;
	v0 =	vadd.f32 v11, v0  }
0x1ab: {  	v44 =	vunpack.i.l.bf16.f32 v14;
	v11 =	vunpack.i.l.bf16.f32 v7;
	v7 =	vunpack.i.u.bf16.f32 v7  }
0x1ac: {  	v12 =	vunpack.i.l.bf16.f32 v12;
	v13 =	vadd.f32 v44, v43;
	v0 =	vadd.f32 v7, v0  }
0x1ad: {  	v4 =	vadd.f32 v12, v4;
	v7 =	vunpack.i.l.bf16.f32 v6;
	v6 =	vunpack.i.u.bf16.f32 v6  }
0x1ae: {  	v9 =	vunpack.i.l.bf16.f32 v9;
	v45 =	vld.idx.msk [tilespmem:v51+s2+$0x0], $0xffff;
	v11 =	vadd.f32 v11, v13;
	v0 =	vadd.f32 v6, v0  }
0x1af: {  	v8 =	vadd.f32 v17, v8;
	v4 =	vadd.f32 v9, v4;
	v9 =	vunpack.i.u.bf16.f32 v10  }
0x1b0: {  	v7 =	vadd.f32 v7, v11;
	v0 =	vadd.f32 v9, v0;
	v9 =	vld [tilespmem:$0x1FE00]  }
0x1b1: {  	v8 =	vadd.f32 v54, v8;
	v6 =	vunpack.i.l.bf16.f32 v10;
	v10 =	vld [tilespmem:$0x1FE10]  }
0x1b2: {  	v6 =	vadd.f32 v6, v7  }
0x1b3: {  	v4 =	vadd.f32 v36, v4;
	v7 =	vadd.f32 v35, v8;
	v8 =	vunpack.i.l.bf16.f32 v45  }
0x1b4: {  	s26 =	simm.s32 $0x10;
	v6 =	vadd.f32 v8, v6  }
0x1b5: {  	v8 =	vmov s26;
	v4 =	vadd.f32 v9, v4;
	v9 =	vunpack.i.u.bf16.f32 v45  }
0x1b6: {  	v7 =	vadd.f32 v10, v7;
	v8 =	vshll.u32 v8, $0x7;
	v0 =	vadd.f32 v9, v0  }
0x1b7: {  	v1 =	vadd.f32 v2, v1;
	v2 =	vadd.f32 v6, v4;
	v4 =	vor.u32 v18, v8  }
0x1b8: {  	v3 =	vadd.f32 v5, v3;
	v0 =	vadd.f32 v0, v7;
	v5 =	vor.u32 v31, v4  }
0x1b9: {  	v6 =	vor.u32 v58, v4;
	v1 =	vadd.f32 v2, v1  }
0x1ba: {  	v7 =	vor.u32 v24, v4;
	v2 =	vld [tilespmem:$0x1FF80];
	v0 =	vadd.f32 v0, v3  }
0x1bb: {  	v11 =	vor.u32 v21, v4;
	[tilespmem:s30+$0x0] =	vst v1  }
0x1bc: {  	v3 =	vor.u32 v25, v4;
	[tilespmem:s29+$0x0] =	vst v0  }
0x1bd: {  	v46 =	vor.u32 v26, v4;
	v0 =	vld.idx.msk [tilespmem:v5+s22+$0x0], $0xffff  }
0x1be: {  	v5 =	vor.u32 v57, v4;
	v6 =	vld.idx.msk [tilespmem:v6+s22+$0x0], $0xffff  }
0x1bf: {  	v7 =	vld.idx.msk [tilespmem:v7+s22+$0x0], $0xffff;
	v2 =	vor.u32 v2, v4  }
0x1c0: {  	v11 =	vld.idx.msk [tilespmem:v11+s22+$0x0], $0xffff  }
0x1c1: {  	v1 =	vor.u32 v20, v4;
	v3 =	vld.idx.msk [tilespmem:v3+s22+$0x0], $0xffff  }
0x1c2: {  	v12 =	vld.idx.msk [tilespmem:v46+s22+$0x0], $0xffff  }
0x1c3: {  	v5 =	vld.idx.msk [tilespmem:v5+s22+$0x0], $0xffff  }
0x1c4: {  	v2 =	vld.idx.msk [tilespmem:v2+s22+$0x0], $0xffff  }
0x1c5: {  	v8 =	vld.idx.msk [tilespmem:v0+s2+$0x0], $0xffff;
	v0 =	vor.u32 v27, v4  }
0x1c6: {  	v1 =	vld.idx.msk [tilespmem:v1+s22+$0x0], $0xffff  }
0x1c7: {  	v14 =	vld.idx.msk [tilespmem:v6+s2+$0x0], $0xffff  }
0x1c8: {  	v7 =	vld.idx.msk [tilespmem:v7+s2+$0x0], $0xffff  }
0x1c9: {  	v10 =	vld.idx.msk [tilespmem:v3+s2+$0x0], $0xffff;
	v3 =	vor.u32 v60, v4  }
0x1ca: {  	v0 =	vld.idx.msk [tilespmem:v0+s22+$0x0], $0xffff  }
0x1cb: {  	v13 =	vld.idx.msk [tilespmem:v5+s2+$0x0], $0xffff;
	v5 =	vor.u32 v30, v4  }
0x1cc: {  	v44 =	vld.idx.msk [tilespmem:v11+s2+$0x0], $0xffff  }
0x1cd: {  	v9 =	vld.idx.msk [tilespmem:v2+s2+$0x0], $0xffff  }
0x1ce: {  	v2 =	vor.u32 v29, v4;
	v3 =	vld.idx.msk [tilespmem:v3+s22+$0x0], $0xffff  }
0x1cf: {  	v6 =	vor.u32 v22, v4;
	v41 =	vld.idx.msk [tilespmem:v12+s2+$0x0], $0xffff  }
0x1d0: {  	v11 =	vor.u32 v23, v4;
	v5 =	vld.idx.msk [tilespmem:v5+s22+$0x0], $0xffff  }
0x1d1: {  	v1 =	vld.idx.msk [tilespmem:v1+s2+$0x0], $0xffff  }
0x1d2: {  	v15 =	vld.idx.msk [tilespmem:v0+s2+$0x0], $0xffff;
	v0 =	vor.u32 v59, v4  }
0x1d3: {  	v2 =	vld.idx.msk [tilespmem:v2+s22+$0x0], $0xffff  }
0x1d4: {  	v17 =	vld.idx.msk [tilespmem:v6+s22+$0x0], $0xffff  }
0x1d5: {  	v11 =	vld.idx.msk [tilespmem:v11+s22+$0x0], $0xffff  }
0x1d6: {  	v59 =	vld.idx.msk [tilespmem:v3+s2+$0x0], $0xffff  }
0x1d7: {  	v6 =	vor.u32 v63, v4;
	v47 =	vld.idx.msk [tilespmem:v0+s22+$0x0], $0xffff  }
0x1d8: {  	v3 =	vor.u32 v19, v4;
	v63 =	vld.idx.msk [tilespmem:v5+s2+$0x0], $0xffff  }
0x1d9: {  	v0 =	vld [tilespmem:$0x1FF20]  }
0x1da: {  	v5 =	vld [tilespmem:$0x1FF40]  }
0x1db: {  	v16 =	vld.idx.msk [tilespmem:v2+s2+$0x0], $0xffff;
	v2 =	vlaneseq.u32  }
0x1dc: {  	v6 =	vld.idx.msk [tilespmem:v6+s22+$0x0], $0xffff;
	v2 =	vor.u32 v2, v4  }
0x1dd: {  	v37 =	vld.idx.msk [tilespmem:v3+s22+$0x0], $0xffff  }
0x1de: {  	v36 =	vor.u32 v0, v4;
	v0 =	vld [tilespmem:$0x1FF30]  }
0x1df: {  	v53 =	vor.u32 v5, v4;
	v5 =	vld [tilespmem:$0x1FEA0]  }
0x1e0: {  	v42 =	vor.u32 v28, v4;
	v40 =	vor.u32 v32, v4;
	v3 =	vld [tilespmem:$0x1FEB0]  }
0x1e1: {  	v39 =	vor.u32 v61, v4;
	v58 =	vor.u32 v33, v4;
	v45 =	vunpack.i.u.bf16.f32 v8;
	v35 =	vld.idx.msk [tilespmem:v2+s22+$0x0], $0xffff  }
0x1e2: {  	v55 =	vunpack.i.u.bf16.f32 v7;
	v57 =	vunpack.i.l.bf16.f32 v7;
	v7 =	vld.idx.msk [tilespmem:v11+s2+$0x0], $0xffff;
	v2 =	vor.u32 v56, v4  }
0x1e3: {  	v33 =	vunpack.i.u.bf16.f32 v10;
	v49 =	vunpack.i.u.bf16.f32 v1;
	v50 =	vor.u32 v0, v4;
	v0 =	vld [tilespmem:$0x1FF00]  }
0x1e4: {  	v52 =	vunpack.i.l.bf16.f32 v1;
	v48 =	vunpack.i.u.bf16.f32 v13;
	v60 =	vor.u32 v5, v4;
	v5 =	vld.idx.msk [tilespmem:v17+s2+$0x0], $0xffff  }
0x1e5: {  	v51 =	vunpack.i.l.bf16.f32 v13;
	v43 =	vunpack.i.u.bf16.f32 v9;
	v46 =	vunpack.i.l.bf16.f32 v9;
	v1 =	vld.idx.msk [tilespmem:v36+s22+$0x0], $0xffff  }
0x1e6: {  	v54 =	vunpack.i.u.bf16.f32 v15;
	v38 =	vunpack.i.l.bf16.f32 v16;
	v61 =	vor.u32 v3, v4;
	v9 =	vld.idx.msk [tilespmem:v37+s2+$0x0], $0xffff  }
0x1e7: {  	v3 =	vor.u32 v62, v4;
	v62 =	vor.u32 v34, v4;
	v34 =	vunpack.i.l.bf16.f32 v10;
	v2 =	vld.idx.msk [tilespmem:v2+s22+$0x0], $0xffff  }
0x1e8: {  	v56 =	vunpack.i.l.bf16.f32 v15;
	v36 =	vunpack.i.l.bf16.f32 v14;
	v0 =	vor.u32 v0, v4;
	v4 =	vld.idx.msk [tilespmem:v47+s2+$0x0], $0xffff  }
0x1e9: {  	s25 =	simm.s32 $0x20;
	s4 =	smov.u32 s30;
	s3 =	smov.u32 s29;
	v37 =	vunpack.i.u.bf16.f32 v16;
	v47 =	vunpack.i.l.bf16.f32 v8;
	v8 =	vld.idx.msk [tilespmem:v35+s2+$0x0], $0xffff;
	v35 =	vunpack.i.u.bf16.f32 v14  }
.LBB2_5:
0x1ea: {  	_ =	sdelay $0x1  }
0x1eb: {  	v10 =	vunpack.i.u.bf16.f32 v59;
	v11 =	vunpack.i.l.bf16.f32 v59  }
0x1ec: {  	v3 =	vld.idx.msk [tilespmem:v3+s22+$0x0], $0xffff;
	v14 =	vunpack.i.u.bf16.f32 v63;
	v15 =	vunpack.i.l.bf16.f32 v63;
	v13 =	vunpack.i.u.bf16.f32 v4  }
0x1ed: {  	v6 =	vld.idx.msk [tilespmem:v6+s2+$0x0], $0xffff;
	v16 =	vunpack.i.l.bf16.f32 v8;
	v17 =	vunpack.i.u.bf16.f32 v5;
	v4 =	vunpack.i.l.bf16.f32 v4  }
0x1ee: {  	v61 =	vld.idx.msk [tilespmem:v61+s22+$0x0], $0xffff;
	v8 =	vunpack.i.u.bf16.f32 v8;
	v5 =	vunpack.i.l.bf16.f32 v5;
	v59 =	vunpack.i.u.bf16.f32 v9  }
0x1ef: {  	v2 =	vld.idx.msk [tilespmem:v2+s2+$0x0], $0xffff;
	v9 =	vunpack.i.l.bf16.f32 v9;
	v16 =	vadd.f32 $0.0e+00, v16;
	v8 =	vadd.f32 $0.0e+00, v8  }
0x1f0: {  	v60 =	vld.idx.msk [tilespmem:v60+s22+$0x0], $0xffff;
	v63 =	vunpack.i.u.bf16.f32 v7;
	v9 =	vadd.f32 $0.0e+00, v9;
	v59 =	vadd.f32 $0.0e+00, v59  }
0x1f1: {  	v62 =	vld.idx.msk [tilespmem:v62+s22+$0x0], $0xffff;
	v7 =	vunpack.i.l.bf16.f32 v7;
	v5 =	vadd.f32 v5, v16;
	v8 =	vadd.f32 v17, v8  }
0x1f2: {  	v1 =	vld.idx.msk [tilespmem:v1+s2+$0x0], $0xffff;
	v7 =	vadd.f32 v7, v9;
	v9 =	vadd.f32 v63, v59;
	v16 =	vunpack.i.u.bf16.f32 v6  }
0x1f3: {  	v17 =	vld.idx.msk [tilespmem:v58+s22+$0x0], $0xffff;
	v4 =	vadd.f32 v4, v5;
	v5 =	vadd.f32 v13, v8;
	v6 =	vunpack.i.l.bf16.f32 v6  }
0x1f4: {  	v3 =	vld.idx.msk [tilespmem:v3+s2+$0x0], $0xffff;
	v8 =	vunpack.i.u.bf16.f32 v2;
	v6 =	vadd.f32 v6, v7;
	v7 =	vadd.f32 v16, v9  }
0x1f5: {  	v2 =	vunpack.i.l.bf16.f32 v2;
	v9 =	vld.idx.msk [tilespmem:v53+s22+$0x0], $0xffff;
	v4 =	vadd.f32 v15, v4;
	v5 =	vadd.f32 v14, v5  }
0x1f6: {  	v2 =	vadd.f32 v2, v6;
	v6 =	vadd.f32 v8, v7;
	v7 =	vld.idx.msk [tilespmem:v50+s22+$0x0], $0xffff  }
0x1f7: {  	v12 =	vunpack.i.u.bf16.f32 v44;
	v53 =	vunpack.i.u.bf16.f32 v1;
	v8 =	vunpack.i.l.bf16.f32 v44;
	v44 =	vld.idx.msk [tilespmem:v61+s2+$0x0], $0xffff  }
0x1f8: {  	v1 =	vunpack.i.l.bf16.f32 v1;
	v50 =	vld.idx.msk [tilespmem:v60+s2+$0x0], $0xffff;
	v4 =	vadd.f32 v11, v4;
	v5 =	vadd.f32 v10, v5  }
0x1f9: {  	v10 =	vunpack.i.u.bf16.f32 v41;
	v11 =	vld.idx.msk [tilespmem:v62+s2+$0x0], $0xffff;
	v2 =	vadd.f32 v8, v2;
	v6 =	vadd.f32 v12, v6  }
0x1fa: {  	v0 =	vld.idx.msk [tilespmem:v0+s22+$0x0], $0xffff;
	v8 =	vunpack.i.l.bf16.f32 v41;
	v4 =	vadd.f32 v57, v4;
	v5 =	vadd.f32 v55, v5  }
0x1fb: {  	v16 =	vld.idx.msk [tilespmem:v17+s2+$0x0], $0xffff;
	v17 =	vunpack.i.u.bf16.f32 v3;
	v2 =	vadd.f32 v56, v2;
	v6 =	vadd.f32 v54, v6  }
0x1fc: {  	v3 =	vunpack.i.l.bf16.f32 v3;
	v4 =	vadd.f32 v52, v4;
	v5 =	vadd.f32 v49, v5  }
0x1fd: {  	v58 =	vld.idx.msk [tilespmem:v42+s22+$0x0], $0xffff;
	v59 =	vunpack.i.u.bf16.f32 v44;
	v12 =	vunpack.i.u.bf16.f32 v50;
	v2 =	vadd.f32 v51, v2  }
0x1fe: {  	v40 =	vld.idx.msk [tilespmem:v40+s22+$0x0], $0xffff;
	v6 =	vadd.f32 v48, v6;
	v60 =	vunpack.i.u.bf16.f32 v11;
	v12 =	vadd.f32 $0.0e+00, v12  }
0x1ff: {  	v9 =	vld.idx.msk [tilespmem:v9+s2+$0x0], $0xffff;
	v11 =	vunpack.i.l.bf16.f32 v11;
	v4 =	vadd.f32 v47, v4;
	v5 =	vadd.f32 v45, v5  }
0x200: {  	v39 =	vld.idx.msk [tilespmem:v39+s22+$0x0], $0xffff;
	v61 =	vunpack.i.l.bf16.f32 v50;
	v11 =	vadd.f32 $0.0e+00, v11;
	v42 =	vadd.f32 $0.0e+00, v60  }
0x201: {  	v13 =	vunpack.i.l.bf16.f32 v44;
	v6 =	vadd.f32 v43, v6;
	v7 =	vld.idx.msk [tilespmem:v7+s2+$0x0], $0xffff;
	v43 =	vadd.f32 $0.0e+00, v61  }
0x202: {  	v2 =	vadd.f32 v46, v2;
	v62 =	vunpack.i.l.bf16.f32 v16;
	v11 =	vadd.f32 v13, v11  }
0x203: {  	v0 =	vld.idx.msk [tilespmem:v0+s2+$0x0], $0xffff;
	v63 =	vunpack.i.u.bf16.f32 v16;
	v41 =	vadd.f32 v59, v42;
	v16 =	vadd.f32 v62, v43  }
0x204: {  	v12 =	vadd.f32 v63, v12;
	v42 =	vunpack.i.l.bf16.f32 v9;
	v3 =	vadd.f32 v3, v11  }
0x205: {  	v15 =	vld.idx.msk [tilespmem:v58+s2+$0x0], $0xffff;
	v9 =	vunpack.i.u.bf16.f32 v9;
	v43 =	vadd.f32 v17, v41;
	v11 =	vadd.f32 v42, v16  }
0x206: {  	v9 =	vadd.f32 v9, v12;
	v44 =	vunpack.i.l.bf16.f32 v7;
	v1 =	vadd.f32 v1, v3  }
0x207: {  	v16 =	vld.idx.msk [tilespmem:v40+s2+$0x0], $0xffff;
	v3 =	vunpack.i.u.bf16.f32 v7;
	v7 =	vadd.f32 v44, v11;
	v11 =	vadd.f32 v53, v43  }
0x208: {  	v3 =	vadd.f32 v3, v9;
	v9 =	vunpack.i.l.bf16.f32 v0;
	v1 =	vadd.f32 v8, v1  }
0x209: {  	v45 =	vld.idx.msk [tilespmem:v39+s2+$0x0], $0xffff;
	v0 =	vunpack.i.u.bf16.f32 v0;
	v7 =	vadd.f32 v9, v7;
	v8 =	vadd.f32 v10, v11  }
0x20a: {  	v0 =	vadd.f32 v0, v3;
	v3 =	vunpack.i.l.bf16.f32 v15;
	v1 =	vadd.f32 v38, v1  }
0x20b: {  	v9 =	vunpack.i.u.bf16.f32 v15;
	v3 =	vadd.f32 v3, v7;
	v7 =	vadd.f32 v37, v8  }
0x20c: {  	v0 =	vadd.f32 v9, v0;
	v8 =	vunpack.i.l.bf16.f32 v16;
	v1 =	vadd.f32 v36, v1  }
0x20d: {  	v9 =	vunpack.i.u.bf16.f32 v16;
	v3 =	vadd.f32 v8, v3;
	v7 =	vadd.f32 v35, v7  }
0x20e: {  	v0 =	vadd.f32 v9, v0;
	v8 =	vunpack.i.l.bf16.f32 v45;
	v9 =	vunpack.i.u.bf16.f32 v45  }
0x20f: {  	v1 =	vadd.f32 v34, v1;
	v3 =	vadd.f32 v8, v3;
	v8 =	vmov s25  }
0x210: {  	v7 =	vadd.f32 v33, v7;
	v0 =	vadd.f32 v9, v0;
	v8 =	vshll.u32 v8, $0x7  }
0x211: {  	v2 =	vadd.f32 v2, v4;
	v1 =	vadd.f32 v3, v1;
	v4 =	vor.u32 v18, v8  }
0x212: {  	v3 =	vadd.f32 v6, v5;
	v0 =	vadd.f32 v0, v7;
	v5 =	vor.u32 v31, v4  }
0x213: {  	v1 =	vadd.f32 v1, v2  }
0x214: {  	s4 =	sadd.s32 $0x10, s4;
	v0 =	vadd.f32 v0, v3  }
0x215: {  	s3 =	sadd.s32 $0x10, s3;
	[tilespmem:s4+$0x0] =	vst v1  }
0x216: {  	[tilespmem:s3+$0x0] =	vst v0  }
0x217: {  	v0 =	vld.idx.msk [tilespmem:v5+s22+$0x0], $0xffff;
	_ =	sdelay $0x4  }
0x218: {  	v2 =	vld [tilespmem:$0x1FF80];
	_ =	sdelay $0x1  }
0x219: {  	v5 =	vld [tilespmem:$0x1FFC0]  }
0x21a: {  	v8 =	vld.idx.msk [tilespmem:v0+s2+$0x0], $0xffff;
	v0 =	vor.u32 v27, v4;
	_ =	sdelay $0x1  }
0x21b: {  	v6 =	vld [tilespmem:$0x1FFA0];
	v2 =	vor.u32 v2, v4  }
0x21c: {  	v3 =	vor.u32 v25, v4  }
0x21d: {  	v7 =	vor.u32 v24, v4  }
0x21e: {  	v5 =	vor.u32 v5, v4;
	v0 =	vld.idx.msk [tilespmem:v0+s22+$0x0], $0xffff  }
0x21f: {  	v11 =	vor.u32 v21, v4  }
0x220: {  	v6 =	vor.u32 v6, v4;
	v2 =	vld.idx.msk [tilespmem:v2+s22+$0x0], $0xffff  }
0x221: {  	v3 =	vld.idx.msk [tilespmem:v3+s22+$0x0], $0xffff  }
0x222: {  	v7 =	vld.idx.msk [tilespmem:v7+s22+$0x0], $0xffff  }
0x223: {  	v5 =	vld.idx.msk [tilespmem:v5+s22+$0x0], $0xffff  }
0x224: {  	v11 =	vld.idx.msk [tilespmem:v11+s22+$0x0], $0xffff  }
0x225: {  	v6 =	vld.idx.msk [tilespmem:v6+s22+$0x0], $0xffff  }
0x226: {  	v15 =	vld.idx.msk [tilespmem:v0+s2+$0x0], $0xffff  }
0x227: {  	v46 =	vor.u32 v26, v4;
	v0 =	vld [tilespmem:$0x1FEC0]  }
0x228: {  	v9 =	vld.idx.msk [tilespmem:v2+s2+$0x0], $0xffff;
	v2 =	vor.u32 v29, v4  }
0x229: {  	v1 =	vor.u32 v20, v4;
	v10 =	vld.idx.msk [tilespmem:v3+s2+$0x0], $0xffff  }
0x22a: {  	v3 =	vld [tilespmem:$0x1FF70]  }
0x22b: {  	v13 =	vld.idx.msk [tilespmem:v5+s2+$0x0], $0xffff;
	v5 =	vor.u32 v30, v4  }
0x22c: {  	v12 =	vld.idx.msk [tilespmem:v46+s22+$0x0], $0xffff;
	v0 =	vor.u32 v0, v4  }
0x22d: {  	v2 =	vld.idx.msk [tilespmem:v2+s22+$0x0], $0xffff  }
0x22e: {  	v1 =	vld.idx.msk [tilespmem:v1+s22+$0x0], $0xffff  }
0x22f: {  	v14 =	vld.idx.msk [tilespmem:v6+s2+$0x0], $0xffff;
	v3 =	vor.u32 v3, v4  }
0x230: {  	v5 =	vld.idx.msk [tilespmem:v5+s22+$0x0], $0xffff  }
0x231: {  	v6 =	vor.u32 v22, v4;
	v47 =	vld.idx.msk [tilespmem:v0+s22+$0x0], $0xffff  }
0x232: {  	v0 =	vld [tilespmem:$0x1FED0]  }
0x233: {  	v7 =	vld.idx.msk [tilespmem:v7+s2+$0x0], $0xffff  }
0x234: {  	v3 =	vld.idx.msk [tilespmem:v3+s22+$0x0], $0xffff  }
0x235: {  	v16 =	vld.idx.msk [tilespmem:v2+s2+$0x0], $0xffff;
	v2 =	vlaneseq.u32  }
0x236: {  	v17 =	vld.idx.msk [tilespmem:v6+s22+$0x0], $0xffff;
	v2 =	vor.u32 v2, v4  }
0x237: {  	v6 =	vor.u32 v0, v4;
	v0 =	vld [tilespmem:$0x1FF10]  }
0x238: {  	v44 =	vld.idx.msk [tilespmem:v11+s2+$0x0], $0xffff  }
0x239: {  	v11 =	vor.u32 v23, v4;
	v63 =	vld.idx.msk [tilespmem:v5+s2+$0x0], $0xffff  }
0x23a: {  	v5 =	vld [tilespmem:$0x1FF40]  }
0x23b: {  	v35 =	vld.idx.msk [tilespmem:v2+s22+$0x0], $0xffff  }
0x23c: {  	v2 =	vor.u32 v0, v4;
	v0 =	vld [tilespmem:$0x1FFB0]  }
0x23d: {  	v59 =	vld.idx.msk [tilespmem:v3+s2+$0x0], $0xffff;
	v3 =	vor.u32 v19, v4  }
0x23e: {  	v11 =	vld.idx.msk [tilespmem:v11+s22+$0x0], $0xffff  }
0x23f: {  	v53 =	vor.u32 v5, v4;
	v5 =	vld [tilespmem:$0x1FE90]  }
0x240: {  	v41 =	vld.idx.msk [tilespmem:v12+s2+$0x0], $0xffff  }
0x241: {  	v39 =	vor.u32 v0, v4;
	v0 =	vld [tilespmem:$0x1FF20]  }
0x242: {  	v37 =	vld.idx.msk [tilespmem:v3+s22+$0x0], $0xffff  }
0x243: {  	v3 =	vld [tilespmem:$0x1FEB0]  }
0x244: {  	v62 =	vor.u32 v5, v4;
	v5 =	vld [tilespmem:$0x1FEA0]  }
0x245: {  	v1 =	vld.idx.msk [tilespmem:v1+s2+$0x0], $0xffff  }
0x246: {  	v36 =	vor.u32 v0, v4;
	v0 =	vld [tilespmem:$0x1FF30]  }
0x247: {  	v55 =	vunpack.i.u.bf16.f32 v7;
	v57 =	vunpack.i.l.bf16.f32 v7;
	v7 =	vld.idx.msk [tilespmem:v11+s2+$0x0], $0xffff  }
0x248: {  	v61 =	vor.u32 v3, v4;
	v3 =	vld [tilespmem:$0x1FEF0]  }
0x249: {  	v60 =	vor.u32 v5, v4;
	v5 =	vld [tilespmem:$0x1FEE0]  }
0x24a: {  	v43 =	vunpack.i.u.bf16.f32 v9;
	v46 =	vunpack.i.l.bf16.f32 v9;
	v9 =	vld.idx.msk [tilespmem:v37+s2+$0x0], $0xffff  }
0x24b: {  	v42 =	vor.u32 v28, v4;
	v50 =	vor.u32 v0, v4;
	v0 =	vld [tilespmem:$0x1FF00]  }
0x24c: {  	p0 =	sne.s32 s25, $0xF0;
	v40 =	vor.u32 v32, v4;
	v45 =	vunpack.i.u.bf16.f32 v8;
	v33 =	vunpack.i.u.bf16.f32 v10;
	v6 =	vld.idx.msk [tilespmem:v6+s22+$0x0], $0xffff  }
.Ltmp1:
0x24d: {  	v34 =	vunpack.i.l.bf16.f32 v10;
	v49 =	vunpack.i.u.bf16.f32 v1;
	v52 =	vunpack.i.l.bf16.f32 v1;
	v2 =	vld.idx.msk [tilespmem:v2+s22+$0x0], $0xffff;
	(pc) =	sbr.rel @p0 .LBB2_5-.Ltmp1, $4  }
0x24e: {  	v48 =	vunpack.i.u.bf16.f32 v13;
	v51 =	vunpack.i.l.bf16.f32 v13;
	v58 =	vor.u32 v5, v4;
	v5 =	vld.idx.msk [tilespmem:v17+s2+$0x0], $0xffff  }
0x24f: {  	v54 =	vunpack.i.u.bf16.f32 v15;
	v56 =	vunpack.i.l.bf16.f32 v15;
	v38 =	vunpack.i.l.bf16.f32 v16;
	v1 =	vld.idx.msk [tilespmem:v36+s22+$0x0], $0xffff  }
0x250: {  	v37 =	vunpack.i.u.bf16.f32 v16;
	v3 =	vor.u32 v3, v4;
	v0 =	vor.u32 v0, v4;
	v4 =	vld.idx.msk [tilespmem:v47+s2+$0x0], $0xffff  }
0x251: {  	s25 =	sadd.s32 $0x10, s25;
	v36 =	vunpack.i.l.bf16.f32 v14;
	v47 =	vunpack.i.l.bf16.f32 v8;
	v8 =	vld.idx.msk [tilespmem:v35+s2+$0x0], $0xffff;
	v35 =	vunpack.i.u.bf16.f32 v14  }
0x252: {  	_ =	sdelay $0x3  }
0x253: {  	v10 =	vunpack.i.u.bf16.f32 v59;
	v11 =	vunpack.i.l.bf16.f32 v59;
	v14 =	vunpack.i.u.bf16.f32 v63;
	v3 =	vld.idx.msk [tilespmem:v3+s22+$0x0], $0xffff  }
0x254: {  	v15 =	vunpack.i.l.bf16.f32 v63;
	v59 =	vunpack.i.u.bf16.f32 v9;
	v9 =	vunpack.i.l.bf16.f32 v9  }
0x255: {  	v6 =	vld.idx.msk [tilespmem:v6+s2+$0x0], $0xffff;
	v63 =	vunpack.i.u.bf16.f32 v7;
	v7 =	vunpack.i.l.bf16.f32 v7;
	v17 =	vunpack.i.u.bf16.f32 v5  }
0x256: {  	v2 =	vld.idx.msk [tilespmem:v2+s2+$0x0], $0xffff;
	v5 =	vunpack.i.l.bf16.f32 v5;
	v9 =	vadd.f32 $0.0e+00, v9;
	v16 =	vunpack.i.l.bf16.f32 v8  }
0x257: {  	v62 =	vld.idx.msk [tilespmem:v62+s22+$0x0], $0xffff;
	v59 =	vadd.f32 $0.0e+00, v59;
	v8 =	vunpack.i.u.bf16.f32 v8;
	v16 =	vadd.f32 $0.0e+00, v16  }
0x258: {  	v61 =	vld.idx.msk [tilespmem:v61+s22+$0x0], $0xffff;
	v13 =	vunpack.i.u.bf16.f32 v4;
	v7 =	vadd.f32 v7, v9;
	v8 =	vadd.f32 $0.0e+00, v8  }
0x259: {  	v1 =	vld.idx.msk [tilespmem:v1+s2+$0x0], $0xffff;
	v4 =	vunpack.i.l.bf16.f32 v4;
	v9 =	vadd.f32 v63, v59;
	v5 =	vadd.f32 v5, v16  }
0x25a: {  	v8 =	vadd.f32 v17, v8;
	v16 =	vld.idx.msk [tilespmem:v60+s22+$0x0], $0xffff;
	v17 =	vunpack.i.u.bf16.f32 v6;
	v6 =	vunpack.i.l.bf16.f32 v6  }
0x25b: {  	v6 =	vadd.f32 v6, v7;
	v60 =	vadd.f32 v17, v9;
	v9 =	vunpack.i.u.bf16.f32 v2;
	v3 =	vld.idx.msk [tilespmem:v3+s2+$0x0], $0xffff  }
0x25c: {  	v2 =	vunpack.i.l.bf16.f32 v2;
	v4 =	vadd.f32 v4, v5;
	v59 =	vadd.f32 v13, v8;
	v8 =	vld.idx.msk [tilespmem:v58+s22+$0x0], $0xffff  }
0x25d: {  	v12 =	vunpack.i.u.bf16.f32 v44;
	v13 =	vld.idx.msk [tilespmem:v53+s22+$0x0], $0xffff;
	v2 =	vadd.f32 v2, v6;
	v63 =	vadd.f32 v9, v60  }
0x25e: {  	v44 =	vunpack.i.l.bf16.f32 v44;
	v9 =	vld.idx.msk [tilespmem:v50+s22+$0x0], $0xffff;
	v4 =	vadd.f32 v15, v4;
	v5 =	vadd.f32 v14, v59  }
0x25f: {  	v53 =	vunpack.i.l.bf16.f32 v41;
	v2 =	vadd.f32 v44, v2;
	v6 =	vadd.f32 v12, v63;
	v12 =	vld.idx.msk [tilespmem:v62+s2+$0x0], $0xffff  }
0x260: {  	v14 =	vunpack.i.u.bf16.f32 v1;
	v4 =	vadd.f32 v11, v4;
	v5 =	vadd.f32 v10, v5;
	v11 =	vld.idx.msk [tilespmem:v61+s2+$0x0], $0xffff  }
0x261: {  	v0 =	vld.idx.msk [tilespmem:v0+s22+$0x0], $0xffff;
	v1 =	vunpack.i.l.bf16.f32 v1;
	v2 =	vadd.f32 v56, v2;
	v6 =	vadd.f32 v54, v6  }
0x262: {  	v10 =	vunpack.i.u.bf16.f32 v41;
	v4 =	vadd.f32 v57, v4;
	v5 =	vadd.f32 v55, v5;
	v15 =	vld.idx.msk [tilespmem:v16+s2+$0x0], $0xffff  }
0x263: {  	v17 =	vunpack.i.u.bf16.f32 v3;
	v16 =	vld.idx.msk [tilespmem:v42+s22+$0x0], $0xffff;
	v2 =	vadd.f32 v51, v2;
	v6 =	vadd.f32 v48, v6  }
0x264: {  	v3 =	vunpack.i.l.bf16.f32 v3;
	v4 =	vadd.f32 v52, v4;
	v5 =	vadd.f32 v49, v5;
	v8 =	vld.idx.msk [tilespmem:v8+s2+$0x0], $0xffff  }
0x265: {  	v40 =	vld.idx.msk [tilespmem:v40+s22+$0x0], $0xffff;
	v56 =	vunpack.i.u.bf16.f32 v12;
	v12 =	vunpack.i.l.bf16.f32 v12;
	v55 =	vunpack.i.u.bf16.f32 v11  }
0x266: {  	v13 =	vld.idx.msk [tilespmem:v13+s2+$0x0], $0xffff;
	v11 =	vunpack.i.l.bf16.f32 v11;
	v2 =	vadd.f32 v46, v2;
	v6 =	vadd.f32 v43, v6  }
0x267: {  	v39 =	vld.idx.msk [tilespmem:v39+s22+$0x0], $0xffff;
	v12 =	vadd.f32 $0.0e+00, v12;
	v42 =	vadd.f32 $0.0e+00, v56;
	v57 =	vunpack.i.l.bf16.f32 v15  }
0x268: {  	v9 =	vld.idx.msk [tilespmem:v9+s2+$0x0], $0xffff;
	v4 =	vadd.f32 v47, v4;
	v15 =	vunpack.i.u.bf16.f32 v15;
	v43 =	vadd.f32 $0.0e+00, v57  }
0x269: {  	v0 =	vld.idx.msk [tilespmem:v0+s2+$0x0], $0xffff;
	v5 =	vadd.f32 v45, v5;
	v15 =	vadd.f32 $0.0e+00, v15;
	v58 =	vunpack.i.l.bf16.f32 v8  }
0x26a: {  	v44 =	vmovc v28;
	v28 =	vld [tilespmem:$0x1FF80];
	v11 =	vadd.f32 v11, v12;
	v8 =	vunpack.i.u.bf16.f32 v8;
	v12 =	vadd.f32 v58, v43  }
0x26b: {  	v54 =	vld [tilespmem:$0x1FE90];
	v41 =	vadd.f32 v55, v42;
	v8 =	vadd.f32 v8, v15;
	v15 =	vunpack.i.l.bf16.f32 v13  }
0x26c: {  	v3 =	vadd.f32 v3, v11;
	v11 =	vunpack.i.u.bf16.f32 v13;
	v16 =	vld.idx.msk [tilespmem:v16+s2+$0x0], $0xffff;
	v12 =	vadd.f32 v15, v12  }
0x26d: {  	v49 =	vld [tilespmem:$0x1FEE0];
	v13 =	vadd.f32 v17, v41;
	v8 =	vadd.f32 v11, v8;
	v11 =	vunpack.i.l.bf16.f32 v9  }
0x26e: {  	v59 =	vunpack.i.u.bf16.f32 v9;
	v1 =	vadd.f32 v1, v3;
	v15 =	vld.idx.msk [tilespmem:v40+s2+$0x0], $0xffff;
	v9 =	vadd.f32 v11, v12  }
0x26f: {  	v56 =	vld [tilespmem:$0x1FF20];
	v11 =	vadd.f32 v14, v13;
	v3 =	vadd.f32 v59, v8;
	v8 =	vunpack.i.l.bf16.f32 v0  }
0x270: {  	v1 =	vadd.f32 v53, v1;
	v12 =	vld.idx.msk [tilespmem:v39+s2+$0x0], $0xffff;
	v0 =	vunpack.i.u.bf16.f32 v0;
	v60 =	vadd.f32 v8, v9  }
0x271: {  	v55 =	vld [tilespmem:$0x1FEA0];
	v61 =	vunpack.i.l.bf16.f32 v16;
	v8 =	vadd.f32 v10, v11;
	v0 =	vadd.f32 v0, v3  }
0x272: {  	v57 =	vld [tilespmem:$0x1FF10];
	v1 =	vadd.f32 v38, v1;
	v9 =	vunpack.i.u.bf16.f32 v16;
	v3 =	vadd.f32 v61, v60  }
0x273: {  	v58 =	vld [tilespmem:$0x1FEB0];
	v62 =	vadd.f32 v37, v8;
	v0 =	vadd.f32 v9, v0;
	v8 =	vunpack.i.l.bf16.f32 v15  }
0x274: {  	v59 =	vld [tilespmem:$0x1FEC0];
	v1 =	vadd.f32 v36, v1;
	v9 =	vunpack.i.u.bf16.f32 v15;
	v3 =	vadd.f32 v8, v3  }
0x275: {  	v13 =	vmovc v30;
	v30 =	vld [tilespmem:$0x1FFA0];
	v7 =	vadd.f32 v35, v62;
	v0 =	vadd.f32 v9, v0;
	v8 =	vunpack.i.l.bf16.f32 v12  }
0x276: {  	v14 =	vmovc v26;
	v26 =	vmovc v32;
	v32 =	vld [tilespmem:$0x1FFB0];
	v1 =	vadd.f32 v34, v1;
	v9 =	vunpack.i.u.bf16.f32 v12;
	v3 =	vadd.f32 v8, v3  }
0x277: {  	s0 =	sadd.s32 $0x1, s0;
	v60 =	vld [tilespmem:$0x1FED0];
	v7 =	vadd.f32 v33, v7;
	v0 =	vadd.f32 v9, v0  }
0x278: {  	p0 =	sne.s32 s0, $0x8;
	v2 =	vadd.f32 v2, v4;
	v61 =	vld [tilespmem:$0x1FEF0];
	v1 =	vadd.f32 v3, v1  }
.Ltmp2:
0x279: {  	v63 =	vadd.f32 v6, v5;
	v15 =	vmov v22;
	v22 =	vld [tilespmem:$0x1FF00];
	v0 =	vadd.f32 v0, v7;
	(pc) =	sbr.rel @p0 .LBB2_2-.Ltmp2, $4  }
0x27a: {  	v11 =	vmov v18;
	v18 =	vld [tilespmem:$0x1FFC0];
	v1 =	vadd.f32 v1, v2  }
0x27b: {  	s4 =	sadd.s32 $0x10, s4;
	v62 =	vld [tilespmem:$0x1FF30];
	v0 =	vadd.f32 v0, v63  }
0x27c: {  	s3 =	sadd.s32 $0x10, s3;
	s1 =	sadd.s32 $0x200, s1;
	v17 =	vmov v23;
	v23 =	vmov v31;
	v12 =	vmov v21;
	v21 =	vld [tilespmem:$0x1FF70];
	[tilespmem:s4+$0x0] =	vst v1  }
0x27d: {  	s31 =	sadd.s32 $0x200, s31;
	s29 =	sadd.s32 $0x200, s29;
	s30 =	sadd.s32 $0x200, s30;
	v10 =	vlaneseq.u32;
	v16 =	vmovc v19;
	v19 =	vmovc v27;
	v33 =	vmov v24;
	v24 =	vmov v29;
	v63 =	vld [tilespmem:$0x1FF40];
	[tilespmem:s3+$0x0] =	vst v0  }
0x27e: {  	s4 =	simm.s32 $0x11000  }
0x27f: {  	[hbm4b:s8+s18] =	stream.strided.scatter [tilespmem:s4], [sflag:$0x3], $0x1000, s19, s18, $0x38;
	[tilespmem:$0x13000] =	vst v63  }
0x280: {  	_ =	swait.ge [sflag:s20], $0x1000  }
0x281: {  	[sflag:s20] =	ssyncset.done $0x0  }
0x282: {  	s3 =	simm.s32 $0x12000;
	[sflag:s20] =	ssyncadd.s32 $0xFFFFF000  }
0x283: {  	[hbm4b:s9+s18] =	stream.strided.scatter [tilespmem:s3], [sflag:$0x3], $0x1000, s19, s18, $0x38;
	[tilespmem:$0x13000] =	vst v63  }
0x284: {  	_ =	swait.ge [sflag:s20], $0x1000  }
0x285: {  	[sflag:s20] =	ssyncset.done $0x0  }
0x286: {  	s31 =	simm.s32 $0x0;
	[sflag:s20] =	ssyncadd.s32 $0xFFFFF000  }
0x287: {  	[tilespmem:s31], [sflag:$0x3] =	stream.strided.gather [hbm4b:s10+s18], $0x1000, s19, s18, $0x38;
	[tilespmem:$0x13000] =	vst v63  }
0x288: {  	_ =	swait.ge [sflag:s20], $0x1000  }
0x289: {  	[sflag:s20] =	ssyncset.done $0x0  }
0x28a: {  	[sflag:s20] =	ssyncadd.s32 $0xFFFFF000  }
0x28b: {  	[tilespmem:s21], [sflag:$0x1] =	stream.linear.gather [hbm4b:s11+s31], $0x8000, $0x38;
	[tilespmem:$0x13000] =	vst v63  }
0x28c: {  	s1 =	simm.s32 $0x12100;
	s0 =	simm.s32 $0x11100;
	s25 =	simm.s32 $0x0  }
0x28d: {  	[tilespmem:s22], [sflag:$0x2] =	stream.linear.gather [hbm4b:s12+s31], $0x8000, $0x38;
	[tilespmem:$0x13000] =	vst v63  }
.LBB2_8:
0x28e: {  	v0 =	vmov s31  }
0x28f: {  	v0 =	vshll.u32 v0, $0x7  }
0x290: {  	v0 =	vor.u32 v11, v0  }
0x291: {  	v1 =	vor.u32 v23, v0  }
0x292: {  	_ =	swait.ge [sflag:s23], $0x8000;
	s26 =	sshll.u32 s25, $0xD;
	p0 =	seq.s32 s25, $0x7;
	v2 =	vor.u32 v28, v0  }
0x293: {  	[sflag:s23] =	ssyncset.done $0x0;
	s5 =	sadd.s32 @!p0 s26, s13;
	v3 =	vor.u32 v25, v0  }
0x294: {  	s29 =	simm.s32 @!p0 $0x0;
	s30 =	simm.s32 @!p0 $0x1000;
	[sflag:s23] =	ssyncadd.s32 $0xFFFF8000;
	v4 =	vor.u32 v20, v0  }
0x295: {  	[tilespmem:s30], [sflag:$0x1] =	stream.linear.gather @!p0 [hbm4b:s5+s29], $0x8000, $0x38;
	v5 =	vor.u32 v18, v0;
	[tilespmem:$0x13000] =	vst v63  }
0x296: {  	v6 =	vor.u32 v30, v0;
	v1 =	vld.idx.msk [tilespmem:v1+s21+$0x0], $0xffff  }
0x297: {  	v7 =	vor.u32 v33, v0;
	v2 =	vld.idx.msk [tilespmem:v2+s21+$0x0], $0xffff  }
0x298: {  	v8 =	vor.u32 v19, v0;
	v3 =	vld.idx.msk [tilespmem:v3+s21+$0x0], $0xffff  }
0x299: {  	v9 =	vor.u32 v24, v0;
	v4 =	vld.idx.msk [tilespmem:v4+s21+$0x0], $0xffff  }
0x29a: {  	v10 =	vor.u32 v21, v0;
	v5 =	vld.idx.msk [tilespmem:v5+s21+$0x0], $0xffff  }
0x29b: {  	v29 =	vmov v11;
	v11 =	vor.u32 v12, v0;
	v6 =	vld.idx.msk [tilespmem:v6+s21+$0x0], $0xffff  }
0x29c: {  	v43 =	vor.u32 v14, v0;
	v7 =	vld.idx.msk [tilespmem:v7+s21+$0x0], $0xffff  }
0x29d: {  	v34 =	vlaneseq.u32;
	v45 =	vor.u32 v13, v0;
	v8 =	vld.idx.msk [tilespmem:v8+s21+$0x0], $0xffff  }
0x29e: {  	v46 =	vor.u32 v34, v0;
	v9 =	vld.idx.msk [tilespmem:v9+s21+$0x0], $0xffff  }
0x29f: {  	v47 =	vor.u32 v15, v0;
	v10 =	vld.idx.msk [tilespmem:v10+s21+$0x0], $0xffff  }
0x2a0: {  	v18 =	vmov v16;
	v16 =	vor.u32 v16, v0;
	v11 =	vld.idx.msk [tilespmem:v11+s21+$0x0], $0xffff  }
0x2a1: {  	v24 =	vmov v17;
	v17 =	vor.u32 v17, v0;
	v12 =	vld.idx.msk [tilespmem:v43+s21+$0x0], $0xffff  }
0x2a2: {  	v31 =	vmov v13;
	v48 =	vor.u32 v59, v0;
	v13 =	vld.idx.msk [tilespmem:v45+s21+$0x0], $0xffff  }
0x2a3: {  	v27 =	vmov v14;
	v50 =	vor.u32 v60, v0;
	v14 =	vld.idx.msk [tilespmem:v46+s21+$0x0], $0xffff  }
0x2a4: {  	v19 =	vmov v15;
	v35 =	vor.u32 v57, v0;
	v15 =	vld.idx.msk [tilespmem:v47+s21+$0x0], $0xffff  }
0x2a5: {  	v40 =	vor.u32 v56, v0;
	v16 =	vld.idx.msk [tilespmem:v16+s21+$0x0], $0xffff  }
0x2a6: {  	v17 =	vld.idx.msk [tilespmem:v17+s21+$0x0], $0xffff;
	v45 =	vor.u32 v61, v0  }
0x2a7: {  	v36 =	vld.idx.msk [tilespmem:v48+s21+$0x0], $0xffff;
	v43 =	vor.u32 v58, v0  }
0x2a8: {  	v37 =	vor.u32 v44, v0;
	v44 =	vld.idx.msk [tilespmem:v50+s21+$0x0], $0xffff  }
0x2a9: {  	v51 =	vld.idx.msk [tilespmem:v35+s21+$0x0], $0xffff  }
0x2aa: {  	v40 =	vld.idx.msk [tilespmem:v40+s21+$0x0], $0xffff  }
0x2ab: {  	v45 =	vld.idx.msk [tilespmem:v45+s21+$0x0], $0xffff  }
0x2ac: {  	v43 =	vld.idx.msk [tilespmem:v43+s21+$0x0], $0xffff  }
0x2ad: {  	v1 =	vld.idx.msk [tilespmem:v1+s2+$0x0], $0xffff  }
0x2ae: {  	v2 =	vld.idx.msk [tilespmem:v2+s2+$0x0], $0xffff  }
0x2af: {  	v3 =	vld.idx.msk [tilespmem:v3+s2+$0x0], $0xffff  }
0x2b0: {  	v4 =	vld.idx.msk [tilespmem:v4+s2+$0x0], $0xffff  }
0x2b1: {  	v47 =	vor.u32 v54, v0;
	v5 =	vld.idx.msk [tilespmem:v5+s2+$0x0], $0xffff  }
0x2b2: {  	v6 =	vld.idx.msk [tilespmem:v6+s2+$0x0], $0xffff  }
0x2b3: {  	v38 =	vor.u32 v26, v0;
	v39 =	vor.u32 v32, v0;
	v14 =	vld.idx.msk [tilespmem:v14+s2+$0x0], $0xffff  }
0x2b4: {  	v41 =	vor.u32 v62, v0;
	v42 =	vor.u32 v22, v0;
	v46 =	vor.u32 v63, v0;
	v15 =	vld.idx.msk [tilespmem:v15+s2+$0x0], $0xffff  }
0x2b5: {  	v48 =	vor.u32 v55, v0;
	v0 =	vor.u32 v49, v0;
	v16 =	vld.idx.msk [tilespmem:v16+s2+$0x0], $0xffff;
	v49 =	vunpack.i.u.bf16.f32 v1  }
0x2b6: {  	v47 =	vld.idx.msk [tilespmem:v47+s21+$0x0], $0xffff;
	v1 =	vunpack.i.l.bf16.f32 v1;
	v50 =	vunpack.i.u.bf16.f32 v2;
	v2 =	vunpack.i.l.bf16.f32 v2  }
0x2b7: {  	v7 =	vld.idx.msk [tilespmem:v7+s2+$0x0], $0xffff;
	v33 =	vunpack.i.u.bf16.f32 v3;
	v34 =	vunpack.i.l.bf16.f32 v3;
	v3 =	vunpack.i.u.bf16.f32 v4  }
0x2b8: {  	v17 =	vld.idx.msk [tilespmem:v17+s2+$0x0], $0xffff;
	v4 =	vunpack.i.l.bf16.f32 v4;
	v52 =	vunpack.i.u.bf16.f32 v5;
	v53 =	vunpack.i.l.bf16.f32 v14  }
0x2b9: {  	v54 =	vld.idx.msk [tilespmem:v36+s2+$0x0], $0xffff;
	v5 =	vunpack.i.l.bf16.f32 v5;
	v35 =	vunpack.i.u.bf16.f32 v6;
	v36 =	vunpack.i.l.bf16.f32 v6  }
0x2ba: {  	v8 =	vld.idx.msk [tilespmem:v8+s2+$0x0], $0xffff;
	v6 =	vunpack.i.u.bf16.f32 v14;
	v14 =	vunpack.i.l.bf16.f32 v15;
	v55 =	vunpack.i.l.bf16.f32 v16  }
0x2bb: {  	v48 =	vld.idx.msk [tilespmem:v48+s21+$0x0], $0xffff;
	v16 =	vunpack.i.u.bf16.f32 v16;
	v53 =	vadd.f32 $0.0e+00, v53;
	v6 =	vadd.f32 $0.0e+00, v6  }
0x2bc: {  	v44 =	vld.idx.msk [tilespmem:v44+s2+$0x0], $0xffff;
	v15 =	vunpack.i.u.bf16.f32 v15;
	v55 =	vadd.f32 $0.0e+00, v55;
	v16 =	vadd.f32 $0.0e+00, v16  }
0x2bd: {  	v9 =	vld.idx.msk [tilespmem:v9+s2+$0x0], $0xffff;
	v14 =	vadd.f32 v14, v53;
	v53 =	vunpack.i.u.bf16.f32 v7;
	v6 =	vadd.f32 v15, v6  }
0x2be: {  	v13 =	vld.idx.msk [tilespmem:v13+s2+$0x0], $0xffff;
	v15 =	vunpack.i.l.bf16.f32 v17;
	v7 =	vunpack.i.l.bf16.f32 v7;
	v17 =	vunpack.i.u.bf16.f32 v17  }
0x2bf: {  	v10 =	vld.idx.msk [tilespmem:v10+s2+$0x0], $0xffff;
	v15 =	vadd.f32 v15, v55;
	v55 =	vunpack.i.u.bf16.f32 v8;
	v8 =	vunpack.i.l.bf16.f32 v8  }
0x2c0: {  	v51 =	vld.idx.msk [tilespmem:v51+s2+$0x0], $0xffff;
	v16 =	vadd.f32 v17, v16;
	v17 =	vunpack.i.u.bf16.f32 v54;
	v54 =	vunpack.i.l.bf16.f32 v54  }
0x2c1: {  	v11 =	vld.idx.msk [tilespmem:v11+s2+$0x0], $0xffff;
	v14 =	vadd.f32 v54, v14;
	v6 =	vadd.f32 v17, v6;
	v17 =	vunpack.i.l.bf16.f32 v44  }
0x2c2: {  	v0 =	vld.idx.msk [tilespmem:v0+s21+$0x0], $0xffff;
	v54 =	vunpack.i.u.bf16.f32 v9;
	v44 =	vunpack.i.u.bf16.f32 v44;
	v15 =	vadd.f32 v17, v15  }
0x2c3: {  	v12 =	vld.idx.msk [tilespmem:v12+s2+$0x0], $0xffff;
	v16 =	vadd.f32 v44, v16;
	v44 =	vunpack.i.u.bf16.f32 v13;
	v13 =	vunpack.i.l.bf16.f32 v13  }
0x2c4: {  	v40 =	vld.idx.msk [tilespmem:v40+s2+$0x0], $0xffff;
	v17 =	vunpack.i.u.bf16.f32 v10;
	v10 =	vunpack.i.l.bf16.f32 v10;
	v13 =	vadd.f32 v13, v14  }
0x2c5: {  	v48 =	vld.idx.msk [tilespmem:v48+s2+$0x0], $0xffff;
	v6 =	vadd.f32 v44, v6;
	v14 =	vunpack.i.l.bf16.f32 v51;
	v51 =	vunpack.i.u.bf16.f32 v51  }
0x2c6: {  	v47 =	vld.idx.msk [tilespmem:v47+s2+$0x0], $0xffff;
	v44 =	vunpack.i.u.bf16.f32 v11;
	v14 =	vadd.f32 v14, v15;
	v16 =	vadd.f32 v51, v16  }
0x2c7: {  	v11 =	vunpack.i.l.bf16.f32 v11;
	v15 =	vld.idx.msk [tilespmem:v46+s21+$0x0], $0xffff;
	v10 =	vadd.f32 v10, v13;
	v6 =	vadd.f32 v17, v6  }
0x2c8: {  	v9 =	vunpack.i.l.bf16.f32 v9;
	v51 =	vld.idx.msk [tilespmem:v43+s2+$0x0], $0xffff;
	v11 =	vadd.f32 v11, v14;
	v16 =	vadd.f32 v44, v16  }
0x2c9: {  	v46 =	vunpack.i.u.bf16.f32 v40;
	v14 =	vld.idx.msk [tilespmem:v41+s21+$0x0], $0xffff;
	v7 =	vadd.f32 v7, v10;
	v6 =	vadd.f32 v53, v6  }
0x2ca: {  	v42 =	vld.idx.msk [tilespmem:v42+s21+$0x0], $0xffff;
	v10 =	vunpack.i.l.bf16.f32 v40;
	v40 =	vunpack.i.u.bf16.f32 v48;
	v8 =	vadd.f32 v8, v11  }
0x2cb: {  	v37 =	vld.idx.msk [tilespmem:v37+s21+$0x0], $0xffff;
	v17 =	vunpack.i.u.bf16.f32 v12;
	v11 =	vadd.f32 v55, v16;
	v40 =	vadd.f32 $0.0e+00, v40  }
0x2cc: {  	v45 =	vld.idx.msk [tilespmem:v45+s2+$0x0], $0xffff;
	v12 =	vunpack.i.l.bf16.f32 v12;
	v4 =	vadd.f32 v4, v7;
	v3 =	vadd.f32 v3, v6  }
0x2cd: {  	v0 =	vld.idx.msk [tilespmem:v0+s2+$0x0], $0xffff;
	v53 =	vunpack.i.l.bf16.f32 v48;
	v5 =	vadd.f32 v5, v8;
	v7 =	vadd.f32 v52, v11  }
0x2ce: {  	v8 =	vunpack.i.u.bf16.f32 v51;
	v11 =	vld.idx.msk [tilespmem:v38+s21+$0x0], $0xffff;
	v52 =	vunpack.i.u.bf16.f32 v47;
	v3 =	vadd.f32 v49, v3  }
0x2cf: {  	v49 =	vld.idx.msk [tilespmem:v15+s2+$0x0], $0xffff;
	v2 =	vadd.f32 v2, v5;
	v5 =	vadd.f32 v50, v7;
	v7 =	vunpack.i.l.bf16.f32 v47  }
0x2d0: {  	v1 =	vadd.f32 v1, v4;
	v4 =	vunpack.i.l.bf16.f32 v51;
	v51 =	vld.idx.msk [tilespmem:v39+s21+$0x0], $0xffff;
	v7 =	vadd.f32 $0.0e+00, v7  }
0x2d1: {  	v16 =	vunpack.i.u.bf16.f32 v45;
	v39 =	vadd.f32 $0.0e+00, v53;
	v38 =	vadd.f32 $0.0e+00, v52;
	v14 =	vld.idx.msk [tilespmem:v14+s2+$0x0], $0xffff  }
0x2d2: {  	v55 =	vunpack.i.l.bf16.f32 v0;
	v0 =	vunpack.i.u.bf16.f32 v0;
	v4 =	vadd.f32 v4, v7  }
0x2d3: {  	v6 =	vunpack.i.l.bf16.f32 v45;
	v39 =	vadd.f32 v55, v39;
	v8 =	vadd.f32 v8, v38;
	v7 =	vld.idx.msk [tilespmem:v42+s2+$0x0], $0xffff  }
0x2d4: {  	v0 =	vadd.f32 v0, v40;
	v42 =	vunpack.i.l.bf16.f32 v49;
	v4 =	vadd.f32 v6, v4  }
0x2d5: {  	v8 =	vadd.f32 v16, v8;
	v6 =	vld.idx.msk [tilespmem:v37+s2+$0x0], $0xffff;
	v13 =	vunpack.i.u.bf16.f32 v49;
	v43 =	vadd.f32 v42, v39  }
0x2d6: {  	v0 =	vadd.f32 v13, v0;
	v44 =	vunpack.i.l.bf16.f32 v14;
	v4 =	vadd.f32 v10, v4  }
0x2d7: {  	v8 =	vadd.f32 v46, v8;
	v10 =	vld.idx.msk [tilespmem:v11+s2+$0x0], $0xffff;
	v11 =	vunpack.i.u.bf16.f32 v14;
	v13 =	vadd.f32 v44, v43  }
0x2d8: {  	v0 =	vadd.f32 v11, v0;
	v11 =	vunpack.i.l.bf16.f32 v7;
	v4 =	vadd.f32 v12, v4  }
0x2d9: {  	v45 =	vld.idx.msk [tilespmem:v51+s2+$0x0], $0xffff;
	v8 =	vadd.f32 v17, v8;
	v7 =	vunpack.i.u.bf16.f32 v7;
	v11 =	vadd.f32 v11, v13  }
0x2da: {  	v0 =	vadd.f32 v7, v0;
	v7 =	vunpack.i.l.bf16.f32 v6;
	v4 =	vadd.f32 v9, v4  }
0x2db: {  	v8 =	vadd.f32 v54, v8;
	v6 =	vunpack.i.u.bf16.f32 v6;
	v7 =	vadd.f32 v7, v11  }
0x2dc: {  	v0 =	vadd.f32 v6, v0;
	v6 =	vunpack.i.l.bf16.f32 v10;
	v4 =	vadd.f32 v36, v4  }
0x2dd: {  	v9 =	vunpack.i.u.bf16.f32 v10;
	v6 =	vadd.f32 v6, v7;
	v7 =	vadd.f32 v35, v8  }
0x2de: {  	s5 =	simm.s32 $0x10;
	v0 =	vadd.f32 v9, v0;
	v8 =	vunpack.i.l.bf16.f32 v45;
	v9 =	vunpack.i.u.bf16.f32 v45  }
0x2df: {  	v11 =	vld [tilespmem:$0x1FE20];
	v4 =	vadd.f32 v34, v4;
	v6 =	vadd.f32 v8, v6;
	v8 =	vmov s5  }
0x2e0: {  	v7 =	vadd.f32 v33, v7;
	v0 =	vadd.f32 v9, v0;
	v8 =	vshll.u32 v8, $0x7  }
0x2e1: {  	v55 =	vld [tilespmem:$0x1FFC0];
	v1 =	vadd.f32 v2, v1;
	v2 =	vadd.f32 v6, v4;
	v6 =	vor.u32 v29, v8  }
0x2e2: {  	v38 =	vld [tilespmem:$0x1FFE0];
	v3 =	vadd.f32 v5, v3;
	v0 =	vadd.f32 v0, v7;
	v4 =	vor.u32 v23, v6  }
0x2e3: {  	v7 =	vld [tilespmem:$0x1FF60];
	v5 =	vor.u32 v30, v6;
	v1 =	vadd.f32 v2, v1  }
0x2e4: {  	v29 =	vmov v26;
	v26 =	vld [tilespmem:$0x1FFF0];
	v11 =	vor.u32 v11, v6;
	v0 =	vadd.f32 v0, v3  }
0x2e5: {  	v46 =	vor.u32 v27, v6;
	v23 =	vld [tilespmem:$0x1FFD0];
	[tilespmem:s4+$0x0] =	vst v1  }
0x2e6: {  	v2 =	vor.u32 v28, v6;
	v3 =	vor.u32 v25, v6;
	v25 =	vld [tilespmem:$0x1FEE0];
	[tilespmem:s3+$0x0] =	vst v0  }
0x2e7: {  	v0 =	vld.idx.msk [tilespmem:v4+s21+$0x0], $0xffff  }
0x2e8: {  	v1 =	vor.u32 v20, v6;
	v5 =	vld.idx.msk [tilespmem:v5+s21+$0x0], $0xffff  }
0x2e9: {  	v7 =	vor.u32 v7, v6;
	v11 =	vld.idx.msk [tilespmem:v11+s21+$0x0], $0xffff  }
0x2ea: {  	v4 =	vor.u32 v55, v6;
	v12 =	vld.idx.msk [tilespmem:v46+s21+$0x0], $0xffff  }
0x2eb: {  	v2 =	vld.idx.msk [tilespmem:v2+s21+$0x0], $0xffff  }
0x2ec: {  	v3 =	vld.idx.msk [tilespmem:v3+s21+$0x0], $0xffff  }
0x2ed: {  	v1 =	vld.idx.msk [tilespmem:v1+s21+$0x0], $0xffff  }
0x2ee: {  	v7 =	vld.idx.msk [tilespmem:v7+s21+$0x0], $0xffff  }
0x2ef: {  	v4 =	vld.idx.msk [tilespmem:v4+s21+$0x0], $0xffff  }
0x2f0: {  	v8 =	vld.idx.msk [tilespmem:v0+s2+$0x0], $0xffff  }
0x2f1: {  	v14 =	vld.idx.msk [tilespmem:v5+s2+$0x0], $0xffff  }
0x2f2: {  	v0 =	vor.u32 v38, v6;
	v44 =	vld.idx.msk [tilespmem:v11+s2+$0x0], $0xffff  }
0x2f3: {  	v9 =	vld.idx.msk [tilespmem:v2+s2+$0x0], $0xffff;
	v2 =	vor.u32 v26, v6  }
0x2f4: {  	v41 =	vld.idx.msk [tilespmem:v12+s2+$0x0], $0xffff  }
0x2f5: {  	v10 =	vld.idx.msk [tilespmem:v3+s2+$0x0], $0xffff;
	v3 =	vor.u32 v21, v6  }
0x2f6: {  	v21 =	vld [tilespmem:$0x1FEA0]  }
0x2f7: {  	v0 =	vld.idx.msk [tilespmem:v0+s21+$0x0], $0xffff  }
0x2f8: {  	v5 =	vor.u32 v19, v6;
	v2 =	vld.idx.msk [tilespmem:v2+s21+$0x0], $0xffff  }
0x2f9: {  	v13 =	vld.idx.msk [tilespmem:v4+s2+$0x0], $0xffff;
	v4 =	vor.u32 v31, v6  }
0x2fa: {  	v3 =	vld.idx.msk [tilespmem:v3+s21+$0x0], $0xffff  }
0x2fb: {  	v1 =	vld.idx.msk [tilespmem:v1+s2+$0x0], $0xffff  }
0x2fc: {  	v11 =	vor.u32 v24, v6;
	v7 =	vld.idx.msk [tilespmem:v7+s2+$0x0], $0xffff  }
0x2fd: {  	v17 =	vld.idx.msk [tilespmem:v5+s21+$0x0], $0xffff  }
0x2fe: {  	v5 =	vor.u32 v60, v6;
	v4 =	vld.idx.msk [tilespmem:v4+s21+$0x0], $0xffff  }
0x2ff: {  	v15 =	vld.idx.msk [tilespmem:v0+s2+$0x0], $0xffff  }
0x300: {  	v0 =	vor.u32 v59, v6;
	v16 =	vld.idx.msk [tilespmem:v2+s2+$0x0], $0xffff;
	v2 =	vlaneseq.u32  }
0x301: {  	v11 =	vld.idx.msk [tilespmem:v11+s21+$0x0], $0xffff;
	v2 =	vor.u32 v2, v6  }
0x302: {  	v54 =	vld.idx.msk [tilespmem:v3+s2+$0x0], $0xffff;
	v3 =	vor.u32 v18, v6  }
0x303: {  	v5 =	vld.idx.msk [tilespmem:v5+s21+$0x0], $0xffff  }
0x304: {  	v18 =	vld [tilespmem:$0x1FE90]  }
0x305: {  	v40 =	vor.u32 v29, v6;
	v39 =	vor.u32 v32, v6;
	v50 =	vor.u32 v62, v6;
	v47 =	vld.idx.msk [tilespmem:v0+s21+$0x0], $0xffff  }
0x306: {  	v62 =	vor.u32 v58, v6;
	v53 =	vor.u32 v63, v6;
	v35 =	vld.idx.msk [tilespmem:v2+s21+$0x0], $0xffff;
	v2 =	vor.u32 v57, v6  }
0x307: {  	v27 =	vmov v60;
	v42 =	vor.u32 v23, v6;
	v37 =	vld.idx.msk [tilespmem:v3+s21+$0x0], $0xffff;
	v57 =	vor.u32 v56, v6  }
0x308: {  	v28 =	vmovc v61;
	v31 =	vmov v63;
	v60 =	vor.u32 v25, v6;
	v59 =	vld.idx.msk [tilespmem:v4+s2+$0x0], $0xffff;
	v0 =	vor.u32 v22, v6  }
0x309: {  	v4 =	vor.u32 v61, v6;
	v61 =	vor.u32 v21, v6;
	v63 =	vor.u32 v18, v6;
	v6 =	vld.idx.msk [tilespmem:v17+s2+$0x0], $0xffff  }
0x30a: {  	v24 =	vmovc v58;
	v45 =	vunpack.i.u.bf16.f32 v8;
	v58 =	vunpack.i.l.bf16.f32 v7;
	v56 =	vunpack.i.u.bf16.f32 v7;
	v7 =	vld.idx.msk [tilespmem:v11+s2+$0x0], $0xffff  }
0x30b: {  	v36 =	vunpack.i.l.bf16.f32 v14;
	v43 =	vunpack.i.u.bf16.f32 v9;
	v46 =	vunpack.i.l.bf16.f32 v9;
	v2 =	vld.idx.msk [tilespmem:v2+s21+$0x0], $0xffff  }
0x30c: {  	v33 =	vunpack.i.u.bf16.f32 v10;
	v49 =	vunpack.i.u.bf16.f32 v1;
	v52 =	vunpack.i.l.bf16.f32 v1;
	v1 =	vld.idx.msk [tilespmem:v57+s21+$0x0], $0xffff  }
0x30d: {  	v30 =	vmovc v20;
	v19 =	vmovc v38;
	v34 =	vunpack.i.l.bf16.f32 v10;
	v48 =	vunpack.i.u.bf16.f32 v13;
	v51 =	vunpack.i.l.bf16.f32 v13;
	v3 =	vld.idx.msk [tilespmem:v47+s2+$0x0], $0xffff  }
0x30e: {  	v20 =	vmovc v18;
	v18 =	vmovc v55;
	v55 =	vunpack.i.u.bf16.f32 v15;
	v38 =	vunpack.i.l.bf16.f32 v16;
	v47 =	vunpack.i.l.bf16.f32 v8;
	v8 =	vld.idx.msk [tilespmem:v35+s2+$0x0], $0xffff  }
0x30f: {  	s29 =	smov.u32 s4;
	s30 =	smov.u32 s3;
	s5 =	simm.s32 $0x20;
	v57 =	vunpack.i.l.bf16.f32 v15;
	v9 =	vld.idx.msk [tilespmem:v37+s2+$0x0], $0xffff;
	v37 =	vunpack.i.u.bf16.f32 v16;
	v35 =	vunpack.i.u.bf16.f32 v14  }
.LBB2_9:
0x310: {  	v4 =	vld.idx.msk [tilespmem:v4+s21+$0x0], $0xffff  }
0x311: {  	v10 =	vunpack.i.u.bf16.f32 v54;
	v11 =	vunpack.i.l.bf16.f32 v54;
	v12 =	vunpack.i.u.bf16.f32 v44;
	v61 =	vld.idx.msk [tilespmem:v61+s21+$0x0], $0xffff  }
0x312: {  	v5 =	vld.idx.msk [tilespmem:v5+s2+$0x0], $0xffff;
	v13 =	vunpack.i.u.bf16.f32 v3;
	v14 =	vunpack.i.u.bf16.f32 v59;
	v15 =	vunpack.i.l.bf16.f32 v59  }
0x313: {  	v16 =	vunpack.i.l.bf16.f32 v8;
	v17 =	vunpack.i.u.bf16.f32 v6;
	v3 =	vunpack.i.l.bf16.f32 v3;
	v2 =	vld.idx.msk [tilespmem:v2+s2+$0x0], $0xffff  }
0x314: {  	v8 =	vunpack.i.u.bf16.f32 v8;
	v6 =	vunpack.i.l.bf16.f32 v6;
	v54 =	vunpack.i.u.bf16.f32 v9;
	v59 =	vld.idx.msk [tilespmem:v62+s21+$0x0], $0xffff  }
0x315: {  	v9 =	vunpack.i.l.bf16.f32 v9;
	v62 =	vld.idx.msk [tilespmem:v63+s21+$0x0], $0xffff;
	v16 =	vadd.f32 $0.0e+00, v16;
	v8 =	vadd.f32 $0.0e+00, v8  }
0x316: {  	v63 =	vunpack.i.u.bf16.f32 v7;
	v1 =	vld.idx.msk [tilespmem:v1+s2+$0x0], $0xffff;
	v9 =	vadd.f32 $0.0e+00, v9;
	v54 =	vadd.f32 $0.0e+00, v54  }
0x317: {  	v7 =	vunpack.i.l.bf16.f32 v7;
	v6 =	vadd.f32 v6, v16;
	v8 =	vadd.f32 v17, v8  }
0x318: {  	v7 =	vadd.f32 v7, v9;
	v9 =	vadd.f32 v63, v54;
	v16 =	vunpack.i.u.bf16.f32 v5  }
0x319: {  	v17 =	vld.idx.msk [tilespmem:v60+s21+$0x0], $0xffff;
	v3 =	vadd.f32 v3, v6;
	v6 =	vadd.f32 v13, v8;
	v5 =	vunpack.i.l.bf16.f32 v5  }
0x31a: {  	v8 =	vunpack.i.u.bf16.f32 v2;
	v5 =	vadd.f32 v5, v7;
	v7 =	vadd.f32 v16, v9;
	v9 =	vld.idx.msk [tilespmem:v53+s21+$0x0], $0xffff  }
0x31b: {  	v2 =	vunpack.i.l.bf16.f32 v2;
	v54 =	vunpack.i.u.bf16.f32 v1;
	v53 =	vld.idx.msk [tilespmem:v61+s2+$0x0], $0xffff;
	v3 =	vadd.f32 v15, v3  }
0x31c: {  	v4 =	vld.idx.msk [tilespmem:v4+s2+$0x0], $0xffff;
	v1 =	vunpack.i.l.bf16.f32 v1;
	v6 =	vadd.f32 v14, v6;
	v2 =	vadd.f32 v2, v5  }
0x31d: {  	v0 =	vld.idx.msk [tilespmem:v0+s21+$0x0], $0xffff;
	v5 =	vadd.f32 v8, v7;
	v8 =	vunpack.i.l.bf16.f32 v44;
	v3 =	vadd.f32 v11, v3  }
0x31e: {  	v7 =	vld.idx.msk [tilespmem:v50+s21+$0x0], $0xffff;
	v6 =	vadd.f32 v10, v6;
	v10 =	vunpack.i.u.bf16.f32 v41;
	v2 =	vadd.f32 v8, v2  }
0x31f: {  	v11 =	vld.idx.msk [tilespmem:v62+s2+$0x0], $0xffff;
	v5 =	vadd.f32 v12, v5;
	v8 =	vunpack.i.l.bf16.f32 v41;
	v3 =	vadd.f32 v58, v3  }
0x320: {  	v50 =	vld.idx.msk [tilespmem:v59+s2+$0x0], $0xffff;
	v6 =	vadd.f32 v56, v6;
	v12 =	vunpack.i.u.bf16.f32 v53;
	v2 =	vadd.f32 v57, v2  }
0x321: {  	v16 =	vld.idx.msk [tilespmem:v17+s2+$0x0], $0xffff;
	v17 =	vunpack.i.u.bf16.f32 v4;
	v5 =	vadd.f32 v55, v5;
	v12 =	vadd.f32 $0.0e+00, v12  }
0x322: {  	v58 =	vld.idx.msk [tilespmem:v42+s21+$0x0], $0xffff;
	v4 =	vunpack.i.l.bf16.f32 v4;
	v3 =	vadd.f32 v52, v3;
	v6 =	vadd.f32 v49, v6  }
0x323: {  	v40 =	vld.idx.msk [tilespmem:v40+s21+$0x0], $0xffff;
	v61 =	vunpack.i.l.bf16.f32 v53;
	v2 =	vadd.f32 v51, v2;
	v5 =	vadd.f32 v48, v5  }
0x324: {  	v9 =	vld.idx.msk [tilespmem:v9+s2+$0x0], $0xffff;
	v60 =	vunpack.i.u.bf16.f32 v11;
	v11 =	vunpack.i.l.bf16.f32 v11;
	v3 =	vadd.f32 v47, v3  }
0x325: {  	v39 =	vld.idx.msk [tilespmem:v39+s21+$0x0], $0xffff;
	v59 =	vunpack.i.u.bf16.f32 v50;
	v6 =	vadd.f32 v45, v6;
	v11 =	vadd.f32 $0.0e+00, v11  }
0x326: {  	v13 =	vunpack.i.l.bf16.f32 v50;
	v5 =	vadd.f32 v43, v5;
	v7 =	vld.idx.msk [tilespmem:v7+s2+$0x0], $0xffff;
	v43 =	vadd.f32 $0.0e+00, v61  }
0x327: {  	v42 =	vadd.f32 $0.0e+00, v60;
	v2 =	vadd.f32 v46, v2;
	v62 =	vunpack.i.l.bf16.f32 v16  }
0x328: {  	v0 =	vld.idx.msk [tilespmem:v0+s2+$0x0], $0xffff;
	v63 =	vunpack.i.u.bf16.f32 v16;
	v11 =	vadd.f32 v13, v11;
	v16 =	vadd.f32 v62, v43  }
0x329: {  	v41 =	vadd.f32 v59, v42;
	v12 =	vadd.f32 v63, v12;
	v42 =	vunpack.i.l.bf16.f32 v9  }
0x32a: {  	v15 =	vld.idx.msk [tilespmem:v58+s2+$0x0], $0xffff;
	v4 =	vadd.f32 v4, v11;
	v9 =	vunpack.i.u.bf16.f32 v9;
	v11 =	vadd.f32 v42, v16  }
0x32b: {  	v43 =	vadd.f32 v17, v41;
	v9 =	vadd.f32 v9, v12;
	v44 =	vunpack.i.l.bf16.f32 v7  }
0x32c: {  	v16 =	vld.idx.msk [tilespmem:v40+s2+$0x0], $0xffff;
	v1 =	vadd.f32 v1, v4;
	v4 =	vunpack.i.u.bf16.f32 v7;
	v7 =	vadd.f32 v44, v11  }
0x32d: {  	v11 =	vadd.f32 v54, v43;
	v4 =	vadd.f32 v4, v9;
	v9 =	vunpack.i.l.bf16.f32 v0  }
0x32e: {  	v45 =	vld.idx.msk [tilespmem:v39+s2+$0x0], $0xffff;
	v0 =	vunpack.i.u.bf16.f32 v0;
	v1 =	vadd.f32 v8, v1;
	v7 =	vadd.f32 v9, v7  }
0x32f: {  	v8 =	vadd.f32 v10, v11;
	v0 =	vadd.f32 v0, v4;
	v4 =	vunpack.i.l.bf16.f32 v15  }
0x330: {  	v9 =	vunpack.i.u.bf16.f32 v15;
	v1 =	vadd.f32 v38, v1;
	v4 =	vadd.f32 v4, v7  }
0x331: {  	v7 =	vadd.f32 v37, v8;
	v0 =	vadd.f32 v9, v0;
	v8 =	vunpack.i.l.bf16.f32 v16  }
0x332: {  	v9 =	vunpack.i.u.bf16.f32 v16;
	v1 =	vadd.f32 v36, v1;
	v4 =	vadd.f32 v8, v4  }
0x333: {  	v7 =	vadd.f32 v35, v7;
	v0 =	vadd.f32 v9, v0;
	v8 =	vunpack.i.l.bf16.f32 v45  }
0x334: {  	v9 =	vunpack.i.u.bf16.f32 v45;
	v1 =	vadd.f32 v34, v1;
	v4 =	vadd.f32 v8, v4  }
0x335: {  	v7 =	vadd.f32 v33, v7;
	v0 =	vadd.f32 v9, v0  }
0x336: {  	v2 =	vadd.f32 v2, v3;
	v1 =	vadd.f32 v4, v1  }
0x337: {  	v3 =	vld [tilespmem:$0x1FE30];
	v4 =	vadd.f32 v5, v6;
	v0 =	vadd.f32 v0, v7  }
0x338: {  	v5 =	vld [tilespmem:$0x1FF90]  }
0x339: {  	v0 =	vadd.f32 v0, v4;
	v4 =	vld [tilespmem:$0x1FF50]  }
0x33a: {  	v8 =	vmov s5  }
0x33b: {  	v8 =	vshll.u32 v8, $0x7  }
0x33c: {  	v3 =	vor.u32 v3, v8  }
0x33d: {  	v5 =	vor.u32 v5, v3  }
0x33e: {  	v1 =	vadd.f32 v1, v2;
	v2 =	vld [tilespmem:$0x1FF80];
	v4 =	vor.u32 v4, v3  }
0x33f: {  	s29 =	sadd.s32 $0x10, s29  }
0x340: {  	s30 =	sadd.s32 $0x10, s30;
	[tilespmem:s29+$0x0] =	vst v1  }
0x341: {  	v11 =	vld [tilespmem:$0x1FE20];
	[tilespmem:s30+$0x0] =	vst v0  }
0x342: {  	v0 =	vld.idx.msk [tilespmem:v5+s21+$0x0], $0xffff  }
0x343: {  	v2 =	vor.u32 v2, v3;
	v4 =	vld.idx.msk [tilespmem:v4+s21+$0x0], $0xffff  }
0x344: {  	v46 =	vld [tilespmem:$0x1FE50];
	_ =	sdelay $0x2  }
0x345: {  	v6 =	vld [tilespmem:$0x1FFA0]  }
0x346: {  	v11 =	vor.u32 v11, v3;
	v2 =	vld.idx.msk [tilespmem:v2+s21+$0x0], $0xffff  }
0x347: {  	v7 =	vld [tilespmem:$0x1FF60];
	v12 =	vor.u32 v46, v3  }
0x348: {  	v8 =	vld.idx.msk [tilespmem:v0+s2+$0x0], $0xffff;
	v0 =	vor.u32 v19, v3  }
0x349: {  	v10 =	vld.idx.msk [tilespmem:v4+s2+$0x0], $0xffff  }
0x34a: {  	v6 =	vor.u32 v6, v3;
	v4 =	vld [tilespmem:$0x1FF70]  }
0x34b: {  	v1 =	vor.u32 v30, v3;
	v11 =	vld.idx.msk [tilespmem:v11+s21+$0x0], $0xffff  }
0x34c: {  	v12 =	vld.idx.msk [tilespmem:v12+s21+$0x0], $0xffff;
	v5 =	vor.u32 v18, v3  }
0x34d: {  	v7 =	vor.u32 v7, v3;
	v0 =	vld.idx.msk [tilespmem:v0+s21+$0x0], $0xffff  }
0x34e: {  	v9 =	vld.idx.msk [tilespmem:v2+s2+$0x0], $0xffff;
	v2 =	vor.u32 v26, v3  }
0x34f: {  	v6 =	vld.idx.msk [tilespmem:v6+s21+$0x0], $0xffff;
	v4 =	vor.u32 v4, v3  }
0x350: {  	v1 =	vld.idx.msk [tilespmem:v1+s21+$0x0], $0xffff  }
0x351: {  	v5 =	vld.idx.msk [tilespmem:v5+s21+$0x0], $0xffff  }
0x352: {  	v7 =	vld.idx.msk [tilespmem:v7+s21+$0x0], $0xffff  }
0x353: {  	v2 =	vld.idx.msk [tilespmem:v2+s21+$0x0], $0xffff  }
0x354: {  	v4 =	vld.idx.msk [tilespmem:v4+s21+$0x0], $0xffff  }
0x355: {  	v15 =	vld.idx.msk [tilespmem:v0+s2+$0x0], $0xffff  }
0x356: {  	v0 =	vld [tilespmem:$0x1FEC0]  }
0x357: {  	v14 =	vld.idx.msk [tilespmem:v6+s2+$0x0], $0xffff  }
0x358: {  	v6 =	vld [tilespmem:$0x1FE60]  }
0x359: {  	v13 =	vld.idx.msk [tilespmem:v5+s2+$0x0], $0xffff  }
0x35a: {  	v5 =	vld [tilespmem:$0x1FE40]  }
0x35b: {  	v44 =	vld.idx.msk [tilespmem:v11+s2+$0x0], $0xffff;
	v0 =	vor.u32 v0, v3  }
0x35c: {  	v11 =	vld [tilespmem:$0x1FE80]  }
0x35d: {  	v16 =	vld.idx.msk [tilespmem:v2+s2+$0x0], $0xffff  }
0x35e: {  	v6 =	vor.u32 v6, v3;
	v54 =	vld.idx.msk [tilespmem:v4+s2+$0x0], $0xffff  }
0x35f: {  	v5 =	vor.u32 v5, v3;
	v2 =	vlaneseq.u32;
	v4 =	vld [tilespmem:$0x1FE70]  }
0x360: {  	v2 =	vor.u32 v2, v3;
	v47 =	vld.idx.msk [tilespmem:v0+s21+$0x0], $0xffff  }
0x361: {  	v0 =	vld [tilespmem:$0x1FF10]  }
0x362: {  	v41 =	vld.idx.msk [tilespmem:v12+s2+$0x0], $0xffff  }
0x363: {  	v6 =	vld.idx.msk [tilespmem:v6+s21+$0x0], $0xffff  }
0x364: {  	v11 =	vor.u32 v11, v3;
	v5 =	vld.idx.msk [tilespmem:v5+s21+$0x0], $0xffff  }
0x365: {  	v35 =	vld.idx.msk [tilespmem:v2+s21+$0x0], $0xffff;
	v4 =	vor.u32 v4, v3  }
0x366: {  	v2 =	vor.u32 v0, v3;
	v0 =	vld [tilespmem:$0x1FF20]  }
0x367: {  	v1 =	vld.idx.msk [tilespmem:v1+s2+$0x0], $0xffff  }
0x368: {  	v7 =	vld.idx.msk [tilespmem:v7+s2+$0x0], $0xffff  }
0x369: {  	v17 =	vor.u32 v27, v3;
	v11 =	vld.idx.msk [tilespmem:v11+s21+$0x0], $0xffff  }
0x36a: {  	v57 =	vld.idx.msk [tilespmem:v4+s21+$0x0], $0xffff  }
0x36b: {  	v42 =	vor.u32 v23, v3;
	v40 =	vor.u32 v29, v3;
	v58 =	vor.u32 v0, v3;
	v0 =	vld [tilespmem:$0x1FF30]  }
0x36c: {  	v39 =	vor.u32 v32, v3;
	v62 =	vor.u32 v24, v3;
	v53 =	vor.u32 v31, v3;
	v6 =	vld.idx.msk [tilespmem:v6+s2+$0x0], $0xffff  }
0x36d: {  	v63 =	vor.u32 v20, v3;
	v61 =	vor.u32 v21, v3;
	v60 =	vor.u32 v25, v3;
	v59 =	vld.idx.msk [tilespmem:v5+s2+$0x0], $0xffff  }
0x36e: {  	v49 =	vunpack.i.u.bf16.f32 v1;
	v52 =	vunpack.i.l.bf16.f32 v1;
	v45 =	vunpack.i.u.bf16.f32 v8;
	v5 =	vld.idx.msk [tilespmem:v17+s21+$0x0], $0xffff  }
0x36f: {  	p1 =	sne.s32 s5, $0xF0;
	v36 =	vunpack.i.l.bf16.f32 v14;
	v56 =	vunpack.i.u.bf16.f32 v7;
	v43 =	vunpack.i.u.bf16.f32 v9;
	v2 =	vld.idx.msk [tilespmem:v2+s21+$0x0], $0xffff  }
.Ltmp3:
0x370: {  	v4 =	vor.u32 v28, v3;
	v50 =	vor.u32 v0, v3;
	v0 =	vor.u32 v22, v3;
	v3 =	vld.idx.msk [tilespmem:v47+s2+$0x0], $0xffff;
	(pc) =	sbr.rel @p1 .LBB2_9-.Ltmp3, $4  }
0x371: {  	v46 =	vunpack.i.l.bf16.f32 v9;
	v33 =	vunpack.i.u.bf16.f32 v10;
	v47 =	vunpack.i.l.bf16.f32 v8;
	v8 =	vld.idx.msk [tilespmem:v35+s2+$0x0], $0xffff  }
0x372: {  	v34 =	vunpack.i.l.bf16.f32 v10;
	v48 =	vunpack.i.u.bf16.f32 v13;
	v51 =	vunpack.i.l.bf16.f32 v13;
	v1 =	vld.idx.msk [tilespmem:v58+s21+$0x0], $0xffff  }
0x373: {  	v55 =	vunpack.i.u.bf16.f32 v15;
	v37 =	vunpack.i.u.bf16.f32 v16;
	v38 =	vunpack.i.l.bf16.f32 v16;
	v9 =	vld.idx.msk [tilespmem:v57+s2+$0x0], $0xffff  }
0x374: {  	s5 =	sadd.s32 $0x10, s5;
	v35 =	vunpack.i.u.bf16.f32 v14;
	v58 =	vunpack.i.l.bf16.f32 v7;
	v7 =	vld.idx.msk [tilespmem:v11+s2+$0x0], $0xffff;
	v57 =	vunpack.i.l.bf16.f32 v15  }
0x375: {  	_ =	sdelay $0x3  }
0x376: {  	v11 =	vunpack.i.u.bf16.f32 v6;
	v5 =	vld.idx.msk [tilespmem:v5+s2+$0x0], $0xffff;
	v6 =	vunpack.i.l.bf16.f32 v6;
	v10 =	vunpack.i.l.bf16.f32 v8  }
0x377: {  	v4 =	vld.idx.msk [tilespmem:v4+s21+$0x0], $0xffff;
	v8 =	vunpack.i.u.bf16.f32 v8;
	v10 =	vadd.f32 $0.0e+00, v10;
	v12 =	vunpack.i.l.bf16.f32 v9  }
0x378: {  	v0 =	vld.idx.msk [tilespmem:v0+s21+$0x0], $0xffff;
	v8 =	vadd.f32 $0.0e+00, v8;
	v9 =	vunpack.i.u.bf16.f32 v9;
	v12 =	vadd.f32 $0.0e+00, v12  }
0x379: {  	v2 =	vld.idx.msk [tilespmem:v2+s2+$0x0], $0xffff;
	v13 =	vunpack.i.l.bf16.f32 v54;
	v9 =	vadd.f32 $0.0e+00, v9;
	v6 =	vadd.f32 v6, v10  }
0x37a: {  	v15 =	vld.idx.msk [tilespmem:v60+s21+$0x0], $0xffff;
	v10 =	vunpack.i.l.bf16.f32 v7;
	v8 =	vadd.f32 v11, v8;
	v7 =	vunpack.i.u.bf16.f32 v7  }
0x37b: {  	v11 =	vld.idx.msk [tilespmem:v62+s21+$0x0], $0xffff;
	v7 =	vadd.f32 v7, v9;
	v9 =	vunpack.i.u.bf16.f32 v3;
	v3 =	vunpack.i.l.bf16.f32 v3  }
0x37c: {  	v14 =	vunpack.i.u.bf16.f32 v59;
	v62 =	vld.idx.msk [tilespmem:v61+s21+$0x0], $0xffff;
	v10 =	vadd.f32 v10, v12;
	v3 =	vadd.f32 v3, v6  }
0x37d: {  	v6 =	vld.idx.msk [tilespmem:v63+s21+$0x0], $0xffff;
	v8 =	vadd.f32 v9, v8;
	v9 =	vunpack.i.l.bf16.f32 v5;
	v5 =	vunpack.i.u.bf16.f32 v5  }
0x37e: {  	v16 =	vld.idx.msk [tilespmem:v53+s21+$0x0], $0xffff;
	v63 =	vunpack.i.u.bf16.f32 v2;
	v2 =	vunpack.i.l.bf16.f32 v2;
	v9 =	vadd.f32 v9, v10  }
0x37f: {  	v1 =	vld.idx.msk [tilespmem:v1+s2+$0x0], $0xffff;
	v10 =	vunpack.i.u.bf16.f32 v54;
	v5 =	vadd.f32 v5, v7;
	v7 =	vunpack.i.l.bf16.f32 v59  }
0x380: {  	v4 =	vld.idx.msk [tilespmem:v4+s2+$0x0], $0xffff;
	v3 =	vadd.f32 v7, v3;
	v7 =	vunpack.i.u.bf16.f32 v44;
	v8 =	vadd.f32 v14, v8  }
0x381: {  	v54 =	vld.idx.msk [tilespmem:v50+s21+$0x0], $0xffff;
	v2 =	vadd.f32 v2, v9;
	v5 =	vadd.f32 v63, v5;
	v9 =	vunpack.i.l.bf16.f32 v44  }
0x382: {  	v15 =	vld.idx.msk [tilespmem:v15+s2+$0x0], $0xffff;
	v3 =	vadd.f32 v13, v3;
	v8 =	vadd.f32 v10, v8;
	v10 =	vunpack.i.u.bf16.f32 v41  }
0x383: {  	v11 =	vld.idx.msk [tilespmem:v11+s2+$0x0], $0xffff;
	v2 =	vadd.f32 v9, v2;
	v5 =	vadd.f32 v7, v5;
	v7 =	vunpack.i.l.bf16.f32 v41  }
0x384: {  	v9 =	vunpack.i.u.bf16.f32 v1;
	v12 =	vld.idx.msk [tilespmem:v62+s2+$0x0], $0xffff;
	v1 =	vunpack.i.l.bf16.f32 v1;
	v3 =	vadd.f32 v58, v3  }
0x385: {  	v8 =	vadd.f32 v56, v8;
	v17 =	vunpack.i.u.bf16.f32 v4;
	v2 =	vadd.f32 v57, v2;
	v6 =	vld.idx.msk [tilespmem:v6+s2+$0x0], $0xffff  }
0x386: {  	v4 =	vunpack.i.l.bf16.f32 v4;
	v5 =	vadd.f32 v55, v5;
	v3 =	vadd.f32 v52, v3  }
0x387: {  	v58 =	vld.idx.msk [tilespmem:v42+s21+$0x0], $0xffff;
	v62 =	vunpack.i.l.bf16.f32 v15;
	v8 =	vadd.f32 v49, v8;
	v2 =	vadd.f32 v51, v2  }
0x388: {  	v40 =	vld.idx.msk [tilespmem:v40+s21+$0x0], $0xffff;
	v5 =	vadd.f32 v48, v5;
	v59 =	vunpack.i.u.bf16.f32 v11;
	v3 =	vadd.f32 v47, v3  }
0x389: {  	v16 =	vld.idx.msk [tilespmem:v16+s2+$0x0], $0xffff;
	v8 =	vadd.f32 v45, v8;
	v61 =	vunpack.i.l.bf16.f32 v12;
	v2 =	vadd.f32 v46, v2  }
0x38a: {  	v39 =	vld.idx.msk [tilespmem:v39+s21+$0x0], $0xffff;
	v5 =	vadd.f32 v43, v5;
	v60 =	vunpack.i.u.bf16.f32 v6;
	v6 =	vunpack.i.l.bf16.f32 v6  }
0x38b: {  	v14 =	vld.idx.msk [tilespmem:v54+s2+$0x0], $0xffff;
	v12 =	vunpack.i.u.bf16.f32 v12;
	v43 =	vadd.f32 $0.0e+00, v61;
	v6 =	vadd.f32 $0.0e+00, v6  }
0x38c: {  	v11 =	vunpack.i.l.bf16.f32 v11;
	v12 =	vadd.f32 $0.0e+00, v12;
	v42 =	vadd.f32 $0.0e+00, v60  }
0x38d: {  	v0 =	vld.idx.msk [tilespmem:v0+s2+$0x0], $0xffff;
	v63 =	vadd.f32 v62, v43;
	v6 =	vadd.f32 v11, v6;
	v11 =	vunpack.i.u.bf16.f32 v15  }
0x38e: {  	v44 =	vunpack.i.l.bf16.f32 v16;
	v41 =	vadd.f32 v59, v42;
	v11 =	vadd.f32 v11, v12  }
0x38f: {  	v13 =	vld.idx.msk [tilespmem:v58+s2+$0x0], $0xffff;
	v12 =	vadd.f32 v44, v63;
	v4 =	vadd.f32 v4, v6;
	v6 =	vunpack.i.u.bf16.f32 v16  }
0x390: {  	v45 =	vadd.f32 v17, v41;
	v6 =	vadd.f32 v6, v11;
	v11 =	vunpack.i.l.bf16.f32 v14  }
0x391: {  	v16 =	vld.idx.msk [tilespmem:v40+s2+$0x0], $0xffff;
	v1 =	vadd.f32 v1, v4;
	v4 =	vunpack.i.u.bf16.f32 v14;
	v11 =	vadd.f32 v11, v12  }
0x392: {  	v9 =	vadd.f32 v9, v45;
	v4 =	vadd.f32 v4, v6;
	v6 =	vunpack.i.l.bf16.f32 v0  }
0x393: {  	v46 =	vld.idx.msk [tilespmem:v39+s2+$0x0], $0xffff;
	v0 =	vunpack.i.u.bf16.f32 v0;
	v1 =	vadd.f32 v7, v1;
	v6 =	vadd.f32 v6, v11  }
0x394: {  	v7 =	vadd.f32 v10, v9;
	v0 =	vadd.f32 v0, v4;
	v4 =	vunpack.i.l.bf16.f32 v13  }
0x395: {  	v9 =	vunpack.i.u.bf16.f32 v13;
	v1 =	vadd.f32 v38, v1;
	v4 =	vadd.f32 v4, v6  }
0x396: {  	v6 =	vadd.f32 v37, v7;
	v7 =	vunpack.i.l.bf16.f32 v16;
	v0 =	vadd.f32 v9, v0  }
0x397: {  	v9 =	vunpack.i.u.bf16.f32 v16;
	v1 =	vadd.f32 v36, v1;
	v4 =	vadd.f32 v7, v4  }
0x398: {  	v6 =	vadd.f32 v35, v6;
	v7 =	vunpack.i.l.bf16.f32 v46;
	v0 =	vadd.f32 v9, v0  }
0x399: {  	v9 =	vunpack.i.u.bf16.f32 v46;
	v1 =	vadd.f32 v34, v1;
	v4 =	vadd.f32 v7, v4  }
0x39a: {  	v6 =	vadd.f32 v33, v6;
	v0 =	vadd.f32 v9, v0  }
0x39b: {  	v2 =	vadd.f32 v2, v3;
	v1 =	vadd.f32 v4, v1  }
0x39c: {  	v3 =	vadd.f32 v5, v8;
	v0 =	vadd.f32 v0, v6  }
0x39d: {  	s5 =	simm.s32 $0x0;
	v1 =	vadd.f32 v1, v2  }
0x39e: {  	v2 =	vmov s5;
	s5 =	sadd.s32 $0x10, s29;
	v0 =	vadd.f32 v0, v3  }
0x39f: {  	s30 =	sadd.s32 $0x10, s30;
	[tilespmem:s5+$0x0] =	vst v1  }
0x3a0: {  	[tilespmem:s30+$0x0] =	vst v0  }
0x3a1: {  	v0 =	vld [tilespmem:$0x1FE30];
	_ =	swait.ge [sflag:s24], $0x8000  }
0x3a2: {  	v1 =	vshll.u32 v2, $0x7;
	v2 =	vld [tilespmem:$0x1FF80]  }
0x3a3: {  	v3 =	vld [tilespmem:$0x1FF50]  }
0x3a4: {  	v63 =	vld [tilespmem:$0x1FFA0]  }
0x3a5: {  	v60 =	vld [tilespmem:$0x1FF60]  }
0x3a6: {  	v61 =	vld [tilespmem:$0x1FF70]  }
0x3a7: {  	v57 =	vld [tilespmem:$0x1FE20]  }
0x3a8: {  	v59 =	vld [tilespmem:$0x1FE50]  }
0x3a9: {  	v58 =	vld [tilespmem:$0x1FE40]  }
0x3aa: {  	v50 =	vld [tilespmem:$0x1FE60]  }
0x3ab: {  	v16 =	vld [tilespmem:$0x1FE70]  }
0x3ac: {  	v17 =	vld [tilespmem:$0x1FE80];
	v0 =	vor.u32 v0, v1  }
0x3ad: {  	v56 =	vld [tilespmem:$0x1FEC0];
	v4 =	vor.u32 v30, v0  }
0x3ae: {  	v62 =	vld [tilespmem:$0x1FF10];
	v5 =	vor.u32 v18, v0  }
0x3af: {  	s29 =	simm.s32 @!p0 $0x9000;
	[sflag:s24] =	ssyncset.done $0x0;
	v33 =	vld [tilespmem:$0x1FF20];
	v8 =	vor.u32 v19, v0  }
0x3b0: {  	v49 =	vlaneseq.u32;
	s5 =	sadd.s32 @!p0 s26, s14;
	s26 =	simm.s32 @!p0 $0x0;
	v54 =	vld [tilespmem:$0x1FF30];
	[sflag:s24] =	ssyncadd.s32 $0xFFFF8000;
	v9 =	vor.u32 v26, v0  }
0x3b1: {  	[tilespmem:s29], [sflag:$0x2] =	stream.linear.gather @!p0 [hbm4b:s5+s26], $0x8000, $0x38;
	v1 =	vld [tilespmem:$0x1FF90];
	v14 =	vor.u32 v49, v0  }
0x3b2: {  	v52 =	vor.u32 v27, v0;
	v4 =	vld.idx.msk [tilespmem:v4+s22+$0x0], $0xffff  }
0x3b3: {  	v45 =	vor.u32 v28, v0;
	v5 =	vld.idx.msk [tilespmem:v5+s22+$0x0], $0xffff  }
0x3b4: {  	v43 =	vor.u32 v24, v0;
	v8 =	vld.idx.msk [tilespmem:v8+s22+$0x0], $0xffff  }
0x3b5: {  	v2 =	vor.u32 v2, v0;
	v9 =	vld.idx.msk [tilespmem:v9+s22+$0x0], $0xffff  }
0x3b6: {  	v3 =	vor.u32 v3, v0;
	v14 =	vld.idx.msk [tilespmem:v14+s22+$0x0], $0xffff  }
0x3b7: {  	v6 =	vor.u32 v63, v0;
	v44 =	vld.idx.msk [tilespmem:v52+s22+$0x0], $0xffff  }
0x3b8: {  	v7 =	vor.u32 v60, v0;
	v45 =	vld.idx.msk [tilespmem:v45+s22+$0x0], $0xffff  }
0x3b9: {  	v10 =	vor.u32 v61, v0;
	v43 =	vld.idx.msk [tilespmem:v43+s22+$0x0], $0xffff  }
0x3ba: {  	v11 =	vor.u32 v57, v0;
	v2 =	vld.idx.msk [tilespmem:v2+s22+$0x0], $0xffff  }
0x3bb: {  	v47 =	vor.u32 v59, v0;
	v3 =	vld.idx.msk [tilespmem:v3+s22+$0x0], $0xffff  }
0x3bc: {  	v48 =	vor.u32 v58, v0;
	v6 =	vld.idx.msk [tilespmem:v6+s22+$0x0], $0xffff  }
0x3bd: {  	v15 =	vor.u32 v50, v0;
	v7 =	vld.idx.msk [tilespmem:v7+s22+$0x0], $0xffff  }
0x3be: {  	v16 =	vor.u32 v16, v0;
	v10 =	vld.idx.msk [tilespmem:v10+s22+$0x0], $0xffff  }
0x3bf: {  	v17 =	vor.u32 v17, v0;
	v11 =	vld.idx.msk [tilespmem:v11+s22+$0x0], $0xffff  }
0x3c0: {  	v51 =	vor.u32 v56, v0;
	v12 =	vld.idx.msk [tilespmem:v47+s22+$0x0], $0xffff  }
0x3c1: {  	v53 =	vor.u32 v62, v0;
	v13 =	vld.idx.msk [tilespmem:v48+s22+$0x0], $0xffff  }
0x3c2: {  	v40 =	vor.u32 v33, v0;
	v15 =	vld.idx.msk [tilespmem:v15+s22+$0x0], $0xffff  }
0x3c3: {  	v1 =	vor.u32 v1, v0;
	v16 =	vld.idx.msk [tilespmem:v16+s22+$0x0], $0xffff  }
0x3c4: {  	v17 =	vld.idx.msk [tilespmem:v17+s22+$0x0], $0xffff;
	v47 =	vor.u32 v20, v0  }
0x3c5: {  	v36 =	vld.idx.msk [tilespmem:v51+s22+$0x0], $0xffff  }
0x3c6: {  	v51 =	vld.idx.msk [tilespmem:v53+s22+$0x0], $0xffff  }
0x3c7: {  	v40 =	vld.idx.msk [tilespmem:v40+s22+$0x0], $0xffff  }
0x3c8: {  	v1 =	vld.idx.msk [tilespmem:v1+s22+$0x0], $0xffff  }
0x3c9: {  	v47 =	vld.idx.msk [tilespmem:v47+s22+$0x0], $0xffff  }
0x3ca: {  	v4 =	vld.idx.msk [tilespmem:v4+s2+$0x0], $0xffff  }
0x3cb: {  	v5 =	vld.idx.msk [tilespmem:v5+s2+$0x0], $0xffff  }
0x3cc: {  	v14 =	vld.idx.msk [tilespmem:v14+s2+$0x0], $0xffff  }
0x3cd: {  	v2 =	vld.idx.msk [tilespmem:v2+s2+$0x0], $0xffff  }
0x3ce: {  	v3 =	vld.idx.msk [tilespmem:v3+s2+$0x0], $0xffff  }
0x3cf: {  	v37 =	vor.u32 v23, v0;
	v38 =	vor.u32 v29, v0;
	v6 =	vld.idx.msk [tilespmem:v6+s2+$0x0], $0xffff  }
0x3d0: {  	v39 =	vor.u32 v32, v0;
	v42 =	vor.u32 v22, v0;
	v46 =	vor.u32 v31, v0;
	v7 =	vld.idx.msk [tilespmem:v7+s2+$0x0], $0xffff  }
0x3d1: {  	v41 =	vor.u32 v54, v0;
	v48 =	vor.u32 v21, v0;
	v0 =	vor.u32 v25, v0;
	v15 =	vld.idx.msk [tilespmem:v15+s2+$0x0], $0xffff  }
0x3d2: {  	v16 =	vld.idx.msk [tilespmem:v16+s2+$0x0], $0xffff;
	v52 =	vunpack.i.u.bf16.f32 v5;
	v53 =	vunpack.i.l.bf16.f32 v14;
	v5 =	vunpack.i.l.bf16.f32 v5  }
0x3d3: {  	v17 =	vld.idx.msk [tilespmem:v17+s2+$0x0], $0xffff;
	v50 =	vunpack.i.u.bf16.f32 v2;
	v2 =	vunpack.i.l.bf16.f32 v2;
	v55 =	vunpack.i.u.bf16.f32 v3  }
0x3d4: {  	v1 =	vld.idx.msk [tilespmem:v1+s2+$0x0], $0xffff;
	v34 =	vunpack.i.l.bf16.f32 v3;
	v3 =	vunpack.i.u.bf16.f32 v4;
	v4 =	vunpack.i.l.bf16.f32 v4  }
0x3d5: {  	v54 =	vld.idx.msk [tilespmem:v36+s2+$0x0], $0xffff;
	v35 =	vunpack.i.u.bf16.f32 v6;
	v53 =	vadd.f32 $0.0e+00, v53;
	v36 =	vunpack.i.l.bf16.f32 v6  }
0x3d6: {  	v8 =	vld.idx.msk [tilespmem:v8+s2+$0x0], $0xffff;
	v6 =	vunpack.i.u.bf16.f32 v14;
	v14 =	vunpack.i.l.bf16.f32 v15;
	v15 =	vunpack.i.u.bf16.f32 v15  }
0x3d7: {  	v48 =	vld.idx.msk [tilespmem:v48+s22+$0x0], $0xffff;
	[tilespmem:$0x1FDF0] =	vst v55;
	v6 =	vadd.f32 $0.0e+00, v6;
	v55 =	vunpack.i.l.bf16.f32 v16;
	v16 =	vunpack.i.u.bf16.f32 v16  }
0x3d8: {  	v9 =	vld.idx.msk [tilespmem:v9+s2+$0x0], $0xffff;
	v14 =	vadd.f32 v14, v53;
	v53 =	vunpack.i.u.bf16.f32 v7;
	v55 =	vadd.f32 $0.0e+00, v55  }
0x3d9: {  	v44 =	vld.idx.msk [tilespmem:v44+s2+$0x0], $0xffff;
	v7 =	vunpack.i.l.bf16.f32 v7;
	v16 =	vadd.f32 $0.0e+00, v16;
	v49 =	vunpack.i.u.bf16.f32 v1  }
0x3da: {  	v10 =	vld.idx.msk [tilespmem:v10+s2+$0x0], $0xffff;
	v1 =	vunpack.i.l.bf16.f32 v1;
	v6 =	vadd.f32 v15, v6;
	v15 =	vunpack.i.l.bf16.f32 v17  }
0x3db: {  	v13 =	vld.idx.msk [tilespmem:v13+s2+$0x0], $0xffff;
	v17 =	vunpack.i.u.bf16.f32 v17;
	v15 =	vadd.f32 v15, v55;
	v55 =	vunpack.i.u.bf16.f32 v8  }
0x3dc: {  	v11 =	vld.idx.msk [tilespmem:v11+s2+$0x0], $0xffff;
	v16 =	vadd.f32 v17, v16;
	v17 =	vunpack.i.u.bf16.f32 v54;
	v54 =	vunpack.i.l.bf16.f32 v54  }
0x3dd: {  	v51 =	vld.idx.msk [tilespmem:v51+s2+$0x0], $0xffff;
	v8 =	vunpack.i.l.bf16.f32 v8;
	v14 =	vadd.f32 v54, v14;
	v6 =	vadd.f32 v17, v6  }
0x3de: {  	v0 =	vld.idx.msk [tilespmem:v0+s22+$0x0], $0xffff;
	v17 =	vunpack.i.l.bf16.f32 v44;
	v54 =	vunpack.i.u.bf16.f32 v9;
	v9 =	vunpack.i.l.bf16.f32 v9  }
0x3df: {  	v40 =	vld.idx.msk [tilespmem:v40+s2+$0x0], $0xffff;
	v44 =	vunpack.i.u.bf16.f32 v44;
	v15 =	vadd.f32 v17, v15;
	v17 =	vunpack.i.u.bf16.f32 v10  }
0x3e0: {  	v12 =	vld.idx.msk [tilespmem:v12+s2+$0x0], $0xffff;
	v16 =	vadd.f32 v44, v16;
	v44 =	vunpack.i.u.bf16.f32 v13;
	v13 =	vunpack.i.l.bf16.f32 v13  }
0x3e1: {  	v45 =	vld.idx.msk [tilespmem:v45+s2+$0x0], $0xffff;
	v10 =	vunpack.i.l.bf16.f32 v10;
	v13 =	vadd.f32 v13, v14;
	v6 =	vadd.f32 v44, v6  }
0x3e2: {  	v48 =	vld.idx.msk [tilespmem:v48+s2+$0x0], $0xffff;
	v14 =	vunpack.i.l.bf16.f32 v51;
	v44 =	vunpack.i.u.bf16.f32 v11;
	v51 =	vunpack.i.u.bf16.f32 v51  }
0x3e3: {  	v11 =	vunpack.i.l.bf16.f32 v11;
	v14 =	vadd.f32 v14, v15;
	v15 =	vld.idx.msk [tilespmem:v46+s22+$0x0], $0xffff;
	v16 =	vadd.f32 v51, v16  }
0x3e4: {  	v51 =	vld.idx.msk [tilespmem:v43+s2+$0x0], $0xffff;
	v46 =	vunpack.i.u.bf16.f32 v40;
	v10 =	vadd.f32 v10, v13;
	v6 =	vadd.f32 v17, v6  }
0x3e5: {  	v17 =	vunpack.i.u.bf16.f32 v12;
	v11 =	vadd.f32 v11, v14;
	v14 =	vld.idx.msk [tilespmem:v41+s22+$0x0], $0xffff;
	v16 =	vadd.f32 v44, v16  }
0x3e6: {  	v42 =	vld.idx.msk [tilespmem:v42+s22+$0x0], $0xffff;
	v12 =	vunpack.i.l.bf16.f32 v12;
	v7 =	vadd.f32 v7, v10;
	v6 =	vadd.f32 v53, v6  }
0x3e7: {  	v47 =	vld.idx.msk [tilespmem:v47+s2+$0x0], $0xffff;
	v10 =	vunpack.i.l.bf16.f32 v40;
	v40 =	vunpack.i.u.bf16.f32 v48;
	v8 =	vadd.f32 v8, v11  }
0x3e8: {  	v37 =	vld.idx.msk [tilespmem:v37+s22+$0x0], $0xffff;
	v53 =	vunpack.i.l.bf16.f32 v48;
	v11 =	vadd.f32 v55, v16;
	v40 =	vadd.f32 $0.0e+00, v40  }
0x3e9: {  	v0 =	vld.idx.msk [tilespmem:v0+s2+$0x0], $0xffff;
	v16 =	vunpack.i.u.bf16.f32 v45;
	v4 =	vadd.f32 v4, v7;
	v3 =	vadd.f32 v3, v6  }
0x3ea: {  	v5 =	vadd.f32 v5, v8;
	v7 =	vadd.f32 v52, v11;
	v8 =	vunpack.i.u.bf16.f32 v51;
	v11 =	vld.idx.msk [tilespmem:v38+s22+$0x0], $0xffff  }
0x3eb: {  	v1 =	vadd.f32 v1, v4;
	v3 =	vadd.f32 v49, v3;
	v4 =	vunpack.i.l.bf16.f32 v51;
	v49 =	vld.idx.msk [tilespmem:v15+s2+$0x0], $0xffff  }
0x3ec: {  	v51 =	vld.idx.msk [tilespmem:v39+s22+$0x0], $0xffff;
	v2 =	vadd.f32 v2, v5;
	v5 =	vadd.f32 v50, v7;
	v7 =	vunpack.i.l.bf16.f32 v47  }
0x3ed: {  	v52 =	vunpack.i.u.bf16.f32 v47;
	v39 =	vadd.f32 $0.0e+00, v53;
	v7 =	vadd.f32 $0.0e+00, v7;
	v14 =	vld.idx.msk [tilespmem:v14+s2+$0x0], $0xffff  }
0x3ee: {  	v55 =	vunpack.i.l.bf16.f32 v0;
	v0 =	vunpack.i.u.bf16.f32 v0;
	v38 =	vadd.f32 $0.0e+00, v52  }
0x3ef: {  	v6 =	vunpack.i.l.bf16.f32 v45;
	v39 =	vadd.f32 v55, v39;
	v4 =	vadd.f32 v4, v7;
	v7 =	vld.idx.msk [tilespmem:v42+s2+$0x0], $0xffff  }
0x3f0: {  	v0 =	vadd.f32 v0, v40;
	v8 =	vadd.f32 v8, v38;
	v42 =	vunpack.i.l.bf16.f32 v49  }
0x3f1: {  	v4 =	vadd.f32 v6, v4;
	v6 =	vld.idx.msk [tilespmem:v37+s2+$0x0], $0xffff;
	v13 =	vunpack.i.u.bf16.f32 v49;
	v43 =	vadd.f32 v42, v39  }
0x3f2: {  	v8 =	vadd.f32 v16, v8;
	v0 =	vadd.f32 v13, v0;
	v44 =	vunpack.i.l.bf16.f32 v14  }
0x3f3: {  	v4 =	vadd.f32 v10, v4;
	v10 =	vld.idx.msk [tilespmem:v11+s2+$0x0], $0xffff;
	v11 =	vunpack.i.u.bf16.f32 v14;
	v13 =	vadd.f32 v44, v43  }
0x3f4: {  	v8 =	vadd.f32 v46, v8;
	v0 =	vadd.f32 v11, v0;
	v11 =	vunpack.i.l.bf16.f32 v7  }
0x3f5: {  	v7 =	vunpack.i.u.bf16.f32 v7;
	v4 =	vadd.f32 v12, v4;
	v11 =	vadd.f32 v11, v13  }
0x3f6: {  	v45 =	vld.idx.msk [tilespmem:v51+s2+$0x0], $0xffff;
	v8 =	vadd.f32 v17, v8;
	v0 =	vadd.f32 v7, v0;
	v7 =	vunpack.i.l.bf16.f32 v6  }
0x3f7: {  	v6 =	vunpack.i.u.bf16.f32 v6;
	v4 =	vadd.f32 v9, v4;
	v7 =	vadd.f32 v7, v11  }
0x3f8: {  	v0 =	vadd.f32 v6, v0;
	v6 =	vunpack.i.l.bf16.f32 v10;
	v9 =	vunpack.i.u.bf16.f32 v10;
	v10 =	vld [tilespmem:$0x1FDF0]  }
0x3f9: {  	v8 =	vadd.f32 v54, v8  }
0x3fa: {  	v4 =	vadd.f32 v36, v4;
	v6 =	vadd.f32 v6, v7  }
0x3fb: {  	v7 =	vadd.f32 v35, v8;
	v0 =	vadd.f32 v9, v0;
	v8 =	vunpack.i.l.bf16.f32 v45  }
0x3fc: {  	v9 =	vunpack.i.u.bf16.f32 v45;
	v4 =	vadd.f32 v34, v4;
	v6 =	vadd.f32 v8, v6  }
0x3fd: {  	v0 =	vadd.f32 v9, v0;
	v7 =	vadd.f32 v10, v7  }
0x3fe: {  	v1 =	vadd.f32 v2, v1;
	v2 =	vadd.f32 v6, v4;
	v4 =	vld [tilespmem:$0x1FE30]  }
0x3ff: {  	v3 =	vadd.f32 v5, v3;
	v5 =	vld [tilespmem:$0x1FF90];
	v0 =	vadd.f32 v0, v7  }
0x400: {  	s30 =	simm.s32 $0x10  }
0x401: {  	v8 =	vmov s30;
	v0 =	vadd.f32 v0, v3;
	v3 =	vld [tilespmem:$0x1FF50]  }
0x402: {  	v8 =	vshll.u32 v8, $0x7  }
0x403: {  	v1 =	vadd.f32 v2, v1;
	v4 =	vor.u32 v4, v8  }
0x404: {  	v5 =	vor.u32 v5, v4  }
0x405: {  	v2 =	vld [tilespmem:$0x1FF80];
	[tilespmem:s0+$0x0] =	vst v1;
	v1 =	vor.u32 v30, v4  }
0x406: {  	v3 =	vor.u32 v3, v4  }
0x407: {  	v6 =	vor.u32 v63, v4  }
0x408: {  	[tilespmem:s1+$0x0] =	vst v0;
	v7 =	vor.u32 v60, v4  }
0x409: {  	v11 =	vor.u32 v57, v4;
	v0 =	vld.idx.msk [tilespmem:v5+s22+$0x0], $0xffff  }
0x40a: {  	v2 =	vor.u32 v2, v4;
	v1 =	vld.idx.msk [tilespmem:v1+s22+$0x0], $0xffff  }
0x40b: {  	v46 =	vor.u32 v59, v4;
	v3 =	vld.idx.msk [tilespmem:v3+s22+$0x0], $0xffff  }
0x40c: {  	v5 =	vor.u32 v18, v4;
	v6 =	vld.idx.msk [tilespmem:v6+s22+$0x0], $0xffff  }
0x40d: {  	v7 =	vld.idx.msk [tilespmem:v7+s22+$0x0], $0xffff  }
0x40e: {  	v11 =	vld.idx.msk [tilespmem:v11+s22+$0x0], $0xffff  }
0x40f: {  	v2 =	vld.idx.msk [tilespmem:v2+s22+$0x0], $0xffff  }
0x410: {  	v12 =	vld.idx.msk [tilespmem:v46+s22+$0x0], $0xffff  }
0x411: {  	v5 =	vld.idx.msk [tilespmem:v5+s22+$0x0], $0xffff  }
0x412: {  	v8 =	vld.idx.msk [tilespmem:v0+s2+$0x0], $0xffff  }
0x413: {  	v10 =	vld.idx.msk [tilespmem:v3+s2+$0x0], $0xffff;
	v3 =	vor.u32 v61, v4  }
0x414: {  	v1 =	vld.idx.msk [tilespmem:v1+s2+$0x0], $0xffff  }
0x415: {  	v14 =	vld.idx.msk [tilespmem:v6+s2+$0x0], $0xffff  }
0x416: {  	v0 =	vor.u32 v19, v4;
	v6 =	vld [tilespmem:$0x1FE60]  }
0x417: {  	v9 =	vld.idx.msk [tilespmem:v2+s2+$0x0], $0xffff;
	v2 =	vor.u32 v26, v4  }
0x418: {  	v3 =	vld.idx.msk [tilespmem:v3+s22+$0x0], $0xffff  }
0x419: {  	v7 =	vld.idx.msk [tilespmem:v7+s2+$0x0], $0xffff  }
0x41a: {  	v44 =	vld.idx.msk [tilespmem:v11+s2+$0x0], $0xffff  }
0x41b: {  	v0 =	vld.idx.msk [tilespmem:v0+s22+$0x0], $0xffff  }
0x41c: {  	v2 =	vld.idx.msk [tilespmem:v2+s22+$0x0], $0xffff  }
0x41d: {  	v11 =	vld [tilespmem:$0x1FE80];
	v6 =	vor.u32 v6, v4  }
0x41e: {  	v41 =	vld.idx.msk [tilespmem:v12+s2+$0x0], $0xffff  }
0x41f: {  	v13 =	vld.idx.msk [tilespmem:v5+s2+$0x0], $0xffff  }
0x420: {  	v5 =	vor.u32 v58, v4;
	v59 =	vld.idx.msk [tilespmem:v3+s2+$0x0], $0xffff  }
0x421: {  	v36 =	vor.u32 v33, v4;
	v3 =	vld [tilespmem:$0x1FE70]  }
0x422: {  	v11 =	vor.u32 v11, v4;
	v17 =	vld.idx.msk [tilespmem:v6+s22+$0x0], $0xffff  }
0x423: {  	v6 =	vor.u32 v27, v4;
	v15 =	vld.idx.msk [tilespmem:v0+s2+$0x0], $0xffff  }
0x424: {  	v0 =	vor.u32 v56, v4;
	v16 =	vld.idx.msk [tilespmem:v2+s2+$0x0], $0xffff;
	v2 =	vlaneseq.u32  }
0x425: {  	v5 =	vld.idx.msk [tilespmem:v5+s22+$0x0], $0xffff;
	v2 =	vor.u32 v2, v4  }
0x426: {  	v49 =	vunpack.i.u.bf16.f32 v1;
	v52 =	vunpack.i.l.bf16.f32 v1;
	v1 =	vld.idx.msk [tilespmem:v36+s22+$0x0], $0xffff;
	v3 =	vor.u32 v3, v4  }
0x427: {  	v11 =	vld.idx.msk [tilespmem:v11+s22+$0x0], $0xffff  }
0x428: {  	v6 =	vld.idx.msk [tilespmem:v6+s22+$0x0], $0xffff  }
0x429: {  	v47 =	vld.idx.msk [tilespmem:v0+s22+$0x0], $0xffff  }
0x42a: {  	v42 =	vor.u32 v23, v4;
	v35 =	vld.idx.msk [tilespmem:v2+s22+$0x0], $0xffff  }
0x42b: {  	v40 =	vor.u32 v29, v4;
	v39 =	vor.u32 v32, v4;
	v2 =	vor.u32 v62, v4;
	v37 =	vld.idx.msk [tilespmem:v3+s22+$0x0], $0xffff  }
0x42c: {  	v53 =	vor.u32 v31, v4;
	v60 =	vor.u32 v21, v4;
	v61 =	vor.u32 v24, v4;
	v0 =	vld [tilespmem:$0x1FF30]  }
0x42d: {  	v58 =	vor.u32 v25, v4;
	v45 =	vunpack.i.u.bf16.f32 v8;
	v36 =	vunpack.i.l.bf16.f32 v14;
	v63 =	vld.idx.msk [tilespmem:v5+s2+$0x0], $0xffff  }
0x42e: {  	v55 =	vunpack.i.u.bf16.f32 v7;
	v57 =	vunpack.i.l.bf16.f32 v7;
	v43 =	vunpack.i.u.bf16.f32 v9;
	v5 =	vld.idx.msk [tilespmem:v17+s2+$0x0], $0xffff  }
0x42f: {  	v46 =	vunpack.i.l.bf16.f32 v9;
	v33 =	vunpack.i.u.bf16.f32 v10;
	v34 =	vunpack.i.l.bf16.f32 v10;
	v7 =	vld.idx.msk [tilespmem:v11+s2+$0x0], $0xffff  }
0x430: {  	v48 =	vunpack.i.u.bf16.f32 v13;
	v51 =	vunpack.i.l.bf16.f32 v13;
	v62 =	vor.u32 v20, v4;
	v2 =	vld.idx.msk [tilespmem:v2+s22+$0x0], $0xffff  }
0x431: {  	v50 =	vor.u32 v0, v4;
	v0 =	vor.u32 v22, v4;
	v3 =	vor.u32 v28, v4;
	v4 =	vld.idx.msk [tilespmem:v47+s2+$0x0], $0xffff  }
0x432: {  	v54 =	vunpack.i.u.bf16.f32 v15;
	v56 =	vunpack.i.l.bf16.f32 v15;
	v47 =	vunpack.i.l.bf16.f32 v8;
	v8 =	vld.idx.msk [tilespmem:v35+s2+$0x0], $0xffff  }
0x433: {  	s5 =	simm.s32 $0x20;
	s29 =	smov.u32 s0;
	s26 =	smov.u32 s1;
	v38 =	vunpack.i.l.bf16.f32 v16;
	v35 =	vunpack.i.u.bf16.f32 v14;
	v9 =	vld.idx.msk [tilespmem:v37+s2+$0x0], $0xffff;
	v37 =	vunpack.i.u.bf16.f32 v16  }
.LBB2_11:
0x434: {  	_ = 	snop  }
0x435: {  	v10 =	vunpack.i.u.bf16.f32 v59  }
0x436: {  	v11 =	vunpack.i.l.bf16.f32 v59;
	v3 =	vld.idx.msk [tilespmem:v3+s22+$0x0], $0xffff;
	v13 =	vunpack.i.u.bf16.f32 v4;
	v14 =	vunpack.i.u.bf16.f32 v63  }
0x437: {  	v61 =	vld.idx.msk [tilespmem:v61+s22+$0x0], $0xffff;
	v15 =	vunpack.i.l.bf16.f32 v63;
	v16 =	vunpack.i.l.bf16.f32 v8;
	v17 =	vunpack.i.u.bf16.f32 v5  }
0x438: {  	v6 =	vld.idx.msk [tilespmem:v6+s2+$0x0], $0xffff;
	v8 =	vunpack.i.u.bf16.f32 v8;
	v5 =	vunpack.i.l.bf16.f32 v5;
	v59 =	vunpack.i.u.bf16.f32 v9  }
0x439: {  	v60 =	vld.idx.msk [tilespmem:v60+s22+$0x0], $0xffff;
	v9 =	vunpack.i.l.bf16.f32 v9;
	v16 =	vadd.f32 $0.0e+00, v16;
	v8 =	vadd.f32 $0.0e+00, v8  }
0x43a: {  	v2 =	vld.idx.msk [tilespmem:v2+s2+$0x0], $0xffff;
	v63 =	vunpack.i.u.bf16.f32 v7;
	v9 =	vadd.f32 $0.0e+00, v9;
	v59 =	vadd.f32 $0.0e+00, v59  }
0x43b: {  	v62 =	vld.idx.msk [tilespmem:v62+s22+$0x0], $0xffff;
	v7 =	vunpack.i.l.bf16.f32 v7;
	v5 =	vadd.f32 v5, v16;
	v8 =	vadd.f32 v17, v8  }
0x43c: {  	v4 =	vunpack.i.l.bf16.f32 v4;
	v1 =	vld.idx.msk [tilespmem:v1+s2+$0x0], $0xffff;
	v7 =	vadd.f32 v7, v9;
	v9 =	vadd.f32 v63, v59  }
0x43d: {  	v17 =	vld.idx.msk [tilespmem:v58+s22+$0x0], $0xffff;
	v16 =	vunpack.i.u.bf16.f32 v6;
	v4 =	vadd.f32 v4, v5;
	v6 =	vunpack.i.l.bf16.f32 v6  }
0x43e: {  	v3 =	vld.idx.msk [tilespmem:v3+s2+$0x0], $0xffff;
	v6 =	vadd.f32 v6, v7;
	v7 =	vadd.f32 v16, v9  }
0x43f: {  	v5 =	vadd.f32 v13, v8;
	v8 =	vunpack.i.u.bf16.f32 v2;
	v2 =	vunpack.i.l.bf16.f32 v2;
	v9 =	vld.idx.msk [tilespmem:v53+s22+$0x0], $0xffff  }
0x440: {  	v12 =	vunpack.i.u.bf16.f32 v44;
	v2 =	vadd.f32 v2, v6;
	v6 =	vadd.f32 v8, v7;
	v7 =	vld.idx.msk [tilespmem:v50+s22+$0x0], $0xffff  }
0x441: {  	v4 =	vadd.f32 v15, v4;
	v5 =	vadd.f32 v14, v5;
	v8 =	vunpack.i.l.bf16.f32 v44;
	v44 =	vld.idx.msk [tilespmem:v61+s2+$0x0], $0xffff  }
0x442: {  	v50 =	vld.idx.msk [tilespmem:v60+s2+$0x0], $0xffff  }
0x443: {  	v53 =	vunpack.i.u.bf16.f32 v1;
	v4 =	vadd.f32 v11, v4;
	v5 =	vadd.f32 v10, v5;
	v11 =	vld.idx.msk [tilespmem:v62+s2+$0x0], $0xffff  }
0x444: {  	v0 =	vld.idx.msk [tilespmem:v0+s22+$0x0], $0xffff;
	v1 =	vunpack.i.l.bf16.f32 v1;
	v10 =	vunpack.i.u.bf16.f32 v41;
	v6 =	vadd.f32 v12, v6  }
0x445: {  	v58 =	vld.idx.msk [tilespmem:v42+s22+$0x0], $0xffff;
	v2 =	vadd.f32 v8, v2;
	v8 =	vunpack.i.l.bf16.f32 v41;
	v5 =	vadd.f32 v55, v5  }
0x446: {  	v16 =	vld.idx.msk [tilespmem:v17+s2+$0x0], $0xffff;
	v17 =	vunpack.i.u.bf16.f32 v3;
	v3 =	vunpack.i.l.bf16.f32 v3;
	v6 =	vadd.f32 v54, v6  }
0x447: {  	v40 =	vld.idx.msk [tilespmem:v40+s22+$0x0], $0xffff;
	v5 =	vadd.f32 v49, v5;
	v59 =	vunpack.i.u.bf16.f32 v44;
	v12 =	vunpack.i.u.bf16.f32 v50  }
0x448: {  	v6 =	vadd.f32 v48, v6;
	v9 =	vld.idx.msk [tilespmem:v9+s2+$0x0], $0xffff;
	v60 =	vunpack.i.u.bf16.f32 v11;
	v11 =	vunpack.i.l.bf16.f32 v11  }
0x449: {  	v39 =	vld.idx.msk [tilespmem:v39+s22+$0x0], $0xffff;
	v61 =	vunpack.i.l.bf16.f32 v50;
	v12 =	vadd.f32 $0.0e+00, v12;
	v11 =	vadd.f32 $0.0e+00, v11  }
0x44a: {  	v13 =	vunpack.i.l.bf16.f32 v44;
	v6 =	vadd.f32 v43, v6;
	v7 =	vld.idx.msk [tilespmem:v7+s2+$0x0], $0xffff;
	v43 =	vadd.f32 $0.0e+00, v61  }
0x44b: {  	v5 =	vadd.f32 v45, v5;
	v42 =	vadd.f32 $0.0e+00, v60;
	v62 =	vunpack.i.l.bf16.f32 v16  }
0x44c: {  	v0 =	vld.idx.msk [tilespmem:v0+s2+$0x0], $0xffff;
	v63 =	vunpack.i.u.bf16.f32 v16;
	v11 =	vadd.f32 v13, v11;
	v16 =	vadd.f32 v62, v43  }
0x44d: {  	v41 =	vadd.f32 v59, v42;
	v12 =	vadd.f32 v63, v12;
	v42 =	vunpack.i.l.bf16.f32 v9  }
0x44e: {  	v15 =	vld.idx.msk [tilespmem:v58+s2+$0x0], $0xffff;
	v3 =	vadd.f32 v3, v11;
	v9 =	vunpack.i.u.bf16.f32 v9;
	v11 =	vadd.f32 v42, v16  }
0x44f: {  	v43 =	vadd.f32 v17, v41;
	v9 =	vadd.f32 v9, v12;
	v44 =	vunpack.i.l.bf16.f32 v7  }
0x450: {  	v16 =	vld.idx.msk [tilespmem:v40+s2+$0x0], $0xffff;
	v1 =	vadd.f32 v1, v3;
	v3 =	vunpack.i.u.bf16.f32 v7;
	v7 =	vadd.f32 v44, v11  }
0x451: {  	v11 =	vadd.f32 v53, v43;
	v3 =	vadd.f32 v3, v9;
	v9 =	vunpack.i.l.bf16.f32 v0  }
0x452: {  	v45 =	vld.idx.msk [tilespmem:v39+s2+$0x0], $0xffff;
	v0 =	vunpack.i.u.bf16.f32 v0;
	v1 =	vadd.f32 v8, v1;
	v7 =	vadd.f32 v9, v7  }
0x453: {  	v8 =	vadd.f32 v10, v11;
	v0 =	vadd.f32 v0, v3;
	v3 =	vunpack.i.l.bf16.f32 v15  }
0x454: {  	v1 =	vadd.f32 v38, v1;
	v3 =	vadd.f32 v3, v7  }
0x455: {  	v7 =	vadd.f32 v37, v8;
	v8 =	vunpack.i.l.bf16.f32 v16  }
0x456: {  	v1 =	vadd.f32 v36, v1;
	v3 =	vadd.f32 v8, v3  }
0x457: {  	v4 =	vadd.f32 v57, v4;
	v2 =	vadd.f32 v56, v2;
	v8 =	vunpack.i.l.bf16.f32 v45  }
0x458: {  	v9 =	vunpack.i.u.bf16.f32 v15;
	v1 =	vadd.f32 v34, v1;
	v3 =	vadd.f32 v8, v3  }
0x459: {  	v4 =	vadd.f32 v52, v4;
	v0 =	vadd.f32 v9, v0  }
0x45a: {  	v2 =	vadd.f32 v51, v2;
	v9 =	vunpack.i.u.bf16.f32 v16;
	v1 =	vadd.f32 v3, v1;
	v3 =	vld [tilespmem:$0x1FE30]  }
0x45b: {  	v7 =	vadd.f32 v35, v7;
	v0 =	vadd.f32 v9, v0  }
0x45c: {  	v4 =	vadd.f32 v47, v4;
	v2 =	vadd.f32 v46, v2;
	v9 =	vunpack.i.u.bf16.f32 v45  }
0x45d: {  	v8 =	vmov s5;
	v7 =	vadd.f32 v33, v7;
	v0 =	vadd.f32 v9, v0  }
0x45e: {  	v2 =	vadd.f32 v2, v4;
	v8 =	vshll.u32 v8, $0x7  }
0x45f: {  	v0 =	vadd.f32 v0, v7;
	v4 =	vor.u32 v3, v8;
	v3 =	vadd.f32 v6, v5  }
0x460: {  	v5 =	vld [tilespmem:$0x1FF90]  }
0x461: {  	v0 =	vadd.f32 v0, v3;
	v3 =	vld [tilespmem:$0x1FF50];
	_ =	sdelay $0x3  }
0x462: {  	v5 =	vor.u32 v5, v4  }
0x463: {  	v1 =	vadd.f32 v1, v2;
	v2 =	vld [tilespmem:$0x1FF80];
	v3 =	vor.u32 v3, v4  }
0x464: {  	s29 =	sadd.s32 $0x10, s29;
	v11 =	vld [tilespmem:$0x1FE20]  }
0x465: {  	s26 =	sadd.s32 $0x10, s26;
	[tilespmem:s29+$0x0] =	vst v1  }
0x466: {  	[tilespmem:s26+$0x0] =	vst v0  }
0x467: {  	v0 =	vld.idx.msk [tilespmem:v5+s22+$0x0], $0xffff  }
0x468: {  	v2 =	vor.u32 v2, v4;
	v3 =	vld.idx.msk [tilespmem:v3+s22+$0x0], $0xffff  }
0x469: {  	v7 =	vld [tilespmem:$0x1FF60];
	v11 =	vor.u32 v11, v4;
	_ =	sdelay $0x1  }
0x46a: {  	v46 =	vld [tilespmem:$0x1FE50]  }
0x46b: {  	v6 =	vld [tilespmem:$0x1FFA0]  }
0x46c: {  	v1 =	vor.u32 v30, v4;
	v2 =	vld.idx.msk [tilespmem:v2+s22+$0x0], $0xffff  }
0x46d: {  	v7 =	vor.u32 v7, v4;
	v11 =	vld.idx.msk [tilespmem:v11+s22+$0x0], $0xffff  }
0x46e: {  	v8 =	vld.idx.msk [tilespmem:v0+s2+$0x0], $0xffff;
	v0 =	vor.u32 v19, v4  }
0x46f: {  	v10 =	vld.idx.msk [tilespmem:v3+s2+$0x0], $0xffff  }
0x470: {  	v6 =	vor.u32 v6, v4;
	v3 =	vld [tilespmem:$0x1FF70]  }
0x471: {  	v1 =	vld.idx.msk [tilespmem:v1+s22+$0x0], $0xffff  }
0x472: {  	v7 =	vld.idx.msk [tilespmem:v7+s22+$0x0], $0xffff;
	v5 =	vor.u32 v18, v4  }
0x473: {  	v0 =	vld.idx.msk [tilespmem:v0+s22+$0x0], $0xffff  }
0x474: {  	v9 =	vld.idx.msk [tilespmem:v2+s2+$0x0], $0xffff;
	v2 =	vor.u32 v26, v4  }
0x475: {  	v6 =	vld.idx.msk [tilespmem:v6+s22+$0x0], $0xffff;
	v3 =	vor.u32 v3, v4  }
0x476: {  	v44 =	vld.idx.msk [tilespmem:v11+s2+$0x0], $0xffff  }
0x477: {  	v5 =	vld.idx.msk [tilespmem:v5+s22+$0x0], $0xffff  }
0x478: {  	v11 =	vld [tilespmem:$0x1FE80]  }
0x479: {  	v2 =	vld.idx.msk [tilespmem:v2+s22+$0x0], $0xffff  }
0x47a: {  	v3 =	vld.idx.msk [tilespmem:v3+s22+$0x0], $0xffff  }
0x47b: {  	v15 =	vld.idx.msk [tilespmem:v0+s2+$0x0], $0xffff  }
0x47c: {  	v12 =	vor.u32 v46, v4;
	v0 =	vld [tilespmem:$0x1FEC0]  }
0x47d: {  	v14 =	vld.idx.msk [tilespmem:v6+s2+$0x0], $0xffff;
	v11 =	vor.u32 v11, v4  }
0x47e: {  	v6 =	vld [tilespmem:$0x1FE60]  }
0x47f: {  	v13 =	vld.idx.msk [tilespmem:v5+s2+$0x0], $0xffff  }
0x480: {  	v5 =	vld [tilespmem:$0x1FE40]  }
0x481: {  	v12 =	vld.idx.msk [tilespmem:v12+s22+$0x0], $0xffff;
	v0 =	vor.u32 v0, v4  }
0x482: {  	v11 =	vld.idx.msk [tilespmem:v11+s22+$0x0], $0xffff  }
0x483: {  	v16 =	vld.idx.msk [tilespmem:v2+s2+$0x0], $0xffff  }
0x484: {  	v6 =	vor.u32 v6, v4;
	v59 =	vld.idx.msk [tilespmem:v3+s2+$0x0], $0xffff  }
0x485: {  	v5 =	vor.u32 v5, v4;
	v2 =	vlaneseq.u32;
	v3 =	vld [tilespmem:$0x1FE70]  }
0x486: {  	v2 =	vor.u32 v2, v4;
	v47 =	vld.idx.msk [tilespmem:v0+s22+$0x0], $0xffff  }
0x487: {  	v0 =	vld [tilespmem:$0x1FF10]  }
0x488: {  	v7 =	vld.idx.msk [tilespmem:v7+s2+$0x0], $0xffff  }
0x489: {  	v17 =	vld.idx.msk [tilespmem:v6+s22+$0x0], $0xffff  }
0x48a: {  	v5 =	vld.idx.msk [tilespmem:v5+s22+$0x0], $0xffff  }
0x48b: {  	v35 =	vld.idx.msk [tilespmem:v2+s22+$0x0], $0xffff;
	v3 =	vor.u32 v3, v4  }
0x48c: {  	v2 =	vor.u32 v0, v4;
	v0 =	vld [tilespmem:$0x1FF20]  }
0x48d: {  	v1 =	vld.idx.msk [tilespmem:v1+s2+$0x0], $0xffff;
	v6 =	vor.u32 v27, v4  }
0x48e: {  	v41 =	vld.idx.msk [tilespmem:v12+s2+$0x0], $0xffff  }
0x48f: {  	v55 =	vunpack.i.u.bf16.f32 v7;
	v57 =	vunpack.i.l.bf16.f32 v7;
	v7 =	vld.idx.msk [tilespmem:v11+s2+$0x0], $0xffff  }
0x490: {  	v42 =	vor.u32 v23, v4;
	v37 =	vld.idx.msk [tilespmem:v3+s22+$0x0], $0xffff  }
0x491: {  	v40 =	vor.u32 v29, v4;
	v39 =	vor.u32 v32, v4;
	v36 =	vor.u32 v0, v4;
	v0 =	vld [tilespmem:$0x1FF30]  }
0x492: {  	v61 =	vor.u32 v24, v4;
	v53 =	vor.u32 v31, v4;
	v62 =	vor.u32 v20, v4;
	v6 =	vld.idx.msk [tilespmem:v6+s22+$0x0], $0xffff  }
0x493: {  	v60 =	vor.u32 v21, v4;
	v58 =	vor.u32 v25, v4;
	v49 =	vunpack.i.u.bf16.f32 v1;
	v63 =	vld.idx.msk [tilespmem:v5+s2+$0x0], $0xffff  }
0x494: {  	p0 =	sne.s32 s5, $0xF0;
	v52 =	vunpack.i.l.bf16.f32 v1;
	v43 =	vunpack.i.u.bf16.f32 v9;
	v46 =	vunpack.i.l.bf16.f32 v9;
	v5 =	vld.idx.msk [tilespmem:v17+s2+$0x0], $0xffff  }
.Ltmp4:
0x495: {  	v45 =	vunpack.i.u.bf16.f32 v8;
	v33 =	vunpack.i.u.bf16.f32 v10;
	v34 =	vunpack.i.l.bf16.f32 v10;
	v2 =	vld.idx.msk [tilespmem:v2+s22+$0x0], $0xffff;
	(pc) =	sbr.rel @p0 .LBB2_11-.Ltmp4, $4  }
0x496: {  	v3 =	vor.u32 v28, v4;
	v50 =	vor.u32 v0, v4;
	v0 =	vor.u32 v22, v4;
	v4 =	vld.idx.msk [tilespmem:v47+s2+$0x0], $0xffff  }
0x497: {  	v48 =	vunpack.i.u.bf16.f32 v13;
	v51 =	vunpack.i.l.bf16.f32 v13;
	v47 =	vunpack.i.l.bf16.f32 v8;
	v8 =	vld.idx.msk [tilespmem:v35+s2+$0x0], $0xffff  }
0x498: {  	v38 =	vunpack.i.l.bf16.f32 v16;
	v54 =	vunpack.i.u.bf16.f32 v15;
	v56 =	vunpack.i.l.bf16.f32 v15;
	v1 =	vld.idx.msk [tilespmem:v36+s22+$0x0], $0xffff  }
0x499: {  	s5 =	sadd.s32 $0x10, s5;
	v35 =	vunpack.i.u.bf16.f32 v14;
	v36 =	vunpack.i.l.bf16.f32 v14;
	v9 =	vld.idx.msk [tilespmem:v37+s2+$0x0], $0xffff;
	v37 =	vunpack.i.u.bf16.f32 v16  }
0x49a: {  	_ =	sdelay $0x2  }
0x49b: {  	v10 =	vunpack.i.u.bf16.f32 v59;
	v11 =	vunpack.i.l.bf16.f32 v59;
	v12 =	vunpack.i.u.bf16.f32 v44  }
0x49c: {  	v6 =	vld.idx.msk [tilespmem:v6+s2+$0x0], $0xffff;
	v14 =	vunpack.i.u.bf16.f32 v63;
	v15 =	vunpack.i.l.bf16.f32 v63;
	v17 =	vunpack.i.u.bf16.f32 v5  }
0x49d: {  	v3 =	vld.idx.msk [tilespmem:v3+s22+$0x0], $0xffff;
	v5 =	vunpack.i.l.bf16.f32 v5;
	v63 =	vunpack.i.u.bf16.f32 v7;
	v16 =	vunpack.i.l.bf16.f32 v8  }
0x49e: {  	v2 =	vld.idx.msk [tilespmem:v2+s2+$0x0], $0xffff;
	v7 =	vunpack.i.l.bf16.f32 v7;
	v8 =	vunpack.i.u.bf16.f32 v8;
	v16 =	vadd.f32 $0.0e+00, v16  }
0x49f: {  	v61 =	vld.idx.msk [tilespmem:v61+s22+$0x0], $0xffff;
	v8 =	vadd.f32 $0.0e+00, v8;
	v59 =	vunpack.i.u.bf16.f32 v9;
	v9 =	vunpack.i.l.bf16.f32 v9  }
0x4a0: {  	v62 =	vld.idx.msk [tilespmem:v62+s22+$0x0], $0xffff;
	v13 =	vunpack.i.u.bf16.f32 v4;
	v9 =	vadd.f32 $0.0e+00, v9;
	v59 =	vadd.f32 $0.0e+00, v59  }
0x4a1: {  	v4 =	vunpack.i.l.bf16.f32 v4;
	v1 =	vld.idx.msk [tilespmem:v1+s2+$0x0], $0xffff;
	v5 =	vadd.f32 v5, v16;
	v8 =	vadd.f32 v17, v8  }
0x4a2: {  	v16 =	vld.idx.msk [tilespmem:v60+s22+$0x0], $0xffff;
	v17 =	vunpack.i.u.bf16.f32 v6;
	v7 =	vadd.f32 v7, v9;
	v9 =	vadd.f32 v63, v59  }
0x4a3: {  	v0 =	vld.idx.msk [tilespmem:v0+s22+$0x0], $0xffff;
	v6 =	vunpack.i.l.bf16.f32 v6;
	v4 =	vadd.f32 v4, v5;
	v59 =	vadd.f32 v13, v8  }
0x4a4: {  	v44 =	vunpack.i.l.bf16.f32 v44;
	v8 =	vld.idx.msk [tilespmem:v58+s22+$0x0], $0xffff;
	v6 =	vadd.f32 v6, v7;
	v60 =	vadd.f32 v17, v9  }
0x4a5: {  	v3 =	vld.idx.msk [tilespmem:v3+s2+$0x0], $0xffff;
	v9 =	vunpack.i.u.bf16.f32 v2;
	v4 =	vadd.f32 v15, v4;
	v2 =	vunpack.i.l.bf16.f32 v2  }
0x4a6: {  	v13 =	vld.idx.msk [tilespmem:v53+s22+$0x0], $0xffff;
	v53 =	vunpack.i.l.bf16.f32 v41;
	v5 =	vadd.f32 v14, v59;
	v2 =	vadd.f32 v2, v6  }
0x4a7: {  	v14 =	vunpack.i.u.bf16.f32 v1;
	v63 =	vadd.f32 v9, v60;
	v4 =	vadd.f32 v11, v4;
	v11 =	vld.idx.msk [tilespmem:v61+s2+$0x0], $0xffff  }
0x4a8: {  	v1 =	vunpack.i.l.bf16.f32 v1;
	v9 =	vld.idx.msk [tilespmem:v50+s22+$0x0], $0xffff;
	v5 =	vadd.f32 v10, v5;
	v2 =	vadd.f32 v44, v2  }
0x4a9: {  	v10 =	vunpack.i.u.bf16.f32 v41;
	v6 =	vadd.f32 v12, v63;
	v12 =	vld.idx.msk [tilespmem:v62+s2+$0x0], $0xffff;
	v4 =	vadd.f32 v57, v4  }
0x4aa: {  	v5 =	vadd.f32 v55, v5;
	v15 =	vld.idx.msk [tilespmem:v16+s2+$0x0], $0xffff;
	v17 =	vunpack.i.u.bf16.f32 v3;
	v2 =	vadd.f32 v56, v2  }
0x4ab: {  	v16 =	vld.idx.msk [tilespmem:v42+s22+$0x0], $0xffff;
	v3 =	vunpack.i.l.bf16.f32 v3;
	v6 =	vadd.f32 v54, v6;
	v4 =	vadd.f32 v52, v4  }
0x4ac: {  	v5 =	vadd.f32 v49, v5;
	v8 =	vld.idx.msk [tilespmem:v8+s2+$0x0], $0xffff;
	v55 =	vunpack.i.u.bf16.f32 v11;
	v2 =	vadd.f32 v51, v2  }
0x4ad: {  	v40 =	vld.idx.msk [tilespmem:v40+s22+$0x0], $0xffff;
	v11 =	vunpack.i.l.bf16.f32 v11;
	v6 =	vadd.f32 v48, v6;
	v4 =	vadd.f32 v47, v4  }
0x4ae: {  	v13 =	vld.idx.msk [tilespmem:v13+s2+$0x0], $0xffff;
	v5 =	vadd.f32 v45, v5;
	v56 =	vunpack.i.u.bf16.f32 v12;
	v12 =	vunpack.i.l.bf16.f32 v12  }
0x4af: {  	v39 =	vld.idx.msk [tilespmem:v39+s22+$0x0], $0xffff;
	v57 =	vunpack.i.l.bf16.f32 v15;
	v2 =	vadd.f32 v46, v2;
	v6 =	vadd.f32 v43, v6  }
0x4b0: {  	v15 =	vunpack.i.u.bf16.f32 v15;
	v9 =	vld.idx.msk [tilespmem:v9+s2+$0x0], $0xffff;
	v12 =	vadd.f32 $0.0e+00, v12;
	v43 =	vadd.f32 $0.0e+00, v57  }
0x4b1: {  	v0 =	vld.idx.msk [tilespmem:v0+s2+$0x0], $0xffff;
	v42 =	vadd.f32 $0.0e+00, v56;
	v15 =	vadd.f32 $0.0e+00, v15;
	v58 =	vunpack.i.l.bf16.f32 v8  }
0x4b2: {  	v44 =	vmovc v23;
	v23 =	vld [tilespmem:$0x1FF90];
	v8 =	vunpack.i.u.bf16.f32 v8;
	v11 =	vadd.f32 v11, v12;
	v12 =	vadd.f32 v58, v43  }
0x4b3: {  	v54 =	vmovc v20;
	v20 =	vmovc v30;
	v30 =	vld [tilespmem:$0x1FFA0];
	v41 =	vadd.f32 v55, v42;
	v8 =	vadd.f32 v8, v15;
	v15 =	vunpack.i.l.bf16.f32 v13  }
0x4b4: {  	v16 =	vld.idx.msk [tilespmem:v16+s2+$0x0], $0xffff;
	v3 =	vadd.f32 v3, v11;
	v11 =	vunpack.i.u.bf16.f32 v13;
	v12 =	vadd.f32 v15, v12  }
0x4b5: {  	v49 =	vmovc v25;
	v25 =	vld [tilespmem:$0x1FF50];
	v13 =	vadd.f32 v17, v41;
	v8 =	vadd.f32 v11, v8;
	v11 =	vunpack.i.l.bf16.f32 v9  }
0x4b6: {  	v15 =	vld.idx.msk [tilespmem:v40+s2+$0x0], $0xffff;
	v59 =	vunpack.i.u.bf16.f32 v9;
	v1 =	vadd.f32 v1, v3;
	v9 =	vadd.f32 v11, v12  }
0x4b7: {  	v57 =	vld [tilespmem:$0x1FF10];
	v11 =	vadd.f32 v14, v13;
	v3 =	vadd.f32 v59, v8;
	v8 =	vunpack.i.l.bf16.f32 v0  }
0x4b8: {  	v12 =	vld.idx.msk [tilespmem:v39+s2+$0x0], $0xffff;
	v0 =	vunpack.i.u.bf16.f32 v0;
	v1 =	vadd.f32 v53, v1;
	v60 =	vadd.f32 v8, v9  }
0x4b9: {  	v56 =	vld [tilespmem:$0x1FF20];
	v61 =	vunpack.i.l.bf16.f32 v16;
	v8 =	vadd.f32 v10, v11;
	v0 =	vadd.f32 v0, v3  }
0x4ba: {  	v55 =	vmovc v21;
	v21 =	vld [tilespmem:$0x1FF70];
	v9 =	vunpack.i.u.bf16.f32 v16;
	v1 =	vadd.f32 v38, v1;
	v3 =	vadd.f32 v61, v60  }
0x4bb: {  	v17 =	vld [tilespmem:$0x1FE80];
	v62 =	vadd.f32 v37, v8;
	v8 =	vunpack.i.l.bf16.f32 v15;
	v0 =	vadd.f32 v9, v0  }
0x4bc: {  	v13 =	vld [tilespmem:$0x1FE40];
	v9 =	vunpack.i.u.bf16.f32 v15;
	v1 =	vadd.f32 v36, v1;
	v3 =	vadd.f32 v8, v3  }
0x4bd: {  	v14 =	vld [tilespmem:$0x1FE50];
	v7 =	vadd.f32 v35, v62;
	v8 =	vunpack.i.l.bf16.f32 v12;
	v0 =	vadd.f32 v9, v0  }
0x4be: {  	v59 =	vld [tilespmem:$0x1FEC0];
	v9 =	vunpack.i.u.bf16.f32 v12;
	v1 =	vadd.f32 v34, v1;
	v3 =	vadd.f32 v8, v3  }
0x4bf: {  	s25 =	sadd.s32 $0x1, s25;
	v11 =	vld [tilespmem:$0x1FE30];
	v7 =	vadd.f32 v33, v7;
	v0 =	vadd.f32 v9, v0  }
0x4c0: {  	p0 =	sne.s32 s25, $0x8;
	v2 =	vadd.f32 v2, v4;
	v16 =	vld [tilespmem:$0x1FE70];
	v1 =	vadd.f32 v3, v1  }
.Ltmp5:
0x4c1: {  	v63 =	vadd.f32 v6, v5;
	v61 =	vmov v28;
	v28 =	vld [tilespmem:$0x1FF80];
	v0 =	vadd.f32 v0, v7;
	(pc) =	sbr.rel @p0 .LBB2_8-.Ltmp5, $4  }
0x4c2: {  	v15 =	vld [tilespmem:$0x1FE60];
	v1 =	vadd.f32 v1, v2  }
0x4c3: {  	s5 =	sadd.s32 $0x10, s29;
	v62 =	vld [tilespmem:$0x1FF30];
	v0 =	vadd.f32 v0, v63  }
0x4c4: {  	s30 =	sadd.s32 $0x10, s26;
	s4 =	sadd.s32 $0x200, s4;
	v58 =	vmov v24;
	v12 =	vld [tilespmem:$0x1FE20];
	[tilespmem:s5+$0x0] =	vst v1  }
0x4c5: {  	s3 =	sadd.s32 $0x200, s3;
	s1 =	sadd.s32 $0x200, s1;
	s0 =	sadd.s32 $0x200, s0;
	v24 =	vmovc v26;
	v26 =	vmovc v29;
	v10 =	vlaneseq.u32;
	v60 =	vmov v27;
	v33 =	vld [tilespmem:$0x1FF60];
	v63 =	vmov v31;
	[tilespmem:s30+$0x0] =	vst v0  }
0x4c6: {  	s0 =	simm.s32 $0x11000  }
0x4c7: {  	[hbm4b:s15+s18] =	stream.strided.scatter [tilespmem:s0], [sflag:$0x3], $0x1000, s19, s18, $0x38;
	[tilespmem:$0x13000] =	vst v63  }
0x4c8: {  	s28 =	sadd.s32 $0x1, s28;
	_ =	swait.ge [sflag:s20], $0x1000  }
0x4c9: {  	p0 =	sne.s32 s28, s17;
	[sflag:s20] =	ssyncset.done $0x0  }
.Ltmp6:
0x4ca: {  	s31 =	simm.s32 $0x12000;
	[sflag:s20] =	ssyncadd.s32 $0xFFFFF000;
	(pc) =	sbr.rel @p0 .LBB2_1-.Ltmp6, $4  }
0x4cb: {  	[hbm4b:s16+s18] =	stream.strided.scatter [tilespmem:s31], [sflag:$0x3], $0x1000, s19, s18, $0x38;
	[tilespmem:$0x13000] =	vst v63  }
0x4cc: {  	_ =	swait.ge [sflag:s20], $0x1000  }
0x4cd: {  	[sflag:s20] =	ssyncset.done $0x0  }
0x4ce: {  	[sflag:s20] =	ssyncadd.s32 $0xFFFFF000  }
0x4cf: {  	_ =	sfence.sel $0x180000  }
0x4d0: {  	[bflag:$0x0] =	sbarrier.arrive $0xFFFF  }
0x4d1: {  	_ =	strace $0x90000047  }
0x4d2: {  	s0 =	stileid.u32;
	[bflag:$0x2] =	sbarrier.arrive $0xFFFF  }
0x4d3: {  	p0 =	sne.s32 s0, $0x0;
	s0 =	rddreg [dreg:$0x2]  }
0x4d4: {  	s0 =	sadd.s32 @!p0 $0x100000, s0  }
0x4d5: {  	[sflag:s0] =	ssyncadd.tile.s32 @!p0 $0x1;
	_ =	shalt  }
.Lfunc_end2:
_tile_overlayer_lowered:
.L_overlay_start_2:
0x4d6: {  	(tag) =	ssettag $0x2  }
0x4d7: {  	s0 =	rddreg [dreg:$0x0];
	s2 =	stileid.u32  }
0x4d8: {  	s1 =	rddreg [dreg:$0x1];
	p0 =	sne.s32 s2, $0x0  }
0x4d9: {  	s3 =	rddreg [dreg:$0x2];
	[bflag:$0x3] =	sbarrier.arrive $0xFFFF;
	s2 =	simm.s32 @!p0 $0x1C03  }
0x4da: {  	[timem:s3], [sflag:s2] =	dma.local @!p0 [hbm:s0], s1  }
0x4db: {  	s0 =	simm.s32 @!p0 $0x3  }
0x4dc: {  	_ =	swait.ge @!p0 [sflag:s0], s1  }
0x4dd: {  	s1 =	ssub.s32 @!p0 $0x0, s1;
	[sflag:s0] =	ssyncset.done @!p0 $0x0  }
0x4de: {  	[sflag:s0] =	ssyncadd.s32 @!p0 s1  }
0x4df: {  	[bflag:$0x3] =	sbarrier.arrive $0xFFFF  }
0x4e0: {  	_ =	shalt  }

</sc_bundles>
